<compile_context>
chip_gen: v7x
topology: tpu7x:2x2x1
jax: 0.10.2.dev20260603
libtpu: 0.0.44.dev20260713+nightly
codegen_flags: <defaults>
</compile_context>

<pallas_src>
import functools

import jax
import jax.numpy as jnp
from jax import lax
from jax.experimental import pallas as pl
from jax.experimental.pallas import tpu as pltpu
from jax.experimental.pallas import tpu_sc as plsc

N_EXPERTS = 8
N_GROUP = 4
GROUP_SZ = N_EXPERTS // N_GROUP
ROUTED_SCALE = 2.5
NEG_INF = float("-inf")
BIG = 1e9

TILE = 256
P_MAX = 4096 + N_EXPERTS * TILE
NT = P_MAX // TILE
NC = 2
NS = 16
NW = NC * NS


def _relu2(x):
    r = jnp.maximum(x, 0.0)
    return r * r



def _route_body(logits_t_ref, bias_ref, pos_lo_ref, pos_hi_ref,
                w_lo_ref, w_hi_ref, te_ref):
    lt = logits_t_ref[...]
    T = lt.shape[1]
    s = 1.0 / (1.0 + jnp.exp(-lt))
    sb = s + bias_ref[...]
    g = [sb[2 * i:2 * i + 1, :] + sb[2 * i + 1:2 * i + 2, :]
         for i in range(N_GROUP)]
    gsel = []
    for i in range(N_GROUP):
        rank = jnp.zeros_like(g[i], dtype=jnp.int32)
        for j in range(N_GROUP):
            if j == i:
                continue
            rank += ((g[j] > g[i]) | ((g[j] == g[i]) & (j < i))).astype(jnp.int32)
        gsel.append(rank < 2)
    ms = [jnp.where(gsel[e // GROUP_SZ], sb[e:e + 1, :], NEG_INF)
          for e in range(N_EXPERTS)]
    rows = []
    for i in range(N_EXPERTS):
        rank = jnp.zeros_like(ms[i], dtype=jnp.int32)
        for j in range(N_EXPERTS):
            if j == i:
                continue
            rank += ((ms[j] > ms[i]) | ((ms[j] == ms[i]) & (j < i))).astype(jnp.int32)
        rows.append((rank < 2).astype(jnp.float32) * s[i:i + 1, :])
    w = jnp.concatenate(rows, axis=0)
    denom = jnp.sum(w, axis=0, keepdims=True) + 1e-20
    comb = w * (ROUTED_SCALE / denom)

    sel = (comb > 0).astype(jnp.bfloat16)
    r_iota = lax.broadcasted_iota(jnp.int32, (T, T), 0)
    c_iota = lax.broadcasted_iota(jnp.int32, (T, T), 1)
    upper = (r_iota <= c_iota).astype(jnp.bfloat16)
    csum = jnp.dot(sel, upper, preferred_element_type=jnp.float32)
    cnt = csum[:, T - 1:T]
    cnt_i = cnt.astype(jnp.int32)
    pad_i = ((cnt_i + (TILE - 1)) >> 8) << 8
    pad_f = pad_i.astype(jnp.float32)
    e_r = lax.broadcasted_iota(jnp.int32, (N_EXPERTS, N_EXPERTS), 0)
    e_c = lax.broadcasted_iota(jnp.int32, (N_EXPERTS, N_EXPERTS), 1)
    strict_lower = (e_c < e_r).astype(jnp.float32)
    off = jnp.dot(strict_lower, pad_f,
                  preferred_element_type=jnp.float32)
    pos = off + csum - 1.0
    selb = comb > 0
    pos_lo = jnp.min(jnp.where(selb, pos, BIG), axis=0, keepdims=True)
    pos_hi = jnp.max(jnp.where(selb, pos, -1.0), axis=0, keepdims=True)
    pos_lo_ref[...] = pos_lo.astype(jnp.int32)
    pos_hi_ref[...] = pos_hi.astype(jnp.int32)
    w_lo_ref[...] = jnp.sum(jnp.where(selb & (pos == pos_lo), comb, 0.0),
                            axis=0, keepdims=True)
    w_hi_ref[...] = jnp.sum(jnp.where(selb & (pos == pos_hi), comb, 0.0),
                            axis=0, keepdims=True)
    bnd = off + pad_f
    t_start = (lax.broadcasted_iota(jnp.int32, (N_EXPERTS, NT), 1)
               * TILE).astype(jnp.float32)
    te = jnp.sum((t_start >= bnd).astype(jnp.int32), axis=0, keepdims=True)
    te_ref[...] = jnp.minimum(te, N_EXPERTS - 1)


def _routing(logits, gate_bias):
    T = logits.shape[0]
    outs = pl.pallas_call(
        _route_body,
        in_specs=[pl.BlockSpec((N_EXPERTS, T), lambda: (0, 0)),
                  pl.BlockSpec((N_EXPERTS, 1), lambda: (0, 0))],
        out_specs=[pl.BlockSpec((1, T), lambda: (0, 0)),
                   pl.BlockSpec((1, T), lambda: (0, 0)),
                   pl.BlockSpec((1, T), lambda: (0, 0)),
                   pl.BlockSpec((1, T), lambda: (0, 0)),
                   pl.BlockSpec((1, NT), lambda: (0, 0))],
        out_shape=[jax.ShapeDtypeStruct((1, T), jnp.int32),
                   jax.ShapeDtypeStruct((1, T), jnp.int32),
                   jax.ShapeDtypeStruct((1, T), jnp.float32),
                   jax.ShapeDtypeStruct((1, T), jnp.float32),
                   jax.ShapeDtypeStruct((1, NT), jnp.int32)],
    )(logits.T, gate_bias.reshape(N_EXPERTS, 1))
    pos_lo, pos_hi, w_lo, w_hi, te = outs
    return (pos_lo.reshape(T), pos_hi.reshape(T), w_lo.reshape(T),
            w_hi.reshape(T), te.reshape(NT))



def _scatter_build_body(pos_lo, pos_hi, w_lo, w_hi, gidx, gwt,
                        idx_ref, tok_ref, wv_ref, z_i_ref, z_f_ref, sem):
    cid = lax.axis_index("c")
    sid = lax.axis_index("s")

    @pl.when(cid == 0)
    def _():
        zchunk = P_MAX // NS
        for k in range(zchunk // 16):
            z_i_ref[pl.ds(16 * k, 16)] = jnp.zeros((16,), jnp.int32)
            z_f_ref[pl.ds(16 * k, 16)] = jnp.zeros((16,), jnp.float32)
        pltpu.sync_copy(z_i_ref, gidx.at[pl.ds(sid * zchunk, zchunk)])
        pltpu.sync_copy(z_f_ref, gwt.at[pl.ds(sid * zchunk, zchunk)])
        plsc.subcore_barrier()
        tb = sid * 128
        for k in range(8):
            tok_ref[pl.ds(16 * k, 16)] = tb + 16 * k + lax.iota(jnp.int32, 16)
        pltpu.sync_copy(pos_lo.at[pl.ds(tb, 128)], idx_ref.at[0])
        pltpu.sync_copy(pos_hi.at[pl.ds(tb, 128)], idx_ref.at[1])
        pltpu.sync_copy(w_lo.at[pl.ds(tb, 128)], wv_ref.at[0])
        pltpu.sync_copy(w_hi.at[pl.ds(tb, 128)], wv_ref.at[1])
        pltpu.async_copy(tok_ref, gidx.at[idx_ref.at[0]], sem).wait()
        pltpu.async_copy(tok_ref, gidx.at[idx_ref.at[1]], sem).wait()
        pltpu.async_copy(wv_ref.at[0], gwt.at[idx_ref.at[0]], sem).wait()
        pltpu.async_copy(wv_ref.at[1], gwt.at[idx_ref.at[1]], sem).wait()


def _scatter_build(pos_lo, pos_hi, w_lo, w_hi):
    mesh = plsc.VectorSubcoreMesh(core_axis_name="c", subcore_axis_name="s")
    f = pl.kernel(
        _scatter_build_body,
        out_type=[jax.ShapeDtypeStruct((P_MAX,), jnp.int32),
                  jax.ShapeDtypeStruct((P_MAX,), jnp.float32)],
        mesh=mesh,
        scratch_types=[pltpu.VMEM((2, 128), jnp.int32),
                       pltpu.VMEM((128,), jnp.int32),
                       pltpu.VMEM((2, 128), jnp.float32),
                       pltpu.VMEM((P_MAX // NS,), jnp.int32),
                       pltpu.VMEM((P_MAX // NS,), jnp.float32),
                       pltpu.SemaphoreType.DMA],
    )
    return f(pos_lo, pos_hi, w_lo, w_hi)



def _gather_body(hs, gidx, xg, idx_ref, rows_ref, sem):
    wid = lax.axis_index("s") * NC + lax.axis_index("c")
    per_w = P_MAX // NW
    for c in range(per_w // 64):
        base = wid * per_w + c * 64
        pltpu.sync_copy(gidx.at[pl.ds(base, 64)], idx_ref)
        pltpu.async_copy(hs.at[idx_ref], rows_ref, sem).wait()
        pltpu.sync_copy(rows_ref, xg.at[pl.ds(base, 64)])


def _gather(hs, gidx):
    T, D = hs.shape
    mesh = plsc.VectorSubcoreMesh(core_axis_name="c", subcore_axis_name="s")
    f = pl.kernel(
        _gather_body,
        out_type=jax.ShapeDtypeStruct((P_MAX, D), jnp.float32),
        mesh=mesh,
        scratch_types=[pltpu.VMEM((64,), jnp.int32),
                       pltpu.VMEM((64, D), jnp.float32),
                       pltpu.SemaphoreType.DMA],
    )
    return f(hs, gidx)



def _grouped_body(te_ref, xg_ref, gwt_ref, w1_ref, w2_ref, yg_ref):
    h = _relu2(jnp.dot(xg_ref[...], w1_ref[0],
                       preferred_element_type=jnp.float32))
    y = jnp.dot(h, w2_ref[0], preferred_element_type=jnp.float32)
    yg_ref[...] = y * gwt_ref[...]


def _grouped(te, xg, gwt, w1, w2):
    D = xg.shape[1]
    F = w1.shape[2]
    grid_spec = pltpu.PrefetchScalarGridSpec(
        num_scalar_prefetch=1,
        grid=(NT,),
        in_specs=[pl.BlockSpec((TILE, D), lambda i, te: (i, 0)),
                  pl.BlockSpec((TILE, 1), lambda i, te: (i, 0)),
                  pl.BlockSpec((1, D, F), lambda i, te: (te[i], 0, 0)),
                  pl.BlockSpec((1, F, D), lambda i, te: (te[i], 0, 0))],
        out_specs=pl.BlockSpec((TILE, D), lambda i, te: (i, 0)),
    )
    return pl.pallas_call(
        _grouped_body,
        grid_spec=grid_spec,
        out_shape=jax.ShapeDtypeStruct((P_MAX, D), jnp.float32),
    )(te, xg, gwt.reshape(P_MAX, 1), w1, w2)



def _shared_body(x_ref, ws1_ref, ws2_ref, out_ref):
    h = _relu2(jnp.dot(x_ref[...], ws1_ref[...],
                       preferred_element_type=jnp.float32))
    out_ref[...] = jnp.dot(h, ws2_ref[...], preferred_element_type=jnp.float32)


def _shared_mlp(hs, ws1, ws2, tm=1024):
    T, D = hs.shape
    SF = ws1.shape[1]
    return pl.pallas_call(
        _shared_body,
        grid=(T // tm,),
        in_specs=[pl.BlockSpec((tm, D), lambda m: (m, 0)),
                  pl.BlockSpec((D, SF), lambda m: (0, 0)),
                  pl.BlockSpec((SF, D), lambda m: (0, 0))],
        out_specs=pl.BlockSpec((tm, D), lambda m: (m, 0)),
        out_shape=jax.ShapeDtypeStruct((T, D), jnp.float32),
    )(hs, ws1, ws2)



def _combine_body(yg, shared, pos_lo, pos_hi, out,
                  il_ref, ih_ref, a_ref, b_ref, sem, sem2):
    wid = lax.axis_index("s") * NC + lax.axis_index("c")
    T = shared.shape[0]
    D = shared.shape[1]
    per_w = T // NW
    for c in range(per_w // 32):
        tb = wid * per_w + c * 32
        pltpu.sync_copy(pos_lo.at[pl.ds(tb, 32)], il_ref)
        pltpu.sync_copy(pos_hi.at[pl.ds(tb, 32)], ih_ref)
        cp_a = pltpu.async_copy(yg.at[il_ref], a_ref, sem)
        cp_b = pltpu.async_copy(yg.at[ih_ref], b_ref, sem2)
        cp_a.wait()
        cp_b.wait()

        def _add_rows(r, _):
            def _add16(q, _):
                a_ref[r, pl.ds(q * 16, 16)] = (a_ref[r, pl.ds(q * 16, 16)]
                                               + b_ref[r, pl.ds(q * 16, 16)])
                return ()
            lax.fori_loop(0, D // 16, _add16, (), unroll=8)
            return ()
        lax.fori_loop(0, 32, _add_rows, ())
        pltpu.sync_copy(shared.at[pl.ds(tb, 32)], b_ref)

        def _add_rows2(r, _):
            def _add16(q, _):
                a_ref[r, pl.ds(q * 16, 16)] = (a_ref[r, pl.ds(q * 16, 16)]
                                               + b_ref[r, pl.ds(q * 16, 16)])
                return ()
            lax.fori_loop(0, D // 16, _add16, (), unroll=8)
            return ()
        lax.fori_loop(0, 32, _add_rows2, ())
        pltpu.sync_copy(a_ref, out.at[pl.ds(tb, 32)])


def _combine(yg, shared, pos_lo, pos_hi):
    T, D = shared.shape
    mesh = plsc.VectorSubcoreMesh(core_axis_name="c", subcore_axis_name="s")
    f = pl.kernel(
        _combine_body,
        out_type=jax.ShapeDtypeStruct((T, D), jnp.float32),
        mesh=mesh,
        scratch_types=[pltpu.VMEM((32,), jnp.int32),
                       pltpu.VMEM((32,), jnp.int32),
                       pltpu.VMEM((32, D), jnp.float32),
                       pltpu.VMEM((32, D), jnp.float32),
                       pltpu.SemaphoreType.DMA,
                       pltpu.SemaphoreType.DMA],
    )
    return f(yg, shared, pos_lo, pos_hi)



def kernel(hidden_states, gate_w, gate_bias, w1, w2, ws1, ws2):
    logits = jnp.dot(hidden_states.astype(jnp.float32), gate_w.T)
    pos_lo, pos_hi, w_lo, w_hi, te = _routing(logits, gate_bias)
    gidx, gwt = _scatter_build(pos_lo, pos_hi, w_lo, w_hi)
    xg = _gather(hidden_states, gidx)
    yg = _grouped(te, xg, gwt, w1, w2)
    shared = _shared_mlp(hidden_states, ws1, ws2)
    return _combine(yg, shared, pos_lo, pos_hi)

# --- scband reference (transcript-rebuilt; emitter-appended) ---
"""Pipeline reference for scband-nemotron-hmtp-12481174962826 (READ-ONLY COPY).

The authoritative reference and input builder live on the scoring server;
editing this copy changes nothing except your own understanding.
"""

import jax, jax.numpy as jnp
import numpy as np

HIDDEN = 1024
MOE_FF = 512
N_EXPERTS = 8
TOP_K = 2
N_GROUP = 4
TOPK_GROUP = 2
SHARED_FF = 2048  # n_shared_experts(2) * moe_shared_expert_intermediate_size(1024)
TOKENS = 2048
ROUTED_SCALE = 2.5


def _relu2(x):
    r = jnp.maximum(x, 0.0)
    return r * r


def setup_inputs(seed: int = 0) -> dict:
    key = jax.random.key(seed)
    ks = jax.random.split(key, 8)
    hidden_states = jax.random.normal(ks[0], (TOKENS, HIDDEN), dtype=jnp.float32)
    gate_w = jax.random.normal(ks[1], (N_EXPERTS, HIDDEN), dtype=jnp.float32) * 0.02
    gate_bias = jax.random.normal(ks[2], (N_EXPERTS,), dtype=jnp.float32) * 0.01
    w1 = jax.random.normal(ks[3], (N_EXPERTS, HIDDEN, MOE_FF), dtype=jnp.float32) * 0.02
    w2 = jax.random.normal(ks[4], (N_EXPERTS, MOE_FF, HIDDEN), dtype=jnp.float32) * 0.02
    ws1 = jax.random.normal(ks[5], (HIDDEN, SHARED_FF), dtype=jnp.float32) * 0.02
    ws2 = jax.random.normal(ks[6], (SHARED_FF, HIDDEN), dtype=jnp.float32) * 0.02
    return {"hidden_states": hidden_states, "gate_w": gate_w, "gate_bias": gate_bias,
            "w1": w1, "w2": w2, "ws1": ws1, "ws2": ws2}


def reference(hidden_states, gate_w, gate_bias, w1, w2, ws1, ws2):
    T, d = hidden_states.shape
    # --- DeepseekV3-style gate (noaux_tc routing) ---
    logits = jnp.dot(hidden_states.astype(jnp.float32), gate_w.T)
    scores = jax.nn.sigmoid(logits)
    scores_with_bias = scores + gate_bias[None, :]
    group_sz = N_EXPERTS // N_GROUP
    grouped = scores_with_bias.reshape(T, N_GROUP, group_sz)
    group_scores = jnp.sum(jax.lax.top_k(grouped, 2)[0], axis=-1)
    _, group_idx = jax.lax.top_k(group_scores, TOPK_GROUP)
    rows = jnp.arange(T)[:, None]
    group_mask = jnp.zeros((T, N_GROUP), dtype=jnp.float32).at[rows, group_idx].set(1.0)
    expert_mask = jnp.repeat(group_mask, group_sz, axis=1)
    masked_scores = jnp.where(expert_mask > 0, scores_with_bias, -jnp.inf)
    _, topk_idx = jax.lax.top_k(masked_scores, TOP_K)
    topk_w = jnp.take_along_axis(scores, topk_idx, axis=1)
    topk_w = topk_w / (jnp.sum(topk_w, axis=1, keepdims=True) + 1e-20)
    topk_w = topk_w * ROUTED_SCALE
    # scatter-add into dense combine weights [T, E]
    combine = jnp.zeros((T, N_EXPERTS), dtype=jnp.float32).at[rows, topk_idx].add(topk_w)
    # --- routed experts: relu2 MLP per expert, weighted combine ---
    h = _relu2(jnp.einsum('td,edf->etf', hidden_states, w1))
    expert_out = jnp.einsum('etf,efd->etd', h, w2)
    routed = jnp.einsum('te,etd->td', combine, expert_out)
    # --- shared experts: relu2 MLP ---
    shared = jnp.dot(_relu2(jnp.dot(hidden_states, ws1)), ws2)
    return shared + routed


if False:  # reference __main__ guard neutralized (emitter)
    out = reference(**setup_inputs())
    print(out.shape, out.dtype)

if __name__ == "__main__":
    import jax
    _d = setup_inputs()
    print(jax.jit(kernel)(*tuple(_d.values())))

</pallas_src>

<mosaic_0001>
#map = affine_map<(d0, d1) -> (0)>
module attributes {stable_mosaic.version = 14 : i64} {
  func.func @_scatter_build_body(%arg0: i32, %arg1: i32, %arg2: memref<2048xi32, #tpu.memory_space<hbm>>, %arg3: memref<2048xi32, #tpu.memory_space<hbm>>, %arg4: memref<2048xf32, #tpu.memory_space<hbm>>, %arg5: memref<2048xf32, #tpu.memory_space<hbm>>, %arg6: memref<6144xi32, #tpu.memory_space<hbm>>, %arg7: memref<6144xf32, #tpu.memory_space<hbm>>, %arg8: memref<2x128xi32, #tpu.memory_space<vmem>>, %arg9: memref<128xi32, #tpu.memory_space<vmem>>, %arg10: memref<2x128xf32, #tpu.memory_space<vmem>>, %arg11: memref<384xi32, #tpu.memory_space<vmem>>, %arg12: memref<384xf32, #tpu.memory_space<vmem>>, %arg13: memref<!tpu.dma_semaphore, #tpu.memory_space<semaphore_mem>>) attributes {dimension_semantics = [#tpu.dimension_semantics<core_parallel>, #tpu.dimension_semantics<subcore_parallel>], iteration_bounds = array<i64: 2, 16>, scalar_prefetch = 0 : i64, scratch_operands = 6 : i64, tpu.core_type = #tpu.core_type<sc_vector_subcore>, window_params = [{transform_indices = #map}, {transform_indices = #map}, {transform_indices = #map}, {transform_indices = #map}, {transform_indices = #map}, {transform_indices = #map}]} {
    %eq3A = arith.constant 0 : i32
    %eq3A_0 = arith.cmpi eq, %arg0, %eq3A : i32
    %convert_element_type3A = arith.extui %eq3A_0 : i1 to i32
    %cond3A = arith.constant 0 : i32
    %cond3A_1 = arith.cmpi ne, %convert_element_type3A, %cond3A : i32
    scf.if %cond3A_1 {
      %broadcast_in_dim3A = arith.constant 0 : i32
      %broadcast_in_dim3A_2 = vector.broadcast %broadcast_in_dim3A : i32 to vector<16xi32>
      %swap3A = arith.constant 0 : index
      %swap3A_3 = tpu.vector_load %arg11[%swap3A] {strides = array<i32>} : memref<384xi32, #tpu.memory_space<vmem>>, vector<16xi32>,
      %swap3A_4 = vector.shape_cast %swap3A_3 : vector<16xi32> to vector<16xi32>
      %swap3A_5 = vector.shape_cast %broadcast_in_dim3A_2 : vector<16xi32> to vector<16xi32>
      tpu.vector_store %arg11[%swap3A], %swap3A_5 {strides = array<i32>} : memref<384xi32, #tpu.memory_space<vmem>>, vector<16xi32>,
      %broadcast_in_dim3A_6 = arith.constant 0.000000e+00 : f32
      %broadcast_in_dim3A_7 = vector.broadcast %broadcast_in_dim3A_6 : f32 to vector<16xf32>
      %swap3A_8 = arith.constant 0 : index
      %swap3A_9 = tpu.vector_load %arg12[%swap3A_8] {strides = array<i32>} : memref<384xf32, #tpu.memory_space<vmem>>, vector<16xf32>,
      %swap3A_10 = vector.shape_cast %swap3A_9 : vector<16xf32> to vector<16xf32>
      %swap3A_11 = vector.shape_cast %broadcast_in_dim3A_7 : vector<16xf32> to vector<16xf32>
      tpu.vector_store %arg12[%swap3A_8], %swap3A_11 {strides = array<i32>} : memref<384xf32, #tpu.memory_space<vmem>>, vector<16xf32>,
      %broadcast_in_dim3A_12 = arith.constant 0 : i32
      %broadcast_in_dim3A_13 = vector.broadcast %broadcast_in_dim3A_12 : i32 to vector<16xi32>
      %swap3A_14 = arith.constant 16 : index
      %swap3A_15 = tpu.vector_load %arg11[%swap3A_14] {strides = array<i32>} : memref<384xi32, #tpu.memory_space<vmem>>, vector<16xi32>,
      %swap3A_16 = vector.shape_cast %swap3A_15 : vector<16xi32> to vector<16xi32>
      %swap3A_17 = vector.shape_cast %broadcast_in_dim3A_13 : vector<16xi32> to vector<16xi32>
      tpu.vector_store %arg11[%swap3A_14], %swap3A_17 {strides = array<i32>} : memref<384xi32, #tpu.memory_space<vmem>>, vector<16xi32>,
      %broadcast_in_dim3A_18 = arith.constant 0.000000e+00 : f32
      %broadcast_in_dim3A_19 = vector.broadcast %broadcast_in_dim3A_18 : f32 to vector<16xf32>
      %swap3A_20 = arith.constant 16 : index
      %swap3A_21 = tpu.vector_load %arg12[%swap3A_20] {strides = array<i32>} : memref<384xf32, #tpu.memory_space<vmem>>, vector<16xf32>,
      %swap3A_22 = vector.shape_cast %swap3A_21 : vector<16xf32> to vector<16xf32>
      %swap3A_23 = vector.shape_cast %broadcast_in_dim3A_19 : vector<16xf32> to vector<16xf32>
      tpu.vector_store %arg12[%swap3A_20], %swap3A_23 {strides = array<i32>} : memref<384xf32, #tpu.memory_space<vmem>>, vector<16xf32>,
      %broadcast_in_dim3A_24 = arith.constant 0 : i32
      %broadcast_in_dim3A_25 = vector.broadcast %broadcast_in_dim3A_24 : i32 to vector<16xi32>
      %swap3A_26 = arith.constant 32 : index
      %swap3A_27 = tpu.vector_load %arg11[%swap3A_26] {strides = array<i32>} : memref<384xi32, #tpu.memory_space<vmem>>, vector<16xi32>,
      %swap3A_28 = vector.shape_cast %swap3A_27 : vector<16xi32> to vector<16xi32>
      %swap3A_29 = vector.shape_cast %broadcast_in_dim3A_25 : vector<16xi32> to vector<16xi32>
      tpu.vector_store %arg11[%swap3A_26], %swap3A_29 {strides = array<i32>} : memref<384xi32, #tpu.memory_space<vmem>>, vector<16xi32>,
      %broadcast_in_dim3A_30 = arith.constant 0.000000e+00 : f32
      %broadcast_in_dim3A_31 = vector.broadcast %broadcast_in_dim3A_30 : f32 to vector<16xf32>
      %swap3A_32 = arith.constant 32 : index
      %swap3A_33 = tpu.vector_load %arg12[%swap3A_32] {strides = array<i32>} : memref<384xf32, #tpu.memory_space<vmem>>, vector<16xf32>,
      %swap3A_34 = vector.shape_cast %swap3A_33 : vector<16xf32> to vector<16xf32>
      %swap3A_35 = vector.shape_cast %broadcast_in_dim3A_31 : vector<16xf32> to vector<16xf32>
      tpu.vector_store %arg12[%swap3A_32], %swap3A_35 {strides = array<i32>} : memref<384xf32, #tpu.memory_space<vmem>>, vector<16xf32>,
      %broadcast_in_dim3A_36 = arith.constant 0 : i32
      %broadcast_in_dim3A_37 = vector.broadcast %broadcast_in_dim3A_36 : i32 to vector<16xi32>
      %swap3A_38 = arith.constant 48 : index
      %swap3A_39 = tpu.vector_load %arg11[%swap3A_38] {strides = array<i32>} : memref<384xi32, #tpu.memory_space<vmem>>, vector<16xi32>,
      %swap3A_40 = vector.shape_cast %swap3A_39 : vector<16xi32> to vector<16xi32>
      %swap3A_41 = vector.shape_cast %broadcast_in_dim3A_37 : vector<16xi32> to vector<16xi32>
      tpu.vector_store %arg11[%swap3A_38], %swap3A_41 {strides = array<i32>} : memref<384xi32, #tpu.memory_space<vmem>>, vector<16xi32>,
      %broadcast_in_dim3A_42 = arith.constant 0.000000e+00 : f32
      %broadcast_in_dim3A_43 = vector.broadcast %broadcast_in_dim3A_42 : f32 to vector<16xf32>
      %swap3A_44 = arith.constant 48 : index
      %swap3A_45 = tpu.vector_load %arg12[%swap3A_44] {strides = array<i32>} : memref<384xf32, #tpu.memory_space<vmem>>, vector<16xf32>,
      %swap3A_46 = vector.shape_cast %swap3A_45 : vector<16xf32> to vector<16xf32>
      %swap3A_47 = vector.shape_cast %broadcast_in_dim3A_43 : vector<16xf32> to vector<16xf32>
      tpu.vector_store %arg12[%swap3A_44], %swap3A_47 {strides = array<i32>} : memref<384xf32, #tpu.memory_space<vmem>>, vector<16xf32>,
      %broadcast_in_dim3A_48 = arith.constant 0 : i32
      %broadcast_in_dim3A_49 = vector.broadcast %broadcast_in_dim3A_48 : i32 to vector<16xi32>
      %swap3A_50 = arith.constant 64 : index
      %swap3A_51 = tpu.vector_load %arg11[%swap3A_50] {strides = array<i32>} : memref<384xi32, #tpu.memory_space<vmem>>, vector<16xi32>,
      %swap3A_52 = vector.shape_cast %swap3A_51 : vector<16xi32> to vector<16xi32>
      %swap3A_53 = vector.shape_cast %broadcast_in_dim3A_49 : vector<16xi32> to vector<16xi32>
      tpu.vector_store %arg11[%swap3A_50], %swap3A_53 {strides = array<i32>} : memref<384xi32, #tpu.memory_space<vmem>>, vector<16xi32>,
      %broadcast_in_dim3A_54 = arith.constant 0.000000e+00 : f32
      %broadcast_in_dim3A_55 = vector.broadcast %broadcast_in_dim3A_54 : f32 to vector<16xf32>
      %swap3A_56 = arith.constant 64 : index
      %swap3A_57 = tpu.vector_load %arg12[%swap3A_56] {strides = array<i32>} : memref<384xf32, #tpu.memory_space<vmem>>, vector<16xf32>,
      %swap3A_58 = vector.shape_cast %swap3A_57 : vector<16xf32> to vector<16xf32>
      %swap3A_59 = vector.shape_cast %broadcast_in_dim3A_55 : vector<16xf32> to vector<16xf32>
      tpu.vector_store %arg12[%swap3A_56], %swap3A_59 {strides = array<i32>} : memref<384xf32, #tpu.memory_space<vmem>>, vector<16xf32>,
      %broadcast_in_dim3A_60 = arith.constant 0 : i32
      %broadcast_in_dim3A_61 = vector.broadcast %broadcast_in_dim3A_60 : i32 to vector<16xi32>
      %swap3A_62 = arith.constant 80 : index
      %swap3A_63 = tpu.vector_load %arg11[%swap3A_62] {strides = array<i32>} : memref<384xi32, #tpu.memory_space<vmem>>, vector<16xi32>,
      %swap3A_64 = vector.shape_cast %swap3A_63 : vector<16xi32> to vector<16xi32>
      %swap3A_65 = vector.shape_cast %broadcast_in_dim3A_61 : vector<16xi32> to vector<16xi32>
      tpu.vector_store %arg11[%swap3A_62], %swap3A_65 {strides = array<i32>} : memref<384xi32, #tpu.memory_space<vmem>>, vector<16xi32>,
      %broadcast_in_dim3A_66 = arith.constant 0.000000e+00 : f32
      %broadcast_in_dim3A_67 = vector.broadcast %broadcast_in_dim3A_66 : f32 to vector<16xf32>
      %swap3A_68 = arith.constant 80 : index
      %swap3A_69 = tpu.vector_load %arg12[%swap3A_68] {strides = array<i32>} : memref<384xf32, #tpu.memory_space<vmem>>, vector<16xf32>,
      %swap3A_70 = vector.shape_cast %swap3A_69 : vector<16xf32> to vector<16xf32>
      %swap3A_71 = vector.shape_cast %broadcast_in_dim3A_67 : vector<16xf32> to vector<16xf32>
      tpu.vector_store %arg12[%swap3A_68], %swap3A_71 {strides = array<i32>} : memref<384xf32, #tpu.memory_space<vmem>>, vector<16xf32>,
      %broadcast_in_dim3A_72 = arith.constant 0 : i32
      %broadcast_in_dim3A_73 = vector.broadcast %broadcast_in_dim3A_72 : i32 to vector<16xi32>
      %swap3A_74 = arith.constant 96 : index
      %swap3A_75 = tpu.vector_load %arg11[%swap3A_74] {strides = array<i32>} : memref<384xi32, #tpu.memory_space<vmem>>, vector<16xi32>,
      %swap3A_76 = vector.shape_cast %swap3A_75 : vector<16xi32> to vector<16xi32>
      %swap3A_77 = vector.shape_cast %broadcast_in_dim3A_73 : vector<16xi32> to vector<16xi32>
      tpu.vector_store %arg11[%swap3A_74], %swap3A_77 {strides = array<i32>} : memref<384xi32, #tpu.memory_space<vmem>>, vector<16xi32>,
      %broadcast_in_dim3A_78 = arith.constant 0.000000e+00 : f32
      %broadcast_in_dim3A_79 = vector.broadcast %broadcast_in_dim3A_78 : f32 to vector<16xf32>
      %swap3A_80 = arith.constant 96 : index
      %swap3A_81 = tpu.vector_load %arg12[%swap3A_80] {strides = array<i32>} : memref<384xf32, #tpu.memory_space<vmem>>, vector<16xf32>,
      %swap3A_82 = vector.shape_cast %swap3A_81 : vector<16xf32> to vector<16xf32>
      %swap3A_83 = vector.shape_cast %broadcast_in_dim3A_79 : vector<16xf32> to vector<16xf32>
      tpu.vector_store %arg12[%swap3A_80], %swap3A_83 {strides = array<i32>} : memref<384xf32, #tpu.memory_space<vmem>>, vector<16xf32>,
      %broadcast_in_dim3A_84 = arith.constant 0 : i32
      %broadcast_in_dim3A_85 = vector.broadcast %broadcast_in_dim3A_84 : i32 to vector<16xi32>
      %swap3A_86 = arith.constant 112 : index
      %swap3A_87 = tpu.vector_load %arg11[%swap3A_86] {strides = array<i32>} : memref<384xi32, #tpu.memory_space<vmem>>, vector<16xi32>,
      %swap3A_88 = vector.shape_cast %swap3A_87 : vector<16xi32> to vector<16xi32>
      %swap3A_89 = vector.shape_cast %broadcast_in_dim3A_85 : vector<16xi32> to vector<16xi32>
      tpu.vector_store %arg11[%swap3A_86], %swap3A_89 {strides = array<i32>} : memref<384xi32, #tpu.memory_space<vmem>>, vector<16xi32>,
      %broadcast_in_dim3A_90 = arith.constant 0.000000e+00 : f32
      %broadcast_in_dim3A_91 = vector.broadcast %broadcast_in_dim3A_90 : f32 to vector<16xf32>
      %swap3A_92 = arith.constant 112 : index
      %swap3A_93 = tpu.vector_load %arg12[%swap3A_92] {strides = array<i32>} : memref<384xf32, #tpu.memory_space<vmem>>, vector<16xf32>,
      %swap3A_94 = vector.shape_cast %swap3A_93 : vector<16xf32> to vector<16xf32>
      %swap3A_95 = vector.shape_cast %broadcast_in_dim3A_91 : vector<16xf32> to vector<16xf32>
      tpu.vector_store %arg12[%swap3A_92], %swap3A_95 {strides = array<i32>} : memref<384xf32, #tpu.memory_space<vmem>>, vector<16xf32>,
      %broadcast_in_dim3A_96 = arith.constant 0 : i32
      %broadcast_in_dim3A_97 = vector.broadcast %broadcast_in_dim3A_96 : i32 to vector<16xi32>
      %swap3A_98 = arith.constant 128 : index
      %swap3A_99 = tpu.vector_load %arg11[%swap3A_98] {strides = array<i32>} : memref<384xi32, #tpu.memory_space<vmem>>, vector<16xi32>,
      %swap3A_100 = vector.shape_cast %swap3A_99 : vector<16xi32> to vector<16xi32>
      %swap3A_101 = vector.shape_cast %broadcast_in_dim3A_97 : vector<16xi32> to vector<16xi32>
      tpu.vector_store %arg11[%swap3A_98], %swap3A_101 {strides = array<i32>} : memref<384xi32, #tpu.memory_space<vmem>>, vector<16xi32>,
      %broadcast_in_dim3A_102 = arith.constant 0.000000e+00 : f32
      %broadcast_in_dim3A_103 = vector.broadcast %broadcast_in_dim3A_102 : f32 to vector<16xf32>
      %swap3A_104 = arith.constant 128 : index
      %swap3A_105 = tpu.vector_load %arg12[%swap3A_104] {strides = array<i32>} : memref<384xf32, #tpu.memory_space<vmem>>, vector<16xf32>,
      %swap3A_106 = vector.shape_cast %swap3A_105 : vector<16xf32> to vector<16xf32>
      %swap3A_107 = vector.shape_cast %broadcast_in_dim3A_103 : vector<16xf32> to vector<16xf32>
      tpu.vector_store %arg12[%swap3A_104], %swap3A_107 {strides = array<i32>} : memref<384xf32, #tpu.memory_space<vmem>>, vector<16xf32>,
      %broadcast_in_dim3A_108 = arith.constant 0 : i32
      %broadcast_in_dim3A_109 = vector.broadcast %broadcast_in_dim3A_108 : i32 to vector<16xi32>
      %swap3A_110 = arith.constant 144 : index
      %swap3A_111 = tpu.vector_load %arg11[%swap3A_110] {strides = array<i32>} : memref<384xi32, #tpu.memory_space<vmem>>, vector<16xi32>,
      %swap3A_112 = vector.shape_cast %swap3A_111 : vector<16xi32> to vector<16xi32>
      %swap3A_113 = vector.shape_cast %broadcast_in_dim3A_109 : vector<16xi32> to vector<16xi32>
      tpu.vector_store %arg11[%swap3A_110], %swap3A_113 {strides = array<i32>} : memref<384xi32, #tpu.memory_space<vmem>>, vector<16xi32>,
      %broadcast_in_dim3A_114 = arith.constant 0.000000e+00 : f32
      %broadcast_in_dim3A_115 = vector.broadcast %broadcast_in_dim3A_114 : f32 to vector<16xf32>
      %swap3A_116 = arith.constant 144 : index
      %swap3A_117 = tpu.vector_load %arg12[%swap3A_116] {strides = array<i32>} : memref<384xf32, #tpu.memory_space<vmem>>, vector<16xf32>,
      %swap3A_118 = vector.shape_cast %swap3A_117 : vector<16xf32> to vector<16xf32>
      %swap3A_119 = vector.shape_cast %broadcast_in_dim3A_115 : vector<16xf32> to vector<16xf32>
      tpu.vector_store %arg12[%swap3A_116], %swap3A_119 {strides = array<i32>} : memref<384xf32, #tpu.memory_space<vmem>>, vector<16xf32>,
      %broadcast_in_dim3A_120 = arith.constant 0 : i32
      %broadcast_in_dim3A_121 = vector.broadcast %broadcast_in_dim3A_120 : i32 to vector<16xi32>
      %swap3A_122 = arith.constant 160 : index
      %swap3A_123 = tpu.vector_load %arg11[%swap3A_122] {strides = array<i32>} : memref<384xi32, #tpu.memory_space<vmem>>, vector<16xi32>,
      %swap3A_124 = vector.shape_cast %swap3A_123 : vector<16xi32> to vector<16xi32>
      %swap3A_125 = vector.shape_cast %broadcast_in_dim3A_121 : vector<16xi32> to vector<16xi32>
      tpu.vector_store %arg11[%swap3A_122], %swap3A_125 {strides = array<i32>} : memref<384xi32, #tpu.memory_space<vmem>>, vector<16xi32>,
      %broadcast_in_dim3A_126 = arith.constant 0.000000e+00 : f32
      %broadcast_in_dim3A_127 = vector.broadcast %broadcast_in_dim3A_126 : f32 to vector<16xf32>
      %swap3A_128 = arith.constant 160 : index
      %swap3A_129 = tpu.vector_load %arg12[%swap3A_128] {strides = array<i32>} : memref<384xf32, #tpu.memory_space<vmem>>, vector<16xf32>,
      %swap3A_130 = vector.shape_cast %swap3A_129 : vector<16xf32> to vector<16xf32>
      %swap3A_131 = vector.shape_cast %broadcast_in_dim3A_127 : vector<16xf32> to vector<16xf32>
      tpu.vector_store %arg12[%swap3A_128], %swap3A_131 {strides = array<i32>} : memref<384xf32, #tpu.memory_space<vmem>>, vector<16xf32>,
      %broadcast_in_dim3A_132 = arith.constant 0 : i32
      %broadcast_in_dim3A_133 = vector.broadcast %broadcast_in_dim3A_132 : i32 to vector<16xi32>
      %swap3A_134 = arith.constant 176 : index
      %swap3A_135 = tpu.vector_load %arg11[%swap3A_134] {strides = array<i32>} : memref<384xi32, #tpu.memory_space<vmem>>, vector<16xi32>,
      %swap3A_136 = vector.shape_cast %swap3A_135 : vector<16xi32> to vector<16xi32>
      %swap3A_137 = vector.shape_cast %broadcast_in_dim3A_133 : vector<16xi32> to vector<16xi32>
      tpu.vector_store %arg11[%swap3A_134], %swap3A_137 {strides = array<i32>} : memref<384xi32, #tpu.memory_space<vmem>>, vector<16xi32>,
      %broadcast_in_dim3A_138 = arith.constant 0.000000e+00 : f32
      %broadcast_in_dim3A_139 = vector.broadcast %broadcast_in_dim3A_138 : f32 to vector<16xf32>
      %swap3A_140 = arith.constant 176 : index
      %swap3A_141 = tpu.vector_load %arg12[%swap3A_140] {strides = array<i32>} : memref<384xf32, #tpu.memory_space<vmem>>, vector<16xf32>,
      %swap3A_142 = vector.shape_cast %swap3A_141 : vector<16xf32> to vector<16xf32>
      %swap3A_143 = vector.shape_cast %broadcast_in_dim3A_139 : vector<16xf32> to vector<16xf32>
      tpu.vector_store %arg12[%swap3A_140], %swap3A_143 {strides = array<i32>} : memref<384xf32, #tpu.memory_space<vmem>>, vector<16xf32>,
      %broadcast_in_dim3A_144 = arith.constant 0 : i32
      %broadcast_in_dim3A_145 = vector.broadcast %broadcast_in_dim3A_144 : i32 to vector<16xi32>
      %swap3A_146 = arith.constant 192 : index
      %swap3A_147 = tpu.vector_load %arg11[%swap3A_146] {strides = array<i32>} : memref<384xi32, #tpu.memory_space<vmem>>, vector<16xi32>,
      %swap3A_148 = vector.shape_cast %swap3A_147 : vector<16xi32> to vector<16xi32>
      %swap3A_149 = vector.shape_cast %broadcast_in_dim3A_145 : vector<16xi32> to vector<16xi32>
      tpu.vector_store %arg11[%swap3A_146], %swap3A_149 {strides = array<i32>} : memref<384xi32, #tpu.memory_space<vmem>>, vector<16xi32>,
      %broadcast_in_dim3A_150 = arith.constant 0.000000e+00 : f32
      %broadcast_in_dim3A_151 = vector.broadcast %broadcast_in_dim3A_150 : f32 to vector<16xf32>
      %swap3A_152 = arith.constant 192 : index
      %swap3A_153 = tpu.vector_load %arg12[%swap3A_152] {strides = array<i32>} : memref<384xf32, #tpu.memory_space<vmem>>, vector<16xf32>,
      %swap3A_154 = vector.shape_cast %swap3A_153 : vector<16xf32> to vector<16xf32>
      %swap3A_155 = vector.shape_cast %broadcast_in_dim3A_151 : vector<16xf32> to vector<16xf32>
      tpu.vector_store %arg12[%swap3A_152], %swap3A_155 {strides = array<i32>} : memref<384xf32, #tpu.memory_space<vmem>>, vector<16xf32>,
      %broadcast_in_dim3A_156 = arith.constant 0 : i32
      %broadcast_in_dim3A_157 = vector.broadcast %broadcast_in_dim3A_156 : i32 to vector<16xi32>
      %swap3A_158 = arith.constant 208 : index
      %swap3A_159 = tpu.vector_load %arg11[%swap3A_158] {strides = array<i32>} : memref<384xi32, #tpu.memory_space<vmem>>, vector<16xi32>,
      %swap3A_160 = vector.shape_cast %swap3A_159 : vector<16xi32> to vector<16xi32>
      %swap3A_161 = vector.shape_cast %broadcast_in_dim3A_157 : vector<16xi32> to vector<16xi32>
      tpu.vector_store %arg11[%swap3A_158], %swap3A_161 {strides = array<i32>} : memref<384xi32, #tpu.memory_space<vmem>>, vector<16xi32>,
      %broadcast_in_dim3A_162 = arith.constant 0.000000e+00 : f32
      %broadcast_in_dim3A_163 = vector.broadcast %broadcast_in_dim3A_162 : f32 to vector<16xf32>
      %swap3A_164 = arith.constant 208 : index
      %swap3A_165 = tpu.vector_load %arg12[%swap3A_164] {strides = array<i32>} : memref<384xf32, #tpu.memory_space<vmem>>, vector<16xf32>,
      %swap3A_166 = vector.shape_cast %swap3A_165 : vector<16xf32> to vector<16xf32>
      %swap3A_167 = vector.shape_cast %broadcast_in_dim3A_163 : vector<16xf32> to vector<16xf32>
      tpu.vector_store %arg12[%swap3A_164], %swap3A_167 {strides = array<i32>} : memref<384xf32, #tpu.memory_space<vmem>>, vector<16xf32>,
      %broadcast_in_dim3A_168 = arith.constant 0 : i32
      %broadcast_in_dim3A_169 = vector.broadcast %broadcast_in_dim3A_168 : i32 to vector<16xi32>
      %swap3A_170 = arith.constant 224 : index
      %swap3A_171 = tpu.vector_load %arg11[%swap3A_170] {strides = array<i32>} : memref<384xi32, #tpu.memory_space<vmem>>, vector<16xi32>,
      %swap3A_172 = vector.shape_cast %swap3A_171 : vector<16xi32> to vector<16xi32>
      %swap3A_173 = vector.shape_cast %broadcast_in_dim3A_169 : vector<16xi32> to vector<16xi32>
      tpu.vector_store %arg11[%swap3A_170], %swap3A_173 {strides = array<i32>} : memref<384xi32, #tpu.memory_space<vmem>>, vector<16xi32>,
      %broadcast_in_dim3A_174 = arith.constant 0.000000e+00 : f32
      %broadcast_in_dim3A_175 = vector.broadcast %broadcast_in_dim3A_174 : f32 to vector<16xf32>
      %swap3A_176 = arith.constant 224 : index
      %swap3A_177 = tpu.vector_load %arg12[%swap3A_176] {strides = array<i32>} : memref<384xf32, #tpu.memory_space<vmem>>, vector<16xf32>,
      %swap3A_178 = vector.shape_cast %swap3A_177 : vector<16xf32> to vector<16xf32>
      %swap3A_179 = vector.shape_cast %broadcast_in_dim3A_175 : vector<16xf32> to vector<16xf32>
      tpu.vector_store %arg12[%swap3A_176], %swap3A_179 {strides = array<i32>} : memref<384xf32, #tpu.memory_space<vmem>>, vector<16xf32>,
      %broadcast_in_dim3A_180 = arith.constant 0 : i32
      %broadcast_in_dim3A_181 = vector.broadcast %broadcast_in_dim3A_180 : i32 to vector<16xi32>
      %swap3A_182 = arith.constant 240 : index
      %swap3A_183 = tpu.vector_load %arg11[%swap3A_182] {strides = array<i32>} : memref<384xi32, #tpu.memory_space<vmem>>, vector<16xi32>,
      %swap3A_184 = vector.shape_cast %swap3A_183 : vector<16xi32> to vector<16xi32>
      %swap3A_185 = vector.shape_cast %broadcast_in_dim3A_181 : vector<16xi32> to vector<16xi32>
      tpu.vector_store %arg11[%swap3A_182], %swap3A_185 {strides = array<i32>} : memref<384xi32, #tpu.memory_space<vmem>>, vector<16xi32>,
      %broadcast_in_dim3A_186 = arith.constant 0.000000e+00 : f32
      %broadcast_in_dim3A_187 = vector.broadcast %broadcast_in_dim3A_186 : f32 to vector<16xf32>
      %swap3A_188 = arith.constant 240 : index
      %swap3A_189 = tpu.vector_load %arg12[%swap3A_188] {strides = array<i32>} : memref<384xf32, #tpu.memory_space<vmem>>, vector<16xf32>,
      %swap3A_190 = vector.shape_cast %swap3A_189 : vector<16xf32> to vector<16xf32>
      %swap3A_191 = vector.shape_cast %broadcast_in_dim3A_187 : vector<16xf32> to vector<16xf32>
      tpu.vector_store %arg12[%swap3A_188], %swap3A_191 {strides = array<i32>} : memref<384xf32, #tpu.memory_space<vmem>>, vector<16xf32>,
      %broadcast_in_dim3A_192 = arith.constant 0 : i32
      %broadcast_in_dim3A_193 = vector.broadcast %broadcast_in_dim3A_192 : i32 to vector<16xi32>
      %swap3A_194 = arith.constant 256 : index
      %swap3A_195 = tpu.vector_load %arg11[%swap3A_194] {strides = array<i32>} : memref<384xi32, #tpu.memory_space<vmem>>, vector<16xi32>,
      %swap3A_196 = vector.shape_cast %swap3A_195 : vector<16xi32> to vector<16xi32>
      %swap3A_197 = vector.shape_cast %broadcast_in_dim3A_193 : vector<16xi32> to vector<16xi32>
      tpu.vector_store %arg11[%swap3A_194], %swap3A_197 {strides = array<i32>} : memref<384xi32, #tpu.memory_space<vmem>>, vector<16xi32>,
      %broadcast_in_dim3A_198 = arith.constant 0.000000e+00 : f32
      %broadcast_in_dim3A_199 = vector.broadcast %broadcast_in_dim3A_198 : f32 to vector<16xf32>
      %swap3A_200 = arith.constant 256 : index
      %swap3A_201 = tpu.vector_load %arg12[%swap3A_200] {strides = array<i32>} : memref<384xf32, #tpu.memory_space<vmem>>, vector<16xf32>,
      %swap3A_202 = vector.shape_cast %swap3A_201 : vector<16xf32> to vector<16xf32>
      %swap3A_203 = vector.shape_cast %broadcast_in_dim3A_199 : vector<16xf32> to vector<16xf32>
      tpu.vector_store %arg12[%swap3A_200], %swap3A_203 {strides = array<i32>} : memref<384xf32, #tpu.memory_space<vmem>>, vector<16xf32>,
      %broadcast_in_dim3A_204 = arith.constant 0 : i32
      %broadcast_in_dim3A_205 = vector.broadcast %broadcast_in_dim3A_204 : i32 to vector<16xi32>
      %swap3A_206 = arith.constant 272 : index
      %swap3A_207 = tpu.vector_load %arg11[%swap3A_206] {strides = array<i32>} : memref<384xi32, #tpu.memory_space<vmem>>, vector<16xi32>,
      %swap3A_208 = vector.shape_cast %swap3A_207 : vector<16xi32> to vector<16xi32>
      %swap3A_209 = vector.shape_cast %broadcast_in_dim3A_205 : vector<16xi32> to vector<16xi32>
      tpu.vector_store %arg11[%swap3A_206], %swap3A_209 {strides = array<i32>} : memref<384xi32, #tpu.memory_space<vmem>>, vector<16xi32>,
      %broadcast_in_dim3A_210 = arith.constant 0.000000e+00 : f32
      %broadcast_in_dim3A_211 = vector.broadcast %broadcast_in_dim3A_210 : f32 to vector<16xf32>
      %swap3A_212 = arith.constant 272 : index
      %swap3A_213 = tpu.vector_load %arg12[%swap3A_212] {strides = array<i32>} : memref<384xf32, #tpu.memory_space<vmem>>, vector<16xf32>,
      %swap3A_214 = vector.shape_cast %swap3A_213 : vector<16xf32> to vector<16xf32>
      %swap3A_215 = vector.shape_cast %broadcast_in_dim3A_211 : vector<16xf32> to vector<16xf32>
      tpu.vector_store %arg12[%swap3A_212], %swap3A_215 {strides = array<i32>} : memref<384xf32, #tpu.memory_space<vmem>>, vector<16xf32>,
      %broadcast_in_dim3A_216 = arith.constant 0 : i32
      %broadcast_in_dim3A_217 = vector.broadcast %broadcast_in_dim3A_216 : i32 to vector<16xi32>
      %swap3A_218 = arith.constant 288 : index
      %swap3A_219 = tpu.vector_load %arg11[%swap3A_218] {strides = array<i32>} : memref<384xi32, #tpu.memory_space<vmem>>, vector<16xi32>,
      %swap3A_220 = vector.shape_cast %swap3A_219 : vector<16xi32> to vector<16xi32>
      %swap3A_221 = vector.shape_cast %broadcast_in_dim3A_217 : vector<16xi32> to vector<16xi32>
      tpu.vector_store %arg11[%swap3A_218], %swap3A_221 {strides = array<i32>} : memref<384xi32, #tpu.memory_space<vmem>>, vector<16xi32>,
      %broadcast_in_dim3A_222 = arith.constant 0.000000e+00 : f32
      %broadcast_in_dim3A_223 = vector.broadcast %broadcast_in_dim3A_222 : f32 to vector<16xf32>
      %swap3A_224 = arith.constant 288 : index
      %swap3A_225 = tpu.vector_load %arg12[%swap3A_224] {strides = array<i32>} : memref<384xf32, #tpu.memory_space<vmem>>, vector<16xf32>,
      %swap3A_226 = vector.shape_cast %swap3A_225 : vector<16xf32> to vector<16xf32>
      %swap3A_227 = vector.shape_cast %broadcast_in_dim3A_223 : vector<16xf32> to vector<16xf32>
      tpu.vector_store %arg12[%swap3A_224], %swap3A_227 {strides = array<i32>} : memref<384xf32, #tpu.memory_space<vmem>>, vector<16xf32>,
      %broadcast_in_dim3A_228 = arith.constant 0 : i32
      %broadcast_in_dim3A_229 = vector.broadcast %broadcast_in_dim3A_228 : i32 to vector<16xi32>
      %swap3A_230 = arith.constant 304 : index
      %swap3A_231 = tpu.vector_load %arg11[%swap3A_230] {strides = array<i32>} : memref<384xi32, #tpu.memory_space<vmem>>, vector<16xi32>,
      %swap3A_232 = vector.shape_cast %swap3A_231 : vector<16xi32> to vector<16xi32>
      %swap3A_233 = vector.shape_cast %broadcast_in_dim3A_229 : vector<16xi32> to vector<16xi32>
      tpu.vector_store %arg11[%swap3A_230], %swap3A_233 {strides = array<i32>} : memref<384xi32, #tpu.memory_space<vmem>>, vector<16xi32>,
      %broadcast_in_dim3A_234 = arith.constant 0.000000e+00 : f32
      %broadcast_in_dim3A_235 = vector.broadcast %broadcast_in_dim3A_234 : f32 to vector<16xf32>
      %swap3A_236 = arith.constant 304 : index
      %swap3A_237 = tpu.vector_load %arg12[%swap3A_236] {strides = array<i32>} : memref<384xf32, #tpu.memory_space<vmem>>, vector<16xf32>,
      %swap3A_238 = vector.shape_cast %swap3A_237 : vector<16xf32> to vector<16xf32>
      %swap3A_239 = vector.shape_cast %broadcast_in_dim3A_235 : vector<16xf32> to vector<16xf32>
      tpu.vector_store %arg12[%swap3A_236], %swap3A_239 {strides = array<i32>} : memref<384xf32, #tpu.memory_space<vmem>>, vector<16xf32>,
      %broadcast_in_dim3A_240 = arith.constant 0 : i32
      %broadcast_in_dim3A_241 = vector.broadcast %broadcast_in_dim3A_240 : i32 to vector<16xi32>
      %swap3A_242 = arith.constant 320 : index
      %swap3A_243 = tpu.vector_load %arg11[%swap3A_242] {strides = array<i32>} : memref<384xi32, #tpu.memory_space<vmem>>, vector<16xi32>,
      %swap3A_244 = vector.shape_cast %swap3A_243 : vector<16xi32> to vector<16xi32>
      %swap3A_245 = vector.shape_cast %broadcast_in_dim3A_241 : vector<16xi32> to vector<16xi32>
      tpu.vector_store %arg11[%swap3A_242], %swap3A_245 {strides = array<i32>} : memref<384xi32, #tpu.memory_space<vmem>>, vector<16xi32>,
      %broadcast_in_dim3A_246 = arith.constant 0.000000e+00 : f32
      %broadcast_in_dim3A_247 = vector.broadcast %broadcast_in_dim3A_246 : f32 to vector<16xf32>
      %swap3A_248 = arith.constant 320 : index
      %swap3A_249 = tpu.vector_load %arg12[%swap3A_248] {strides = array<i32>} : memref<384xf32, #tpu.memory_space<vmem>>, vector<16xf32>,
      %swap3A_250 = vector.shape_cast %swap3A_249 : vector<16xf32> to vector<16xf32>
      %swap3A_251 = vector.shape_cast %broadcast_in_dim3A_247 : vector<16xf32> to vector<16xf32>
      tpu.vector_store %arg12[%swap3A_248], %swap3A_251 {strides = array<i32>} : memref<384xf32, #tpu.memory_space<vmem>>, vector<16xf32>,
      %broadcast_in_dim3A_252 = arith.constant 0 : i32
      %broadcast_in_dim3A_253 = vector.broadcast %broadcast_in_dim3A_252 : i32 to vector<16xi32>
      %swap3A_254 = arith.constant 336 : index
      %swap3A_255 = tpu.vector_load %arg11[%swap3A_254] {strides = array<i32>} : memref<384xi32, #tpu.memory_space<vmem>>, vector<16xi32>,
      %swap3A_256 = vector.shape_cast %swap3A_255 : vector<16xi32> to vector<16xi32>
      %swap3A_257 = vector.shape_cast %broadcast_in_dim3A_253 : vector<16xi32> to vector<16xi32>
      tpu.vector_store %arg11[%swap3A_254], %swap3A_257 {strides = array<i32>} : memref<384xi32, #tpu.memory_space<vmem>>, vector<16xi32>,
      %broadcast_in_dim3A_258 = arith.constant 0.000000e+00 : f32
      %broadcast_in_dim3A_259 = vector.broadcast %broadcast_in_dim3A_258 : f32 to vector<16xf32>
      %swap3A_260 = arith.constant 336 : index
      %swap3A_261 = tpu.vector_load %arg12[%swap3A_260] {strides = array<i32>} : memref<384xf32, #tpu.memory_space<vmem>>, vector<16xf32>,
      %swap3A_262 = vector.shape_cast %swap3A_261 : vector<16xf32> to vector<16xf32>
      %swap3A_263 = vector.shape_cast %broadcast_in_dim3A_259 : vector<16xf32> to vector<16xf32>
      tpu.vector_store %arg12[%swap3A_260], %swap3A_263 {strides = array<i32>} : memref<384xf32, #tpu.memory_space<vmem>>, vector<16xf32>,
      %broadcast_in_dim3A_264 = arith.constant 0 : i32
      %broadcast_in_dim3A_265 = vector.broadcast %broadcast_in_dim3A_264 : i32 to vector<16xi32>
      %swap3A_266 = arith.constant 352 : index
      %swap3A_267 = tpu.vector_load %arg11[%swap3A_266] {strides = array<i32>} : memref<384xi32, #tpu.memory_space<vmem>>, vector<16xi32>,
      %swap3A_268 = vector.shape_cast %swap3A_267 : vector<16xi32> to vector<16xi32>
      %swap3A_269 = vector.shape_cast %broadcast_in_dim3A_265 : vector<16xi32> to vector<16xi32>
      tpu.vector_store %arg11[%swap3A_266], %swap3A_269 {strides = array<i32>} : memref<384xi32, #tpu.memory_space<vmem>>, vector<16xi32>,
      %broadcast_in_dim3A_270 = arith.constant 0.000000e+00 : f32
      %broadcast_in_dim3A_271 = vector.broadcast %broadcast_in_dim3A_270 : f32 to vector<16xf32>
      %swap3A_272 = arith.constant 352 : index
      %swap3A_273 = tpu.vector_load %arg12[%swap3A_272] {strides = array<i32>} : memref<384xf32, #tpu.memory_space<vmem>>, vector<16xf32>,
      %swap3A_274 = vector.shape_cast %swap3A_273 : vector<16xf32> to vector<16xf32>
      %swap3A_275 = vector.shape_cast %broadcast_in_dim3A_271 : vector<16xf32> to vector<16xf32>
      tpu.vector_store %arg12[%swap3A_272], %swap3A_275 {strides = array<i32>} : memref<384xf32, #tpu.memory_space<vmem>>, vector<16xf32>,
      %broadcast_in_dim3A_276 = arith.constant 0 : i32
      %broadcast_in_dim3A_277 = vector.broadcast %broadcast_in_dim3A_276 : i32 to vector<16xi32>
      %swap3A_278 = arith.constant 368 : index
      %swap3A_279 = tpu.vector_load %arg11[%swap3A_278] {strides = array<i32>} : memref<384xi32, #tpu.memory_space<vmem>>, vector<16xi32>,
      %swap3A_280 = vector.shape_cast %swap3A_279 : vector<16xi32> to vector<16xi32>
      %swap3A_281 = vector.shape_cast %broadcast_in_dim3A_277 : vector<16xi32> to vector<16xi32>
      tpu.vector_store %arg11[%swap3A_278], %swap3A_281 {strides = array<i32>} : memref<384xi32, #tpu.memory_space<vmem>>, vector<16xi32>,
      %broadcast_in_dim3A_282 = arith.constant 0.000000e+00 : f32
      %broadcast_in_dim3A_283 = vector.broadcast %broadcast_in_dim3A_282 : f32 to vector<16xf32>
      %swap3A_284 = arith.constant 368 : index
      %swap3A_285 = tpu.vector_load %arg12[%swap3A_284] {strides = array<i32>} : memref<384xf32, #tpu.memory_space<vmem>>, vector<16xf32>,
      %swap3A_286 = vector.shape_cast %swap3A_285 : vector<16xf32> to vector<16xf32>
      %swap3A_287 = vector.shape_cast %broadcast_in_dim3A_283 : vector<16xf32> to vector<16xf32>
      tpu.vector_store %arg12[%swap3A_284], %swap3A_287 {strides = array<i32>} : memref<384xf32, #tpu.memory_space<vmem>>, vector<16xf32>,
      %mul3A = arith.constant 384 : i32
      %mul3A_288 = arith.muli %arg1, %mul3A : i32
      "tpu.region"() ({
        %run_scoped3A_428 = tpu.sem_alloc : memref<!tpu.dma_semaphore, #tpu.memory_space<semaphore_mem>>
        %dma_start3A_429 = tpu.memref_slice %arg6[%mul3A_288] : memref<6144xi32, #tpu.memory_space<hbm>> -> memref<384xi32, #tpu.memory_space<hbm>>
        %dma_start3A_430 = tpu.memref_slice %arg6[%mul3A_288] : memref<6144xi32, #tpu.memory_space<hbm>> -> memref<384xi32, #tpu.memory_space<hbm>>
        tpu.enqueue_dma source(%arg11 : memref<384xi32, #tpu.memory_space<vmem>>) target(%dma_start3A_430 : memref<384xi32, #tpu.memory_space<hbm>>) target_semaphore(%run_scoped3A_428 : memref<!tpu.dma_semaphore, #tpu.memory_space<semaphore_mem>>)
        %dma_wait3A_431 = tpu.memref_slice %arg6[%mul3A_288] : memref<6144xi32, #tpu.memory_space<hbm>> -> memref<384xi32, #tpu.memory_space<hbm>>
        %dma_wait3A_432 = tpu.memref_slice %arg6[%mul3A_288] : memref<6144xi32, #tpu.memory_space<hbm>> -> memref<384xi32, #tpu.memory_space<hbm>>
        tpu.wait_dma2 semaphore(%run_scoped3A_428 : memref<!tpu.dma_semaphore, #tpu.memory_space<semaphore_mem>>) src(%arg11 : memref<384xi32, #tpu.memory_space<vmem>>) dst(%dma_wait3A_432 : memref<384xi32, #tpu.memory_space<hbm>>)
        tpu.yield
      }) : () -> ()
      %mul3A_289 = arith.constant 384 : i32
      %mul3A_290 = arith.muli %arg1, %mul3A_289 : i32
      "tpu.region"() ({
        %run_scoped3A_428 = tpu.sem_alloc : memref<!tpu.dma_semaphore, #tpu.memory_space<semaphore_mem>>
        %dma_start3A_429 = tpu.memref_slice %arg7[%mul3A_290] : memref<6144xf32, #tpu.memory_space<hbm>> -> memref<384xf32, #tpu.memory_space<hbm>>
        %dma_start3A_430 = tpu.memref_slice %arg7[%mul3A_290] : memref<6144xf32, #tpu.memory_space<hbm>> -> memref<384xf32, #tpu.memory_space<hbm>>
        tpu.enqueue_dma source(%arg12 : memref<384xf32, #tpu.memory_space<vmem>>) target(%dma_start3A_430 : memref<384xf32, #tpu.memory_space<hbm>>) target_semaphore(%run_scoped3A_428 : memref<!tpu.dma_semaphore, #tpu.memory_space<semaphore_mem>>)
        %dma_wait3A_431 = tpu.memref_slice %arg7[%mul3A_290] : memref<6144xf32, #tpu.memory_space<hbm>> -> memref<384xf32, #tpu.memory_space<hbm>>
        %dma_wait3A_432 = tpu.memref_slice %arg7[%mul3A_290] : memref<6144xf32, #tpu.memory_space<hbm>> -> memref<384xf32, #tpu.memory_space<hbm>>
        tpu.wait_dma2 semaphore(%run_scoped3A_428 : memref<!tpu.dma_semaphore, #tpu.memory_space<semaphore_mem>>) src(%arg12 : memref<384xf32, #tpu.memory_space<vmem>>) dst(%dma_wait3A_432 : memref<384xf32, #tpu.memory_space<hbm>>)
        tpu.yield
      }) : () -> ()
      %barrier3A = arith.constant 0 : index
      tpu.barrier barrier_id(%barrier3A)
      %mul3A_291 = arith.constant 128 : i32
      %mul3A_292 = arith.muli %arg1, %mul3A_291 : i32
      %add3A = arith.constant 0 : i32
      %add3A_293 = arith.addi %mul3A_292, %add3A : i32
      %iota3A = tpu.iota {dimensions = array<i32: 0>} : vector<16xi32>
      %add3A_294 = vector.broadcast %add3A_293 : i32 to vector<16xi32>
      %add3A_295 = arith.addi %add3A_294, %iota3A : vector<16xi32>
      %swap3A_296 = arith.constant 0 : index
      %swap3A_297 = tpu.vector_load %arg9[%swap3A_296] {strides = array<i32>} : memref<128xi32, #tpu.memory_space<vmem>>, vector<16xi32>,
      %swap3A_298 = vector.shape_cast %swap3A_297 : vector<16xi32> to vector<16xi32>
      %swap3A_299 = vector.shape_cast %add3A_295 : vector<16xi32> to vector<16xi32>
      tpu.vector_store %arg9[%swap3A_296], %swap3A_299 {strides = array<i32>} : memref<128xi32, #tpu.memory_space<vmem>>, vector<16xi32>,
      %add3A_300 = arith.constant 16 : i32
      %add3A_301 = arith.addi %mul3A_292, %add3A_300 : i32
      %iota3A_302 = tpu.iota {dimensions = array<i32: 0>} : vector<16xi32>
      %add3A_303 = vector.broadcast %add3A_301 : i32 to vector<16xi32>
      %add3A_304 = arith.addi %add3A_303, %iota3A_302 : vector<16xi32>
      %swap3A_305 = arith.constant 16 : index
      %swap3A_306 = tpu.vector_load %arg9[%swap3A_305] {strides = array<i32>} : memref<128xi32, #tpu.memory_space<vmem>>, vector<16xi32>,
      %swap3A_307 = vector.shape_cast %swap3A_306 : vector<16xi32> to vector<16xi32>
      %swap3A_308 = vector.shape_cast %add3A_304 : vector<16xi32> to vector<16xi32>
      tpu.vector_store %arg9[%swap3A_305], %swap3A_308 {strides = array<i32>} : memref<128xi32, #tpu.memory_space<vmem>>, vector<16xi32>,
      %add3A_309 = arith.constant 32 : i32
      %add3A_310 = arith.addi %mul3A_292, %add3A_309 : i32
      %iota3A_311 = tpu.iota {dimensions = array<i32: 0>} : vector<16xi32>
      %add3A_312 = vector.broadcast %add3A_310 : i32 to vector<16xi32>
      %add3A_313 = arith.addi %add3A_312, %iota3A_311 : vector<16xi32>
      %swap3A_314 = arith.constant 32 : index
      %swap3A_315 = tpu.vector_load %arg9[%swap3A_314] {strides = array<i32>} : memref<128xi32, #tpu.memory_space<vmem>>, vector<16xi32>,
      %swap3A_316 = vector.shape_cast %swap3A_315 : vector<16xi32> to vector<16xi32>
      %swap3A_317 = vector.shape_cast %add3A_313 : vector<16xi32> to vector<16xi32>
      tpu.vector_store %arg9[%swap3A_314], %swap3A_317 {strides = array<i32>} : memref<128xi32, #tpu.memory_space<vmem>>, vector<16xi32>,
      %add3A_318 = arith.constant 48 : i32
      %add3A_319 = arith.addi %mul3A_292, %add3A_318 : i32
      %iota3A_320 = tpu.iota {dimensions = array<i32: 0>} : vector<16xi32>
      %add3A_321 = vector.broadcast %add3A_319 : i32 to vector<16xi32>
      %add3A_322 = arith.addi %add3A_321, %iota3A_320 : vector<16xi32>
      %swap3A_323 = arith.constant 48 : index
      %swap3A_324 = tpu.vector_load %arg9[%swap3A_323] {strides = array<i32>} : memref<128xi32, #tpu.memory_space<vmem>>, vector<16xi32>,
      %swap3A_325 = vector.shape_cast %swap3A_324 : vector<16xi32> to vector<16xi32>
      %swap3A_326 = vector.shape_cast %add3A_322 : vector<16xi32> to vector<16xi32>
      tpu.vector_store %arg9[%swap3A_323], %swap3A_326 {strides = array<i32>} : memref<128xi32, #tpu.memory_space<vmem>>, vector<16xi32>,
      %add3A_327 = arith.constant 64 : i32
      %add3A_328 = arith.addi %mul3A_292, %add3A_327 : i32
      %iota3A_329 = tpu.iota {dimensions = array<i32: 0>} : vector<16xi32>
      %add3A_330 = vector.broadcast %add3A_328 : i32 to vector<16xi32>
      %add3A_331 = arith.addi %add3A_330, %iota3A_329 : vector<16xi32>
      %swap3A_332 = arith.constant 64 : index
      %swap3A_333 = tpu.vector_load %arg9[%swap3A_332] {strides = array<i32>} : memref<128xi32, #tpu.memory_space<vmem>>, vector<16xi32>,
      %swap3A_334 = vector.shape_cast %swap3A_333 : vector<16xi32> to vector<16xi32>
      %swap3A_335 = vector.shape_cast %add3A_331 : vector<16xi32> to vector<16xi32>
      tpu.vector_store %arg9[%swap3A_332], %swap3A_335 {strides = array<i32>} : memref<128xi32, #tpu.memory_space<vmem>>, vector<16xi32>,
      %add3A_336 = arith.constant 80 : i32
      %add3A_337 = arith.addi %mul3A_292, %add3A_336 : i32
      %iota3A_338 = tpu.iota {dimensions = array<i32: 0>} : vector<16xi32>
      %add3A_339 = vector.broadcast %add3A_337 : i32 to vector<16xi32>
      %add3A_340 = arith.addi %add3A_339, %iota3A_338 : vector<16xi32>
      %swap3A_341 = arith.constant 80 : index
      %swap3A_342 = tpu.vector_load %arg9[%swap3A_341] {strides = array<i32>} : memref<128xi32, #tpu.memory_space<vmem>>, vector<16xi32>,
      %swap3A_343 = vector.shape_cast %swap3A_342 : vector<16xi32> to vector<16xi32>
      %swap3A_344 = vector.shape_cast %add3A_340 : vector<16xi32> to vector<16xi32>
      tpu.vector_store %arg9[%swap3A_341], %swap3A_344 {strides = array<i32>} : memref<128xi32, #tpu.memory_space<vmem>>, vector<16xi32>,
      %add3A_345 = arith.constant 96 : i32
      %add3A_346 = arith.addi %mul3A_292, %add3A_345 : i32
      %iota3A_347 = tpu.iota {dimensions = array<i32: 0>} : vector<16xi32>
      %add3A_348 = vector.broadcast %add3A_346 : i32 to vector<16xi32>
      %add3A_349 = arith.addi %add3A_348, %iota3A_347 : vector<16xi32>
      %swap3A_350 = arith.constant 96 : index
      %swap3A_351 = tpu.vector_load %arg9[%swap3A_350] {strides = array<i32>} : memref<128xi32, #tpu.memory_space<vmem>>, vector<16xi32>,
      %swap3A_352 = vector.shape_cast %swap3A_351 : vector<16xi32> to vector<16xi32>
      %swap3A_353 = vector.shape_cast %add3A_349 : vector<16xi32> to vector<16xi32>
      tpu.vector_store %arg9[%swap3A_350], %swap3A_353 {strides = array<i32>} : memref<128xi32, #tpu.memory_space<vmem>>, vector<16xi32>,
      %add3A_354 = arith.constant 112 : i32
      %add3A_355 = arith.addi %mul3A_292, %add3A_354 : i32
      %iota3A_356 = tpu.iota {dimensions = array<i32: 0>} : vector<16xi32>
      %add3A_357 = vector.broadcast %add3A_355 : i32 to vector<16xi32>
      %add3A_358 = arith.addi %add3A_357, %iota3A_356 : vector<16xi32>
      %swap3A_359 = arith.constant 112 : index
      %swap3A_360 = tpu.vector_load %arg9[%swap3A_359] {strides = array<i32>} : memref<128xi32, #tpu.memory_space<vmem>>, vector<16xi32>,
      %swap3A_361 = vector.shape_cast %swap3A_360 : vector<16xi32> to vector<16xi32>
      %swap3A_362 = vector.shape_cast %add3A_358 : vector<16xi32> to vector<16xi32>
      tpu.vector_store %arg9[%swap3A_359], %swap3A_362 {strides = array<i32>} : memref<128xi32, #tpu.memory_space<vmem>>, vector<16xi32>,
      %run_scoped3A = arith.constant 0 : i32
      "tpu.region"() ({
        %run_scoped3A_428 = tpu.sem_alloc : memref<!tpu.dma_semaphore, #tpu.memory_space<semaphore_mem>>
        %dma_start3A_429 = arith.constant 0 : i32
        %dma_start3A_430 = tpu.memref_slice %arg8[%run_scoped3A, %dma_start3A_429] : memref<2x128xi32, #tpu.memory_space<vmem>> -> memref<1x128xi32, #tpu.memory_space<vmem>>
        %dma_start3A_431 = tpu.memref_squeeze %dma_start3A_430 : memref<1x128xi32, #tpu.memory_space<vmem>> -> memref<128xi32, #tpu.memory_space<vmem>>
        %dma_start3A_432 = tpu.memref_slice %arg2[%mul3A_292] : memref<2048xi32, #tpu.memory_space<hbm>> -> memref<128xi32, #tpu.memory_space<hbm>>
        %dma_start3A_433 = arith.constant 0 : i32
        %dma_start3A_434 = tpu.memref_slice %arg8[%run_scoped3A, %dma_start3A_433] : memref<2x128xi32, #tpu.memory_space<vmem>> -> memref<1x128xi32, #tpu.memory_space<vmem>>
        %dma_start3A_435 = tpu.memref_squeeze %dma_start3A_434 : memref<1x128xi32, #tpu.memory_space<vmem>> -> memref<128xi32, #tpu.memory_space<vmem>>
        %dma_start3A_436 = tpu.memref_slice %arg2[%mul3A_292] : memref<2048xi32, #tpu.memory_space<hbm>> -> memref<128xi32, #tpu.memory_space<hbm>>
        tpu.enqueue_dma source(%dma_start3A_436 : memref<128xi32, #tpu.memory_space<hbm>>) target(%dma_start3A_435 : memref<128xi32, #tpu.memory_space<vmem>>) target_semaphore(%run_scoped3A_428 : memref<!tpu.dma_semaphore, #tpu.memory_space<semaphore_mem>>)
        %dma_wait3A_437 = arith.constant 0 : i32
        %dma_wait3A_438 = tpu.memref_slice %arg8[%run_scoped3A, %dma_wait3A_437] : memref<2x128xi32, #tpu.memory_space<vmem>> -> memref<1x128xi32, #tpu.memory_space<vmem>>
        %dma_wait3A_439 = tpu.memref_squeeze %dma_wait3A_438 : memref<1x128xi32, #tpu.memory_space<vmem>> -> memref<128xi32, #tpu.memory_space<vmem>>
        %dma_wait3A_440 = tpu.memref_slice %arg2[%mul3A_292] : memref<2048xi32, #tpu.memory_space<hbm>> -> memref<128xi32, #tpu.memory_space<hbm>>
        %dma_wait3A_441 = arith.constant 0 : i32
        %dma_wait3A_442 = tpu.memref_slice %arg8[%run_scoped3A, %dma_wait3A_441] : memref<2x128xi32, #tpu.memory_space<vmem>> -> memref<1x128xi32, #tpu.memory_space<vmem>>
        %dma_wait3A_443 = tpu.memref_squeeze %dma_wait3A_442 : memref<1x128xi32, #tpu.memory_space<vmem>> -> memref<128xi32, #tpu.memory_space<vmem>>
        %dma_wait3A_444 = tpu.memref_slice %arg2[%mul3A_292] : memref<2048xi32, #tpu.memory_space<hbm>> -> memref<128xi32, #tpu.memory_space<hbm>>
        tpu.wait_dma2 semaphore(%run_scoped3A_428 : memref<!tpu.dma_semaphore, #tpu.memory_space<semaphore_mem>>) src(%dma_wait3A_444 : memref<128xi32, #tpu.memory_space<hbm>>) dst(%dma_wait3A_443 : memref<128xi32, #tpu.memory_space<vmem>>)
        tpu.yield
      }) : () -> ()
      %run_scoped3A_363 = arith.constant 1 : i32
      "tpu.region"() ({
        %run_scoped3A_428 = tpu.sem_alloc : memref<!tpu.dma_semaphore, #tpu.memory_space<semaphore_mem>>
        %dma_start3A_429 = arith.constant 0 : i32
        %dma_start3A_430 = tpu.memref_slice %arg8[%run_scoped3A_363, %dma_start3A_429] : memref<2x128xi32, #tpu.memory_space<vmem>> -> memref<1x128xi32, #tpu.memory_space<vmem>>
        %dma_start3A_431 = tpu.memref_squeeze %dma_start3A_430 : memref<1x128xi32, #tpu.memory_space<vmem>> -> memref<128xi32, #tpu.memory_space<vmem>>
        %dma_start3A_432 = tpu.memref_slice %arg3[%mul3A_292] : memref<2048xi32, #tpu.memory_space<hbm>> -> memref<128xi32, #tpu.memory_space<hbm>>
        %dma_start3A_433 = arith.constant 0 : i32
        %dma_start3A_434 = tpu.memref_slice %arg8[%run_scoped3A_363, %dma_start3A_433] : memref<2x128xi32, #tpu.memory_space<vmem>> -> memref<1x128xi32, #tpu.memory_space<vmem>>
        %dma_start3A_435 = tpu.memref_squeeze %dma_start3A_434 : memref<1x128xi32, #tpu.memory_space<vmem>> -> memref<128xi32, #tpu.memory_space<vmem>>
        %dma_start3A_436 = tpu.memref_slice %arg3[%mul3A_292] : memref<2048xi32, #tpu.memory_space<hbm>> -> memref<128xi32, #tpu.memory_space<hbm>>
        tpu.enqueue_dma source(%dma_start3A_436 : memref<128xi32, #tpu.memory_space<hbm>>) target(%dma_start3A_435 : memref<128xi32, #tpu.memory_space<vmem>>) target_semaphore(%run_scoped3A_428 : memref<!tpu.dma_semaphore, #tpu.memory_space<semaphore_mem>>)
        %dma_wait3A_437 = arith.constant 0 : i32
        %dma_wait3A_438 = tpu.memref_slice %arg8[%run_scoped3A_363, %dma_wait3A_437] : memref<2x128xi32, #tpu.memory_space<vmem>> -> memref<1x128xi32, #tpu.memory_space<vmem>>
        %dma_wait3A_439 = tpu.memref_squeeze %dma_wait3A_438 : memref<1x128xi32, #tpu.memory_space<vmem>> -> memref<128xi32, #tpu.memory_space<vmem>>
        %dma_wait3A_440 = tpu.memref_slice %arg3[%mul3A_292] : memref<2048xi32, #tpu.memory_space<hbm>> -> memref<128xi32, #tpu.memory_space<hbm>>
        %dma_wait3A_441 = arith.constant 0 : i32
        %dma_wait3A_442 = tpu.memref_slice %arg8[%run_scoped3A_363, %dma_wait3A_441] : memref<2x128xi32, #tpu.memory_space<vmem>> -> memref<1x128xi32, #tpu.memory_space<vmem>>
        %dma_wait3A_443 = tpu.memref_squeeze %dma_wait3A_442 : memref<1x128xi32, #tpu.memory_space<vmem>> -> memref<128xi32, #tpu.memory_space<vmem>>
        %dma_wait3A_444 = tpu.memref_slice %arg3[%mul3A_292] : memref<2048xi32, #tpu.memory_space<hbm>> -> memref<128xi32, #tpu.memory_space<hbm>>
        tpu.wait_dma2 semaphore(%run_scoped3A_428 : memref<!tpu.dma_semaphore, #tpu.memory_space<semaphore_mem>>) src(%dma_wait3A_444 : memref<128xi32, #tpu.memory_space<hbm>>) dst(%dma_wait3A_443 : memref<128xi32, #tpu.memory_space<vmem>>)
        tpu.yield
      }) : () -> ()
      %run_scoped3A_364 = arith.constant 0 : i32
      "tpu.region"() ({
        %run_scoped3A_428 = tpu.sem_alloc : memref<!tpu.dma_semaphore, #tpu.memory_space<semaphore_mem>>
        %dma_start3A_429 = arith.constant 0 : i32
        %dma_start3A_430 = tpu.memref_slice %arg10[%run_scoped3A_364, %dma_start3A_429] : memref<2x128xf32, #tpu.memory_space<vmem>> -> memref<1x128xf32, #tpu.memory_space<vmem>>
        %dma_start3A_431 = tpu.memref_squeeze %dma_start3A_430 : memref<1x128xf32, #tpu.memory_space<vmem>> -> memref<128xf32, #tpu.memory_space<vmem>>
        %dma_start3A_432 = tpu.memref_slice %arg4[%mul3A_292] : memref<2048xf32, #tpu.memory_space<hbm>> -> memref<128xf32, #tpu.memory_space<hbm>>
        %dma_start3A_433 = arith.constant 0 : i32
        %dma_start3A_434 = tpu.memref_slice %arg10[%run_scoped3A_364, %dma_start3A_433] : memref<2x128xf32, #tpu.memory_space<vmem>> -> memref<1x128xf32, #tpu.memory_space<vmem>>
        %dma_start3A_435 = tpu.memref_squeeze %dma_start3A_434 : memref<1x128xf32, #tpu.memory_space<vmem>> -> memref<128xf32, #tpu.memory_space<vmem>>
        %dma_start3A_436 = tpu.memref_slice %arg4[%mul3A_292] : memref<2048xf32, #tpu.memory_space<hbm>> -> memref<128xf32, #tpu.memory_space<hbm>>
        tpu.enqueue_dma source(%dma_start3A_436 : memref<128xf32, #tpu.memory_space<hbm>>) target(%dma_start3A_435 : memref<128xf32, #tpu.memory_space<vmem>>) target_semaphore(%run_scoped3A_428 : memref<!tpu.dma_semaphore, #tpu.memory_space<semaphore_mem>>)
        %dma_wait3A_437 = arith.constant 0 : i32
        %dma_wait3A_438 = tpu.memref_slice %arg10[%run_scoped3A_364, %dma_wait3A_437] : memref<2x128xf32, #tpu.memory_space<vmem>> -> memref<1x128xf32, #tpu.memory_space<vmem>>
        %dma_wait3A_439 = tpu.memref_squeeze %dma_wait3A_438 : memref<1x128xf32, #tpu.memory_space<vmem>> -> memref<128xf32, #tpu.memory_space<vmem>>
        %dma_wait3A_440 = tpu.memref_slice %arg4[%mul3A_292] : memref<2048xf32, #tpu.memory_space<hbm>> -> memref<128xf32, #tpu.memory_space<hbm>>
        %dma_wait3A_441 = arith.constant 0 : i32
        %dma_wait3A_442 = tpu.memref_slice %arg10[%run_scoped3A_364, %dma_wait3A_441] : memref<2x128xf32, #tpu.memory_space<vmem>> -> memref<1x128xf32, #tpu.memory_space<vmem>>
        %dma_wait3A_443 = tpu.memref_squeeze %dma_wait3A_442 : memref<1x128xf32, #tpu.memory_space<vmem>> -> memref<128xf32, #tpu.memory_space<vmem>>
        %dma_wait3A_444 = tpu.memref_slice %arg4[%mul3A_292] : memref<2048xf32, #tpu.memory_space<hbm>> -> memref<128xf32, #tpu.memory_space<hbm>>
        tpu.wait_dma2 semaphore(%run_scoped3A_428 : memref<!tpu.dma_semaphore, #tpu.memory_space<semaphore_mem>>) src(%dma_wait3A_444 : memref<128xf32, #tpu.memory_space<hbm>>) dst(%dma_wait3A_443 : memref<128xf32, #tpu.memory_space<vmem>>)
        tpu.yield
      }) : () -> ()
      %run_scoped3A_365 = arith.constant 1 : i32
      "tpu.region"() ({
        %run_scoped3A_428 = tpu.sem_alloc : memref<!tpu.dma_semaphore, #tpu.memory_space<semaphore_mem>>
        %dma_start3A_429 = arith.constant 0 : i32
        %dma_start3A_430 = tpu.memref_slice %arg10[%run_scoped3A_365, %dma_start3A_429] : memref<2x128xf32, #tpu.memory_space<vmem>> -> memref<1x128xf32, #tpu.memory_space<vmem>>
        %dma_start3A_431 = tpu.memref_squeeze %dma_start3A_430 : memref<1x128xf32, #tpu.memory_space<vmem>> -> memref<128xf32, #tpu.memory_space<vmem>>
        %dma_start3A_432 = tpu.memref_slice %arg5[%mul3A_292] : memref<2048xf32, #tpu.memory_space<hbm>> -> memref<128xf32, #tpu.memory_space<hbm>>
        %dma_start3A_433 = arith.constant 0 : i32
        %dma_start3A_434 = tpu.memref_slice %arg10[%run_scoped3A_365, %dma_start3A_433] : memref<2x128xf32, #tpu.memory_space<vmem>> -> memref<1x128xf32, #tpu.memory_space<vmem>>
        %dma_start3A_435 = tpu.memref_squeeze %dma_start3A_434 : memref<1x128xf32, #tpu.memory_space<vmem>> -> memref<128xf32, #tpu.memory_space<vmem>>
        %dma_start3A_436 = tpu.memref_slice %arg5[%mul3A_292] : memref<2048xf32, #tpu.memory_space<hbm>> -> memref<128xf32, #tpu.memory_space<hbm>>
        tpu.enqueue_dma source(%dma_start3A_436 : memref<128xf32, #tpu.memory_space<hbm>>) target(%dma_start3A_435 : memref<128xf32, #tpu.memory_space<vmem>>) target_semaphore(%run_scoped3A_428 : memref<!tpu.dma_semaphore, #tpu.memory_space<semaphore_mem>>)
        %dma_wait3A_437 = arith.constant 0 : i32
        %dma_wait3A_438 = tpu.memref_slice %arg10[%run_scoped3A_365, %dma_wait3A_437] : memref<2x128xf32, #tpu.memory_space<vmem>> -> memref<1x128xf32, #tpu.memory_space<vmem>>
        %dma_wait3A_439 = tpu.memref_squeeze %dma_wait3A_438 : memref<1x128xf32, #tpu.memory_space<vmem>> -> memref<128xf32, #tpu.memory_space<vmem>>
        %dma_wait3A_440 = tpu.memref_slice %arg5[%mul3A_292] : memref<2048xf32, #tpu.memory_space<hbm>> -> memref<128xf32, #tpu.memory_space<hbm>>
        %dma_wait3A_441 = arith.constant 0 : i32
        %dma_wait3A_442 = tpu.memref_slice %arg10[%run_scoped3A_365, %dma_wait3A_441] : memref<2x128xf32, #tpu.memory_space<vmem>> -> memref<1x128xf32, #tpu.memory_space<vmem>>
        %dma_wait3A_443 = tpu.memref_squeeze %dma_wait3A_442 : memref<1x128xf32, #tpu.memory_space<vmem>> -> memref<128xf32, #tpu.memory_space<vmem>>
        %dma_wait3A_444 = tpu.memref_slice %arg5[%mul3A_292] : memref<2048xf32, #tpu.memory_space<hbm>> -> memref<128xf32, #tpu.memory_space<hbm>>
        tpu.wait_dma2 semaphore(%run_scoped3A_428 : memref<!tpu.dma_semaphore, #tpu.memory_space<semaphore_mem>>) src(%dma_wait3A_444 : memref<128xf32, #tpu.memory_space<hbm>>) dst(%dma_wait3A_443 : memref<128xf32, #tpu.memory_space<vmem>>)
        tpu.yield
      }) : () -> ()
      %dma_start3A = arith.constant 0 : i32
      %dma_start3A_366 = arith.constant 0 : i32
      %dma_start3A_367 = tpu.memref_slice %arg8[%dma_start3A, %dma_start3A_366] : memref<2x128xi32, #tpu.memory_space<vmem>> -> memref<1x128xi32, #tpu.memory_space<vmem>>
      %dma_start3A_368 = tpu.memref_squeeze %dma_start3A_367 : memref<1x128xi32, #tpu.memory_space<vmem>> -> memref<128xi32, #tpu.memory_space<vmem>>
      %dma_start3A_369 = arith.constant 0 : i32
      %dma_start3A_370 = tpu.memref_slice %arg6[%dma_start3A_369] : memref<6144xi32, #tpu.memory_space<hbm>> -> memref<6144xi32, #tpu.memory_space<hbm>>
      tpu.enqueue_indirect_dma source(%arg9 : memref<128xi32, #tpu.memory_space<vmem>>) target(%dma_start3A_370 : memref<6144xi32, #tpu.memory_space<hbm>>) offsets(%dma_start3A_368 : memref<128xi32, #tpu.memory_space<vmem>>) semaphore(%arg13 : memref<!tpu.dma_semaphore, #tpu.memory_space<semaphore_mem>>)
      %dma_wait3A = arith.constant 0 : i32
      %dma_wait3A_371 = arith.constant 0 : i32
      %dma_wait3A_372 = tpu.memref_slice %arg8[%dma_wait3A, %dma_wait3A_371] : memref<2x128xi32, #tpu.memory_space<vmem>> -> memref<1x128xi32, #tpu.memory_space<vmem>>
      %dma_wait3A_373 = tpu.memref_squeeze %dma_wait3A_372 : memref<1x128xi32, #tpu.memory_space<vmem>> -> memref<128xi32, #tpu.memory_space<vmem>>
      %dma_wait3A_374 = arith.constant 0 : i32
      %dma_wait3A_375 = tpu.memref_slice %arg6[%dma_wait3A_374] : memref<6144xi32, #tpu.memory_space<hbm>> -> memref<6144xi32, #tpu.memory_space<hbm>>
      tpu.wait_indirect_dma semaphore(%arg13 : memref<!tpu.dma_semaphore, #tpu.memory_space<semaphore_mem>>) src(%arg9 : memref<128xi32, #tpu.memory_space<vmem>>) dst(%dma_wait3A_375 : memref<6144xi32, #tpu.memory_space<hbm>>)
      %dma_start3A_376 = arith.constant 1 : i32
      %dma_start3A_377 = arith.constant 0 : i32
      %dma_start3A_378 = tpu.memref_slice %arg8[%dma_start3A_376, %dma_start3A_377] : memref<2x128xi32, #tpu.memory_space<vmem>> -> memref<1x128xi32, #tpu.memory_space<vmem>>
      %dma_start3A_379 = tpu.memref_squeeze %dma_start3A_378 : memref<1x128xi32, #tpu.memory_space<vmem>> -> memref<128xi32, #tpu.memory_space<vmem>>
      %dma_start3A_380 = arith.constant 0 : i32
      %dma_start3A_381 = tpu.memref_slice %arg6[%dma_start3A_380] : memref<6144xi32, #tpu.memory_space<hbm>> -> memref<6144xi32, #tpu.memory_space<hbm>>
      tpu.enqueue_indirect_dma source(%arg9 : memref<128xi32, #tpu.memory_space<vmem>>) target(%dma_start3A_381 : memref<6144xi32, #tpu.memory_space<hbm>>) offsets(%dma_start3A_379 : memref<128xi32, #tpu.memory_space<vmem>>) semaphore(%arg13 : memref<!tpu.dma_semaphore, #tpu.memory_space<semaphore_mem>>)
      %dma_wait3A_382 = arith.constant 1 : i32
      %dma_wait3A_383 = arith.constant 0 : i32
      %dma_wait3A_384 = tpu.memref_slice %arg8[%dma_wait3A_382, %dma_wait3A_383] : memref<2x128xi32, #tpu.memory_space<vmem>> -> memref<1x128xi32, #tpu.memory_space<vmem>>
      %dma_wait3A_385 = tpu.memref_squeeze %dma_wait3A_384 : memref<1x128xi32, #tpu.memory_space<vmem>> -> memref<128xi32, #tpu.memory_space<vmem>>
      %dma_wait3A_386 = arith.constant 0 : i32
      %dma_wait3A_387 = tpu.memref_slice %arg6[%dma_wait3A_386] : memref<6144xi32, #tpu.memory_space<hbm>> -> memref<6144xi32, #tpu.memory_space<hbm>>
      tpu.wait_indirect_dma semaphore(%arg13 : memref<!tpu.dma_semaphore, #tpu.memory_space<semaphore_mem>>) src(%arg9 : memref<128xi32, #tpu.memory_space<vmem>>) dst(%dma_wait3A_387 : memref<6144xi32, #tpu.memory_space<hbm>>)
      %dma_start3A_388 = arith.constant 0 : i32
      %dma_start3A_389 = arith.constant 0 : i32
      %dma_start3A_390 = arith.constant 0 : i32
      %dma_start3A_391 = tpu.memref_slice %arg10[%dma_start3A_388, %dma_start3A_390] : memref<2x128xf32, #tpu.memory_space<vmem>> -> memref<1x128xf32, #tpu.memory_space<vmem>>
      %dma_start3A_392 = tpu.memref_squeeze %dma_start3A_391 : memref<1x128xf32, #tpu.memory_space<vmem>> -> memref<128xf32, #tpu.memory_space<vmem>>
      %dma_start3A_393 = arith.constant 0 : i32
      %dma_start3A_394 = tpu.memref_slice %arg8[%dma_start3A_389, %dma_start3A_393] : memref<2x128xi32, #tpu.memory_space<vmem>> -> memref<1x128xi32, #tpu.memory_space<vmem>>
      %dma_start3A_395 = tpu.memref_squeeze %dma_start3A_394 : memref<1x128xi32, #tpu.memory_space<vmem>> -> memref<128xi32, #tpu.memory_space<vmem>>
      %dma_start3A_396 = arith.constant 0 : i32
      %dma_start3A_397 = tpu.memref_slice %arg7[%dma_start3A_396] : memref<6144xf32, #tpu.memory_space<hbm>> -> memref<6144xf32, #tpu.memory_space<hbm>>
      tpu.enqueue_indirect_dma source(%dma_start3A_392 : memref<128xf32, #tpu.memory_space<vmem>>) target(%dma_start3A_397 : memref<6144xf32, #tpu.memory_space<hbm>>) offsets(%dma_start3A_395 : memref<128xi32, #tpu.memory_space<vmem>>) semaphore(%arg13 : memref<!tpu.dma_semaphore, #tpu.memory_space<semaphore_mem>>)
      %dma_wait3A_398 = arith.constant 0 : i32
      %dma_wait3A_399 = arith.constant 0 : i32
      %dma_wait3A_400 = arith.constant 0 : i32
      %dma_wait3A_401 = tpu.memref_slice %arg10[%dma_wait3A_398, %dma_wait3A_400] : memref<2x128xf32, #tpu.memory_space<vmem>> -> memref<1x128xf32, #tpu.memory_space<vmem>>
      %dma_wait3A_402 = tpu.memref_squeeze %dma_wait3A_401 : memref<1x128xf32, #tpu.memory_space<vmem>> -> memref<128xf32, #tpu.memory_space<vmem>>
      %dma_wait3A_403 = arith.constant 0 : i32
      %dma_wait3A_404 = tpu.memref_slice %arg8[%dma_wait3A_399, %dma_wait3A_403] : memref<2x128xi32, #tpu.memory_space<vmem>> -> memref<1x128xi32, #tpu.memory_space<vmem>>
      %dma_wait3A_405 = tpu.memref_squeeze %dma_wait3A_404 : memref<1x128xi32, #tpu.memory_space<vmem>> -> memref<128xi32, #tpu.memory_space<vmem>>
      %dma_wait3A_406 = arith.constant 0 : i32
      %dma_wait3A_407 = tpu.memref_slice %arg7[%dma_wait3A_406] : memref<6144xf32, #tpu.memory_space<hbm>> -> memref<6144xf32, #tpu.memory_space<hbm>>
      tpu.wait_indirect_dma semaphore(%arg13 : memref<!tpu.dma_semaphore, #tpu.memory_space<semaphore_mem>>) src(%dma_wait3A_402 : memref<128xf32, #tpu.memory_space<vmem>>) dst(%dma_wait3A_407 : memref<6144xf32, #tpu.memory_space<hbm>>)
      %dma_start3A_408 = arith.constant 1 : i32
      %dma_start3A_409 = arith.constant 1 : i32
      %dma_start3A_410 = arith.constant 0 : i32
      %dma_start3A_411 = tpu.memref_slice %arg10[%dma_start3A_408, %dma_start3A_410] : memref<2x128xf32, #tpu.memory_space<vmem>> -> memref<1x128xf32, #tpu.memory_space<vmem>>
      %dma_start3A_412 = tpu.memref_squeeze %dma_start3A_411 : memref<1x128xf32, #tpu.memory_space<vmem>> -> memref<128xf32, #tpu.memory_space<vmem>>
      %dma_start3A_413 = arith.constant 0 : i32
      %dma_start3A_414 = tpu.memref_slice %arg8[%dma_start3A_409, %dma_start3A_413] : memref<2x128xi32, #tpu.memory_space<vmem>> -> memref<1x128xi32, #tpu.memory_space<vmem>>
      %dma_start3A_415 = tpu.memref_squeeze %dma_start3A_414 : memref<1x128xi32, #tpu.memory_space<vmem>> -> memref<128xi32, #tpu.memory_space<vmem>>
      %dma_start3A_416 = arith.constant 0 : i32
      %dma_start3A_417 = tpu.memref_slice %arg7[%dma_start3A_416] : memref<6144xf32, #tpu.memory_space<hbm>> -> memref<6144xf32, #tpu.memory_space<hbm>>
      tpu.enqueue_indirect_dma source(%dma_start3A_412 : memref<128xf32, #tpu.memory_space<vmem>>) target(%dma_start3A_417 : memref<6144xf32, #tpu.memory_space<hbm>>) offsets(%dma_start3A_415 : memref<128xi32, #tpu.memory_space<vmem>>) semaphore(%arg13 : memref<!tpu.dma_semaphore, #tpu.memory_space<semaphore_mem>>)
      %dma_wait3A_418 = arith.constant 1 : i32
      %dma_wait3A_419 = arith.constant 1 : i32
      %dma_wait3A_420 = arith.constant 0 : i32
      %dma_wait3A_421 = tpu.memref_slice %arg10[%dma_wait3A_418, %dma_wait3A_420] : memref<2x128xf32, #tpu.memory_space<vmem>> -> memref<1x128xf32, #tpu.memory_space<vmem>>
      %dma_wait3A_422 = tpu.memref_squeeze %dma_wait3A_421 : memref<1x128xf32, #tpu.memory_space<vmem>> -> memref<128xf32, #tpu.memory_space<vmem>>
      %dma_wait3A_423 = arith.constant 0 : i32
      %dma_wait3A_424 = tpu.memref_slice %arg8[%dma_wait3A_419, %dma_wait3A_423] : memref<2x128xi32, #tpu.memory_space<vmem>> -> memref<1x128xi32, #tpu.memory_space<vmem>>
      %dma_wait3A_425 = tpu.memref_squeeze %dma_wait3A_424 : memref<1x128xi32, #tpu.memory_space<vmem>> -> memref<128xi32, #tpu.memory_space<vmem>>
      %dma_wait3A_426 = arith.constant 0 : i32
      %dma_wait3A_427 = tpu.memref_slice %arg7[%dma_wait3A_426] : memref<6144xf32, #tpu.memory_space<hbm>> -> memref<6144xf32, #tpu.memory_space<hbm>>
      tpu.wait_indirect_dma semaphore(%arg13 : memref<!tpu.dma_semaphore, #tpu.memory_space<semaphore_mem>>) src(%dma_wait3A_422 : memref<128xf32, #tpu.memory_space<vmem>>) dst(%dma_wait3A_427 : memref<6144xf32, #tpu.memory_space<hbm>>)
    } else {
    }
    return
  }
}

#map = affine_map<(d0, d1) -> (0, 0)>
#map1 = affine_map<(d0, d1) -> (0)>
module attributes {stable_mosaic.version = 14 : i64} {
  func.func @_gather_body(%arg0: i32, %arg1: i32, %arg2: memref<2048x1024xf32, #tpu.memory_space<hbm>>, %arg3: memref<6144xi32, #tpu.memory_space<hbm>>, %arg4: memref<6144x1024xf32, #tpu.memory_space<hbm>>, %arg5: memref<64xi32, #tpu.memory_space<vmem>>, %arg6: memref<64x1024xf32, #tpu.memory_space<vmem>>, %arg7: memref<!tpu.dma_semaphore, #tpu.memory_space<semaphore_mem>>) attributes {dimension_semantics = [#tpu.dimension_semantics<core_parallel>, #tpu.dimension_semantics<subcore_parallel>], iteration_bounds = array<i64: 2, 16>, scalar_prefetch = 0 : i64, scratch_operands = 3 : i64, tpu.core_type = #tpu.core_type<sc_vector_subcore>, window_params = [{transform_indices = #map}, {transform_indices = #map1}, {transform_indices = #map}]} {
    %mul3A = arith.constant 2 : i32
    %mul3A_0 = arith.muli %arg1, %mul3A : i32
    %add3A = arith.addi %mul3A_0, %arg0 : i32
    %mul3A_1 = arith.constant 192 : i32
    %mul3A_2 = arith.muli %add3A, %mul3A_1 : i32
    %add3A_3 = arith.constant 0 : i32
    %add3A_4 = arith.addi %mul3A_2, %add3A_3 : i32
    "tpu.region"() ({
      %run_scoped3A = tpu.sem_alloc : memref<!tpu.dma_semaphore, #tpu.memory_space<semaphore_mem>>
      %dma_start3A_29 = tpu.memref_slice %arg3[%add3A_4] : memref<6144xi32, #tpu.memory_space<hbm>> -> memref<64xi32, #tpu.memory_space<hbm>>
      %dma_start3A_30 = tpu.memref_slice %arg3[%add3A_4] : memref<6144xi32, #tpu.memory_space<hbm>> -> memref<64xi32, #tpu.memory_space<hbm>>
      tpu.enqueue_dma source(%dma_start3A_30 : memref<64xi32, #tpu.memory_space<hbm>>) target(%arg5 : memref<64xi32, #tpu.memory_space<vmem>>) target_semaphore(%run_scoped3A : memref<!tpu.dma_semaphore, #tpu.memory_space<semaphore_mem>>)
      %dma_wait3A_31 = tpu.memref_slice %arg3[%add3A_4] : memref<6144xi32, #tpu.memory_space<hbm>> -> memref<64xi32, #tpu.memory_space<hbm>>
      %dma_wait3A_32 = tpu.memref_slice %arg3[%add3A_4] : memref<6144xi32, #tpu.memory_space<hbm>> -> memref<64xi32, #tpu.memory_space<hbm>>
      tpu.wait_dma2 semaphore(%run_scoped3A : memref<!tpu.dma_semaphore, #tpu.memory_space<semaphore_mem>>) src(%dma_wait3A_32 : memref<64xi32, #tpu.memory_space<hbm>>) dst(%arg5 : memref<64xi32, #tpu.memory_space<vmem>>)
      tpu.yield
    }) : () -> ()
    %dma_start3A = arith.constant 0 : i32
    %dma_start3A_5 = arith.constant 0 : i32
    %dma_start3A_6 = tpu.memref_slice %arg2[%dma_start3A, %dma_start3A_5] : memref<2048x1024xf32, #tpu.memory_space<hbm>> -> memref<2048x1024xf32, #tpu.memory_space<hbm>>
    tpu.enqueue_indirect_dma source(%dma_start3A_6 : memref<2048x1024xf32, #tpu.memory_space<hbm>>) target(%arg6 : memref<64x1024xf32, #tpu.memory_space<vmem>>) offsets(%arg5 : memref<64xi32, #tpu.memory_space<vmem>>) semaphore(%arg7 : memref<!tpu.dma_semaphore, #tpu.memory_space<semaphore_mem>>)
    %dma_wait3A = arith.constant 0 : i32
    %dma_wait3A_7 = arith.constant 0 : i32
    %dma_wait3A_8 = tpu.memref_slice %arg2[%dma_wait3A, %dma_wait3A_7] : memref<2048x1024xf32, #tpu.memory_space<hbm>> -> memref<2048x1024xf32, #tpu.memory_space<hbm>>
    tpu.wait_indirect_dma semaphore(%arg7 : memref<!tpu.dma_semaphore, #tpu.memory_space<semaphore_mem>>) src(%dma_wait3A_8 : memref<2048x1024xf32, #tpu.memory_space<hbm>>) dst(%arg6 : memref<64x1024xf32, #tpu.memory_space<vmem>>)
    "tpu.region"() ({
      %run_scoped3A = tpu.sem_alloc : memref<!tpu.dma_semaphore, #tpu.memory_space<semaphore_mem>>
      %dma_start3A_29 = arith.constant 0 : i32
      %dma_start3A_30 = tpu.memref_slice %arg4[%add3A_4, %dma_start3A_29] : memref<6144x1024xf32, #tpu.memory_space<hbm>> -> memref<64x1024xf32, #tpu.memory_space<hbm>>
      %dma_start3A_31 = arith.constant 0 : i32
      %dma_start3A_32 = tpu.memref_slice %arg4[%add3A_4, %dma_start3A_31] : memref<6144x1024xf32, #tpu.memory_space<hbm>> -> memref<64x1024xf32, #tpu.memory_space<hbm>>
      tpu.enqueue_dma source(%arg6 : memref<64x1024xf32, #tpu.memory_space<vmem>>) target(%dma_start3A_32 : memref<64x1024xf32, #tpu.memory_space<hbm>>) target_semaphore(%run_scoped3A : memref<!tpu.dma_semaphore, #tpu.memory_space<semaphore_mem>>)
      %dma_wait3A_33 = arith.constant 0 : i32
      %dma_wait3A_34 = tpu.memref_slice %arg4[%add3A_4, %dma_wait3A_33] : memref<6144x1024xf32, #tpu.memory_space<hbm>> -> memref<64x1024xf32, #tpu.memory_space<hbm>>
      %dma_wait3A_35 = arith.constant 0 : i32
      %dma_wait3A_36 = tpu.memref_slice %arg4[%add3A_4, %dma_wait3A_35] : memref<6144x1024xf32, #tpu.memory_space<hbm>> -> memref<64x1024xf32, #tpu.memory_space<hbm>>
      tpu.wait_dma2 semaphore(%run_scoped3A : memref<!tpu.dma_semaphore, #tpu.memory_space<semaphore_mem>>) src(%arg6 : memref<64x1024xf32, #tpu.memory_space<vmem>>) dst(%dma_wait3A_36 : memref<64x1024xf32, #tpu.memory_space<hbm>>)
      tpu.yield
    }) : () -> ()
    %mul3A_9 = arith.constant 192 : i32
    %mul3A_10 = arith.muli %add3A, %mul3A_9 : i32
    %add3A_11 = arith.constant 64 : i32
    %add3A_12 = arith.addi %mul3A_10, %add3A_11 : i32
    "tpu.region"() ({
      %run_scoped3A = tpu.sem_alloc : memref<!tpu.dma_semaphore, #tpu.memory_space<semaphore_mem>>
      %dma_start3A_29 = tpu.memref_slice %arg3[%add3A_12] : memref<6144xi32, #tpu.memory_space<hbm>> -> memref<64xi32, #tpu.memory_space<hbm>>
      %dma_start3A_30 = tpu.memref_slice %arg3[%add3A_12] : memref<6144xi32, #tpu.memory_space<hbm>> -> memref<64xi32, #tpu.memory_space<hbm>>
      tpu.enqueue_dma source(%dma_start3A_30 : memref<64xi32, #tpu.memory_space<hbm>>) target(%arg5 : memref<64xi32, #tpu.memory_space<vmem>>) target_semaphore(%run_scoped3A : memref<!tpu.dma_semaphore, #tpu.memory_space<semaphore_mem>>)
      %dma_wait3A_31 = tpu.memref_slice %arg3[%add3A_12] : memref<6144xi32, #tpu.memory_space<hbm>> -> memref<64xi32, #tpu.memory_space<hbm>>
      %dma_wait3A_32 = tpu.memref_slice %arg3[%add3A_12] : memref<6144xi32, #tpu.memory_space<hbm>> -> memref<64xi32, #tpu.memory_space<hbm>>
      tpu.wait_dma2 semaphore(%run_scoped3A : memref<!tpu.dma_semaphore, #tpu.memory_space<semaphore_mem>>) src(%dma_wait3A_32 : memref<64xi32, #tpu.memory_space<hbm>>) dst(%arg5 : memref<64xi32, #tpu.memory_space<vmem>>)
      tpu.yield
    }) : () -> ()
    %dma_start3A_13 = arith.constant 0 : i32
    %dma_start3A_14 = arith.constant 0 : i32
    %dma_start3A_15 = tpu.memref_slice %arg2[%dma_start3A_13, %dma_start3A_14] : memref<2048x1024xf32, #tpu.memory_space<hbm>> -> memref<2048x1024xf32, #tpu.memory_space<hbm>>
    tpu.enqueue_indirect_dma source(%dma_start3A_15 : memref<2048x1024xf32, #tpu.memory_space<hbm>>) target(%arg6 : memref<64x1024xf32, #tpu.memory_space<vmem>>) offsets(%arg5 : memref<64xi32, #tpu.memory_space<vmem>>) semaphore(%arg7 : memref<!tpu.dma_semaphore, #tpu.memory_space<semaphore_mem>>)
    %dma_wait3A_16 = arith.constant 0 : i32
    %dma_wait3A_17 = arith.constant 0 : i32
    %dma_wait3A_18 = tpu.memref_slice %arg2[%dma_wait3A_16, %dma_wait3A_17] : memref<2048x1024xf32, #tpu.memory_space<hbm>> -> memref<2048x1024xf32, #tpu.memory_space<hbm>>
    tpu.wait_indirect_dma semaphore(%arg7 : memref<!tpu.dma_semaphore, #tpu.memory_space<semaphore_mem>>) src(%dma_wait3A_18 : memref<2048x1024xf32, #tpu.memory_space<hbm>>) dst(%arg6 : memref<64x1024xf32, #tpu.memory_space<vmem>>)
    "tpu.region"() ({
      %run_scoped3A = tpu.sem_alloc : memref<!tpu.dma_semaphore, #tpu.memory_space<semaphore_mem>>
      %dma_start3A_29 = arith.constant 0 : i32
      %dma_start3A_30 = tpu.memref_slice %arg4[%add3A_12, %dma_start3A_29] : memref<6144x1024xf32, #tpu.memory_space<hbm>> -> memref<64x1024xf32, #tpu.memory_space<hbm>>
      %dma_start3A_31 = arith.constant 0 : i32
      %dma_start3A_32 = tpu.memref_slice %arg4[%add3A_12, %dma_start3A_31] : memref<6144x1024xf32, #tpu.memory_space<hbm>> -> memref<64x1024xf32, #tpu.memory_space<hbm>>
      tpu.enqueue_dma source(%arg6 : memref<64x1024xf32, #tpu.memory_space<vmem>>) target(%dma_start3A_32 : memref<64x1024xf32, #tpu.memory_space<hbm>>) target_semaphore(%run_scoped3A : memref<!tpu.dma_semaphore, #tpu.memory_space<semaphore_mem>>)
      %dma_wait3A_33 = arith.constant 0 : i32
      %dma_wait3A_34 = tpu.memref_slice %arg4[%add3A_12, %dma_wait3A_33] : memref<6144x1024xf32, #tpu.memory_space<hbm>> -> memref<64x1024xf32, #tpu.memory_space<hbm>>
      %dma_wait3A_35 = arith.constant 0 : i32
      %dma_wait3A_36 = tpu.memref_slice %arg4[%add3A_12, %dma_wait3A_35] : memref<6144x1024xf32, #tpu.memory_space<hbm>> -> memref<64x1024xf32, #tpu.memory_space<hbm>>
      tpu.wait_dma2 semaphore(%run_scoped3A : memref<!tpu.dma_semaphore, #tpu.memory_space<semaphore_mem>>) src(%arg6 : memref<64x1024xf32, #tpu.memory_space<vmem>>) dst(%dma_wait3A_36 : memref<64x1024xf32, #tpu.memory_space<hbm>>)
      tpu.yield
    }) : () -> ()
    %mul3A_19 = arith.constant 192 : i32
    %mul3A_20 = arith.muli %add3A, %mul3A_19 : i32
    %add3A_21 = arith.constant 128 : i32
    %add3A_22 = arith.addi %mul3A_20, %add3A_21 : i32
    "tpu.region"() ({
      %run_scoped3A = tpu.sem_alloc : memref<!tpu.dma_semaphore, #tpu.memory_space<semaphore_mem>>
      %dma_start3A_29 = tpu.memref_slice %arg3[%add3A_22] : memref<6144xi32, #tpu.memory_space<hbm>> -> memref<64xi32, #tpu.memory_space<hbm>>
      %dma_start3A_30 = tpu.memref_slice %arg3[%add3A_22] : memref<6144xi32, #tpu.memory_space<hbm>> -> memref<64xi32, #tpu.memory_space<hbm>>
      tpu.enqueue_dma source(%dma_start3A_30 : memref<64xi32, #tpu.memory_space<hbm>>) target(%arg5 : memref<64xi32, #tpu.memory_space<vmem>>) target_semaphore(%run_scoped3A : memref<!tpu.dma_semaphore, #tpu.memory_space<semaphore_mem>>)
      %dma_wait3A_31 = tpu.memref_slice %arg3[%add3A_22] : memref<6144xi32, #tpu.memory_space<hbm>> -> memref<64xi32, #tpu.memory_space<hbm>>
      %dma_wait3A_32 = tpu.memref_slice %arg3[%add3A_22] : memref<6144xi32, #tpu.memory_space<hbm>> -> memref<64xi32, #tpu.memory_space<hbm>>
      tpu.wait_dma2 semaphore(%run_scoped3A : memref<!tpu.dma_semaphore, #tpu.memory_space<semaphore_mem>>) src(%dma_wait3A_32 : memref<64xi32, #tpu.memory_space<hbm>>) dst(%arg5 : memref<64xi32, #tpu.memory_space<vmem>>)
      tpu.yield
    }) : () -> ()
    %dma_start3A_23 = arith.constant 0 : i32
    %dma_start3A_24 = arith.constant 0 : i32
    %dma_start3A_25 = tpu.memref_slice %arg2[%dma_start3A_23, %dma_start3A_24] : memref<2048x1024xf32, #tpu.memory_space<hbm>> -> memref<2048x1024xf32, #tpu.memory_space<hbm>>
    tpu.enqueue_indirect_dma source(%dma_start3A_25 : memref<2048x1024xf32, #tpu.memory_space<hbm>>) target(%arg6 : memref<64x1024xf32, #tpu.memory_space<vmem>>) offsets(%arg5 : memref<64xi32, #tpu.memory_space<vmem>>) semaphore(%arg7 : memref<!tpu.dma_semaphore, #tpu.memory_space<semaphore_mem>>)
    %dma_wait3A_26 = arith.constant 0 : i32
    %dma_wait3A_27 = arith.constant 0 : i32
    %dma_wait3A_28 = tpu.memref_slice %arg2[%dma_wait3A_26, %dma_wait3A_27] : memref<2048x1024xf32, #tpu.memory_space<hbm>> -> memref<2048x1024xf32, #tpu.memory_space<hbm>>
    tpu.wait_indirect_dma semaphore(%arg7 : memref<!tpu.dma_semaphore, #tpu.memory_space<semaphore_mem>>) src(%dma_wait3A_28 : memref<2048x1024xf32, #tpu.memory_space<hbm>>) dst(%arg6 : memref<64x1024xf32, #tpu.memory_space<vmem>>)
    "tpu.region"() ({
      %run_scoped3A = tpu.sem_alloc : memref<!tpu.dma_semaphore, #tpu.memory_space<semaphore_mem>>
      %dma_start3A_29 = arith.constant 0 : i32
      %dma_start3A_30 = tpu.memref_slice %arg4[%add3A_22, %dma_start3A_29] : memref<6144x1024xf32, #tpu.memory_space<hbm>> -> memref<64x1024xf32, #tpu.memory_space<hbm>>
      %dma_start3A_31 = arith.constant 0 : i32
      %dma_start3A_32 = tpu.memref_slice %arg4[%add3A_22, %dma_start3A_31] : memref<6144x1024xf32, #tpu.memory_space<hbm>> -> memref<64x1024xf32, #tpu.memory_space<hbm>>
      tpu.enqueue_dma source(%arg6 : memref<64x1024xf32, #tpu.memory_space<vmem>>) target(%dma_start3A_32 : memref<64x1024xf32, #tpu.memory_space<hbm>>) target_semaphore(%run_scoped3A : memref<!tpu.dma_semaphore, #tpu.memory_space<semaphore_mem>>)
      %dma_wait3A_33 = arith.constant 0 : i32
      %dma_wait3A_34 = tpu.memref_slice %arg4[%add3A_22, %dma_wait3A_33] : memref<6144x1024xf32, #tpu.memory_space<hbm>> -> memref<64x1024xf32, #tpu.memory_space<hbm>>
      %dma_wait3A_35 = arith.constant 0 : i32
      %dma_wait3A_36 = tpu.memref_slice %arg4[%add3A_22, %dma_wait3A_35] : memref<6144x1024xf32, #tpu.memory_space<hbm>> -> memref<64x1024xf32, #tpu.memory_space<hbm>>
      tpu.wait_dma2 semaphore(%run_scoped3A : memref<!tpu.dma_semaphore, #tpu.memory_space<semaphore_mem>>) src(%arg6 : memref<64x1024xf32, #tpu.memory_space<vmem>>) dst(%dma_wait3A_36 : memref<64x1024xf32, #tpu.memory_space<hbm>>)
      tpu.yield
    }) : () -> ()
    return
  }
}

#map = affine_map<(d0, d1) -> (0, 0)>
#map1 = affine_map<(d0, d1) -> (0)>
module attributes {stable_mosaic.version = 14 : i64} {
  func.func @_combine_body(%arg0: i32, %arg1: i32, %arg2: memref<6144x1024xf32, #tpu.memory_space<hbm>>, %arg3: memref<2048x1024xf32, #tpu.memory_space<hbm>>, %arg4: memref<2048xi32, #tpu.memory_space<hbm>>, %arg5: memref<2048xi32, #tpu.memory_space<hbm>>, %arg6: memref<2048x1024xf32, #tpu.memory_space<hbm>>, %arg7: memref<32xi32, #tpu.memory_space<vmem>>, %arg8: memref<32xi32, #tpu.memory_space<vmem>>, %arg9: memref<32x1024xf32, #tpu.memory_space<vmem>>, %arg10: memref<32x1024xf32, #tpu.memory_space<vmem>>, %arg11: memref<!tpu.dma_semaphore, #tpu.memory_space<semaphore_mem>>, %arg12: memref<!tpu.dma_semaphore, #tpu.memory_space<semaphore_mem>>) attributes {dimension_semantics = [#tpu.dimension_semantics<core_parallel>, #tpu.dimension_semantics<subcore_parallel>], iteration_bounds = array<i64: 2, 16>, scalar_prefetch = 0 : i64, scratch_operands = 6 : i64, tpu.core_type = #tpu.core_type<sc_vector_subcore>, window_params = [{transform_indices = #map}, {transform_indices = #map}, {transform_indices = #map1}, {transform_indices = #map1}, {transform_indices = #map}]} {
    %mul3A = arith.constant 2 : i32
    %mul3A_0 = arith.muli %arg1, %mul3A : i32
    %add3A = arith.addi %mul3A_0, %arg0 : i32
    %mul3A_1 = arith.constant 64 : i32
    %mul3A_2 = arith.muli %add3A, %mul3A_1 : i32
    %add3A_3 = arith.constant 0 : i32
    %add3A_4 = arith.addi %mul3A_2, %add3A_3 : i32
    "tpu.region"() ({
      %run_scoped3A = tpu.sem_alloc : memref<!tpu.dma_semaphore, #tpu.memory_space<semaphore_mem>>
      %dma_start3A_50 = tpu.memref_slice %arg4[%add3A_4] : memref<2048xi32, #tpu.memory_space<hbm>> -> memref<32xi32, #tpu.memory_space<hbm>>
      %dma_start3A_51 = tpu.memref_slice %arg4[%add3A_4] : memref<2048xi32, #tpu.memory_space<hbm>> -> memref<32xi32, #tpu.memory_space<hbm>>
      tpu.enqueue_dma source(%dma_start3A_51 : memref<32xi32, #tpu.memory_space<hbm>>) target(%arg7 : memref<32xi32, #tpu.memory_space<vmem>>) target_semaphore(%run_scoped3A : memref<!tpu.dma_semaphore, #tpu.memory_space<semaphore_mem>>)
      %dma_wait3A_52 = tpu.memref_slice %arg4[%add3A_4] : memref<2048xi32, #tpu.memory_space<hbm>> -> memref<32xi32, #tpu.memory_space<hbm>>
      %dma_wait3A_53 = tpu.memref_slice %arg4[%add3A_4] : memref<2048xi32, #tpu.memory_space<hbm>> -> memref<32xi32, #tpu.memory_space<hbm>>
      tpu.wait_dma2 semaphore(%run_scoped3A : memref<!tpu.dma_semaphore, #tpu.memory_space<semaphore_mem>>) src(%dma_wait3A_53 : memref<32xi32, #tpu.memory_space<hbm>>) dst(%arg7 : memref<32xi32, #tpu.memory_space<vmem>>)
      tpu.yield
    }) : () -> ()
    "tpu.region"() ({
      %run_scoped3A = tpu.sem_alloc : memref<!tpu.dma_semaphore, #tpu.memory_space<semaphore_mem>>
      %dma_start3A_50 = tpu.memref_slice %arg5[%add3A_4] : memref<2048xi32, #tpu.memory_space<hbm>> -> memref<32xi32, #tpu.memory_space<hbm>>
      %dma_start3A_51 = tpu.memref_slice %arg5[%add3A_4] : memref<2048xi32, #tpu.memory_space<hbm>> -> memref<32xi32, #tpu.memory_space<hbm>>
      tpu.enqueue_dma source(%dma_start3A_51 : memref<32xi32, #tpu.memory_space<hbm>>) target(%arg8 : memref<32xi32, #tpu.memory_space<vmem>>) target_semaphore(%run_scoped3A : memref<!tpu.dma_semaphore, #tpu.memory_space<semaphore_mem>>)
      %dma_wait3A_52 = tpu.memref_slice %arg5[%add3A_4] : memref<2048xi32, #tpu.memory_space<hbm>> -> memref<32xi32, #tpu.memory_space<hbm>>
      %dma_wait3A_53 = tpu.memref_slice %arg5[%add3A_4] : memref<2048xi32, #tpu.memory_space<hbm>> -> memref<32xi32, #tpu.memory_space<hbm>>
      tpu.wait_dma2 semaphore(%run_scoped3A : memref<!tpu.dma_semaphore, #tpu.memory_space<semaphore_mem>>) src(%dma_wait3A_53 : memref<32xi32, #tpu.memory_space<hbm>>) dst(%arg8 : memref<32xi32, #tpu.memory_space<vmem>>)
      tpu.yield
    }) : () -> ()
    %dma_start3A = arith.constant 0 : i32
    %dma_start3A_5 = arith.constant 0 : i32
    %dma_start3A_6 = tpu.memref_slice %arg2[%dma_start3A, %dma_start3A_5] : memref<6144x1024xf32, #tpu.memory_space<hbm>> -> memref<6144x1024xf32, #tpu.memory_space<hbm>>
    tpu.enqueue_indirect_dma source(%dma_start3A_6 : memref<6144x1024xf32, #tpu.memory_space<hbm>>) target(%arg9 : memref<32x1024xf32, #tpu.memory_space<vmem>>) offsets(%arg7 : memref<32xi32, #tpu.memory_space<vmem>>) semaphore(%arg11 : memref<!tpu.dma_semaphore, #tpu.memory_space<semaphore_mem>>)
    %dma_start3A_7 = arith.constant 0 : i32
    %dma_start3A_8 = arith.constant 0 : i32
    %dma_start3A_9 = tpu.memref_slice %arg2[%dma_start3A_7, %dma_start3A_8] : memref<6144x1024xf32, #tpu.memory_space<hbm>> -> memref<6144x1024xf32, #tpu.memory_space<hbm>>
    tpu.enqueue_indirect_dma source(%dma_start3A_9 : memref<6144x1024xf32, #tpu.memory_space<hbm>>) target(%arg10 : memref<32x1024xf32, #tpu.memory_space<vmem>>) offsets(%arg8 : memref<32xi32, #tpu.memory_space<vmem>>) semaphore(%arg12 : memref<!tpu.dma_semaphore, #tpu.memory_space<semaphore_mem>>)
    %dma_wait3A = arith.constant 0 : i32
    %dma_wait3A_10 = arith.constant 0 : i32
    %dma_wait3A_11 = tpu.memref_slice %arg2[%dma_wait3A, %dma_wait3A_10] : memref<6144x1024xf32, #tpu.memory_space<hbm>> -> memref<6144x1024xf32, #tpu.memory_space<hbm>>
    tpu.wait_indirect_dma semaphore(%arg11 : memref<!tpu.dma_semaphore, #tpu.memory_space<semaphore_mem>>) src(%dma_wait3A_11 : memref<6144x1024xf32, #tpu.memory_space<hbm>>) dst(%arg9 : memref<32x1024xf32, #tpu.memory_space<vmem>>)
    %dma_wait3A_12 = arith.constant 0 : i32
    %dma_wait3A_13 = arith.constant 0 : i32
    %dma_wait3A_14 = tpu.memref_slice %arg2[%dma_wait3A_12, %dma_wait3A_13] : memref<6144x1024xf32, #tpu.memory_space<hbm>> -> memref<6144x1024xf32, #tpu.memory_space<hbm>>
    tpu.wait_indirect_dma semaphore(%arg12 : memref<!tpu.dma_semaphore, #tpu.memory_space<semaphore_mem>>) src(%dma_wait3A_14 : memref<6144x1024xf32, #tpu.memory_space<hbm>>) dst(%arg10 : memref<32x1024xf32, #tpu.memory_space<vmem>>)
    %scan3A = arith.constant 0 : i32
    %scan3A_15 = arith.constant 32 : i32
    %scan3A_16 = arith.addi %scan3A, %scan3A_15 : i32
    %scan3A_17 = arith.constant 1 : i32
    scf.for %scan3A_50 = %scan3A to %scan3A_16 step %scan3A_17  : i32 {
      %scan3A_51 = arith.constant 0 : i32
      %scan3A_52 = arith.constant 64 : i32
      %scan3A_53 = arith.addi %scan3A_51, %scan3A_52 : i32
      %scan3A_54 = arith.constant 8 : i32
      scf.for %scan3A_56 = %scan3A_51 to %scan3A_53 step %scan3A_54  : i32 {
        %mul3A_57 = arith.constant 16 : i32
        %mul3A_58 = arith.muli %scan3A_56, %mul3A_57 : i32
        %get3A = arith.index_cast %scan3A_50 : i32 to index
        %get3A_59 = arith.index_cast %mul3A_58 : i32 to index
        %get3A_60 = tpu.vector_load %arg9[%get3A, %get3A_59] {strides = array<i32>} : memref<32x1024xf32, #tpu.memory_space<vmem>>, vector<1x16xf32>,
        %get3A_61 = vector.shape_cast %get3A_60 : vector<1x16xf32> to vector<16xf32>
        %mul3A_62 = arith.constant 16 : i32
        %mul3A_63 = arith.muli %scan3A_56, %mul3A_62 : i32
        %get3A_64 = arith.index_cast %scan3A_50 : i32 to index
        %get3A_65 = arith.index_cast %mul3A_63 : i32 to index
        %get3A_66 = tpu.vector_load %arg10[%get3A_64, %get3A_65] {strides = array<i32>} : memref<32x1024xf32, #tpu.memory_space<vmem>>, vector<1x16xf32>,
        %get3A_67 = vector.shape_cast %get3A_66 : vector<1x16xf32> to vector<16xf32>
        %add3A_68 = arith.addf %get3A_61, %get3A_67 : vector<16xf32>
        %mul3A_69 = arith.constant 16 : i32
        %mul3A_70 = arith.muli %scan3A_56, %mul3A_69 : i32
        %swap3A = arith.index_cast %scan3A_50 : i32 to index
        %swap3A_71 = arith.index_cast %mul3A_70 : i32 to index
        %swap3A_72 = tpu.vector_load %arg9[%swap3A, %swap3A_71] {strides = array<i32>} : memref<32x1024xf32, #tpu.memory_space<vmem>>, vector<1x16xf32>,
        %swap3A_73 = vector.shape_cast %swap3A_72 : vector<1x16xf32> to vector<16xf32>
        %swap3A_74 = vector.shape_cast %add3A_68 : vector<16xf32> to vector<1x16xf32>
        tpu.vector_store %arg9[%swap3A, %swap3A_71], %swap3A_74 {strides = array<i32>} : memref<32x1024xf32, #tpu.memory_space<vmem>>, vector<1x16xf32>,
        %scan3A_75 = arith.constant 1 : i32
        %scan3A_76 = arith.addi %scan3A_56, %scan3A_75 : i32
        %mul3A_77 = arith.constant 16 : i32
        %mul3A_78 = arith.muli %scan3A_76, %mul3A_77 : i32
        %get3A_79 = arith.index_cast %scan3A_50 : i32 to index
        %get3A_80 = arith.index_cast %mul3A_78 : i32 to index
        %get3A_81 = tpu.vector_load %arg9[%get3A_79, %get3A_80] {strides = array<i32>} : memref<32x1024xf32, #tpu.memory_space<vmem>>, vector<1x16xf32>,
        %get3A_82 = vector.shape_cast %get3A_81 : vector<1x16xf32> to vector<16xf32>
        %mul3A_83 = arith.constant 16 : i32
        %mul3A_84 = arith.muli %scan3A_76, %mul3A_83 : i32
        %get3A_85 = arith.index_cast %scan3A_50 : i32 to index
        %get3A_86 = arith.index_cast %mul3A_84 : i32 to index
        %get3A_87 = tpu.vector_load %arg10[%get3A_85, %get3A_86] {strides = array<i32>} : memref<32x1024xf32, #tpu.memory_space<vmem>>, vector<1x16xf32>,
        %get3A_88 = vector.shape_cast %get3A_87 : vector<1x16xf32> to vector<16xf32>
        %add3A_89 = arith.addf %get3A_82, %get3A_88 : vector<16xf32>
        %mul3A_90 = arith.constant 16 : i32
        %mul3A_91 = arith.muli %scan3A_76, %mul3A_90 : i32
        %swap3A_92 = arith.index_cast %scan3A_50 : i32 to index
        %swap3A_93 = arith.index_cast %mul3A_91 : i32 to index
        %swap3A_94 = tpu.vector_load %arg9[%swap3A_92, %swap3A_93] {strides = array<i32>} : memref<32x1024xf32, #tpu.memory_space<vmem>>, vector<1x16xf32>,
        %swap3A_95 = vector.shape_cast %swap3A_94 : vector<1x16xf32> to vector<16xf32>
        %swap3A_96 = vector.shape_cast %add3A_89 : vector<16xf32> to vector<1x16xf32>
        tpu.vector_store %arg9[%swap3A_92, %swap3A_93], %swap3A_96 {strides = array<i32>} : memref<32x1024xf32, #tpu.memory_space<vmem>>, vector<1x16xf32>,
        %scan3A_97 = arith.constant 2 : i32
        %scan3A_98 = arith.addi %scan3A_56, %scan3A_97 : i32
        %mul3A_99 = arith.constant 16 : i32
        %mul3A_100 = arith.muli %scan3A_98, %mul3A_99 : i32
        %get3A_101 = arith.index_cast %scan3A_50 : i32 to index
        %get3A_102 = arith.index_cast %mul3A_100 : i32 to index
        %get3A_103 = tpu.vector_load %arg9[%get3A_101, %get3A_102] {strides = array<i32>} : memref<32x1024xf32, #tpu.memory_space<vmem>>, vector<1x16xf32>,
        %get3A_104 = vector.shape_cast %get3A_103 : vector<1x16xf32> to vector<16xf32>
        %mul3A_105 = arith.constant 16 : i32
        %mul3A_106 = arith.muli %scan3A_98, %mul3A_105 : i32
        %get3A_107 = arith.index_cast %scan3A_50 : i32 to index
        %get3A_108 = arith.index_cast %mul3A_106 : i32 to index
        %get3A_109 = tpu.vector_load %arg10[%get3A_107, %get3A_108] {strides = array<i32>} : memref<32x1024xf32, #tpu.memory_space<vmem>>, vector<1x16xf32>,
        %get3A_110 = vector.shape_cast %get3A_109 : vector<1x16xf32> to vector<16xf32>
        %add3A_111 = arith.addf %get3A_104, %get3A_110 : vector<16xf32>
        %mul3A_112 = arith.constant 16 : i32
        %mul3A_113 = arith.muli %scan3A_98, %mul3A_112 : i32
        %swap3A_114 = arith.index_cast %scan3A_50 : i32 to index
        %swap3A_115 = arith.index_cast %mul3A_113 : i32 to index
        %swap3A_116 = tpu.vector_load %arg9[%swap3A_114, %swap3A_115] {strides = array<i32>} : memref<32x1024xf32, #tpu.memory_space<vmem>>, vector<1x16xf32>,
        %swap3A_117 = vector.shape_cast %swap3A_116 : vector<1x16xf32> to vector<16xf32>
        %swap3A_118 = vector.shape_cast %add3A_111 : vector<16xf32> to vector<1x16xf32>
        tpu.vector_store %arg9[%swap3A_114, %swap3A_115], %swap3A_118 {strides = array<i32>} : memref<32x1024xf32, #tpu.memory_space<vmem>>, vector<1x16xf32>,
        %scan3A_119 = arith.constant 3 : i32
        %scan3A_120 = arith.addi %scan3A_56, %scan3A_119 : i32
        %mul3A_121 = arith.constant 16 : i32
        %mul3A_122 = arith.muli %scan3A_120, %mul3A_121 : i32
        %get3A_123 = arith.index_cast %scan3A_50 : i32 to index
        %get3A_124 = arith.index_cast %mul3A_122 : i32 to index
        %get3A_125 = tpu.vector_load %arg9[%get3A_123, %get3A_124] {strides = array<i32>} : memref<32x1024xf32, #tpu.memory_space<vmem>>, vector<1x16xf32>,
        %get3A_126 = vector.shape_cast %get3A_125 : vector<1x16xf32> to vector<16xf32>
        %mul3A_127 = arith.constant 16 : i32
        %mul3A_128 = arith.muli %scan3A_120, %mul3A_127 : i32
        %get3A_129 = arith.index_cast %scan3A_50 : i32 to index
        %get3A_130 = arith.index_cast %mul3A_128 : i32 to index
        %get3A_131 = tpu.vector_load %arg10[%get3A_129, %get3A_130] {strides = array<i32>} : memref<32x1024xf32, #tpu.memory_space<vmem>>, vector<1x16xf32>,
        %get3A_132 = vector.shape_cast %get3A_131 : vector<1x16xf32> to vector<16xf32>
        %add3A_133 = arith.addf %get3A_126, %get3A_132 : vector<16xf32>
        %mul3A_134 = arith.constant 16 : i32
        %mul3A_135 = arith.muli %scan3A_120, %mul3A_134 : i32
        %swap3A_136 = arith.index_cast %scan3A_50 : i32 to index
        %swap3A_137 = arith.index_cast %mul3A_135 : i32 to index
        %swap3A_138 = tpu.vector_load %arg9[%swap3A_136, %swap3A_137] {strides = array<i32>} : memref<32x1024xf32, #tpu.memory_space<vmem>>, vector<1x16xf32>,
        %swap3A_139 = vector.shape_cast %swap3A_138 : vector<1x16xf32> to vector<16xf32>
        %swap3A_140 = vector.shape_cast %add3A_133 : vector<16xf32> to vector<1x16xf32>
        tpu.vector_store %arg9[%swap3A_136, %swap3A_137], %swap3A_140 {strides = array<i32>} : memref<32x1024xf32, #tpu.memory_space<vmem>>, vector<1x16xf32>,
        %scan3A_141 = arith.constant 4 : i32
        %scan3A_142 = arith.addi %scan3A_56, %scan3A_141 : i32
        %mul3A_143 = arith.constant 16 : i32
        %mul3A_144 = arith.muli %scan3A_142, %mul3A_143 : i32
        %get3A_145 = arith.index_cast %scan3A_50 : i32 to index
        %get3A_146 = arith.index_cast %mul3A_144 : i32 to index
        %get3A_147 = tpu.vector_load %arg9[%get3A_145, %get3A_146] {strides = array<i32>} : memref<32x1024xf32, #tpu.memory_space<vmem>>, vector<1x16xf32>,
        %get3A_148 = vector.shape_cast %get3A_147 : vector<1x16xf32> to vector<16xf32>
        %mul3A_149 = arith.constant 16 : i32
        %mul3A_150 = arith.muli %scan3A_142, %mul3A_149 : i32
        %get3A_151 = arith.index_cast %scan3A_50 : i32 to index
        %get3A_152 = arith.index_cast %mul3A_150 : i32 to index
        %get3A_153 = tpu.vector_load %arg10[%get3A_151, %get3A_152] {strides = array<i32>} : memref<32x1024xf32, #tpu.memory_space<vmem>>, vector<1x16xf32>,
        %get3A_154 = vector.shape_cast %get3A_153 : vector<1x16xf32> to vector<16xf32>
        %add3A_155 = arith.addf %get3A_148, %get3A_154 : vector<16xf32>
        %mul3A_156 = arith.constant 16 : i32
        %mul3A_157 = arith.muli %scan3A_142, %mul3A_156 : i32
        %swap3A_158 = arith.index_cast %scan3A_50 : i32 to index
        %swap3A_159 = arith.index_cast %mul3A_157 : i32 to index
        %swap3A_160 = tpu.vector_load %arg9[%swap3A_158, %swap3A_159] {strides = array<i32>} : memref<32x1024xf32, #tpu.memory_space<vmem>>, vector<1x16xf32>,
        %swap3A_161 = vector.shape_cast %swap3A_160 : vector<1x16xf32> to vector<16xf32>
        %swap3A_162 = vector.shape_cast %add3A_155 : vector<16xf32> to vector<1x16xf32>
        tpu.vector_store %arg9[%swap3A_158, %swap3A_159], %swap3A_162 {strides = array<i32>} : memref<32x1024xf32, #tpu.memory_space<vmem>>, vector<1x16xf32>,
        %scan3A_163 = arith.constant 5 : i32
        %scan3A_164 = arith.addi %scan3A_56, %scan3A_163 : i32
        %mul3A_165 = arith.constant 16 : i32
        %mul3A_166 = arith.muli %scan3A_164, %mul3A_165 : i32
        %get3A_167 = arith.index_cast %scan3A_50 : i32 to index
        %get3A_168 = arith.index_cast %mul3A_166 : i32 to index
        %get3A_169 = tpu.vector_load %arg9[%get3A_167, %get3A_168] {strides = array<i32>} : memref<32x1024xf32, #tpu.memory_space<vmem>>, vector<1x16xf32>,
        %get3A_170 = vector.shape_cast %get3A_169 : vector<1x16xf32> to vector<16xf32>
        %mul3A_171 = arith.constant 16 : i32
        %mul3A_172 = arith.muli %scan3A_164, %mul3A_171 : i32
        %get3A_173 = arith.index_cast %scan3A_50 : i32 to index
        %get3A_174 = arith.index_cast %mul3A_172 : i32 to index
        %get3A_175 = tpu.vector_load %arg10[%get3A_173, %get3A_174] {strides = array<i32>} : memref<32x1024xf32, #tpu.memory_space<vmem>>, vector<1x16xf32>,
        %get3A_176 = vector.shape_cast %get3A_175 : vector<1x16xf32> to vector<16xf32>
        %add3A_177 = arith.addf %get3A_170, %get3A_176 : vector<16xf32>
        %mul3A_178 = arith.constant 16 : i32
        %mul3A_179 = arith.muli %scan3A_164, %mul3A_178 : i32
        %swap3A_180 = arith.index_cast %scan3A_50 : i32 to index
        %swap3A_181 = arith.index_cast %mul3A_179 : i32 to index
        %swap3A_182 = tpu.vector_load %arg9[%swap3A_180, %swap3A_181] {strides = array<i32>} : memref<32x1024xf32, #tpu.memory_space<vmem>>, vector<1x16xf32>,
        %swap3A_183 = vector.shape_cast %swap3A_182 : vector<1x16xf32> to vector<16xf32>
        %swap3A_184 = vector.shape_cast %add3A_177 : vector<16xf32> to vector<1x16xf32>
        tpu.vector_store %arg9[%swap3A_180, %swap3A_181], %swap3A_184 {strides = array<i32>} : memref<32x1024xf32, #tpu.memory_space<vmem>>, vector<1x16xf32>,
        %scan3A_185 = arith.constant 6 : i32
        %scan3A_186 = arith.addi %scan3A_56, %scan3A_185 : i32
        %mul3A_187 = arith.constant 16 : i32
        %mul3A_188 = arith.muli %scan3A_186, %mul3A_187 : i32
        %get3A_189 = arith.index_cast %scan3A_50 : i32 to index
        %get3A_190 = arith.index_cast %mul3A_188 : i32 to index
        %get3A_191 = tpu.vector_load %arg9[%get3A_189, %get3A_190] {strides = array<i32>} : memref<32x1024xf32, #tpu.memory_space<vmem>>, vector<1x16xf32>,
        %get3A_192 = vector.shape_cast %get3A_191 : vector<1x16xf32> to vector<16xf32>
        %mul3A_193 = arith.constant 16 : i32
        %mul3A_194 = arith.muli %scan3A_186, %mul3A_193 : i32
        %get3A_195 = arith.index_cast %scan3A_50 : i32 to index
        %get3A_196 = arith.index_cast %mul3A_194 : i32 to index
        %get3A_197 = tpu.vector_load %arg10[%get3A_195, %get3A_196] {strides = array<i32>} : memref<32x1024xf32, #tpu.memory_space<vmem>>, vector<1x16xf32>,
        %get3A_198 = vector.shape_cast %get3A_197 : vector<1x16xf32> to vector<16xf32>
        %add3A_199 = arith.addf %get3A_192, %get3A_198 : vector<16xf32>
        %mul3A_200 = arith.constant 16 : i32
        %mul3A_201 = arith.muli %scan3A_186, %mul3A_200 : i32
        %swap3A_202 = arith.index_cast %scan3A_50 : i32 to index
        %swap3A_203 = arith.index_cast %mul3A_201 : i32 to index
        %swap3A_204 = tpu.vector_load %arg9[%swap3A_202, %swap3A_203] {strides = array<i32>} : memref<32x1024xf32, #tpu.memory_space<vmem>>, vector<1x16xf32>,
        %swap3A_205 = vector.shape_cast %swap3A_204 : vector<1x16xf32> to vector<16xf32>
        %swap3A_206 = vector.shape_cast %add3A_199 : vector<16xf32> to vector<1x16xf32>
        tpu.vector_store %arg9[%swap3A_202, %swap3A_203], %swap3A_206 {strides = array<i32>} : memref<32x1024xf32, #tpu.memory_space<vmem>>, vector<1x16xf32>,
        %scan3A_207 = arith.constant 7 : i32
        %scan3A_208 = arith.addi %scan3A_56, %scan3A_207 : i32
        %mul3A_209 = arith.constant 16 : i32
        %mul3A_210 = arith.muli %scan3A_208, %mul3A_209 : i32
        %get3A_211 = arith.index_cast %scan3A_50 : i32 to index
        %get3A_212 = arith.index_cast %mul3A_210 : i32 to index
        %get3A_213 = tpu.vector_load %arg9[%get3A_211, %get3A_212] {strides = array<i32>} : memref<32x1024xf32, #tpu.memory_space<vmem>>, vector<1x16xf32>,
        %get3A_214 = vector.shape_cast %get3A_213 : vector<1x16xf32> to vector<16xf32>
        %mul3A_215 = arith.constant 16 : i32
        %mul3A_216 = arith.muli %scan3A_208, %mul3A_215 : i32
        %get3A_217 = arith.index_cast %scan3A_50 : i32 to index
        %get3A_218 = arith.index_cast %mul3A_216 : i32 to index
        %get3A_219 = tpu.vector_load %arg10[%get3A_217, %get3A_218] {strides = array<i32>} : memref<32x1024xf32, #tpu.memory_space<vmem>>, vector<1x16xf32>,
        %get3A_220 = vector.shape_cast %get3A_219 : vector<1x16xf32> to vector<16xf32>
        %add3A_221 = arith.addf %get3A_214, %get3A_220 : vector<16xf32>
        %mul3A_222 = arith.constant 16 : i32
        %mul3A_223 = arith.muli %scan3A_208, %mul3A_222 : i32
        %swap3A_224 = arith.index_cast %scan3A_50 : i32 to index
        %swap3A_225 = arith.index_cast %mul3A_223 : i32 to index
        %swap3A_226 = tpu.vector_load %arg9[%swap3A_224, %swap3A_225] {strides = array<i32>} : memref<32x1024xf32, #tpu.memory_space<vmem>>, vector<1x16xf32>,
        %swap3A_227 = vector.shape_cast %swap3A_226 : vector<1x16xf32> to vector<16xf32>
        %swap3A_228 = vector.shape_cast %add3A_221 : vector<16xf32> to vector<1x16xf32>
        tpu.vector_store %arg9[%swap3A_224, %swap3A_225], %swap3A_228 {strides = array<i32>} : memref<32x1024xf32, #tpu.memory_space<vmem>>, vector<1x16xf32>,
      }
      %scan3A_55 = arith.constant 64 : i32
    }
    %scan3A_18 = arith.constant 32 : i32
    "tpu.region"() ({
      %run_scoped3A = tpu.sem_alloc : memref<!tpu.dma_semaphore, #tpu.memory_space<semaphore_mem>>
      %dma_start3A_50 = arith.constant 0 : i32
      %dma_start3A_51 = tpu.memref_slice %arg3[%add3A_4, %dma_start3A_50] : memref<2048x1024xf32, #tpu.memory_space<hbm>> -> memref<32x1024xf32, #tpu.memory_space<hbm>>
      %dma_start3A_52 = arith.constant 0 : i32
      %dma_start3A_53 = tpu.memref_slice %arg3[%add3A_4, %dma_start3A_52] : memref<2048x1024xf32, #tpu.memory_space<hbm>> -> memref<32x1024xf32, #tpu.memory_space<hbm>>
      tpu.enqueue_dma source(%dma_start3A_53 : memref<32x1024xf32, #tpu.memory_space<hbm>>) target(%arg10 : memref<32x1024xf32, #tpu.memory_space<vmem>>) target_semaphore(%run_scoped3A : memref<!tpu.dma_semaphore, #tpu.memory_space<semaphore_mem>>)
      %dma_wait3A_54 = arith.constant 0 : i32
      %dma_wait3A_55 = tpu.memref_slice %arg3[%add3A_4, %dma_wait3A_54] : memref<2048x1024xf32, #tpu.memory_space<hbm>> -> memref<32x1024xf32, #tpu.memory_space<hbm>>
      %dma_wait3A_56 = arith.constant 0 : i32
      %dma_wait3A_57 = tpu.memref_slice %arg3[%add3A_4, %dma_wait3A_56] : memref<2048x1024xf32, #tpu.memory_space<hbm>> -> memref<32x1024xf32, #tpu.memory_space<hbm>>
      tpu.wait_dma2 semaphore(%run_scoped3A : memref<!tpu.dma_semaphore, #tpu.memory_space<semaphore_mem>>) src(%dma_wait3A_57 : memref<32x1024xf32, #tpu.memory_space<hbm>>) dst(%arg10 : memref<32x1024xf32, #tpu.memory_space<vmem>>)
      tpu.yield
    }) : () -> ()
    %scan3A_19 = arith.constant 0 : i32
    %scan3A_20 = arith.constant 32 : i32
    %scan3A_21 = arith.addi %scan3A_19, %scan3A_20 : i32
    %scan3A_22 = arith.constant 1 : i32
    scf.for %scan3A_50 = %scan3A_19 to %scan3A_21 step %scan3A_22  : i32 {
      %scan3A_51 = arith.constant 0 : i32
      %scan3A_52 = arith.constant 64 : i32
      %scan3A_53 = arith.addi %scan3A_51, %scan3A_52 : i32
      %scan3A_54 = arith.constant 8 : i32
      scf.for %scan3A_56 = %scan3A_51 to %scan3A_53 step %scan3A_54  : i32 {
        %mul3A_57 = arith.constant 16 : i32
        %mul3A_58 = arith.muli %scan3A_56, %mul3A_57 : i32
        %get3A = arith.index_cast %scan3A_50 : i32 to index
        %get3A_59 = arith.index_cast %mul3A_58 : i32 to index
        %get3A_60 = tpu.vector_load %arg9[%get3A, %get3A_59] {strides = array<i32>} : memref<32x1024xf32, #tpu.memory_space<vmem>>, vector<1x16xf32>,
        %get3A_61 = vector.shape_cast %get3A_60 : vector<1x16xf32> to vector<16xf32>
        %mul3A_62 = arith.constant 16 : i32
        %mul3A_63 = arith.muli %scan3A_56, %mul3A_62 : i32
        %get3A_64 = arith.index_cast %scan3A_50 : i32 to index
        %get3A_65 = arith.index_cast %mul3A_63 : i32 to index
        %get3A_66 = tpu.vector_load %arg10[%get3A_64, %get3A_65] {strides = array<i32>} : memref<32x1024xf32, #tpu.memory_space<vmem>>, vector<1x16xf32>,
        %get3A_67 = vector.shape_cast %get3A_66 : vector<1x16xf32> to vector<16xf32>
        %add3A_68 = arith.addf %get3A_61, %get3A_67 : vector<16xf32>
        %mul3A_69 = arith.constant 16 : i32
        %mul3A_70 = arith.muli %scan3A_56, %mul3A_69 : i32
        %swap3A = arith.index_cast %scan3A_50 : i32 to index
        %swap3A_71 = arith.index_cast %mul3A_70 : i32 to index
        %swap3A_72 = tpu.vector_load %arg9[%swap3A, %swap3A_71] {strides = array<i32>} : memref<32x1024xf32, #tpu.memory_space<vmem>>, vector<1x16xf32>,
        %swap3A_73 = vector.shape_cast %swap3A_72 : vector<1x16xf32> to vector<16xf32>
        %swap3A_74 = vector.shape_cast %add3A_68 : vector<16xf32> to vector<1x16xf32>
        tpu.vector_store %arg9[%swap3A, %swap3A_71], %swap3A_74 {strides = array<i32>} : memref<32x1024xf32, #tpu.memory_space<vmem>>, vector<1x16xf32>,
        %scan3A_75 = arith.constant 1 : i32
        %scan3A_76 = arith.addi %scan3A_56, %scan3A_75 : i32
        %mul3A_77 = arith.constant 16 : i32
        %mul3A_78 = arith.muli %scan3A_76, %mul3A_77 : i32
        %get3A_79 = arith.index_cast %scan3A_50 : i32 to index
        %get3A_80 = arith.index_cast %mul3A_78 : i32 to index
        %get3A_81 = tpu.vector_load %arg9[%get3A_79, %get3A_80] {strides = array<i32>} : memref<32x1024xf32, #tpu.memory_space<vmem>>, vector<1x16xf32>,
        %get3A_82 = vector.shape_cast %get3A_81 : vector<1x16xf32> to vector<16xf32>
        %mul3A_83 = arith.constant 16 : i32
        %mul3A_84 = arith.muli %scan3A_76, %mul3A_83 : i32
        %get3A_85 = arith.index_cast %scan3A_50 : i32 to index
        %get3A_86 = arith.index_cast %mul3A_84 : i32 to index
        %get3A_87 = tpu.vector_load %arg10[%get3A_85, %get3A_86] {strides = array<i32>} : memref<32x1024xf32, #tpu.memory_space<vmem>>, vector<1x16xf32>,
        %get3A_88 = vector.shape_cast %get3A_87 : vector<1x16xf32> to vector<16xf32>
        %add3A_89 = arith.addf %get3A_82, %get3A_88 : vector<16xf32>
        %mul3A_90 = arith.constant 16 : i32
        %mul3A_91 = arith.muli %scan3A_76, %mul3A_90 : i32
        %swap3A_92 = arith.index_cast %scan3A_50 : i32 to index
        %swap3A_93 = arith.index_cast %mul3A_91 : i32 to index
        %swap3A_94 = tpu.vector_load %arg9[%swap3A_92, %swap3A_93] {strides = array<i32>} : memref<32x1024xf32, #tpu.memory_space<vmem>>, vector<1x16xf32>,
        %swap3A_95 = vector.shape_cast %swap3A_94 : vector<1x16xf32> to vector<16xf32>
        %swap3A_96 = vector.shape_cast %add3A_89 : vector<16xf32> to vector<1x16xf32>
        tpu.vector_store %arg9[%swap3A_92, %swap3A_93], %swap3A_96 {strides = array<i32>} : memref<32x1024xf32, #tpu.memory_space<vmem>>, vector<1x16xf32>,
        %scan3A_97 = arith.constant 2 : i32
        %scan3A_98 = arith.addi %scan3A_56, %scan3A_97 : i32
        %mul3A_99 = arith.constant 16 : i32
        %mul3A_100 = arith.muli %scan3A_98, %mul3A_99 : i32
        %get3A_101 = arith.index_cast %scan3A_50 : i32 to index
        %get3A_102 = arith.index_cast %mul3A_100 : i32 to index
        %get3A_103 = tpu.vector_load %arg9[%get3A_101, %get3A_102] {strides = array<i32>} : memref<32x1024xf32, #tpu.memory_space<vmem>>, vector<1x16xf32>,
        %get3A_104 = vector.shape_cast %get3A_103 : vector<1x16xf32> to vector<16xf32>
        %mul3A_105 = arith.constant 16 : i32
        %mul3A_106 = arith.muli %scan3A_98, %mul3A_105 : i32
        %get3A_107 = arith.index_cast %scan3A_50 : i32 to index
        %get3A_108 = arith.index_cast %mul3A_106 : i32 to index
        %get3A_109 = tpu.vector_load %arg10[%get3A_107, %get3A_108] {strides = array<i32>} : memref<32x1024xf32, #tpu.memory_space<vmem>>, vector<1x16xf32>,
        %get3A_110 = vector.shape_cast %get3A_109 : vector<1x16xf32> to vector<16xf32>
        %add3A_111 = arith.addf %get3A_104, %get3A_110 : vector<16xf32>
        %mul3A_112 = arith.constant 16 : i32
        %mul3A_113 = arith.muli %scan3A_98, %mul3A_112 : i32
        %swap3A_114 = arith.index_cast %scan3A_50 : i32 to index
        %swap3A_115 = arith.index_cast %mul3A_113 : i32 to index
        %swap3A_116 = tpu.vector_load %arg9[%swap3A_114, %swap3A_115] {strides = array<i32>} : memref<32x1024xf32, #tpu.memory_space<vmem>>, vector<1x16xf32>,
        %swap3A_117 = vector.shape_cast %swap3A_116 : vector<1x16xf32> to vector<16xf32>
        %swap3A_118 = vector.shape_cast %add3A_111 : vector<16xf32> to vector<1x16xf32>
        tpu.vector_store %arg9[%swap3A_114, %swap3A_115], %swap3A_118 {strides = array<i32>} : memref<32x1024xf32, #tpu.memory_space<vmem>>, vector<1x16xf32>,
        %scan3A_119 = arith.constant 3 : i32
        %scan3A_120 = arith.addi %scan3A_56, %scan3A_119 : i32
        %mul3A_121 = arith.constant 16 : i32
        %mul3A_122 = arith.muli %scan3A_120, %mul3A_121 : i32
        %get3A_123 = arith.index_cast %scan3A_50 : i32 to index
        %get3A_124 = arith.index_cast %mul3A_122 : i32 to index
        %get3A_125 = tpu.vector_load %arg9[%get3A_123, %get3A_124] {strides = array<i32>} : memref<32x1024xf32, #tpu.memory_space<vmem>>, vector<1x16xf32>,
        %get3A_126 = vector.shape_cast %get3A_125 : vector<1x16xf32> to vector<16xf32>
        %mul3A_127 = arith.constant 16 : i32
        %mul3A_128 = arith.muli %scan3A_120, %mul3A_127 : i32
        %get3A_129 = arith.index_cast %scan3A_50 : i32 to index
        %get3A_130 = arith.index_cast %mul3A_128 : i32 to index
        %get3A_131 = tpu.vector_load %arg10[%get3A_129, %get3A_130] {strides = array<i32>} : memref<32x1024xf32, #tpu.memory_space<vmem>>, vector<1x16xf32>,
        %get3A_132 = vector.shape_cast %get3A_131 : vector<1x16xf32> to vector<16xf32>
        %add3A_133 = arith.addf %get3A_126, %get3A_132 : vector<16xf32>
        %mul3A_134 = arith.constant 16 : i32
        %mul3A_135 = arith.muli %scan3A_120, %mul3A_134 : i32
        %swap3A_136 = arith.index_cast %scan3A_50 : i32 to index
        %swap3A_137 = arith.index_cast %mul3A_135 : i32 to index
        %swap3A_138 = tpu.vector_load %arg9[%swap3A_136, %swap3A_137] {strides = array<i32>} : memref<32x1024xf32, #tpu.memory_space<vmem>>, vector<1x16xf32>,
        %swap3A_139 = vector.shape_cast %swap3A_138 : vector<1x16xf32> to vector<16xf32>
        %swap3A_140 = vector.shape_cast %add3A_133 : vector<16xf32> to vector<1x16xf32>
        tpu.vector_store %arg9[%swap3A_136, %swap3A_137], %swap3A_140 {strides = array<i32>} : memref<32x1024xf32, #tpu.memory_space<vmem>>, vector<1x16xf32>,
        %scan3A_141 = arith.constant 4 : i32
        %scan3A_142 = arith.addi %scan3A_56, %scan3A_141 : i32
        %mul3A_143 = arith.constant 16 : i32
        %mul3A_144 = arith.muli %scan3A_142, %mul3A_143 : i32
        %get3A_145 = arith.index_cast %scan3A_50 : i32 to index
        %get3A_146 = arith.index_cast %mul3A_144 : i32 to index
        %get3A_147 = tpu.vector_load %arg9[%get3A_145, %get3A_146] {strides = array<i32>} : memref<32x1024xf32, #tpu.memory_space<vmem>>, vector<1x16xf32>,
        %get3A_148 = vector.shape_cast %get3A_147 : vector<1x16xf32> to vector<16xf32>
        %mul3A_149 = arith.constant 16 : i32
        %mul3A_150 = arith.muli %scan3A_142, %mul3A_149 : i32
        %get3A_151 = arith.index_cast %scan3A_50 : i32 to index
        %get3A_152 = arith.index_cast %mul3A_150 : i32 to index
        %get3A_153 = tpu.vector_load %arg10[%get3A_151, %get3A_152] {strides = array<i32>} : memref<32x1024xf32, #tpu.memory_space<vmem>>, vector<1x16xf32>,
        %get3A_154 = vector.shape_cast %get3A_153 : vector<1x16xf32> to vector<16xf32>
        %add3A_155 = arith.addf %get3A_148, %get3A_154 : vector<16xf32>
        %mul3A_156 = arith.constant 16 : i32
        %mul3A_157 = arith.muli %scan3A_142, %mul3A_156 : i32
        %swap3A_158 = arith.index_cast %scan3A_50 : i32 to index
        %swap3A_159 = arith.index_cast %mul3A_157 : i32 to index
        %swap3A_160 = tpu.vector_load %arg9[%swap3A_158, %swap3A_159] {strides = array<i32>} : memref<32x1024xf32, #tpu.memory_space<vmem>>, vector<1x16xf32>,
        %swap3A_161 = vector.shape_cast %swap3A_160 : vector<1x16xf32> to vector<16xf32>
        %swap3A_162 = vector.shape_cast %add3A_155 : vector<16xf32> to vector<1x16xf32>
        tpu.vector_store %arg9[%swap3A_158, %swap3A_159], %swap3A_162 {strides = array<i32>} : memref<32x1024xf32, #tpu.memory_space<vmem>>, vector<1x16xf32>,
        %scan3A_163 = arith.constant 5 : i32
        %scan3A_164 = arith.addi %scan3A_56, %scan3A_163 : i32
        %mul3A_165 = arith.constant 16 : i32
        %mul3A_166 = arith.muli %scan3A_164, %mul3A_165 : i32
        %get3A_167 = arith.index_cast %scan3A_50 : i32 to index
        %get3A_168 = arith.index_cast %mul3A_166 : i32 to index
        %get3A_169 = tpu.vector_load %arg9[%get3A_167, %get3A_168] {strides = array<i32>} : memref<32x1024xf32, #tpu.memory_space<vmem>>, vector<1x16xf32>,
        %get3A_170 = vector.shape_cast %get3A_169 : vector<1x16xf32> to vector<16xf32>
        %mul3A_171 = arith.constant 16 : i32
        %mul3A_172 = arith.muli %scan3A_164, %mul3A_171 : i32
        %get3A_173 = arith.index_cast %scan3A_50 : i32 to index
        %get3A_174 = arith.index_cast %mul3A_172 : i32 to index
        %get3A_175 = tpu.vector_load %arg10[%get3A_173, %get3A_174] {strides = array<i32>} : memref<32x1024xf32, #tpu.memory_space<vmem>>, vector<1x16xf32>,
        %get3A_176 = vector.shape_cast %get3A_175 : vector<1x16xf32> to vector<16xf32>
        %add3A_177 = arith.addf %get3A_170, %get3A_176 : vector<16xf32>
        %mul3A_178 = arith.constant 16 : i32
        %mul3A_179 = arith.muli %scan3A_164, %mul3A_178 : i32
        %swap3A_180 = arith.index_cast %scan3A_50 : i32 to index
        %swap3A_181 = arith.index_cast %mul3A_179 : i32 to index
        %swap3A_182 = tpu.vector_load %arg9[%swap3A_180, %swap3A_181] {strides = array<i32>} : memref<32x1024xf32, #tpu.memory_space<vmem>>, vector<1x16xf32>,
        %swap3A_183 = vector.shape_cast %swap3A_182 : vector<1x16xf32> to vector<16xf32>
        %swap3A_184 = vector.shape_cast %add3A_177 : vector<16xf32> to vector<1x16xf32>
        tpu.vector_store %arg9[%swap3A_180, %swap3A_181], %swap3A_184 {strides = array<i32>} : memref<32x1024xf32, #tpu.memory_space<vmem>>, vector<1x16xf32>,
        %scan3A_185 = arith.constant 6 : i32
        %scan3A_186 = arith.addi %scan3A_56, %scan3A_185 : i32
        %mul3A_187 = arith.constant 16 : i32
        %mul3A_188 = arith.muli %scan3A_186, %mul3A_187 : i32
        %get3A_189 = arith.index_cast %scan3A_50 : i32 to index
        %get3A_190 = arith.index_cast %mul3A_188 : i32 to index
        %get3A_191 = tpu.vector_load %arg9[%get3A_189, %get3A_190] {strides = array<i32>} : memref<32x1024xf32, #tpu.memory_space<vmem>>, vector<1x16xf32>,
        %get3A_192 = vector.shape_cast %get3A_191 : vector<1x16xf32> to vector<16xf32>
        %mul3A_193 = arith.constant 16 : i32
        %mul3A_194 = arith.muli %scan3A_186, %mul3A_193 : i32
        %get3A_195 = arith.index_cast %scan3A_50 : i32 to index
        %get3A_196 = arith.index_cast %mul3A_194 : i32 to index
        %get3A_197 = tpu.vector_load %arg10[%get3A_195, %get3A_196] {strides = array<i32>} : memref<32x1024xf32, #tpu.memory_space<vmem>>, vector<1x16xf32>,
        %get3A_198 = vector.shape_cast %get3A_197 : vector<1x16xf32> to vector<16xf32>
        %add3A_199 = arith.addf %get3A_192, %get3A_198 : vector<16xf32>
        %mul3A_200 = arith.constant 16 : i32
        %mul3A_201 = arith.muli %scan3A_186, %mul3A_200 : i32
        %swap3A_202 = arith.index_cast %scan3A_50 : i32 to index
        %swap3A_203 = arith.index_cast %mul3A_201 : i32 to index
        %swap3A_204 = tpu.vector_load %arg9[%swap3A_202, %swap3A_203] {strides = array<i32>} : memref<32x1024xf32, #tpu.memory_space<vmem>>, vector<1x16xf32>,
        %swap3A_205 = vector.shape_cast %swap3A_204 : vector<1x16xf32> to vector<16xf32>
        %swap3A_206 = vector.shape_cast %add3A_199 : vector<16xf32> to vector<1x16xf32>
        tpu.vector_store %arg9[%swap3A_202, %swap3A_203], %swap3A_206 {strides = array<i32>} : memref<32x1024xf32, #tpu.memory_space<vmem>>, vector<1x16xf32>,
        %scan3A_207 = arith.constant 7 : i32
        %scan3A_208 = arith.addi %scan3A_56, %scan3A_207 : i32
        %mul3A_209 = arith.constant 16 : i32
        %mul3A_210 = arith.muli %scan3A_208, %mul3A_209 : i32
        %get3A_211 = arith.index_cast %scan3A_50 : i32 to index
        %get3A_212 = arith.index_cast %mul3A_210 : i32 to index
        %get3A_213 = tpu.vector_load %arg9[%get3A_211, %get3A_212] {strides = array<i32>} : memref<32x1024xf32, #tpu.memory_space<vmem>>, vector<1x16xf32>,
        %get3A_214 = vector.shape_cast %get3A_213 : vector<1x16xf32> to vector<16xf32>
        %mul3A_215 = arith.constant 16 : i32
        %mul3A_216 = arith.muli %scan3A_208, %mul3A_215 : i32
        %get3A_217 = arith.index_cast %scan3A_50 : i32 to index
        %get3A_218 = arith.index_cast %mul3A_216 : i32 to index
        %get3A_219 = tpu.vector_load %arg10[%get3A_217, %get3A_218] {strides = array<i32>} : memref<32x1024xf32, #tpu.memory_space<vmem>>, vector<1x16xf32>,
        %get3A_220 = vector.shape_cast %get3A_219 : vector<1x16xf32> to vector<16xf32>
        %add3A_221 = arith.addf %get3A_214, %get3A_220 : vector<16xf32>
        %mul3A_222 = arith.constant 16 : i32
        %mul3A_223 = arith.muli %scan3A_208, %mul3A_222 : i32
        %swap3A_224 = arith.index_cast %scan3A_50 : i32 to index
        %swap3A_225 = arith.index_cast %mul3A_223 : i32 to index
        %swap3A_226 = tpu.vector_load %arg9[%swap3A_224, %swap3A_225] {strides = array<i32>} : memref<32x1024xf32, #tpu.memory_space<vmem>>, vector<1x16xf32>,
        %swap3A_227 = vector.shape_cast %swap3A_226 : vector<1x16xf32> to vector<16xf32>
        %swap3A_228 = vector.shape_cast %add3A_221 : vector<16xf32> to vector<1x16xf32>
        tpu.vector_store %arg9[%swap3A_224, %swap3A_225], %swap3A_228 {strides = array<i32>} : memref<32x1024xf32, #tpu.memory_space<vmem>>, vector<1x16xf32>,
      }
      %scan3A_55 = arith.constant 64 : i32
    }
    %scan3A_23 = arith.constant 32 : i32
    "tpu.region"() ({
      %run_scoped3A = tpu.sem_alloc : memref<!tpu.dma_semaphore, #tpu.memory_space<semaphore_mem>>
      %dma_start3A_50 = arith.constant 0 : i32
      %dma_start3A_51 = tpu.memref_slice %arg6[%add3A_4, %dma_start3A_50] : memref<2048x1024xf32, #tpu.memory_space<hbm>> -> memref<32x1024xf32, #tpu.memory_space<hbm>>
      %dma_start3A_52 = arith.constant 0 : i32
      %dma_start3A_53 = tpu.memref_slice %arg6[%add3A_4, %dma_start3A_52] : memref<2048x1024xf32, #tpu.memory_space<hbm>> -> memref<32x1024xf32, #tpu.memory_space<hbm>>
      tpu.enqueue_dma source(%arg9 : memref<32x1024xf32, #tpu.memory_space<vmem>>) target(%dma_start3A_53 : memref<32x1024xf32, #tpu.memory_space<hbm>>) target_semaphore(%run_scoped3A : memref<!tpu.dma_semaphore, #tpu.memory_space<semaphore_mem>>)
      %dma_wait3A_54 = arith.constant 0 : i32
      %dma_wait3A_55 = tpu.memref_slice %arg6[%add3A_4, %dma_wait3A_54] : memref<2048x1024xf32, #tpu.memory_space<hbm>> -> memref<32x1024xf32, #tpu.memory_space<hbm>>
      %dma_wait3A_56 = arith.constant 0 : i32
      %dma_wait3A_57 = tpu.memref_slice %arg6[%add3A_4, %dma_wait3A_56] : memref<2048x1024xf32, #tpu.memory_space<hbm>> -> memref<32x1024xf32, #tpu.memory_space<hbm>>
      tpu.wait_dma2 semaphore(%run_scoped3A : memref<!tpu.dma_semaphore, #tpu.memory_space<semaphore_mem>>) src(%arg9 : memref<32x1024xf32, #tpu.memory_space<vmem>>) dst(%dma_wait3A_57 : memref<32x1024xf32, #tpu.memory_space<hbm>>)
      tpu.yield
    }) : () -> ()
    %mul3A_24 = arith.constant 64 : i32
    %mul3A_25 = arith.muli %add3A, %mul3A_24 : i32
    %add3A_26 = arith.constant 32 : i32
    %add3A_27 = arith.addi %mul3A_25, %add3A_26 : i32
    "tpu.region"() ({
      %run_scoped3A = tpu.sem_alloc : memref<!tpu.dma_semaphore, #tpu.memory_space<semaphore_mem>>
      %dma_start3A_50 = tpu.memref_slice %arg4[%add3A_27] : memref<2048xi32, #tpu.memory_space<hbm>> -> memref<32xi32, #tpu.memory_space<hbm>>
      %dma_start3A_51 = tpu.memref_slice %arg4[%add3A_27] : memref<2048xi32, #tpu.memory_space<hbm>> -> memref<32xi32, #tpu.memory_space<hbm>>
      tpu.enqueue_dma source(%dma_start3A_51 : memref<32xi32, #tpu.memory_space<hbm>>) target(%arg7 : memref<32xi32, #tpu.memory_space<vmem>>) target_semaphore(%run_scoped3A : memref<!tpu.dma_semaphore, #tpu.memory_space<semaphore_mem>>)
      %dma_wait3A_52 = tpu.memref_slice %arg4[%add3A_27] : memref<2048xi32, #tpu.memory_space<hbm>> -> memref<32xi32, #tpu.memory_space<hbm>>
      %dma_wait3A_53 = tpu.memref_slice %arg4[%add3A_27] : memref<2048xi32, #tpu.memory_space<hbm>> -> memref<32xi32, #tpu.memory_space<hbm>>
      tpu.wait_dma2 semaphore(%run_scoped3A : memref<!tpu.dma_semaphore, #tpu.memory_space<semaphore_mem>>) src(%dma_wait3A_53 : memref<32xi32, #tpu.memory_space<hbm>>) dst(%arg7 : memref<32xi32, #tpu.memory_space<vmem>>)
      tpu.yield
    }) : () -> ()
    "tpu.region"() ({
      %run_scoped3A = tpu.sem_alloc : memref<!tpu.dma_semaphore, #tpu.memory_space<semaphore_mem>>
      %dma_start3A_50 = tpu.memref_slice %arg5[%add3A_27] : memref<2048xi32, #tpu.memory_space<hbm>> -> memref<32xi32, #tpu.memory_space<hbm>>
      %dma_start3A_51 = tpu.memref_slice %arg5[%add3A_27] : memref<2048xi32, #tpu.memory_space<hbm>> -> memref<32xi32, #tpu.memory_space<hbm>>
      tpu.enqueue_dma source(%dma_start3A_51 : memref<32xi32, #tpu.memory_space<hbm>>) target(%arg8 : memref<32xi32, #tpu.memory_space<vmem>>) target_semaphore(%run_scoped3A : memref<!tpu.dma_semaphore, #tpu.memory_space<semaphore_mem>>)
      %dma_wait3A_52 = tpu.memref_slice %arg5[%add3A_27] : memref<2048xi32, #tpu.memory_space<hbm>> -> memref<32xi32, #tpu.memory_space<hbm>>
      %dma_wait3A_53 = tpu.memref_slice %arg5[%add3A_27] : memref<2048xi32, #tpu.memory_space<hbm>> -> memref<32xi32, #tpu.memory_space<hbm>>
      tpu.wait_dma2 semaphore(%run_scoped3A : memref<!tpu.dma_semaphore, #tpu.memory_space<semaphore_mem>>) src(%dma_wait3A_53 : memref<32xi32, #tpu.memory_space<hbm>>) dst(%arg8 : memref<32xi32, #tpu.memory_space<vmem>>)
      tpu.yield
    }) : () -> ()
    %dma_start3A_28 = arith.constant 0 : i32
    %dma_start3A_29 = arith.constant 0 : i32
    %dma_start3A_30 = tpu.memref_slice %arg2[%dma_start3A_28, %dma_start3A_29] : memref<6144x1024xf32, #tpu.memory_space<hbm>> -> memref<6144x1024xf32, #tpu.memory_space<hbm>>
    tpu.enqueue_indirect_dma source(%dma_start3A_30 : memref<6144x1024xf32, #tpu.memory_space<hbm>>) target(%arg9 : memref<32x1024xf32, #tpu.memory_space<vmem>>) offsets(%arg7 : memref<32xi32, #tpu.memory_space<vmem>>) semaphore(%arg11 : memref<!tpu.dma_semaphore, #tpu.memory_space<semaphore_mem>>)
    %dma_start3A_31 = arith.constant 0 : i32
    %dma_start3A_32 = arith.constant 0 : i32
    %dma_start3A_33 = tpu.memref_slice %arg2[%dma_start3A_31, %dma_start3A_32] : memref<6144x1024xf32, #tpu.memory_space<hbm>> -> memref<6144x1024xf32, #tpu.memory_space<hbm>>
    tpu.enqueue_indirect_dma source(%dma_start3A_33 : memref<6144x1024xf32, #tpu.memory_space<hbm>>) target(%arg10 : memref<32x1024xf32, #tpu.memory_space<vmem>>) offsets(%arg8 : memref<32xi32, #tpu.memory_space<vmem>>) semaphore(%arg12 : memref<!tpu.dma_semaphore, #tpu.memory_space<semaphore_mem>>)
    %dma_wait3A_34 = arith.constant 0 : i32
    %dma_wait3A_35 = arith.constant 0 : i32
    %dma_wait3A_36 = tpu.memref_slice %arg2[%dma_wait3A_34, %dma_wait3A_35] : memref<6144x1024xf32, #tpu.memory_space<hbm>> -> memref<6144x1024xf32, #tpu.memory_space<hbm>>
    tpu.wait_indirect_dma semaphore(%arg11 : memref<!tpu.dma_semaphore, #tpu.memory_space<semaphore_mem>>) src(%dma_wait3A_36 : memref<6144x1024xf32, #tpu.memory_space<hbm>>) dst(%arg9 : memref<32x1024xf32, #tpu.memory_space<vmem>>)
    %dma_wait3A_37 = arith.constant 0 : i32
    %dma_wait3A_38 = arith.constant 0 : i32
    %dma_wait3A_39 = tpu.memref_slice %arg2[%dma_wait3A_37, %dma_wait3A_38] : memref<6144x1024xf32, #tpu.memory_space<hbm>> -> memref<6144x1024xf32, #tpu.memory_space<hbm>>
    tpu.wait_indirect_dma semaphore(%arg12 : memref<!tpu.dma_semaphore, #tpu.memory_space<semaphore_mem>>) src(%dma_wait3A_39 : memref<6144x1024xf32, #tpu.memory_space<hbm>>) dst(%arg10 : memref<32x1024xf32, #tpu.memory_space<vmem>>)
    %scan3A_40 = arith.constant 0 : i32
    %scan3A_41 = arith.constant 32 : i32
    %scan3A_42 = arith.addi %scan3A_40, %scan3A_41 : i32
    %scan3A_43 = arith.constant 1 : i32
    scf.for %scan3A_50 = %scan3A_40 to %scan3A_42 step %scan3A_43  : i32 {
      %scan3A_51 = arith.constant 0 : i32
      %scan3A_52 = arith.constant 64 : i32
      %scan3A_53 = arith.addi %scan3A_51, %scan3A_52 : i32
      %scan3A_54 = arith.constant 8 : i32
      scf.for %scan3A_56 = %scan3A_51 to %scan3A_53 step %scan3A_54  : i32 {
        %mul3A_57 = arith.constant 16 : i32
        %mul3A_58 = arith.muli %scan3A_56, %mul3A_57 : i32
        %get3A = arith.index_cast %scan3A_50 : i32 to index
        %get3A_59 = arith.index_cast %mul3A_58 : i32 to index
        %get3A_60 = tpu.vector_load %arg9[%get3A, %get3A_59] {strides = array<i32>} : memref<32x1024xf32, #tpu.memory_space<vmem>>, vector<1x16xf32>,
        %get3A_61 = vector.shape_cast %get3A_60 : vector<1x16xf32> to vector<16xf32>
        %mul3A_62 = arith.constant 16 : i32
        %mul3A_63 = arith.muli %scan3A_56, %mul3A_62 : i32
        %get3A_64 = arith.index_cast %scan3A_50 : i32 to index
        %get3A_65 = arith.index_cast %mul3A_63 : i32 to index
        %get3A_66 = tpu.vector_load %arg10[%get3A_64, %get3A_65] {strides = array<i32>} : memref<32x1024xf32, #tpu.memory_space<vmem>>, vector<1x16xf32>,
        %get3A_67 = vector.shape_cast %get3A_66 : vector<1x16xf32> to vector<16xf32>
        %add3A_68 = arith.addf %get3A_61, %get3A_67 : vector<16xf32>
        %mul3A_69 = arith.constant 16 : i32
        %mul3A_70 = arith.muli %scan3A_56, %mul3A_69 : i32
        %swap3A = arith.index_cast %scan3A_50 : i32 to index
        %swap3A_71 = arith.index_cast %mul3A_70 : i32 to index
        %swap3A_72 = tpu.vector_load %arg9[%swap3A, %swap3A_71] {strides = array<i32>} : memref<32x1024xf32, #tpu.memory_space<vmem>>, vector<1x16xf32>,
        %swap3A_73 = vector.shape_cast %swap3A_72 : vector<1x16xf32> to vector<16xf32>
        %swap3A_74 = vector.shape_cast %add3A_68 : vector<16xf32> to vector<1x16xf32>
        tpu.vector_store %arg9[%swap3A, %swap3A_71], %swap3A_74 {strides = array<i32>} : memref<32x1024xf32, #tpu.memory_space<vmem>>, vector<1x16xf32>,
        %scan3A_75 = arith.constant 1 : i32
        %scan3A_76 = arith.addi %scan3A_56, %scan3A_75 : i32
        %mul3A_77 = arith.constant 16 : i32
        %mul3A_78 = arith.muli %scan3A_76, %mul3A_77 : i32
        %get3A_79 = arith.index_cast %scan3A_50 : i32 to index
        %get3A_80 = arith.index_cast %mul3A_78 : i32 to index
        %get3A_81 = tpu.vector_load %arg9[%get3A_79, %get3A_80] {strides = array<i32>} : memref<32x1024xf32, #tpu.memory_space<vmem>>, vector<1x16xf32>,
        %get3A_82 = vector.shape_cast %get3A_81 : vector<1x16xf32> to vector<16xf32>
        %mul3A_83 = arith.constant 16 : i32
        %mul3A_84 = arith.muli %scan3A_76, %mul3A_83 : i32
        %get3A_85 = arith.index_cast %scan3A_50 : i32 to index
        %get3A_86 = arith.index_cast %mul3A_84 : i32 to index
        %get3A_87 = tpu.vector_load %arg10[%get3A_85, %get3A_86] {strides = array<i32>} : memref<32x1024xf32, #tpu.memory_space<vmem>>, vector<1x16xf32>,
        %get3A_88 = vector.shape_cast %get3A_87 : vector<1x16xf32> to vector<16xf32>
        %add3A_89 = arith.addf %get3A_82, %get3A_88 : vector<16xf32>
        %mul3A_90 = arith.constant 16 : i32
        %mul3A_91 = arith.muli %scan3A_76, %mul3A_90 : i32
        %swap3A_92 = arith.index_cast %scan3A_50 : i32 to index
        %swap3A_93 = arith.index_cast %mul3A_91 : i32 to index
        %swap3A_94 = tpu.vector_load %arg9[%swap3A_92, %swap3A_93] {strides = array<i32>} : memref<32x1024xf32, #tpu.memory_space<vmem>>, vector<1x16xf32>,
        %swap3A_95 = vector.shape_cast %swap3A_94 : vector<1x16xf32> to vector<16xf32>
        %swap3A_96 = vector.shape_cast %add3A_89 : vector<16xf32> to vector<1x16xf32>
        tpu.vector_store %arg9[%swap3A_92, %swap3A_93], %swap3A_96 {strides = array<i32>} : memref<32x1024xf32, #tpu.memory_space<vmem>>, vector<1x16xf32>,
        %scan3A_97 = arith.constant 2 : i32
        %scan3A_98 = arith.addi %scan3A_56, %scan3A_97 : i32
        %mul3A_99 = arith.constant 16 : i32
        %mul3A_100 = arith.muli %scan3A_98, %mul3A_99 : i32
        %get3A_101 = arith.index_cast %scan3A_50 : i32 to index
        %get3A_102 = arith.index_cast %mul3A_100 : i32 to index
        %get3A_103 = tpu.vector_load %arg9[%get3A_101, %get3A_102] {strides = array<i32>} : memref<32x1024xf32, #tpu.memory_space<vmem>>, vector<1x16xf32>,
        %get3A_104 = vector.shape_cast %get3A_103 : vector<1x16xf32> to vector<16xf32>
        %mul3A_105 = arith.constant 16 : i32
        %mul3A_106 = arith.muli %scan3A_98, %mul3A_105 : i32
        %get3A_107 = arith.index_cast %scan3A_50 : i32 to index
        %get3A_108 = arith.index_cast %mul3A_106 : i32 to index
        %get3A_109 = tpu.vector_load %arg10[%get3A_107, %get3A_108] {strides = array<i32>} : memref<32x1024xf32, #tpu.memory_space<vmem>>, vector<1x16xf32>,
        %get3A_110 = vector.shape_cast %get3A_109 : vector<1x16xf32> to vector<16xf32>
        %add3A_111 = arith.addf %get3A_104, %get3A_110 : vector<16xf32>
        %mul3A_112 = arith.constant 16 : i32
        %mul3A_113 = arith.muli %scan3A_98, %mul3A_112 : i32
        %swap3A_114 = arith.index_cast %scan3A_50 : i32 to index
        %swap3A_115 = arith.index_cast %mul3A_113 : i32 to index
        %swap3A_116 = tpu.vector_load %arg9[%swap3A_114, %swap3A_115] {strides = array<i32>} : memref<32x1024xf32, #tpu.memory_space<vmem>>, vector<1x16xf32>,
        %swap3A_117 = vector.shape_cast %swap3A_116 : vector<1x16xf32> to vector<16xf32>
        %swap3A_118 = vector.shape_cast %add3A_111 : vector<16xf32> to vector<1x16xf32>
        tpu.vector_store %arg9[%swap3A_114, %swap3A_115], %swap3A_118 {strides = array<i32>} : memref<32x1024xf32, #tpu.memory_space<vmem>>, vector<1x16xf32>,
        %scan3A_119 = arith.constant 3 : i32
        %scan3A_120 = arith.addi %scan3A_56, %scan3A_119 : i32
        %mul3A_121 = arith.constant 16 : i32
        %mul3A_122 = arith.muli %scan3A_120, %mul3A_121 : i32
        %get3A_123 = arith.index_cast %scan3A_50 : i32 to index
        %get3A_124 = arith.index_cast %mul3A_122 : i32 to index
        %get3A_125 = tpu.vector_load %arg9[%get3A_123, %get3A_124] {strides = array<i32>} : memref<32x1024xf32, #tpu.memory_space<vmem>>, vector<1x16xf32>,
        %get3A_126 = vector.shape_cast %get3A_125 : vector<1x16xf32> to vector<16xf32>
        %mul3A_127 = arith.constant 16 : i32
        %mul3A_128 = arith.muli %scan3A_120, %mul3A_127 : i32
        %get3A_129 = arith.index_cast %scan3A_50 : i32 to index
        %get3A_130 = arith.index_cast %mul3A_128 : i32 to index
        %get3A_131 = tpu.vector_load %arg10[%get3A_129, %get3A_130] {strides = array<i32>} : memref<32x1024xf32, #tpu.memory_space<vmem>>, vector<1x16xf32>,
        %get3A_132 = vector.shape_cast %get3A_131 : vector<1x16xf32> to vector<16xf32>
        %add3A_133 = arith.addf %get3A_126, %get3A_132 : vector<16xf32>
        %mul3A_134 = arith.constant 16 : i32
        %mul3A_135 = arith.muli %scan3A_120, %mul3A_134 : i32
        %swap3A_136 = arith.index_cast %scan3A_50 : i32 to index
        %swap3A_137 = arith.index_cast %mul3A_135 : i32 to index
        %swap3A_138 = tpu.vector_load %arg9[%swap3A_136, %swap3A_137] {strides = array<i32>} : memref<32x1024xf32, #tpu.memory_space<vmem>>, vector<1x16xf32>,
        %swap3A_139 = vector.shape_cast %swap3A_138 : vector<1x16xf32> to vector<16xf32>
        %swap3A_140 = vector.shape_cast %add3A_133 : vector<16xf32> to vector<1x16xf32>
        tpu.vector_store %arg9[%swap3A_136, %swap3A_137], %swap3A_140 {strides = array<i32>} : memref<32x1024xf32, #tpu.memory_space<vmem>>, vector<1x16xf32>,
        %scan3A_141 = arith.constant 4 : i32
        %scan3A_142 = arith.addi %scan3A_56, %scan3A_141 : i32
        %mul3A_143 = arith.constant 16 : i32
        %mul3A_144 = arith.muli %scan3A_142, %mul3A_143 : i32
        %get3A_145 = arith.index_cast %scan3A_50 : i32 to index
        %get3A_146 = arith.index_cast %mul3A_144 : i32 to index
        %get3A_147 = tpu.vector_load %arg9[%get3A_145, %get3A_146] {strides = array<i32>} : memref<32x1024xf32, #tpu.memory_space<vmem>>, vector<1x16xf32>,
        %get3A_148 = vector.shape_cast %get3A_147 : vector<1x16xf32> to vector<16xf32>
        %mul3A_149 = arith.constant 16 : i32
        %mul3A_150 = arith.muli %scan3A_142, %mul3A_149 : i32
        %get3A_151 = arith.index_cast %scan3A_50 : i32 to index
        %get3A_152 = arith.index_cast %mul3A_150 : i32 to index
        %get3A_153 = tpu.vector_load %arg10[%get3A_151, %get3A_152] {strides = array<i32>} : memref<32x1024xf32, #tpu.memory_space<vmem>>, vector<1x16xf32>,
        %get3A_154 = vector.shape_cast %get3A_153 : vector<1x16xf32> to vector<16xf32>
        %add3A_155 = arith.addf %get3A_148, %get3A_154 : vector<16xf32>
        %mul3A_156 = arith.constant 16 : i32
        %mul3A_157 = arith.muli %scan3A_142, %mul3A_156 : i32
        %swap3A_158 = arith.index_cast %scan3A_50 : i32 to index
        %swap3A_159 = arith.index_cast %mul3A_157 : i32 to index
        %swap3A_160 = tpu.vector_load %arg9[%swap3A_158, %swap3A_159] {strides = array<i32>} : memref<32x1024xf32, #tpu.memory_space<vmem>>, vector<1x16xf32>,
        %swap3A_161 = vector.shape_cast %swap3A_160 : vector<1x16xf32> to vector<16xf32>
        %swap3A_162 = vector.shape_cast %add3A_155 : vector<16xf32> to vector<1x16xf32>
        tpu.vector_store %arg9[%swap3A_158, %swap3A_159], %swap3A_162 {strides = array<i32>} : memref<32x1024xf32, #tpu.memory_space<vmem>>, vector<1x16xf32>,
        %scan3A_163 = arith.constant 5 : i32
        %scan3A_164 = arith.addi %scan3A_56, %scan3A_163 : i32
        %mul3A_165 = arith.constant 16 : i32
        %mul3A_166 = arith.muli %scan3A_164, %mul3A_165 : i32
        %get3A_167 = arith.index_cast %scan3A_50 : i32 to index
        %get3A_168 = arith.index_cast %mul3A_166 : i32 to index
        %get3A_169 = tpu.vector_load %arg9[%get3A_167, %get3A_168] {strides = array<i32>} : memref<32x1024xf32, #tpu.memory_space<vmem>>, vector<1x16xf32>,
        %get3A_170 = vector.shape_cast %get3A_169 : vector<1x16xf32> to vector<16xf32>
        %mul3A_171 = arith.constant 16 : i32
        %mul3A_172 = arith.muli %scan3A_164, %mul3A_171 : i32
        %get3A_173 = arith.index_cast %scan3A_50 : i32 to index
        %get3A_174 = arith.index_cast %mul3A_172 : i32 to index
        %get3A_175 = tpu.vector_load %arg10[%get3A_173, %get3A_174] {strides = array<i32>} : memref<32x1024xf32, #tpu.memory_space<vmem>>, vector<1x16xf32>,
        %get3A_176 = vector.shape_cast %get3A_175 : vector<1x16xf32> to vector<16xf32>
        %add3A_177 = arith.addf %get3A_170, %get3A_176 : vector<16xf32>
        %mul3A_178 = arith.constant 16 : i32
        %mul3A_179 = arith.muli %scan3A_164, %mul3A_178 : i32
        %swap3A_180 = arith.index_cast %scan3A_50 : i32 to index
        %swap3A_181 = arith.index_cast %mul3A_179 : i32 to index
        %swap3A_182 = tpu.vector_load %arg9[%swap3A_180, %swap3A_181] {strides = array<i32>} : memref<32x1024xf32, #tpu.memory_space<vmem>>, vector<1x16xf32>,
        %swap3A_183 = vector.shape_cast %swap3A_182 : vector<1x16xf32> to vector<16xf32>
        %swap3A_184 = vector.shape_cast %add3A_177 : vector<16xf32> to vector<1x16xf32>
        tpu.vector_store %arg9[%swap3A_180, %swap3A_181], %swap3A_184 {strides = array<i32>} : memref<32x1024xf32, #tpu.memory_space<vmem>>, vector<1x16xf32>,
        %scan3A_185 = arith.constant 6 : i32
        %scan3A_186 = arith.addi %scan3A_56, %scan3A_185 : i32
        %mul3A_187 = arith.constant 16 : i32
        %mul3A_188 = arith.muli %scan3A_186, %mul3A_187 : i32
        %get3A_189 = arith.index_cast %scan3A_50 : i32 to index
        %get3A_190 = arith.index_cast %mul3A_188 : i32 to index
        %get3A_191 = tpu.vector_load %arg9[%get3A_189, %get3A_190] {strides = array<i32>} : memref<32x1024xf32, #tpu.memory_space<vmem>>, vector<1x16xf32>,
        %get3A_192 = vector.shape_cast %get3A_191 : vector<1x16xf32> to vector<16xf32>
        %mul3A_193 = arith.constant 16 : i32
        %mul3A_194 = arith.muli %scan3A_186, %mul3A_193 : i32
        %get3A_195 = arith.index_cast %scan3A_50 : i32 to index
        %get3A_196 = arith.index_cast %mul3A_194 : i32 to index
        %get3A_197 = tpu.vector_load %arg10[%get3A_195, %get3A_196] {strides = array<i32>} : memref<32x1024xf32, #tpu.memory_space<vmem>>, vector<1x16xf32>,
        %get3A_198 = vector.shape_cast %get3A_197 : vector<1x16xf32> to vector<16xf32>
        %add3A_199 = arith.addf %get3A_192, %get3A_198 : vector<16xf32>
        %mul3A_200 = arith.constant 16 : i32
        %mul3A_201 = arith.muli %scan3A_186, %mul3A_200 : i32
        %swap3A_202 = arith.index_cast %scan3A_50 : i32 to index
        %swap3A_203 = arith.index_cast %mul3A_201 : i32 to index
        %swap3A_204 = tpu.vector_load %arg9[%swap3A_202, %swap3A_203] {strides = array<i32>} : memref<32x1024xf32, #tpu.memory_space<vmem>>, vector<1x16xf32>,
        %swap3A_205 = vector.shape_cast %swap3A_204 : vector<1x16xf32> to vector<16xf32>
        %swap3A_206 = vector.shape_cast %add3A_199 : vector<16xf32> to vector<1x16xf32>
        tpu.vector_store %arg9[%swap3A_202, %swap3A_203], %swap3A_206 {strides = array<i32>} : memref<32x1024xf32, #tpu.memory_space<vmem>>, vector<1x16xf32>,
        %scan3A_207 = arith.constant 7 : i32
        %scan3A_208 = arith.addi %scan3A_56, %scan3A_207 : i32
        %mul3A_209 = arith.constant 16 : i32
        %mul3A_210 = arith.muli %scan3A_208, %mul3A_209 : i32
        %get3A_211 = arith.index_cast %scan3A_50 : i32 to index
        %get3A_212 = arith.index_cast %mul3A_210 : i32 to index
        %get3A_213 = tpu.vector_load %arg9[%get3A_211, %get3A_212] {strides = array<i32>} : memref<32x1024xf32, #tpu.memory_space<vmem>>, vector<1x16xf32>,
        %get3A_214 = vector.shape_cast %get3A_213 : vector<1x16xf32> to vector<16xf32>
        %mul3A_215 = arith.constant 16 : i32
        %mul3A_216 = arith.muli %scan3A_208, %mul3A_215 : i32
        %get3A_217 = arith.index_cast %scan3A_50 : i32 to index
        %get3A_218 = arith.index_cast %mul3A_216 : i32 to index
        %get3A_219 = tpu.vector_load %arg10[%get3A_217, %get3A_218] {strides = array<i32>} : memref<32x1024xf32, #tpu.memory_space<vmem>>, vector<1x16xf32>,
        %get3A_220 = vector.shape_cast %get3A_219 : vector<1x16xf32> to vector<16xf32>
        %add3A_221 = arith.addf %get3A_214, %get3A_220 : vector<16xf32>
        %mul3A_222 = arith.constant 16 : i32
        %mul3A_223 = arith.muli %scan3A_208, %mul3A_222 : i32
        %swap3A_224 = arith.index_cast %scan3A_50 : i32 to index
        %swap3A_225 = arith.index_cast %mul3A_223 : i32 to index
        %swap3A_226 = tpu.vector_load %arg9[%swap3A_224, %swap3A_225] {strides = array<i32>} : memref<32x1024xf32, #tpu.memory_space<vmem>>, vector<1x16xf32>,
        %swap3A_227 = vector.shape_cast %swap3A_226 : vector<1x16xf32> to vector<16xf32>
        %swap3A_228 = vector.shape_cast %add3A_221 : vector<16xf32> to vector<1x16xf32>
        tpu.vector_store %arg9[%swap3A_224, %swap3A_225], %swap3A_228 {strides = array<i32>} : memref<32x1024xf32, #tpu.memory_space<vmem>>, vector<1x16xf32>,
      }
      %scan3A_55 = arith.constant 64 : i32
    }
    %scan3A_44 = arith.constant 32 : i32
    "tpu.region"() ({
      %run_scoped3A = tpu.sem_alloc : memref<!tpu.dma_semaphore, #tpu.memory_space<semaphore_mem>>
      %dma_start3A_50 = arith.constant 0 : i32
      %dma_start3A_51 = tpu.memref_slice %arg3[%add3A_27, %dma_start3A_50] : memref<2048x1024xf32, #tpu.memory_space<hbm>> -> memref<32x1024xf32, #tpu.memory_space<hbm>>
      %dma_start3A_52 = arith.constant 0 : i32
      %dma_start3A_53 = tpu.memref_slice %arg3[%add3A_27, %dma_start3A_52] : memref<2048x1024xf32, #tpu.memory_space<hbm>> -> memref<32x1024xf32, #tpu.memory_space<hbm>>
      tpu.enqueue_dma source(%dma_start3A_53 : memref<32x1024xf32, #tpu.memory_space<hbm>>) target(%arg10 : memref<32x1024xf32, #tpu.memory_space<vmem>>) target_semaphore(%run_scoped3A : memref<!tpu.dma_semaphore, #tpu.memory_space<semaphore_mem>>)
      %dma_wait3A_54 = arith.constant 0 : i32
      %dma_wait3A_55 = tpu.memref_slice %arg3[%add3A_27, %dma_wait3A_54] : memref<2048x1024xf32, #tpu.memory_space<hbm>> -> memref<32x1024xf32, #tpu.memory_space<hbm>>
      %dma_wait3A_56 = arith.constant 0 : i32
      %dma_wait3A_57 = tpu.memref_slice %arg3[%add3A_27, %dma_wait3A_56] : memref<2048x1024xf32, #tpu.memory_space<hbm>> -> memref<32x1024xf32, #tpu.memory_space<hbm>>
      tpu.wait_dma2 semaphore(%run_scoped3A : memref<!tpu.dma_semaphore, #tpu.memory_space<semaphore_mem>>) src(%dma_wait3A_57 : memref<32x1024xf32, #tpu.memory_space<hbm>>) dst(%arg10 : memref<32x1024xf32, #tpu.memory_space<vmem>>)
      tpu.yield
    }) : () -> ()
    %scan3A_45 = arith.constant 0 : i32
    %scan3A_46 = arith.constant 32 : i32
    %scan3A_47 = arith.addi %scan3A_45, %scan3A_46 : i32
    %scan3A_48 = arith.constant 1 : i32
    scf.for %scan3A_50 = %scan3A_45 to %scan3A_47 step %scan3A_48  : i32 {
      %scan3A_51 = arith.constant 0 : i32
      %scan3A_52 = arith.constant 64 : i32
      %scan3A_53 = arith.addi %scan3A_51, %scan3A_52 : i32
      %scan3A_54 = arith.constant 8 : i32
      scf.for %scan3A_56 = %scan3A_51 to %scan3A_53 step %scan3A_54  : i32 {
        %mul3A_57 = arith.constant 16 : i32
        %mul3A_58 = arith.muli %scan3A_56, %mul3A_57 : i32
        %get3A = arith.index_cast %scan3A_50 : i32 to index
        %get3A_59 = arith.index_cast %mul3A_58 : i32 to index
        %get3A_60 = tpu.vector_load %arg9[%get3A, %get3A_59] {strides = array<i32>} : memref<32x1024xf32, #tpu.memory_space<vmem>>, vector<1x16xf32>,
        %get3A_61 = vector.shape_cast %get3A_60 : vector<1x16xf32> to vector<16xf32>
        %mul3A_62 = arith.constant 16 : i32
        %mul3A_63 = arith.muli %scan3A_56, %mul3A_62 : i32
        %get3A_64 = arith.index_cast %scan3A_50 : i32 to index
        %get3A_65 = arith.index_cast %mul3A_63 : i32 to index
        %get3A_66 = tpu.vector_load %arg10[%get3A_64, %get3A_65] {strides = array<i32>} : memref<32x1024xf32, #tpu.memory_space<vmem>>, vector<1x16xf32>,
        %get3A_67 = vector.shape_cast %get3A_66 : vector<1x16xf32> to vector<16xf32>
        %add3A_68 = arith.addf %get3A_61, %get3A_67 : vector<16xf32>
        %mul3A_69 = arith.constant 16 : i32
        %mul3A_70 = arith.muli %scan3A_56, %mul3A_69 : i32
        %swap3A = arith.index_cast %scan3A_50 : i32 to index
        %swap3A_71 = arith.index_cast %mul3A_70 : i32 to index
        %swap3A_72 = tpu.vector_load %arg9[%swap3A, %swap3A_71] {strides = array<i32>} : memref<32x1024xf32, #tpu.memory_space<vmem>>, vector<1x16xf32>,
        %swap3A_73 = vector.shape_cast %swap3A_72 : vector<1x16xf32> to vector<16xf32>
        %swap3A_74 = vector.shape_cast %add3A_68 : vector<16xf32> to vector<1x16xf32>
        tpu.vector_store %arg9[%swap3A, %swap3A_71], %swap3A_74 {strides = array<i32>} : memref<32x1024xf32, #tpu.memory_space<vmem>>, vector<1x16xf32>,
        %scan3A_75 = arith.constant 1 : i32
        %scan3A_76 = arith.addi %scan3A_56, %scan3A_75 : i32
        %mul3A_77 = arith.constant 16 : i32
        %mul3A_78 = arith.muli %scan3A_76, %mul3A_77 : i32
        %get3A_79 = arith.index_cast %scan3A_50 : i32 to index
        %get3A_80 = arith.index_cast %mul3A_78 : i32 to index
        %get3A_81 = tpu.vector_load %arg9[%get3A_79, %get3A_80] {strides = array<i32>} : memref<32x1024xf32, #tpu.memory_space<vmem>>, vector<1x16xf32>,
        %get3A_82 = vector.shape_cast %get3A_81 : vector<1x16xf32> to vector<16xf32>
        %mul3A_83 = arith.constant 16 : i32
        %mul3A_84 = arith.muli %scan3A_76, %mul3A_83 : i32
        %get3A_85 = arith.index_cast %scan3A_50 : i32 to index
        %get3A_86 = arith.index_cast %mul3A_84 : i32 to index
        %get3A_87 = tpu.vector_load %arg10[%get3A_85, %get3A_86] {strides = array<i32>} : memref<32x1024xf32, #tpu.memory_space<vmem>>, vector<1x16xf32>,
        %get3A_88 = vector.shape_cast %get3A_87 : vector<1x16xf32> to vector<16xf32>
        %add3A_89 = arith.addf %get3A_82, %get3A_88 : vector<16xf32>
        %mul3A_90 = arith.constant 16 : i32
        %mul3A_91 = arith.muli %scan3A_76, %mul3A_90 : i32
        %swap3A_92 = arith.index_cast %scan3A_50 : i32 to index
        %swap3A_93 = arith.index_cast %mul3A_91 : i32 to index
        %swap3A_94 = tpu.vector_load %arg9[%swap3A_92, %swap3A_93] {strides = array<i32>} : memref<32x1024xf32, #tpu.memory_space<vmem>>, vector<1x16xf32>,
        %swap3A_95 = vector.shape_cast %swap3A_94 : vector<1x16xf32> to vector<16xf32>
        %swap3A_96 = vector.shape_cast %add3A_89 : vector<16xf32> to vector<1x16xf32>
        tpu.vector_store %arg9[%swap3A_92, %swap3A_93], %swap3A_96 {strides = array<i32>} : memref<32x1024xf32, #tpu.memory_space<vmem>>, vector<1x16xf32>,
        %scan3A_97 = arith.constant 2 : i32
        %scan3A_98 = arith.addi %scan3A_56, %scan3A_97 : i32
        %mul3A_99 = arith.constant 16 : i32
        %mul3A_100 = arith.muli %scan3A_98, %mul3A_99 : i32
        %get3A_101 = arith.index_cast %scan3A_50 : i32 to index
        %get3A_102 = arith.index_cast %mul3A_100 : i32 to index
        %get3A_103 = tpu.vector_load %arg9[%get3A_101, %get3A_102] {strides = array<i32>} : memref<32x1024xf32, #tpu.memory_space<vmem>>, vector<1x16xf32>,
        %get3A_104 = vector.shape_cast %get3A_103 : vector<1x16xf32> to vector<16xf32>
        %mul3A_105 = arith.constant 16 : i32
        %mul3A_106 = arith.muli %scan3A_98, %mul3A_105 : i32
        %get3A_107 = arith.index_cast %scan3A_50 : i32 to index
        %get3A_108 = arith.index_cast %mul3A_106 : i32 to index
        %get3A_109 = tpu.vector_load %arg10[%get3A_107, %get3A_108] {strides = array<i32>} : memref<32x1024xf32, #tpu.memory_space<vmem>>, vector<1x16xf32>,
        %get3A_110 = vector.shape_cast %get3A_109 : vector<1x16xf32> to vector<16xf32>
        %add3A_111 = arith.addf %get3A_104, %get3A_110 : vector<16xf32>
        %mul3A_112 = arith.constant 16 : i32
        %mul3A_113 = arith.muli %scan3A_98, %mul3A_112 : i32
        %swap3A_114 = arith.index_cast %scan3A_50 : i32 to index
        %swap3A_115 = arith.index_cast %mul3A_113 : i32 to index
        %swap3A_116 = tpu.vector_load %arg9[%swap3A_114, %swap3A_115] {strides = array<i32>} : memref<32x1024xf32, #tpu.memory_space<vmem>>, vector<1x16xf32>,
        %swap3A_117 = vector.shape_cast %swap3A_116 : vector<1x16xf32> to vector<16xf32>
        %swap3A_118 = vector.shape_cast %add3A_111 : vector<16xf32> to vector<1x16xf32>
        tpu.vector_store %arg9[%swap3A_114, %swap3A_115], %swap3A_118 {strides = array<i32>} : memref<32x1024xf32, #tpu.memory_space<vmem>>, vector<1x16xf32>,
        %scan3A_119 = arith.constant 3 : i32
        %scan3A_120 = arith.addi %scan3A_56, %scan3A_119 : i32
        %mul3A_121 = arith.constant 16 : i32
        %mul3A_122 = arith.muli %scan3A_120, %mul3A_121 : i32
        %get3A_123 = arith.index_cast %scan3A_50 : i32 to index
        %get3A_124 = arith.index_cast %mul3A_122 : i32 to index
        %get3A_125 = tpu.vector_load %arg9[%get3A_123, %get3A_124] {strides = array<i32>} : memref<32x1024xf32, #tpu.memory_space<vmem>>, vector<1x16xf32>,
        %get3A_126 = vector.shape_cast %get3A_125 : vector<1x16xf32> to vector<16xf32>
        %mul3A_127 = arith.constant 16 : i32
        %mul3A_128 = arith.muli %scan3A_120, %mul3A_127 : i32
        %get3A_129 = arith.index_cast %scan3A_50 : i32 to index
        %get3A_130 = arith.index_cast %mul3A_128 : i32 to index
        %get3A_131 = tpu.vector_load %arg10[%get3A_129, %get3A_130] {strides = array<i32>} : memref<32x1024xf32, #tpu.memory_space<vmem>>, vector<1x16xf32>,
        %get3A_132 = vector.shape_cast %get3A_131 : vector<1x16xf32> to vector<16xf32>
        %add3A_133 = arith.addf %get3A_126, %get3A_132 : vector<16xf32>
        %mul3A_134 = arith.constant 16 : i32
        %mul3A_135 = arith.muli %scan3A_120, %mul3A_134 : i32
        %swap3A_136 = arith.index_cast %scan3A_50 : i32 to index
        %swap3A_137 = arith.index_cast %mul3A_135 : i32 to index
        %swap3A_138 = tpu.vector_load %arg9[%swap3A_136, %swap3A_137] {strides = array<i32>} : memref<32x1024xf32, #tpu.memory_space<vmem>>, vector<1x16xf32>,
        %swap3A_139 = vector.shape_cast %swap3A_138 : vector<1x16xf32> to vector<16xf32>
        %swap3A_140 = vector.shape_cast %add3A_133 : vector<16xf32> to vector<1x16xf32>
        tpu.vector_store %arg9[%swap3A_136, %swap3A_137], %swap3A_140 {strides = array<i32>} : memref<32x1024xf32, #tpu.memory_space<vmem>>, vector<1x16xf32>,
        %scan3A_141 = arith.constant 4 : i32
        %scan3A_142 = arith.addi %scan3A_56, %scan3A_141 : i32
        %mul3A_143 = arith.constant 16 : i32
        %mul3A_144 = arith.muli %scan3A_142, %mul3A_143 : i32
        %get3A_145 = arith.index_cast %scan3A_50 : i32 to index
        %get3A_146 = arith.index_cast %mul3A_144 : i32 to index
        %get3A_147 = tpu.vector_load %arg9[%get3A_145, %get3A_146] {strides = array<i32>} : memref<32x1024xf32, #tpu.memory_space<vmem>>, vector<1x16xf32>,
        %get3A_148 = vector.shape_cast %get3A_147 : vector<1x16xf32> to vector<16xf32>
        %mul3A_149 = arith.constant 16 : i32
        %mul3A_150 = arith.muli %scan3A_142, %mul3A_149 : i32
        %get3A_151 = arith.index_cast %scan3A_50 : i32 to index
        %get3A_152 = arith.index_cast %mul3A_150 : i32 to index
        %get3A_153 = tpu.vector_load %arg10[%get3A_151, %get3A_152] {strides = array<i32>} : memref<32x1024xf32, #tpu.memory_space<vmem>>, vector<1x16xf32>,
        %get3A_154 = vector.shape_cast %get3A_153 : vector<1x16xf32> to vector<16xf32>
        %add3A_155 = arith.addf %get3A_148, %get3A_154 : vector<16xf32>
        %mul3A_156 = arith.constant 16 : i32
        %mul3A_157 = arith.muli %scan3A_142, %mul3A_156 : i32
        %swap3A_158 = arith.index_cast %scan3A_50 : i32 to index
        %swap3A_159 = arith.index_cast %mul3A_157 : i32 to index
        %swap3A_160 = tpu.vector_load %arg9[%swap3A_158, %swap3A_159] {strides = array<i32>} : memref<32x1024xf32, #tpu.memory_space<vmem>>, vector<1x16xf32>,
        %swap3A_161 = vector.shape_cast %swap3A_160 : vector<1x16xf32> to vector<16xf32>
        %swap3A_162 = vector.shape_cast %add3A_155 : vector<16xf32> to vector<1x16xf32>
        tpu.vector_store %arg9[%swap3A_158, %swap3A_159], %swap3A_162 {strides = array<i32>} : memref<32x1024xf32, #tpu.memory_space<vmem>>, vector<1x16xf32>,
        %scan3A_163 = arith.constant 5 : i32
        %scan3A_164 = arith.addi %scan3A_56, %scan3A_163 : i32
        %mul3A_165 = arith.constant 16 : i32
        %mul3A_166 = arith.muli %scan3A_164, %mul3A_165 : i32
        %get3A_167 = arith.index_cast %scan3A_50 : i32 to index
        %get3A_168 = arith.index_cast %mul3A_166 : i32 to index
        %get3A_169 = tpu.vector_load %arg9[%get3A_167, %get3A_168] {strides = array<i32>} : memref<32x1024xf32, #tpu.memory_space<vmem>>, vector<1x16xf32>,
        %get3A_170 = vector.shape_cast %get3A_169 : vector<1x16xf32> to vector<16xf32>
        %mul3A_171 = arith.constant 16 : i32
        %mul3A_172 = arith.muli %scan3A_164, %mul3A_171 : i32
        %get3A_173 = arith.index_cast %scan3A_50 : i32 to index
        %get3A_174 = arith.index_cast %mul3A_172 : i32 to index
        %get3A_175 = tpu.vector_load %arg10[%get3A_173, %get3A_174] {strides = array<i32>} : memref<32x1024xf32, #tpu.memory_space<vmem>>, vector<1x16xf32>,
        %get3A_176 = vector.shape_cast %get3A_175 : vector<1x16xf32> to vector<16xf32>
        %add3A_177 = arith.addf %get3A_170, %get3A_176 : vector<16xf32>
        %mul3A_178 = arith.constant 16 : i32
        %mul3A_179 = arith.muli %scan3A_164, %mul3A_178 : i32
        %swap3A_180 = arith.index_cast %scan3A_50 : i32 to index
        %swap3A_181 = arith.index_cast %mul3A_179 : i32 to index
        %swap3A_182 = tpu.vector_load %arg9[%swap3A_180, %swap3A_181] {strides = array<i32>} : memref<32x1024xf32, #tpu.memory_space<vmem>>, vector<1x16xf32>,
        %swap3A_183 = vector.shape_cast %swap3A_182 : vector<1x16xf32> to vector<16xf32>
        %swap3A_184 = vector.shape_cast %add3A_177 : vector<16xf32> to vector<1x16xf32>
        tpu.vector_store %arg9[%swap3A_180, %swap3A_181], %swap3A_184 {strides = array<i32>} : memref<32x1024xf32, #tpu.memory_space<vmem>>, vector<1x16xf32>,
        %scan3A_185 = arith.constant 6 : i32
        %scan3A_186 = arith.addi %scan3A_56, %scan3A_185 : i32
        %mul3A_187 = arith.constant 16 : i32
        %mul3A_188 = arith.muli %scan3A_186, %mul3A_187 : i32
        %get3A_189 = arith.index_cast %scan3A_50 : i32 to index
        %get3A_190 = arith.index_cast %mul3A_188 : i32 to index
        %get3A_191 = tpu.vector_load %arg9[%get3A_189, %get3A_190] {strides = array<i32>} : memref<32x1024xf32, #tpu.memory_space<vmem>>, vector<1x16xf32>,
        %get3A_192 = vector.shape_cast %get3A_191 : vector<1x16xf32> to vector<16xf32>
        %mul3A_193 = arith.constant 16 : i32
        %mul3A_194 = arith.muli %scan3A_186, %mul3A_193 : i32
        %get3A_195 = arith.index_cast %scan3A_50 : i32 to index
        %get3A_196 = arith.index_cast %mul3A_194 : i32 to index
        %get3A_197 = tpu.vector_load %arg10[%get3A_195, %get3A_196] {strides = array<i32>} : memref<32x1024xf32, #tpu.memory_space<vmem>>, vector<1x16xf32>,
        %get3A_198 = vector.shape_cast %get3A_197 : vector<1x16xf32> to vector<16xf32>
        %add3A_199 = arith.addf %get3A_192, %get3A_198 : vector<16xf32>
        %mul3A_200 = arith.constant 16 : i32
        %mul3A_201 = arith.muli %scan3A_186, %mul3A_200 : i32
        %swap3A_202 = arith.index_cast %scan3A_50 : i32 to index
        %swap3A_203 = arith.index_cast %mul3A_201 : i32 to index
        %swap3A_204 = tpu.vector_load %arg9[%swap3A_202, %swap3A_203] {strides = array<i32>} : memref<32x1024xf32, #tpu.memory_space<vmem>>, vector<1x16xf32>,
        %swap3A_205 = vector.shape_cast %swap3A_204 : vector<1x16xf32> to vector<16xf32>
        %swap3A_206 = vector.shape_cast %add3A_199 : vector<16xf32> to vector<1x16xf32>
        tpu.vector_store %arg9[%swap3A_202, %swap3A_203], %swap3A_206 {strides = array<i32>} : memref<32x1024xf32, #tpu.memory_space<vmem>>, vector<1x16xf32>,
        %scan3A_207 = arith.constant 7 : i32
        %scan3A_208 = arith.addi %scan3A_56, %scan3A_207 : i32
        %mul3A_209 = arith.constant 16 : i32
        %mul3A_210 = arith.muli %scan3A_208, %mul3A_209 : i32
        %get3A_211 = arith.index_cast %scan3A_50 : i32 to index
        %get3A_212 = arith.index_cast %mul3A_210 : i32 to index
        %get3A_213 = tpu.vector_load %arg9[%get3A_211, %get3A_212] {strides = array<i32>} : memref<32x1024xf32, #tpu.memory_space<vmem>>, vector<1x16xf32>,
        %get3A_214 = vector.shape_cast %get3A_213 : vector<1x16xf32> to vector<16xf32>
        %mul3A_215 = arith.constant 16 : i32
        %mul3A_216 = arith.muli %scan3A_208, %mul3A_215 : i32
        %get3A_217 = arith.index_cast %scan3A_50 : i32 to index
        %get3A_218 = arith.index_cast %mul3A_216 : i32 to index
        %get3A_219 = tpu.vector_load %arg10[%get3A_217, %get3A_218] {strides = array<i32>} : memref<32x1024xf32, #tpu.memory_space<vmem>>, vector<1x16xf32>,
        %get3A_220 = vector.shape_cast %get3A_219 : vector<1x16xf32> to vector<16xf32>
        %add3A_221 = arith.addf %get3A_214, %get3A_220 : vector<16xf32>
        %mul3A_222 = arith.constant 16 : i32
        %mul3A_223 = arith.muli %scan3A_208, %mul3A_222 : i32
        %swap3A_224 = arith.index_cast %scan3A_50 : i32 to index
        %swap3A_225 = arith.index_cast %mul3A_223 : i32 to index
        %swap3A_226 = tpu.vector_load %arg9[%swap3A_224, %swap3A_225] {strides = array<i32>} : memref<32x1024xf32, #tpu.memory_space<vmem>>, vector<1x16xf32>,
        %swap3A_227 = vector.shape_cast %swap3A_226 : vector<1x16xf32> to vector<16xf32>
        %swap3A_228 = vector.shape_cast %add3A_221 : vector<16xf32> to vector<1x16xf32>
        tpu.vector_store %arg9[%swap3A_224, %swap3A_225], %swap3A_228 {strides = array<i32>} : memref<32x1024xf32, #tpu.memory_space<vmem>>, vector<1x16xf32>,
      }
      %scan3A_55 = arith.constant 64 : i32
    }
    %scan3A_49 = arith.constant 32 : i32
    "tpu.region"() ({
      %run_scoped3A = tpu.sem_alloc : memref<!tpu.dma_semaphore, #tpu.memory_space<semaphore_mem>>
      %dma_start3A_50 = arith.constant 0 : i32
      %dma_start3A_51 = tpu.memref_slice %arg6[%add3A_27, %dma_start3A_50] : memref<2048x1024xf32, #tpu.memory_space<hbm>> -> memref<32x1024xf32, #tpu.memory_space<hbm>>
      %dma_start3A_52 = arith.constant 0 : i32
      %dma_start3A_53 = tpu.memref_slice %arg6[%add3A_27, %dma_start3A_52] : memref<2048x1024xf32, #tpu.memory_space<hbm>> -> memref<32x1024xf32, #tpu.memory_space<hbm>>
      tpu.enqueue_dma source(%arg9 : memref<32x1024xf32, #tpu.memory_space<vmem>>) target(%dma_start3A_53 : memref<32x1024xf32, #tpu.memory_space<hbm>>) target_semaphore(%run_scoped3A : memref<!tpu.dma_semaphore, #tpu.memory_space<semaphore_mem>>)
      %dma_wait3A_54 = arith.constant 0 : i32
      %dma_wait3A_55 = tpu.memref_slice %arg6[%add3A_27, %dma_wait3A_54] : memref<2048x1024xf32, #tpu.memory_space<hbm>> -> memref<32x1024xf32, #tpu.memory_space<hbm>>
      %dma_wait3A_56 = arith.constant 0 : i32
      %dma_wait3A_57 = tpu.memref_slice %arg6[%add3A_27, %dma_wait3A_56] : memref<2048x1024xf32, #tpu.memory_space<hbm>> -> memref<32x1024xf32, #tpu.memory_space<hbm>>
      tpu.wait_dma2 semaphore(%run_scoped3A : memref<!tpu.dma_semaphore, #tpu.memory_space<semaphore_mem>>) src(%arg9 : memref<32x1024xf32, #tpu.memory_space<vmem>>) dst(%dma_wait3A_57 : memref<32x1024xf32, #tpu.memory_space<hbm>>)
      tpu.yield
    }) : () -> ()
    return
  }
}

module attributes {stable_mosaic.version = 14 : i64} {
  func.func @_shared_body(%arg0: i32, %arg1: memref<1024x1024xf32, #tpu.memory_space<vmem>>, %arg2: memref<1024x2048xf32, #tpu.memory_space<vmem>>, %arg3: memref<2048x1024xf32, #tpu.memory_space<vmem>>, %arg4: memref<1024x1024xf32, #tpu.memory_space<vmem>>) attributes {dimension_semantics = [#tpu.dimension_semantics<arbitrary>], iteration_bounds = array<i64: 2>, scalar_prefetch = 0 : i64, scratch_operands = 0 : i64, tpu.core_type = #tpu.core_type<tc>, window_params = [{transform_indices = @transform_0, window_bounds = array<i64: 1024, 1024>}, {pipeline_mode = #tpu.pipeline_mode<synchronous>, transform_indices = @transform_1, window_bounds = array<i64: 1024, 2048>}, {pipeline_mode = #tpu.pipeline_mode<synchronous>, transform_indices = @transform_2, window_bounds = array<i64: 2048, 1024>}, {transform_indices = @transform_3, window_bounds = array<i64: 1024, 1024>}]} {
    %get3A = arith.constant 0 : index
    %get3A_0 = arith.constant 0 : index
    %get3A_1 = vector.load %arg1[%get3A, %get3A_0] : memref<1024x1024xf32, #tpu.memory_space<vmem>>, vector<1024x1024xf32>
    %get3A_2 = arith.constant 0 : index
    %get3A_3 = arith.constant 0 : index
    %get3A_4 = vector.load %arg2[%get3A_2, %get3A_3] : memref<1024x2048xf32, #tpu.memory_space<vmem>>, vector<1024x2048xf32>
    %dot_general3A = arith.constant dense<0.000000e+00> : vector<1024x2048xf32>
    %dot_general3A_5 = tpu.matmul %get3A_1, %get3A_4, %dot_general3A {dimension_numbers = #tpu.dot_dimension_numbers<[1], [0], [0], [1], [0, 0, 1, 1], [], []>, transpose_lhs_hint = false} : vector<1024x1024xf32>, vector<1024x2048xf32>, vector<1024x2048xf32> -> vector<1024x2048xf32>
    %max3A = arith.constant 0.000000e+00 : f32
    %max3A_6 = vector.broadcast %max3A : f32 to vector<1024x2048xf32>
    %max3A_7 = arith.maximumf %dot_general3A_5, %max3A_6 : vector<1024x2048xf32>
    %mul3A = arith.mulf %max3A_7, %max3A_7 : vector<1024x2048xf32>
    %get3A_8 = arith.constant 0 : index
    %get3A_9 = arith.constant 0 : index
    %get3A_10 = vector.load %arg3[%get3A_8, %get3A_9] : memref<2048x1024xf32, #tpu.memory_space<vmem>>, vector<2048x1024xf32>
    %dot_general3A_11 = arith.constant dense<0.000000e+00> : vector<1024x1024xf32>
    %dot_general3A_12 = tpu.matmul %mul3A, %get3A_10, %dot_general3A_11 {dimension_numbers = #tpu.dot_dimension_numbers<[1], [0], [0], [1], [0, 0, 1, 1], [], []>, transpose_lhs_hint = false} : vector<1024x2048xf32>, vector<2048x1024xf32>, vector<1024x1024xf32> -> vector<1024x1024xf32>
    %swap3A = arith.constant 0 : index
    %swap3A_13 = arith.constant 0 : index
    %swap3A_14 = vector.load %arg4[%swap3A, %swap3A_13] : memref<1024x1024xf32, #tpu.memory_space<vmem>>, vector<1024x1024xf32>
    tpu.vector_store %arg4[%swap3A, %swap3A_13], %dot_general3A_12 {strides = array<i32>} : memref<1024x1024xf32, #tpu.memory_space<vmem>>, vector<1024x1024xf32>,
    return
  }
  func.func @transform_0(%arg0: i32) -> (i32, i32) {
    %c0_i32 = arith.constant 0 : i32
    %c0_i32_0 = arith.constant 0 : i32
    return %arg0, %c0_i32 : i32, i32
  }
  func.func @transform_1(%arg0: i32) -> (i32, i32) {
    %c0_i32 = arith.constant 0 : i32
    %c0_i32_0 = arith.constant 0 : i32
    %c0_i32_1 = arith.constant 0 : i32
    return %c0_i32, %c0_i32_0 : i32, i32
  }
  func.func @transform_2(%arg0: i32) -> (i32, i32) {
    %c0_i32 = arith.constant 0 : i32
    %c0_i32_0 = arith.constant 0 : i32
    %c0_i32_1 = arith.constant 0 : i32
    return %c0_i32, %c0_i32_0 : i32, i32
  }
  func.func @transform_3(%arg0: i32) -> (i32, i32) {
    %c0_i32 = arith.constant 0 : i32
    %c0_i32_0 = arith.constant 0 : i32
    return %arg0, %c0_i32 : i32, i32
  }
}

module attributes {stable_mosaic.version = 14 : i64} {
  func.func @_route_body(%arg0: memref<8x2048xf32, #tpu.memory_space<vmem>>, %arg1: memref<8x1xf32, #tpu.memory_space<vmem>>, %arg2: memref<1x2048xi32, #tpu.memory_space<vmem>>, %arg3: memref<1x2048xi32, #tpu.memory_space<vmem>>, %arg4: memref<1x2048xf32, #tpu.memory_space<vmem>>, %arg5: memref<1x2048xf32, #tpu.memory_space<vmem>>, %arg6: memref<1x24xi32, #tpu.memory_space<vmem>>) attributes {dimension_semantics = [], scalar_prefetch = 0 : i64, scratch_operands = 0 : i64, tpu.core_type = #tpu.core_type<tc>} {
    %get3A = arith.constant 0 : index
    %get3A_0 = arith.constant 0 : index
    %get3A_1 = vector.load %arg0[%get3A, %get3A_0] : memref<8x2048xf32, #tpu.memory_space<vmem>>, vector<8x2048xf32>
    %neg3A = arith.constant 0.000000e+00 : f32
    %neg3A_2 = vector.broadcast %neg3A : f32 to vector<8x2048xf32>
    %neg3A_3 = arith.subf %neg3A_2, %get3A_1 : vector<8x2048xf32>
    %exp3A = math.exp %neg3A_3 : vector<8x2048xf32>
    %add3A = arith.constant 1.000000e+00 : f32
    %add3A_4 = vector.broadcast %add3A : f32 to vector<8x2048xf32>
    %add3A_5 = arith.addf %add3A_4, %exp3A : vector<8x2048xf32>
    %div3A = arith.constant 1.000000e+00 : f32
    %div3A_6 = vector.broadcast %div3A : f32 to vector<8x2048xf32>
    %div3A_7 = arith.divf %div3A_6, %add3A_5 : vector<8x2048xf32>
    %get3A_8 = arith.constant 0 : index
    %get3A_9 = arith.constant 0 : index
    %get3A_10 = vector.load %arg1[%get3A_8, %get3A_9] : memref<8x1xf32, #tpu.memory_space<vmem>>, vector<8x1xf32>
    %add3A_11 = vector.broadcast %get3A_10 : vector<8x1xf32> to vector<8x2048xf32>
    %add3A_12 = arith.addf %div3A_7, %add3A_11 : vector<8x2048xf32>
    %slice3A = vector.extract_strided_slice %add3A_12 {offsets = [0, 0], sizes = [1, 2048], strides = [1, 1]} : vector<8x2048xf32> to vector<1x2048xf32>
    %slice3A_13 = vector.extract_strided_slice %add3A_12 {offsets = [1, 0], sizes = [1, 2048], strides = [1, 1]} : vector<8x2048xf32> to vector<1x2048xf32>
    %add3A_14 = arith.addf %slice3A, %slice3A_13 : vector<1x2048xf32>
    %slice3A_15 = vector.extract_strided_slice %add3A_12 {offsets = [2, 0], sizes = [1, 2048], strides = [1, 1]} : vector<8x2048xf32> to vector<1x2048xf32>
    %slice3A_16 = vector.extract_strided_slice %add3A_12 {offsets = [3, 0], sizes = [1, 2048], strides = [1, 1]} : vector<8x2048xf32> to vector<1x2048xf32>
    %add3A_17 = arith.addf %slice3A_15, %slice3A_16 : vector<1x2048xf32>
    %slice3A_18 = vector.extract_strided_slice %add3A_12 {offsets = [4, 0], sizes = [1, 2048], strides = [1, 1]} : vector<8x2048xf32> to vector<1x2048xf32>
    %slice3A_19 = vector.extract_strided_slice %add3A_12 {offsets = [5, 0], sizes = [1, 2048], strides = [1, 1]} : vector<8x2048xf32> to vector<1x2048xf32>
    %add3A_20 = arith.addf %slice3A_18, %slice3A_19 : vector<1x2048xf32>
    %slice3A_21 = vector.extract_strided_slice %add3A_12 {offsets = [6, 0], sizes = [1, 2048], strides = [1, 1]} : vector<8x2048xf32> to vector<1x2048xf32>
    %slice3A_22 = vector.extract_strided_slice %add3A_12 {offsets = [7, 0], sizes = [1, 2048], strides = [1, 1]} : vector<8x2048xf32> to vector<1x2048xf32>
    %add3A_23 = arith.addf %slice3A_21, %slice3A_22 : vector<1x2048xf32>
    %broadcast_in_dim3A = arith.constant 0 : i32
    %broadcast_in_dim3A_24 = vector.broadcast %broadcast_in_dim3A : i32 to vector<1x2048xi32>
    %gt3A = arith.cmpf ogt, %add3A_17, %add3A_14 : vector<1x2048xf32>
    %eq3A = arith.cmpf oeq, %add3A_17, %add3A_14 : vector<1x2048xf32>
    %and3A = arith.constant false
    %and3A_25 = vector.broadcast %and3A : i1 to vector<1x2048xi1>
    %and3A_26 = arith.andi %eq3A, %and3A_25 : vector<1x2048xi1>
    %or3A = arith.ori %gt3A, %and3A_26 : vector<1x2048xi1>
    %convert_element_type3A = arith.extui %or3A : vector<1x2048xi1> to vector<1x2048xi32>
    %add3A_27 = arith.addi %broadcast_in_dim3A_24, %convert_element_type3A : vector<1x2048xi32>
    %gt3A_28 = arith.cmpf ogt, %add3A_20, %add3A_14 : vector<1x2048xf32>
    %eq3A_29 = arith.cmpf oeq, %add3A_20, %add3A_14 : vector<1x2048xf32>
    %and3A_30 = arith.constant false
    %and3A_31 = vector.broadcast %and3A_30 : i1 to vector<1x2048xi1>
    %and3A_32 = arith.andi %eq3A_29, %and3A_31 : vector<1x2048xi1>
    %or3A_33 = arith.ori %gt3A_28, %and3A_32 : vector<1x2048xi1>
    %convert_element_type3A_34 = arith.extui %or3A_33 : vector<1x2048xi1> to vector<1x2048xi32>
    %add3A_35 = arith.addi %add3A_27, %convert_element_type3A_34 : vector<1x2048xi32>
    %gt3A_36 = arith.cmpf ogt, %add3A_23, %add3A_14 : vector<1x2048xf32>
    %eq3A_37 = arith.cmpf oeq, %add3A_23, %add3A_14 : vector<1x2048xf32>
    %and3A_38 = arith.constant false
    %and3A_39 = vector.broadcast %and3A_38 : i1 to vector<1x2048xi1>
    %and3A_40 = arith.andi %eq3A_37, %and3A_39 : vector<1x2048xi1>
    %or3A_41 = arith.ori %gt3A_36, %and3A_40 : vector<1x2048xi1>
    %convert_element_type3A_42 = arith.extui %or3A_41 : vector<1x2048xi1> to vector<1x2048xi32>
    %add3A_43 = arith.addi %add3A_35, %convert_element_type3A_42 : vector<1x2048xi32>
    %lt3A = arith.constant 2 : i32
    %lt3A_44 = vector.broadcast %lt3A : i32 to vector<1x2048xi32>
    %lt3A_45 = arith.cmpi slt, %add3A_43, %lt3A_44 : vector<1x2048xi32>
    %broadcast_in_dim3A_46 = arith.constant 0 : i32
    %broadcast_in_dim3A_47 = vector.broadcast %broadcast_in_dim3A_46 : i32 to vector<1x2048xi32>
    %gt3A_48 = arith.cmpf ogt, %add3A_14, %add3A_17 : vector<1x2048xf32>
    %eq3A_49 = arith.cmpf oeq, %add3A_14, %add3A_17 : vector<1x2048xf32>
    %and3A_50 = arith.constant true
    %and3A_51 = vector.broadcast %and3A_50 : i1 to vector<1x2048xi1>
    %and3A_52 = arith.andi %eq3A_49, %and3A_51 : vector<1x2048xi1>
    %or3A_53 = arith.ori %gt3A_48, %and3A_52 : vector<1x2048xi1>
    %convert_element_type3A_54 = arith.extui %or3A_53 : vector<1x2048xi1> to vector<1x2048xi32>
    %add3A_55 = arith.addi %broadcast_in_dim3A_47, %convert_element_type3A_54 : vector<1x2048xi32>
    %gt3A_56 = arith.cmpf ogt, %add3A_20, %add3A_17 : vector<1x2048xf32>
    %eq3A_57 = arith.cmpf oeq, %add3A_20, %add3A_17 : vector<1x2048xf32>
    %and3A_58 = arith.constant false
    %and3A_59 = vector.broadcast %and3A_58 : i1 to vector<1x2048xi1>
    %and3A_60 = arith.andi %eq3A_57, %and3A_59 : vector<1x2048xi1>
    %or3A_61 = arith.ori %gt3A_56, %and3A_60 : vector<1x2048xi1>
    %convert_element_type3A_62 = arith.extui %or3A_61 : vector<1x2048xi1> to vector<1x2048xi32>
    %add3A_63 = arith.addi %add3A_55, %convert_element_type3A_62 : vector<1x2048xi32>
    %gt3A_64 = arith.cmpf ogt, %add3A_23, %add3A_17 : vector<1x2048xf32>
    %eq3A_65 = arith.cmpf oeq, %add3A_23, %add3A_17 : vector<1x2048xf32>
    %and3A_66 = arith.constant false
    %and3A_67 = vector.broadcast %and3A_66 : i1 to vector<1x2048xi1>
    %and3A_68 = arith.andi %eq3A_65, %and3A_67 : vector<1x2048xi1>
    %or3A_69 = arith.ori %gt3A_64, %and3A_68 : vector<1x2048xi1>
    %convert_element_type3A_70 = arith.extui %or3A_69 : vector<1x2048xi1> to vector<1x2048xi32>
    %add3A_71 = arith.addi %add3A_63, %convert_element_type3A_70 : vector<1x2048xi32>
    %lt3A_72 = arith.constant 2 : i32
    %lt3A_73 = vector.broadcast %lt3A_72 : i32 to vector<1x2048xi32>
    %lt3A_74 = arith.cmpi slt, %add3A_71, %lt3A_73 : vector<1x2048xi32>
    %broadcast_in_dim3A_75 = arith.constant 0 : i32
    %broadcast_in_dim3A_76 = vector.broadcast %broadcast_in_dim3A_75 : i32 to vector<1x2048xi32>
    %gt3A_77 = arith.cmpf ogt, %add3A_14, %add3A_20 : vector<1x2048xf32>
    %eq3A_78 = arith.cmpf oeq, %add3A_14, %add3A_20 : vector<1x2048xf32>
    %and3A_79 = arith.constant true
    %and3A_80 = vector.broadcast %and3A_79 : i1 to vector<1x2048xi1>
    %and3A_81 = arith.andi %eq3A_78, %and3A_80 : vector<1x2048xi1>
    %or3A_82 = arith.ori %gt3A_77, %and3A_81 : vector<1x2048xi1>
    %convert_element_type3A_83 = arith.extui %or3A_82 : vector<1x2048xi1> to vector<1x2048xi32>
    %add3A_84 = arith.addi %broadcast_in_dim3A_76, %convert_element_type3A_83 : vector<1x2048xi32>
    %gt3A_85 = arith.cmpf ogt, %add3A_17, %add3A_20 : vector<1x2048xf32>
    %eq3A_86 = arith.cmpf oeq, %add3A_17, %add3A_20 : vector<1x2048xf32>
    %and3A_87 = arith.constant true
    %and3A_88 = vector.broadcast %and3A_87 : i1 to vector<1x2048xi1>
    %and3A_89 = arith.andi %eq3A_86, %and3A_88 : vector<1x2048xi1>
    %or3A_90 = arith.ori %gt3A_85, %and3A_89 : vector<1x2048xi1>
    %convert_element_type3A_91 = arith.extui %or3A_90 : vector<1x2048xi1> to vector<1x2048xi32>
    %add3A_92 = arith.addi %add3A_84, %convert_element_type3A_91 : vector<1x2048xi32>
    %gt3A_93 = arith.cmpf ogt, %add3A_23, %add3A_20 : vector<1x2048xf32>
    %eq3A_94 = arith.cmpf oeq, %add3A_23, %add3A_20 : vector<1x2048xf32>
    %and3A_95 = arith.constant false
    %and3A_96 = vector.broadcast %and3A_95 : i1 to vector<1x2048xi1>
    %and3A_97 = arith.andi %eq3A_94, %and3A_96 : vector<1x2048xi1>
    %or3A_98 = arith.ori %gt3A_93, %and3A_97 : vector<1x2048xi1>
    %convert_element_type3A_99 = arith.extui %or3A_98 : vector<1x2048xi1> to vector<1x2048xi32>
    %add3A_100 = arith.addi %add3A_92, %convert_element_type3A_99 : vector<1x2048xi32>
    %lt3A_101 = arith.constant 2 : i32
    %lt3A_102 = vector.broadcast %lt3A_101 : i32 to vector<1x2048xi32>
    %lt3A_103 = arith.cmpi slt, %add3A_100, %lt3A_102 : vector<1x2048xi32>
    %broadcast_in_dim3A_104 = arith.constant 0 : i32
    %broadcast_in_dim3A_105 = vector.broadcast %broadcast_in_dim3A_104 : i32 to vector<1x2048xi32>
    %gt3A_106 = arith.cmpf ogt, %add3A_14, %add3A_23 : vector<1x2048xf32>
    %eq3A_107 = arith.cmpf oeq, %add3A_14, %add3A_23 : vector<1x2048xf32>
    %and3A_108 = arith.constant true
    %and3A_109 = vector.broadcast %and3A_108 : i1 to vector<1x2048xi1>
    %and3A_110 = arith.andi %eq3A_107, %and3A_109 : vector<1x2048xi1>
    %or3A_111 = arith.ori %gt3A_106, %and3A_110 : vector<1x2048xi1>
    %convert_element_type3A_112 = arith.extui %or3A_111 : vector<1x2048xi1> to vector<1x2048xi32>
    %add3A_113 = arith.addi %broadcast_in_dim3A_105, %convert_element_type3A_112 : vector<1x2048xi32>
    %gt3A_114 = arith.cmpf ogt, %add3A_17, %add3A_23 : vector<1x2048xf32>
    %eq3A_115 = arith.cmpf oeq, %add3A_17, %add3A_23 : vector<1x2048xf32>
    %and3A_116 = arith.constant true
    %and3A_117 = vector.broadcast %and3A_116 : i1 to vector<1x2048xi1>
    %and3A_118 = arith.andi %eq3A_115, %and3A_117 : vector<1x2048xi1>
    %or3A_119 = arith.ori %gt3A_114, %and3A_118 : vector<1x2048xi1>
    %convert_element_type3A_120 = arith.extui %or3A_119 : vector<1x2048xi1> to vector<1x2048xi32>
    %add3A_121 = arith.addi %add3A_113, %convert_element_type3A_120 : vector<1x2048xi32>
    %gt3A_122 = arith.cmpf ogt, %add3A_20, %add3A_23 : vector<1x2048xf32>
    %eq3A_123 = arith.cmpf oeq, %add3A_20, %add3A_23 : vector<1x2048xf32>
    %and3A_124 = arith.constant true
    %and3A_125 = vector.broadcast %and3A_124 : i1 to vector<1x2048xi1>
    %and3A_126 = arith.andi %eq3A_123, %and3A_125 : vector<1x2048xi1>
    %or3A_127 = arith.ori %gt3A_122, %and3A_126 : vector<1x2048xi1>
    %convert_element_type3A_128 = arith.extui %or3A_127 : vector<1x2048xi1> to vector<1x2048xi32>
    %add3A_129 = arith.addi %add3A_121, %convert_element_type3A_128 : vector<1x2048xi32>
    %lt3A_130 = arith.constant 2 : i32
    %lt3A_131 = vector.broadcast %lt3A_130 : i32 to vector<1x2048xi32>
    %lt3A_132 = arith.cmpi slt, %add3A_129, %lt3A_131 : vector<1x2048xi32>
    %slice3A_133 = vector.extract_strided_slice %add3A_12 {offsets = [0, 0], sizes = [1, 2048], strides = [1, 1]} : vector<8x2048xf32> to vector<1x2048xf32>
    %jit3A = arith.constant 0xFF800000 : f32
    %broadcast_in_dim3A_134 = vector.broadcast %jit3A : f32 to vector<1x2048xf32>
    %select_n3A = arith.select %lt3A_45, %slice3A_133, %broadcast_in_dim3A_134 : vector<1x2048xi1>, vector<1x2048xf32>
    %slice3A_135 = vector.extract_strided_slice %add3A_12 {offsets = [1, 0], sizes = [1, 2048], strides = [1, 1]} : vector<8x2048xf32> to vector<1x2048xf32>
    %jit3A_136 = arith.constant 0xFF800000 : f32
    %broadcast_in_dim3A_137 = vector.broadcast %jit3A_136 : f32 to vector<1x2048xf32>
    %select_n3A_138 = arith.select %lt3A_45, %slice3A_135, %broadcast_in_dim3A_137 : vector<1x2048xi1>, vector<1x2048xf32>
    %slice3A_139 = vector.extract_strided_slice %add3A_12 {offsets = [2, 0], sizes = [1, 2048], strides = [1, 1]} : vector<8x2048xf32> to vector<1x2048xf32>
    %jit3A_140 = arith.constant 0xFF800000 : f32
    %broadcast_in_dim3A_141 = vector.broadcast %jit3A_140 : f32 to vector<1x2048xf32>
    %select_n3A_142 = arith.select %lt3A_74, %slice3A_139, %broadcast_in_dim3A_141 : vector<1x2048xi1>, vector<1x2048xf32>
    %slice3A_143 = vector.extract_strided_slice %add3A_12 {offsets = [3, 0], sizes = [1, 2048], strides = [1, 1]} : vector<8x2048xf32> to vector<1x2048xf32>
    %jit3A_144 = arith.constant 0xFF800000 : f32
    %broadcast_in_dim3A_145 = vector.broadcast %jit3A_144 : f32 to vector<1x2048xf32>
    %select_n3A_146 = arith.select %lt3A_74, %slice3A_143, %broadcast_in_dim3A_145 : vector<1x2048xi1>, vector<1x2048xf32>
    %slice3A_147 = vector.extract_strided_slice %add3A_12 {offsets = [4, 0], sizes = [1, 2048], strides = [1, 1]} : vector<8x2048xf32> to vector<1x2048xf32>
    %jit3A_148 = arith.constant 0xFF800000 : f32
    %broadcast_in_dim3A_149 = vector.broadcast %jit3A_148 : f32 to vector<1x2048xf32>
    %select_n3A_150 = arith.select %lt3A_103, %slice3A_147, %broadcast_in_dim3A_149 : vector<1x2048xi1>, vector<1x2048xf32>
    %slice3A_151 = vector.extract_strided_slice %add3A_12 {offsets = [5, 0], sizes = [1, 2048], strides = [1, 1]} : vector<8x2048xf32> to vector<1x2048xf32>
    %jit3A_152 = arith.constant 0xFF800000 : f32
    %broadcast_in_dim3A_153 = vector.broadcast %jit3A_152 : f32 to vector<1x2048xf32>
    %select_n3A_154 = arith.select %lt3A_103, %slice3A_151, %broadcast_in_dim3A_153 : vector<1x2048xi1>, vector<1x2048xf32>
    %slice3A_155 = vector.extract_strided_slice %add3A_12 {offsets = [6, 0], sizes = [1, 2048], strides = [1, 1]} : vector<8x2048xf32> to vector<1x2048xf32>
    %jit3A_156 = arith.constant 0xFF800000 : f32
    %broadcast_in_dim3A_157 = vector.broadcast %jit3A_156 : f32 to vector<1x2048xf32>
    %select_n3A_158 = arith.select %lt3A_132, %slice3A_155, %broadcast_in_dim3A_157 : vector<1x2048xi1>, vector<1x2048xf32>
    %slice3A_159 = vector.extract_strided_slice %add3A_12 {offsets = [7, 0], sizes = [1, 2048], strides = [1, 1]} : vector<8x2048xf32> to vector<1x2048xf32>
    %jit3A_160 = arith.constant 0xFF800000 : f32
    %broadcast_in_dim3A_161 = vector.broadcast %jit3A_160 : f32 to vector<1x2048xf32>
    %select_n3A_162 = arith.select %lt3A_132, %slice3A_159, %broadcast_in_dim3A_161 : vector<1x2048xi1>, vector<1x2048xf32>
    %broadcast_in_dim3A_163 = arith.constant 0 : i32
    %broadcast_in_dim3A_164 = vector.broadcast %broadcast_in_dim3A_163 : i32 to vector<1x2048xi32>
    %gt3A_165 = arith.cmpf ogt, %select_n3A_138, %select_n3A : vector<1x2048xf32>
    %eq3A_166 = arith.cmpf oeq, %select_n3A_138, %select_n3A : vector<1x2048xf32>
    %and3A_167 = arith.constant false
    %and3A_168 = vector.broadcast %and3A_167 : i1 to vector<1x2048xi1>
    %and3A_169 = arith.andi %eq3A_166, %and3A_168 : vector<1x2048xi1>
    %or3A_170 = arith.ori %gt3A_165, %and3A_169 : vector<1x2048xi1>
    %convert_element_type3A_171 = arith.extui %or3A_170 : vector<1x2048xi1> to vector<1x2048xi32>
    %add3A_172 = arith.addi %broadcast_in_dim3A_164, %convert_element_type3A_171 : vector<1x2048xi32>
    %gt3A_173 = arith.cmpf ogt, %select_n3A_142, %select_n3A : vector<1x2048xf32>
    %eq3A_174 = arith.cmpf oeq, %select_n3A_142, %select_n3A : vector<1x2048xf32>
    %and3A_175 = arith.constant false
    %and3A_176 = vector.broadcast %and3A_175 : i1 to vector<1x2048xi1>
    %and3A_177 = arith.andi %eq3A_174, %and3A_176 : vector<1x2048xi1>
    %or3A_178 = arith.ori %gt3A_173, %and3A_177 : vector<1x2048xi1>
    %convert_element_type3A_179 = arith.extui %or3A_178 : vector<1x2048xi1> to vector<1x2048xi32>
    %add3A_180 = arith.addi %add3A_172, %convert_element_type3A_179 : vector<1x2048xi32>
    %gt3A_181 = arith.cmpf ogt, %select_n3A_146, %select_n3A : vector<1x2048xf32>
    %eq3A_182 = arith.cmpf oeq, %select_n3A_146, %select_n3A : vector<1x2048xf32>
    %and3A_183 = arith.constant false
    %and3A_184 = vector.broadcast %and3A_183 : i1 to vector<1x2048xi1>
    %and3A_185 = arith.andi %eq3A_182, %and3A_184 : vector<1x2048xi1>
    %or3A_186 = arith.ori %gt3A_181, %and3A_185 : vector<1x2048xi1>
    %convert_element_type3A_187 = arith.extui %or3A_186 : vector<1x2048xi1> to vector<1x2048xi32>
    %add3A_188 = arith.addi %add3A_180, %convert_element_type3A_187 : vector<1x2048xi32>
    %gt3A_189 = arith.cmpf ogt, %select_n3A_150, %select_n3A : vector<1x2048xf32>
    %eq3A_190 = arith.cmpf oeq, %select_n3A_150, %select_n3A : vector<1x2048xf32>
    %and3A_191 = arith.constant false
    %and3A_192 = vector.broadcast %and3A_191 : i1 to vector<1x2048xi1>
    %and3A_193 = arith.andi %eq3A_190, %and3A_192 : vector<1x2048xi1>
    %or3A_194 = arith.ori %gt3A_189, %and3A_193 : vector<1x2048xi1>
    %convert_element_type3A_195 = arith.extui %or3A_194 : vector<1x2048xi1> to vector<1x2048xi32>
    %add3A_196 = arith.addi %add3A_188, %convert_element_type3A_195 : vector<1x2048xi32>
    %gt3A_197 = arith.cmpf ogt, %select_n3A_154, %select_n3A : vector<1x2048xf32>
    %eq3A_198 = arith.cmpf oeq, %select_n3A_154, %select_n3A : vector<1x2048xf32>
    %and3A_199 = arith.constant false
    %and3A_200 = vector.broadcast %and3A_199 : i1 to vector<1x2048xi1>
    %and3A_201 = arith.andi %eq3A_198, %and3A_200 : vector<1x2048xi1>
    %or3A_202 = arith.ori %gt3A_197, %and3A_201 : vector<1x2048xi1>
    %convert_element_type3A_203 = arith.extui %or3A_202 : vector<1x2048xi1> to vector<1x2048xi32>
    %add3A_204 = arith.addi %add3A_196, %convert_element_type3A_203 : vector<1x2048xi32>
    %gt3A_205 = arith.cmpf ogt, %select_n3A_158, %select_n3A : vector<1x2048xf32>
    %eq3A_206 = arith.cmpf oeq, %select_n3A_158, %select_n3A : vector<1x2048xf32>
    %and3A_207 = arith.constant false
    %and3A_208 = vector.broadcast %and3A_207 : i1 to vector<1x2048xi1>
    %and3A_209 = arith.andi %eq3A_206, %and3A_208 : vector<1x2048xi1>
    %or3A_210 = arith.ori %gt3A_205, %and3A_209 : vector<1x2048xi1>
    %convert_element_type3A_211 = arith.extui %or3A_210 : vector<1x2048xi1> to vector<1x2048xi32>
    %add3A_212 = arith.addi %add3A_204, %convert_element_type3A_211 : vector<1x2048xi32>
    %gt3A_213 = arith.cmpf ogt, %select_n3A_162, %select_n3A : vector<1x2048xf32>
    %eq3A_214 = arith.cmpf oeq, %select_n3A_162, %select_n3A : vector<1x2048xf32>
    %and3A_215 = arith.constant false
    %and3A_216 = vector.broadcast %and3A_215 : i1 to vector<1x2048xi1>
    %and3A_217 = arith.andi %eq3A_214, %and3A_216 : vector<1x2048xi1>
    %or3A_218 = arith.ori %gt3A_213, %and3A_217 : vector<1x2048xi1>
    %convert_element_type3A_219 = arith.extui %or3A_218 : vector<1x2048xi1> to vector<1x2048xi32>
    %add3A_220 = arith.addi %add3A_212, %convert_element_type3A_219 : vector<1x2048xi32>
    %lt3A_221 = arith.constant 2 : i32
    %lt3A_222 = vector.broadcast %lt3A_221 : i32 to vector<1x2048xi32>
    %lt3A_223 = arith.cmpi slt, %add3A_220, %lt3A_222 : vector<1x2048xi32>
    %convert_element_type3A_224 = arith.extui %lt3A_223 : vector<1x2048xi1> to vector<1x2048xi32>
    %convert_element_type3A_225 = arith.sitofp %convert_element_type3A_224 : vector<1x2048xi32> to vector<1x2048xf32>
    %slice3A_226 = vector.extract_strided_slice %div3A_7 {offsets = [0, 0], sizes = [1, 2048], strides = [1, 1]} : vector<8x2048xf32> to vector<1x2048xf32>
    %mul3A = arith.mulf %convert_element_type3A_225, %slice3A_226 : vector<1x2048xf32>
    %broadcast_in_dim3A_227 = arith.constant 0 : i32
    %broadcast_in_dim3A_228 = vector.broadcast %broadcast_in_dim3A_227 : i32 to vector<1x2048xi32>
    %gt3A_229 = arith.cmpf ogt, %select_n3A, %select_n3A_138 : vector<1x2048xf32>
    %eq3A_230 = arith.cmpf oeq, %select_n3A, %select_n3A_138 : vector<1x2048xf32>
    %and3A_231 = arith.constant true
    %and3A_232 = vector.broadcast %and3A_231 : i1 to vector<1x2048xi1>
    %and3A_233 = arith.andi %eq3A_230, %and3A_232 : vector<1x2048xi1>
    %or3A_234 = arith.ori %gt3A_229, %and3A_233 : vector<1x2048xi1>
    %convert_element_type3A_235 = arith.extui %or3A_234 : vector<1x2048xi1> to vector<1x2048xi32>
    %add3A_236 = arith.addi %broadcast_in_dim3A_228, %convert_element_type3A_235 : vector<1x2048xi32>
    %gt3A_237 = arith.cmpf ogt, %select_n3A_142, %select_n3A_138 : vector<1x2048xf32>
    %eq3A_238 = arith.cmpf oeq, %select_n3A_142, %select_n3A_138 : vector<1x2048xf32>
    %and3A_239 = arith.constant false
    %and3A_240 = vector.broadcast %and3A_239 : i1 to vector<1x2048xi1>
    %and3A_241 = arith.andi %eq3A_238, %and3A_240 : vector<1x2048xi1>
    %or3A_242 = arith.ori %gt3A_237, %and3A_241 : vector<1x2048xi1>
    %convert_element_type3A_243 = arith.extui %or3A_242 : vector<1x2048xi1> to vector<1x2048xi32>
    %add3A_244 = arith.addi %add3A_236, %convert_element_type3A_243 : vector<1x2048xi32>
    %gt3A_245 = arith.cmpf ogt, %select_n3A_146, %select_n3A_138 : vector<1x2048xf32>
    %eq3A_246 = arith.cmpf oeq, %select_n3A_146, %select_n3A_138 : vector<1x2048xf32>
    %and3A_247 = arith.constant false
    %and3A_248 = vector.broadcast %and3A_247 : i1 to vector<1x2048xi1>
    %and3A_249 = arith.andi %eq3A_246, %and3A_248 : vector<1x2048xi1>
    %or3A_250 = arith.ori %gt3A_245, %and3A_249 : vector<1x2048xi1>
    %convert_element_type3A_251 = arith.extui %or3A_250 : vector<1x2048xi1> to vector<1x2048xi32>
    %add3A_252 = arith.addi %add3A_244, %convert_element_type3A_251 : vector<1x2048xi32>
    %gt3A_253 = arith.cmpf ogt, %select_n3A_150, %select_n3A_138 : vector<1x2048xf32>
    %eq3A_254 = arith.cmpf oeq, %select_n3A_150, %select_n3A_138 : vector<1x2048xf32>
    %and3A_255 = arith.constant false
    %and3A_256 = vector.broadcast %and3A_255 : i1 to vector<1x2048xi1>
    %and3A_257 = arith.andi %eq3A_254, %and3A_256 : vector<1x2048xi1>
    %or3A_258 = arith.ori %gt3A_253, %and3A_257 : vector<1x2048xi1>
    %convert_element_type3A_259 = arith.extui %or3A_258 : vector<1x2048xi1> to vector<1x2048xi32>
    %add3A_260 = arith.addi %add3A_252, %convert_element_type3A_259 : vector<1x2048xi32>
    %gt3A_261 = arith.cmpf ogt, %select_n3A_154, %select_n3A_138 : vector<1x2048xf32>
    %eq3A_262 = arith.cmpf oeq, %select_n3A_154, %select_n3A_138 : vector<1x2048xf32>
    %and3A_263 = arith.constant false
    %and3A_264 = vector.broadcast %and3A_263 : i1 to vector<1x2048xi1>
    %and3A_265 = arith.andi %eq3A_262, %and3A_264 : vector<1x2048xi1>
    %or3A_266 = arith.ori %gt3A_261, %and3A_265 : vector<1x2048xi1>
    %convert_element_type3A_267 = arith.extui %or3A_266 : vector<1x2048xi1> to vector<1x2048xi32>
    %add3A_268 = arith.addi %add3A_260, %convert_element_type3A_267 : vector<1x2048xi32>
    %gt3A_269 = arith.cmpf ogt, %select_n3A_158, %select_n3A_138 : vector<1x2048xf32>
    %eq3A_270 = arith.cmpf oeq, %select_n3A_158, %select_n3A_138 : vector<1x2048xf32>
    %and3A_271 = arith.constant false
    %and3A_272 = vector.broadcast %and3A_271 : i1 to vector<1x2048xi1>
    %and3A_273 = arith.andi %eq3A_270, %and3A_272 : vector<1x2048xi1>
    %or3A_274 = arith.ori %gt3A_269, %and3A_273 : vector<1x2048xi1>
    %convert_element_type3A_275 = arith.extui %or3A_274 : vector<1x2048xi1> to vector<1x2048xi32>
    %add3A_276 = arith.addi %add3A_268, %convert_element_type3A_275 : vector<1x2048xi32>
    %gt3A_277 = arith.cmpf ogt, %select_n3A_162, %select_n3A_138 : vector<1x2048xf32>
    %eq3A_278 = arith.cmpf oeq, %select_n3A_162, %select_n3A_138 : vector<1x2048xf32>
    %and3A_279 = arith.constant false
    %and3A_280 = vector.broadcast %and3A_279 : i1 to vector<1x2048xi1>
    %and3A_281 = arith.andi %eq3A_278, %and3A_280 : vector<1x2048xi1>
    %or3A_282 = arith.ori %gt3A_277, %and3A_281 : vector<1x2048xi1>
    %convert_element_type3A_283 = arith.extui %or3A_282 : vector<1x2048xi1> to vector<1x2048xi32>
    %add3A_284 = arith.addi %add3A_276, %convert_element_type3A_283 : vector<1x2048xi32>
    %lt3A_285 = arith.constant 2 : i32
    %lt3A_286 = vector.broadcast %lt3A_285 : i32 to vector<1x2048xi32>
    %lt3A_287 = arith.cmpi slt, %add3A_284, %lt3A_286 : vector<1x2048xi32>
    %convert_element_type3A_288 = arith.extui %lt3A_287 : vector<1x2048xi1> to vector<1x2048xi32>
    %convert_element_type3A_289 = arith.sitofp %convert_element_type3A_288 : vector<1x2048xi32> to vector<1x2048xf32>
    %slice3A_290 = vector.extract_strided_slice %div3A_7 {offsets = [1, 0], sizes = [1, 2048], strides = [1, 1]} : vector<8x2048xf32> to vector<1x2048xf32>
    %mul3A_291 = arith.mulf %convert_element_type3A_289, %slice3A_290 : vector<1x2048xf32>
    %broadcast_in_dim3A_292 = arith.constant 0 : i32
    %broadcast_in_dim3A_293 = vector.broadcast %broadcast_in_dim3A_292 : i32 to vector<1x2048xi32>
    %gt3A_294 = arith.cmpf ogt, %select_n3A, %select_n3A_142 : vector<1x2048xf32>
    %eq3A_295 = arith.cmpf oeq, %select_n3A, %select_n3A_142 : vector<1x2048xf32>
    %and3A_296 = arith.constant true
    %and3A_297 = vector.broadcast %and3A_296 : i1 to vector<1x2048xi1>
    %and3A_298 = arith.andi %eq3A_295, %and3A_297 : vector<1x2048xi1>
    %or3A_299 = arith.ori %gt3A_294, %and3A_298 : vector<1x2048xi1>
    %convert_element_type3A_300 = arith.extui %or3A_299 : vector<1x2048xi1> to vector<1x2048xi32>
    %add3A_301 = arith.addi %broadcast_in_dim3A_293, %convert_element_type3A_300 : vector<1x2048xi32>
    %gt3A_302 = arith.cmpf ogt, %select_n3A_138, %select_n3A_142 : vector<1x2048xf32>
    %eq3A_303 = arith.cmpf oeq, %select_n3A_138, %select_n3A_142 : vector<1x2048xf32>
    %and3A_304 = arith.constant true
    %and3A_305 = vector.broadcast %and3A_304 : i1 to vector<1x2048xi1>
    %and3A_306 = arith.andi %eq3A_303, %and3A_305 : vector<1x2048xi1>
    %or3A_307 = arith.ori %gt3A_302, %and3A_306 : vector<1x2048xi1>
    %convert_element_type3A_308 = arith.extui %or3A_307 : vector<1x2048xi1> to vector<1x2048xi32>
    %add3A_309 = arith.addi %add3A_301, %convert_element_type3A_308 : vector<1x2048xi32>
    %gt3A_310 = arith.cmpf ogt, %select_n3A_146, %select_n3A_142 : vector<1x2048xf32>
    %eq3A_311 = arith.cmpf oeq, %select_n3A_146, %select_n3A_142 : vector<1x2048xf32>
    %and3A_312 = arith.constant false
    %and3A_313 = vector.broadcast %and3A_312 : i1 to vector<1x2048xi1>
    %and3A_314 = arith.andi %eq3A_311, %and3A_313 : vector<1x2048xi1>
    %or3A_315 = arith.ori %gt3A_310, %and3A_314 : vector<1x2048xi1>
    %convert_element_type3A_316 = arith.extui %or3A_315 : vector<1x2048xi1> to vector<1x2048xi32>
    %add3A_317 = arith.addi %add3A_309, %convert_element_type3A_316 : vector<1x2048xi32>
    %gt3A_318 = arith.cmpf ogt, %select_n3A_150, %select_n3A_142 : vector<1x2048xf32>
    %eq3A_319 = arith.cmpf oeq, %select_n3A_150, %select_n3A_142 : vector<1x2048xf32>
    %and3A_320 = arith.constant false
    %and3A_321 = vector.broadcast %and3A_320 : i1 to vector<1x2048xi1>
    %and3A_322 = arith.andi %eq3A_319, %and3A_321 : vector<1x2048xi1>
    %or3A_323 = arith.ori %gt3A_318, %and3A_322 : vector<1x2048xi1>
    %convert_element_type3A_324 = arith.extui %or3A_323 : vector<1x2048xi1> to vector<1x2048xi32>
    %add3A_325 = arith.addi %add3A_317, %convert_element_type3A_324 : vector<1x2048xi32>
    %gt3A_326 = arith.cmpf ogt, %select_n3A_154, %select_n3A_142 : vector<1x2048xf32>
    %eq3A_327 = arith.cmpf oeq, %select_n3A_154, %select_n3A_142 : vector<1x2048xf32>
    %and3A_328 = arith.constant false
    %and3A_329 = vector.broadcast %and3A_328 : i1 to vector<1x2048xi1>
    %and3A_330 = arith.andi %eq3A_327, %and3A_329 : vector<1x2048xi1>
    %or3A_331 = arith.ori %gt3A_326, %and3A_330 : vector<1x2048xi1>
    %convert_element_type3A_332 = arith.extui %or3A_331 : vector<1x2048xi1> to vector<1x2048xi32>
    %add3A_333 = arith.addi %add3A_325, %convert_element_type3A_332 : vector<1x2048xi32>
    %gt3A_334 = arith.cmpf ogt, %select_n3A_158, %select_n3A_142 : vector<1x2048xf32>
    %eq3A_335 = arith.cmpf oeq, %select_n3A_158, %select_n3A_142 : vector<1x2048xf32>
    %and3A_336 = arith.constant false
    %and3A_337 = vector.broadcast %and3A_336 : i1 to vector<1x2048xi1>
    %and3A_338 = arith.andi %eq3A_335, %and3A_337 : vector<1x2048xi1>
    %or3A_339 = arith.ori %gt3A_334, %and3A_338 : vector<1x2048xi1>
    %convert_element_type3A_340 = arith.extui %or3A_339 : vector<1x2048xi1> to vector<1x2048xi32>
    %add3A_341 = arith.addi %add3A_333, %convert_element_type3A_340 : vector<1x2048xi32>
    %gt3A_342 = arith.cmpf ogt, %select_n3A_162, %select_n3A_142 : vector<1x2048xf32>
    %eq3A_343 = arith.cmpf oeq, %select_n3A_162, %select_n3A_142 : vector<1x2048xf32>
    %and3A_344 = arith.constant false
    %and3A_345 = vector.broadcast %and3A_344 : i1 to vector<1x2048xi1>
    %and3A_346 = arith.andi %eq3A_343, %and3A_345 : vector<1x2048xi1>
    %or3A_347 = arith.ori %gt3A_342, %and3A_346 : vector<1x2048xi1>
    %convert_element_type3A_348 = arith.extui %or3A_347 : vector<1x2048xi1> to vector<1x2048xi32>
    %add3A_349 = arith.addi %add3A_341, %convert_element_type3A_348 : vector<1x2048xi32>
    %lt3A_350 = arith.constant 2 : i32
    %lt3A_351 = vector.broadcast %lt3A_350 : i32 to vector<1x2048xi32>
    %lt3A_352 = arith.cmpi slt, %add3A_349, %lt3A_351 : vector<1x2048xi32>
    %convert_element_type3A_353 = arith.extui %lt3A_352 : vector<1x2048xi1> to vector<1x2048xi32>
    %convert_element_type3A_354 = arith.sitofp %convert_element_type3A_353 : vector<1x2048xi32> to vector<1x2048xf32>
    %slice3A_355 = vector.extract_strided_slice %div3A_7 {offsets = [2, 0], sizes = [1, 2048], strides = [1, 1]} : vector<8x2048xf32> to vector<1x2048xf32>
    %mul3A_356 = arith.mulf %convert_element_type3A_354, %slice3A_355 : vector<1x2048xf32>
    %broadcast_in_dim3A_357 = arith.constant 0 : i32
    %broadcast_in_dim3A_358 = vector.broadcast %broadcast_in_dim3A_357 : i32 to vector<1x2048xi32>
    %gt3A_359 = arith.cmpf ogt, %select_n3A, %select_n3A_146 : vector<1x2048xf32>
    %eq3A_360 = arith.cmpf oeq, %select_n3A, %select_n3A_146 : vector<1x2048xf32>
    %and3A_361 = arith.constant true
    %and3A_362 = vector.broadcast %and3A_361 : i1 to vector<1x2048xi1>
    %and3A_363 = arith.andi %eq3A_360, %and3A_362 : vector<1x2048xi1>
    %or3A_364 = arith.ori %gt3A_359, %and3A_363 : vector<1x2048xi1>
    %convert_element_type3A_365 = arith.extui %or3A_364 : vector<1x2048xi1> to vector<1x2048xi32>
    %add3A_366 = arith.addi %broadcast_in_dim3A_358, %convert_element_type3A_365 : vector<1x2048xi32>
    %gt3A_367 = arith.cmpf ogt, %select_n3A_138, %select_n3A_146 : vector<1x2048xf32>
    %eq3A_368 = arith.cmpf oeq, %select_n3A_138, %select_n3A_146 : vector<1x2048xf32>
    %and3A_369 = arith.constant true
    %and3A_370 = vector.broadcast %and3A_369 : i1 to vector<1x2048xi1>
    %and3A_371 = arith.andi %eq3A_368, %and3A_370 : vector<1x2048xi1>
    %or3A_372 = arith.ori %gt3A_367, %and3A_371 : vector<1x2048xi1>
    %convert_element_type3A_373 = arith.extui %or3A_372 : vector<1x2048xi1> to vector<1x2048xi32>
    %add3A_374 = arith.addi %add3A_366, %convert_element_type3A_373 : vector<1x2048xi32>
    %gt3A_375 = arith.cmpf ogt, %select_n3A_142, %select_n3A_146 : vector<1x2048xf32>
    %eq3A_376 = arith.cmpf oeq, %select_n3A_142, %select_n3A_146 : vector<1x2048xf32>
    %and3A_377 = arith.constant true
    %and3A_378 = vector.broadcast %and3A_377 : i1 to vector<1x2048xi1>
    %and3A_379 = arith.andi %eq3A_376, %and3A_378 : vector<1x2048xi1>
    %or3A_380 = arith.ori %gt3A_375, %and3A_379 : vector<1x2048xi1>
    %convert_element_type3A_381 = arith.extui %or3A_380 : vector<1x2048xi1> to vector<1x2048xi32>
    %add3A_382 = arith.addi %add3A_374, %convert_element_type3A_381 : vector<1x2048xi32>
    %gt3A_383 = arith.cmpf ogt, %select_n3A_150, %select_n3A_146 : vector<1x2048xf32>
    %eq3A_384 = arith.cmpf oeq, %select_n3A_150, %select_n3A_146 : vector<1x2048xf32>
    %and3A_385 = arith.constant false
    %and3A_386 = vector.broadcast %and3A_385 : i1 to vector<1x2048xi1>
    %and3A_387 = arith.andi %eq3A_384, %and3A_386 : vector<1x2048xi1>
    %or3A_388 = arith.ori %gt3A_383, %and3A_387 : vector<1x2048xi1>
    %convert_element_type3A_389 = arith.extui %or3A_388 : vector<1x2048xi1> to vector<1x2048xi32>
    %add3A_390 = arith.addi %add3A_382, %convert_element_type3A_389 : vector<1x2048xi32>
    %gt3A_391 = arith.cmpf ogt, %select_n3A_154, %select_n3A_146 : vector<1x2048xf32>
    %eq3A_392 = arith.cmpf oeq, %select_n3A_154, %select_n3A_146 : vector<1x2048xf32>
    %and3A_393 = arith.constant false
    %and3A_394 = vector.broadcast %and3A_393 : i1 to vector<1x2048xi1>
    %and3A_395 = arith.andi %eq3A_392, %and3A_394 : vector<1x2048xi1>
    %or3A_396 = arith.ori %gt3A_391, %and3A_395 : vector<1x2048xi1>
    %convert_element_type3A_397 = arith.extui %or3A_396 : vector<1x2048xi1> to vector<1x2048xi32>
    %add3A_398 = arith.addi %add3A_390, %convert_element_type3A_397 : vector<1x2048xi32>
    %gt3A_399 = arith.cmpf ogt, %select_n3A_158, %select_n3A_146 : vector<1x2048xf32>
    %eq3A_400 = arith.cmpf oeq, %select_n3A_158, %select_n3A_146 : vector<1x2048xf32>
    %and3A_401 = arith.constant false
    %and3A_402 = vector.broadcast %and3A_401 : i1 to vector<1x2048xi1>
    %and3A_403 = arith.andi %eq3A_400, %and3A_402 : vector<1x2048xi1>
    %or3A_404 = arith.ori %gt3A_399, %and3A_403 : vector<1x2048xi1>
    %convert_element_type3A_405 = arith.extui %or3A_404 : vector<1x2048xi1> to vector<1x2048xi32>
    %add3A_406 = arith.addi %add3A_398, %convert_element_type3A_405 : vector<1x2048xi32>
    %gt3A_407 = arith.cmpf ogt, %select_n3A_162, %select_n3A_146 : vector<1x2048xf32>
    %eq3A_408 = arith.cmpf oeq, %select_n3A_162, %select_n3A_146 : vector<1x2048xf32>
    %and3A_409 = arith.constant false
    %and3A_410 = vector.broadcast %and3A_409 : i1 to vector<1x2048xi1>
    %and3A_411 = arith.andi %eq3A_408, %and3A_410 : vector<1x2048xi1>
    %or3A_412 = arith.ori %gt3A_407, %and3A_411 : vector<1x2048xi1>
    %convert_element_type3A_413 = arith.extui %or3A_412 : vector<1x2048xi1> to vector<1x2048xi32>
    %add3A_414 = arith.addi %add3A_406, %convert_element_type3A_413 : vector<1x2048xi32>
    %lt3A_415 = arith.constant 2 : i32
    %lt3A_416 = vector.broadcast %lt3A_415 : i32 to vector<1x2048xi32>
    %lt3A_417 = arith.cmpi slt, %add3A_414, %lt3A_416 : vector<1x2048xi32>
    %convert_element_type3A_418 = arith.extui %lt3A_417 : vector<1x2048xi1> to vector<1x2048xi32>
    %convert_element_type3A_419 = arith.sitofp %convert_element_type3A_418 : vector<1x2048xi32> to vector<1x2048xf32>
    %slice3A_420 = vector.extract_strided_slice %div3A_7 {offsets = [3, 0], sizes = [1, 2048], strides = [1, 1]} : vector<8x2048xf32> to vector<1x2048xf32>
    %mul3A_421 = arith.mulf %convert_element_type3A_419, %slice3A_420 : vector<1x2048xf32>
    %broadcast_in_dim3A_422 = arith.constant 0 : i32
    %broadcast_in_dim3A_423 = vector.broadcast %broadcast_in_dim3A_422 : i32 to vector<1x2048xi32>
    %gt3A_424 = arith.cmpf ogt, %select_n3A, %select_n3A_150 : vector<1x2048xf32>
    %eq3A_425 = arith.cmpf oeq, %select_n3A, %select_n3A_150 : vector<1x2048xf32>
    %and3A_426 = arith.constant true
    %and3A_427 = vector.broadcast %and3A_426 : i1 to vector<1x2048xi1>
    %and3A_428 = arith.andi %eq3A_425, %and3A_427 : vector<1x2048xi1>
    %or3A_429 = arith.ori %gt3A_424, %and3A_428 : vector<1x2048xi1>
    %convert_element_type3A_430 = arith.extui %or3A_429 : vector<1x2048xi1> to vector<1x2048xi32>
    %add3A_431 = arith.addi %broadcast_in_dim3A_423, %convert_element_type3A_430 : vector<1x2048xi32>
    %gt3A_432 = arith.cmpf ogt, %select_n3A_138, %select_n3A_150 : vector<1x2048xf32>
    %eq3A_433 = arith.cmpf oeq, %select_n3A_138, %select_n3A_150 : vector<1x2048xf32>
    %and3A_434 = arith.constant true
    %and3A_435 = vector.broadcast %and3A_434 : i1 to vector<1x2048xi1>
    %and3A_436 = arith.andi %eq3A_433, %and3A_435 : vector<1x2048xi1>
    %or3A_437 = arith.ori %gt3A_432, %and3A_436 : vector<1x2048xi1>
    %convert_element_type3A_438 = arith.extui %or3A_437 : vector<1x2048xi1> to vector<1x2048xi32>
    %add3A_439 = arith.addi %add3A_431, %convert_element_type3A_438 : vector<1x2048xi32>
    %gt3A_440 = arith.cmpf ogt, %select_n3A_142, %select_n3A_150 : vector<1x2048xf32>
    %eq3A_441 = arith.cmpf oeq, %select_n3A_142, %select_n3A_150 : vector<1x2048xf32>
    %and3A_442 = arith.constant true
    %and3A_443 = vector.broadcast %and3A_442 : i1 to vector<1x2048xi1>
    %and3A_444 = arith.andi %eq3A_441, %and3A_443 : vector<1x2048xi1>
    %or3A_445 = arith.ori %gt3A_440, %and3A_444 : vector<1x2048xi1>
    %convert_element_type3A_446 = arith.extui %or3A_445 : vector<1x2048xi1> to vector<1x2048xi32>
    %add3A_447 = arith.addi %add3A_439, %convert_element_type3A_446 : vector<1x2048xi32>
    %gt3A_448 = arith.cmpf ogt, %select_n3A_146, %select_n3A_150 : vector<1x2048xf32>
    %eq3A_449 = arith.cmpf oeq, %select_n3A_146, %select_n3A_150 : vector<1x2048xf32>
    %and3A_450 = arith.constant true
    %and3A_451 = vector.broadcast %and3A_450 : i1 to vector<1x2048xi1>
    %and3A_452 = arith.andi %eq3A_449, %and3A_451 : vector<1x2048xi1>
    %or3A_453 = arith.ori %gt3A_448, %and3A_452 : vector<1x2048xi1>
    %convert_element_type3A_454 = arith.extui %or3A_453 : vector<1x2048xi1> to vector<1x2048xi32>
    %add3A_455 = arith.addi %add3A_447, %convert_element_type3A_454 : vector<1x2048xi32>
    %gt3A_456 = arith.cmpf ogt, %select_n3A_154, %select_n3A_150 : vector<1x2048xf32>
    %eq3A_457 = arith.cmpf oeq, %select_n3A_154, %select_n3A_150 : vector<1x2048xf32>
    %and3A_458 = arith.constant false
    %and3A_459 = vector.broadcast %and3A_458 : i1 to vector<1x2048xi1>
    %and3A_460 = arith.andi %eq3A_457, %and3A_459 : vector<1x2048xi1>
    %or3A_461 = arith.ori %gt3A_456, %and3A_460 : vector<1x2048xi1>
    %convert_element_type3A_462 = arith.extui %or3A_461 : vector<1x2048xi1> to vector<1x2048xi32>
    %add3A_463 = arith.addi %add3A_455, %convert_element_type3A_462 : vector<1x2048xi32>
    %gt3A_464 = arith.cmpf ogt, %select_n3A_158, %select_n3A_150 : vector<1x2048xf32>
    %eq3A_465 = arith.cmpf oeq, %select_n3A_158, %select_n3A_150 : vector<1x2048xf32>
    %and3A_466 = arith.constant false
    %and3A_467 = vector.broadcast %and3A_466 : i1 to vector<1x2048xi1>
    %and3A_468 = arith.andi %eq3A_465, %and3A_467 : vector<1x2048xi1>
    %or3A_469 = arith.ori %gt3A_464, %and3A_468 : vector<1x2048xi1>
    %convert_element_type3A_470 = arith.extui %or3A_469 : vector<1x2048xi1> to vector<1x2048xi32>
    %add3A_471 = arith.addi %add3A_463, %convert_element_type3A_470 : vector<1x2048xi32>
    %gt3A_472 = arith.cmpf ogt, %select_n3A_162, %select_n3A_150 : vector<1x2048xf32>
    %eq3A_473 = arith.cmpf oeq, %select_n3A_162, %select_n3A_150 : vector<1x2048xf32>
    %and3A_474 = arith.constant false
    %and3A_475 = vector.broadcast %and3A_474 : i1 to vector<1x2048xi1>
    %and3A_476 = arith.andi %eq3A_473, %and3A_475 : vector<1x2048xi1>
    %or3A_477 = arith.ori %gt3A_472, %and3A_476 : vector<1x2048xi1>
    %convert_element_type3A_478 = arith.extui %or3A_477 : vector<1x2048xi1> to vector<1x2048xi32>
    %add3A_479 = arith.addi %add3A_471, %convert_element_type3A_478 : vector<1x2048xi32>
    %lt3A_480 = arith.constant 2 : i32
    %lt3A_481 = vector.broadcast %lt3A_480 : i32 to vector<1x2048xi32>
    %lt3A_482 = arith.cmpi slt, %add3A_479, %lt3A_481 : vector<1x2048xi32>
    %convert_element_type3A_483 = arith.extui %lt3A_482 : vector<1x2048xi1> to vector<1x2048xi32>
    %convert_element_type3A_484 = arith.sitofp %convert_element_type3A_483 : vector<1x2048xi32> to vector<1x2048xf32>
    %slice3A_485 = vector.extract_strided_slice %div3A_7 {offsets = [4, 0], sizes = [1, 2048], strides = [1, 1]} : vector<8x2048xf32> to vector<1x2048xf32>
    %mul3A_486 = arith.mulf %convert_element_type3A_484, %slice3A_485 : vector<1x2048xf32>
    %broadcast_in_dim3A_487 = arith.constant 0 : i32
    %broadcast_in_dim3A_488 = vector.broadcast %broadcast_in_dim3A_487 : i32 to vector<1x2048xi32>
    %gt3A_489 = arith.cmpf ogt, %select_n3A, %select_n3A_154 : vector<1x2048xf32>
    %eq3A_490 = arith.cmpf oeq, %select_n3A, %select_n3A_154 : vector<1x2048xf32>
    %and3A_491 = arith.constant true
    %and3A_492 = vector.broadcast %and3A_491 : i1 to vector<1x2048xi1>
    %and3A_493 = arith.andi %eq3A_490, %and3A_492 : vector<1x2048xi1>
    %or3A_494 = arith.ori %gt3A_489, %and3A_493 : vector<1x2048xi1>
    %convert_element_type3A_495 = arith.extui %or3A_494 : vector<1x2048xi1> to vector<1x2048xi32>
    %add3A_496 = arith.addi %broadcast_in_dim3A_488, %convert_element_type3A_495 : vector<1x2048xi32>
    %gt3A_497 = arith.cmpf ogt, %select_n3A_138, %select_n3A_154 : vector<1x2048xf32>
    %eq3A_498 = arith.cmpf oeq, %select_n3A_138, %select_n3A_154 : vector<1x2048xf32>
    %and3A_499 = arith.constant true
    %and3A_500 = vector.broadcast %and3A_499 : i1 to vector<1x2048xi1>
    %and3A_501 = arith.andi %eq3A_498, %and3A_500 : vector<1x2048xi1>
    %or3A_502 = arith.ori %gt3A_497, %and3A_501 : vector<1x2048xi1>
    %convert_element_type3A_503 = arith.extui %or3A_502 : vector<1x2048xi1> to vector<1x2048xi32>
    %add3A_504 = arith.addi %add3A_496, %convert_element_type3A_503 : vector<1x2048xi32>
    %gt3A_505 = arith.cmpf ogt, %select_n3A_142, %select_n3A_154 : vector<1x2048xf32>
    %eq3A_506 = arith.cmpf oeq, %select_n3A_142, %select_n3A_154 : vector<1x2048xf32>
    %and3A_507 = arith.constant true
    %and3A_508 = vector.broadcast %and3A_507 : i1 to vector<1x2048xi1>
    %and3A_509 = arith.andi %eq3A_506, %and3A_508 : vector<1x2048xi1>
    %or3A_510 = arith.ori %gt3A_505, %and3A_509 : vector<1x2048xi1>
    %convert_element_type3A_511 = arith.extui %or3A_510 : vector<1x2048xi1> to vector<1x2048xi32>
    %add3A_512 = arith.addi %add3A_504, %convert_element_type3A_511 : vector<1x2048xi32>
    %gt3A_513 = arith.cmpf ogt, %select_n3A_146, %select_n3A_154 : vector<1x2048xf32>
    %eq3A_514 = arith.cmpf oeq, %select_n3A_146, %select_n3A_154 : vector<1x2048xf32>
    %and3A_515 = arith.constant true
    %and3A_516 = vector.broadcast %and3A_515 : i1 to vector<1x2048xi1>
    %and3A_517 = arith.andi %eq3A_514, %and3A_516 : vector<1x2048xi1>
    %or3A_518 = arith.ori %gt3A_513, %and3A_517 : vector<1x2048xi1>
    %convert_element_type3A_519 = arith.extui %or3A_518 : vector<1x2048xi1> to vector<1x2048xi32>
    %add3A_520 = arith.addi %add3A_512, %convert_element_type3A_519 : vector<1x2048xi32>
    %gt3A_521 = arith.cmpf ogt, %select_n3A_150, %select_n3A_154 : vector<1x2048xf32>
    %eq3A_522 = arith.cmpf oeq, %select_n3A_150, %select_n3A_154 : vector<1x2048xf32>
    %and3A_523 = arith.constant true
    %and3A_524 = vector.broadcast %and3A_523 : i1 to vector<1x2048xi1>
    %and3A_525 = arith.andi %eq3A_522, %and3A_524 : vector<1x2048xi1>
    %or3A_526 = arith.ori %gt3A_521, %and3A_525 : vector<1x2048xi1>
    %convert_element_type3A_527 = arith.extui %or3A_526 : vector<1x2048xi1> to vector<1x2048xi32>
    %add3A_528 = arith.addi %add3A_520, %convert_element_type3A_527 : vector<1x2048xi32>
    %gt3A_529 = arith.cmpf ogt, %select_n3A_158, %select_n3A_154 : vector<1x2048xf32>
    %eq3A_530 = arith.cmpf oeq, %select_n3A_158, %select_n3A_154 : vector<1x2048xf32>
    %and3A_531 = arith.constant false
    %and3A_532 = vector.broadcast %and3A_531 : i1 to vector<1x2048xi1>
    %and3A_533 = arith.andi %eq3A_530, %and3A_532 : vector<1x2048xi1>
    %or3A_534 = arith.ori %gt3A_529, %and3A_533 : vector<1x2048xi1>
    %convert_element_type3A_535 = arith.extui %or3A_534 : vector<1x2048xi1> to vector<1x2048xi32>
    %add3A_536 = arith.addi %add3A_528, %convert_element_type3A_535 : vector<1x2048xi32>
    %gt3A_537 = arith.cmpf ogt, %select_n3A_162, %select_n3A_154 : vector<1x2048xf32>
    %eq3A_538 = arith.cmpf oeq, %select_n3A_162, %select_n3A_154 : vector<1x2048xf32>
    %and3A_539 = arith.constant false
    %and3A_540 = vector.broadcast %and3A_539 : i1 to vector<1x2048xi1>
    %and3A_541 = arith.andi %eq3A_538, %and3A_540 : vector<1x2048xi1>
    %or3A_542 = arith.ori %gt3A_537, %and3A_541 : vector<1x2048xi1>
    %convert_element_type3A_543 = arith.extui %or3A_542 : vector<1x2048xi1> to vector<1x2048xi32>
    %add3A_544 = arith.addi %add3A_536, %convert_element_type3A_543 : vector<1x2048xi32>
    %lt3A_545 = arith.constant 2 : i32
    %lt3A_546 = vector.broadcast %lt3A_545 : i32 to vector<1x2048xi32>
    %lt3A_547 = arith.cmpi slt, %add3A_544, %lt3A_546 : vector<1x2048xi32>
    %convert_element_type3A_548 = arith.extui %lt3A_547 : vector<1x2048xi1> to vector<1x2048xi32>
    %convert_element_type3A_549 = arith.sitofp %convert_element_type3A_548 : vector<1x2048xi32> to vector<1x2048xf32>
    %slice3A_550 = vector.extract_strided_slice %div3A_7 {offsets = [5, 0], sizes = [1, 2048], strides = [1, 1]} : vector<8x2048xf32> to vector<1x2048xf32>
    %mul3A_551 = arith.mulf %convert_element_type3A_549, %slice3A_550 : vector<1x2048xf32>
    %broadcast_in_dim3A_552 = arith.constant 0 : i32
    %broadcast_in_dim3A_553 = vector.broadcast %broadcast_in_dim3A_552 : i32 to vector<1x2048xi32>
    %gt3A_554 = arith.cmpf ogt, %select_n3A, %select_n3A_158 : vector<1x2048xf32>
    %eq3A_555 = arith.cmpf oeq, %select_n3A, %select_n3A_158 : vector<1x2048xf32>
    %and3A_556 = arith.constant true
    %and3A_557 = vector.broadcast %and3A_556 : i1 to vector<1x2048xi1>
    %and3A_558 = arith.andi %eq3A_555, %and3A_557 : vector<1x2048xi1>
    %or3A_559 = arith.ori %gt3A_554, %and3A_558 : vector<1x2048xi1>
    %convert_element_type3A_560 = arith.extui %or3A_559 : vector<1x2048xi1> to vector<1x2048xi32>
    %add3A_561 = arith.addi %broadcast_in_dim3A_553, %convert_element_type3A_560 : vector<1x2048xi32>
    %gt3A_562 = arith.cmpf ogt, %select_n3A_138, %select_n3A_158 : vector<1x2048xf32>
    %eq3A_563 = arith.cmpf oeq, %select_n3A_138, %select_n3A_158 : vector<1x2048xf32>
    %and3A_564 = arith.constant true
    %and3A_565 = vector.broadcast %and3A_564 : i1 to vector<1x2048xi1>
    %and3A_566 = arith.andi %eq3A_563, %and3A_565 : vector<1x2048xi1>
    %or3A_567 = arith.ori %gt3A_562, %and3A_566 : vector<1x2048xi1>
    %convert_element_type3A_568 = arith.extui %or3A_567 : vector<1x2048xi1> to vector<1x2048xi32>
    %add3A_569 = arith.addi %add3A_561, %convert_element_type3A_568 : vector<1x2048xi32>
    %gt3A_570 = arith.cmpf ogt, %select_n3A_142, %select_n3A_158 : vector<1x2048xf32>
    %eq3A_571 = arith.cmpf oeq, %select_n3A_142, %select_n3A_158 : vector<1x2048xf32>
    %and3A_572 = arith.constant true
    %and3A_573 = vector.broadcast %and3A_572 : i1 to vector<1x2048xi1>
    %and3A_574 = arith.andi %eq3A_571, %and3A_573 : vector<1x2048xi1>
    %or3A_575 = arith.ori %gt3A_570, %and3A_574 : vector<1x2048xi1>
    %convert_element_type3A_576 = arith.extui %or3A_575 : vector<1x2048xi1> to vector<1x2048xi32>
    %add3A_577 = arith.addi %add3A_569, %convert_element_type3A_576 : vector<1x2048xi32>
    %gt3A_578 = arith.cmpf ogt, %select_n3A_146, %select_n3A_158 : vector<1x2048xf32>
    %eq3A_579 = arith.cmpf oeq, %select_n3A_146, %select_n3A_158 : vector<1x2048xf32>
    %and3A_580 = arith.constant true
    %and3A_581 = vector.broadcast %and3A_580 : i1 to vector<1x2048xi1>
    %and3A_582 = arith.andi %eq3A_579, %and3A_581 : vector<1x2048xi1>
    %or3A_583 = arith.ori %gt3A_578, %and3A_582 : vector<1x2048xi1>
    %convert_element_type3A_584 = arith.extui %or3A_583 : vector<1x2048xi1> to vector<1x2048xi32>
    %add3A_585 = arith.addi %add3A_577, %convert_element_type3A_584 : vector<1x2048xi32>
    %gt3A_586 = arith.cmpf ogt, %select_n3A_150, %select_n3A_158 : vector<1x2048xf32>
    %eq3A_587 = arith.cmpf oeq, %select_n3A_150, %select_n3A_158 : vector<1x2048xf32>
    %and3A_588 = arith.constant true
    %and3A_589 = vector.broadcast %and3A_588 : i1 to vector<1x2048xi1>
    %and3A_590 = arith.andi %eq3A_587, %and3A_589 : vector<1x2048xi1>
    %or3A_591 = arith.ori %gt3A_586, %and3A_590 : vector<1x2048xi1>
    %convert_element_type3A_592 = arith.extui %or3A_591 : vector<1x2048xi1> to vector<1x2048xi32>
    %add3A_593 = arith.addi %add3A_585, %convert_element_type3A_592 : vector<1x2048xi32>
    %gt3A_594 = arith.cmpf ogt, %select_n3A_154, %select_n3A_158 : vector<1x2048xf32>
    %eq3A_595 = arith.cmpf oeq, %select_n3A_154, %select_n3A_158 : vector<1x2048xf32>
    %and3A_596 = arith.constant true
    %and3A_597 = vector.broadcast %and3A_596 : i1 to vector<1x2048xi1>
    %and3A_598 = arith.andi %eq3A_595, %and3A_597 : vector<1x2048xi1>
    %or3A_599 = arith.ori %gt3A_594, %and3A_598 : vector<1x2048xi1>
    %convert_element_type3A_600 = arith.extui %or3A_599 : vector<1x2048xi1> to vector<1x2048xi32>
    %add3A_601 = arith.addi %add3A_593, %convert_element_type3A_600 : vector<1x2048xi32>
    %gt3A_602 = arith.cmpf ogt, %select_n3A_162, %select_n3A_158 : vector<1x2048xf32>
    %eq3A_603 = arith.cmpf oeq, %select_n3A_162, %select_n3A_158 : vector<1x2048xf32>
    %and3A_604 = arith.constant false
    %and3A_605 = vector.broadcast %and3A_604 : i1 to vector<1x2048xi1>
    %and3A_606 = arith.andi %eq3A_603, %and3A_605 : vector<1x2048xi1>
    %or3A_607 = arith.ori %gt3A_602, %and3A_606 : vector<1x2048xi1>
    %convert_element_type3A_608 = arith.extui %or3A_607 : vector<1x2048xi1> to vector<1x2048xi32>
    %add3A_609 = arith.addi %add3A_601, %convert_element_type3A_608 : vector<1x2048xi32>
    %lt3A_610 = arith.constant 2 : i32
    %lt3A_611 = vector.broadcast %lt3A_610 : i32 to vector<1x2048xi32>
    %lt3A_612 = arith.cmpi slt, %add3A_609, %lt3A_611 : vector<1x2048xi32>
    %convert_element_type3A_613 = arith.extui %lt3A_612 : vector<1x2048xi1> to vector<1x2048xi32>
    %convert_element_type3A_614 = arith.sitofp %convert_element_type3A_613 : vector<1x2048xi32> to vector<1x2048xf32>
    %slice3A_615 = vector.extract_strided_slice %div3A_7 {offsets = [6, 0], sizes = [1, 2048], strides = [1, 1]} : vector<8x2048xf32> to vector<1x2048xf32>
    %mul3A_616 = arith.mulf %convert_element_type3A_614, %slice3A_615 : vector<1x2048xf32>
    %broadcast_in_dim3A_617 = arith.constant 0 : i32
    %broadcast_in_dim3A_618 = vector.broadcast %broadcast_in_dim3A_617 : i32 to vector<1x2048xi32>
    %gt3A_619 = arith.cmpf ogt, %select_n3A, %select_n3A_162 : vector<1x2048xf32>
    %eq3A_620 = arith.cmpf oeq, %select_n3A, %select_n3A_162 : vector<1x2048xf32>
    %and3A_621 = arith.constant true
    %and3A_622 = vector.broadcast %and3A_621 : i1 to vector<1x2048xi1>
    %and3A_623 = arith.andi %eq3A_620, %and3A_622 : vector<1x2048xi1>
    %or3A_624 = arith.ori %gt3A_619, %and3A_623 : vector<1x2048xi1>
    %convert_element_type3A_625 = arith.extui %or3A_624 : vector<1x2048xi1> to vector<1x2048xi32>
    %add3A_626 = arith.addi %broadcast_in_dim3A_618, %convert_element_type3A_625 : vector<1x2048xi32>
    %gt3A_627 = arith.cmpf ogt, %select_n3A_138, %select_n3A_162 : vector<1x2048xf32>
    %eq3A_628 = arith.cmpf oeq, %select_n3A_138, %select_n3A_162 : vector<1x2048xf32>
    %and3A_629 = arith.constant true
    %and3A_630 = vector.broadcast %and3A_629 : i1 to vector<1x2048xi1>
    %and3A_631 = arith.andi %eq3A_628, %and3A_630 : vector<1x2048xi1>
    %or3A_632 = arith.ori %gt3A_627, %and3A_631 : vector<1x2048xi1>
    %convert_element_type3A_633 = arith.extui %or3A_632 : vector<1x2048xi1> to vector<1x2048xi32>
    %add3A_634 = arith.addi %add3A_626, %convert_element_type3A_633 : vector<1x2048xi32>
    %gt3A_635 = arith.cmpf ogt, %select_n3A_142, %select_n3A_162 : vector<1x2048xf32>
    %eq3A_636 = arith.cmpf oeq, %select_n3A_142, %select_n3A_162 : vector<1x2048xf32>
    %and3A_637 = arith.constant true
    %and3A_638 = vector.broadcast %and3A_637 : i1 to vector<1x2048xi1>
    %and3A_639 = arith.andi %eq3A_636, %and3A_638 : vector<1x2048xi1>
    %or3A_640 = arith.ori %gt3A_635, %and3A_639 : vector<1x2048xi1>
    %convert_element_type3A_641 = arith.extui %or3A_640 : vector<1x2048xi1> to vector<1x2048xi32>
    %add3A_642 = arith.addi %add3A_634, %convert_element_type3A_641 : vector<1x2048xi32>
    %gt3A_643 = arith.cmpf ogt, %select_n3A_146, %select_n3A_162 : vector<1x2048xf32>
    %eq3A_644 = arith.cmpf oeq, %select_n3A_146, %select_n3A_162 : vector<1x2048xf32>
    %and3A_645 = arith.constant true
    %and3A_646 = vector.broadcast %and3A_645 : i1 to vector<1x2048xi1>
    %and3A_647 = arith.andi %eq3A_644, %and3A_646 : vector<1x2048xi1>
    %or3A_648 = arith.ori %gt3A_643, %and3A_647 : vector<1x2048xi1>
    %convert_element_type3A_649 = arith.extui %or3A_648 : vector<1x2048xi1> to vector<1x2048xi32>
    %add3A_650 = arith.addi %add3A_642, %convert_element_type3A_649 : vector<1x2048xi32>
    %gt3A_651 = arith.cmpf ogt, %select_n3A_150, %select_n3A_162 : vector<1x2048xf32>
    %eq3A_652 = arith.cmpf oeq, %select_n3A_150, %select_n3A_162 : vector<1x2048xf32>
    %and3A_653 = arith.constant true
    %and3A_654 = vector.broadcast %and3A_653 : i1 to vector<1x2048xi1>
    %and3A_655 = arith.andi %eq3A_652, %and3A_654 : vector<1x2048xi1>
    %or3A_656 = arith.ori %gt3A_651, %and3A_655 : vector<1x2048xi1>
    %convert_element_type3A_657 = arith.extui %or3A_656 : vector<1x2048xi1> to vector<1x2048xi32>
    %add3A_658 = arith.addi %add3A_650, %convert_element_type3A_657 : vector<1x2048xi32>
    %gt3A_659 = arith.cmpf ogt, %select_n3A_154, %select_n3A_162 : vector<1x2048xf32>
    %eq3A_660 = arith.cmpf oeq, %select_n3A_154, %select_n3A_162 : vector<1x2048xf32>
    %and3A_661 = arith.constant true
    %and3A_662 = vector.broadcast %and3A_661 : i1 to vector<1x2048xi1>
    %and3A_663 = arith.andi %eq3A_660, %and3A_662 : vector<1x2048xi1>
    %or3A_664 = arith.ori %gt3A_659, %and3A_663 : vector<1x2048xi1>
    %convert_element_type3A_665 = arith.extui %or3A_664 : vector<1x2048xi1> to vector<1x2048xi32>
    %add3A_666 = arith.addi %add3A_658, %convert_element_type3A_665 : vector<1x2048xi32>
    %gt3A_667 = arith.cmpf ogt, %select_n3A_158, %select_n3A_162 : vector<1x2048xf32>
    %eq3A_668 = arith.cmpf oeq, %select_n3A_158, %select_n3A_162 : vector<1x2048xf32>
    %and3A_669 = arith.constant true
    %and3A_670 = vector.broadcast %and3A_669 : i1 to vector<1x2048xi1>
    %and3A_671 = arith.andi %eq3A_668, %and3A_670 : vector<1x2048xi1>
    %or3A_672 = arith.ori %gt3A_667, %and3A_671 : vector<1x2048xi1>
    %convert_element_type3A_673 = arith.extui %or3A_672 : vector<1x2048xi1> to vector<1x2048xi32>
    %add3A_674 = arith.addi %add3A_666, %convert_element_type3A_673 : vector<1x2048xi32>
    %lt3A_675 = arith.constant 2 : i32
    %lt3A_676 = vector.broadcast %lt3A_675 : i32 to vector<1x2048xi32>
    %lt3A_677 = arith.cmpi slt, %add3A_674, %lt3A_676 : vector<1x2048xi32>
    %convert_element_type3A_678 = arith.extui %lt3A_677 : vector<1x2048xi1> to vector<1x2048xi32>
    %convert_element_type3A_679 = arith.sitofp %convert_element_type3A_678 : vector<1x2048xi32> to vector<1x2048xf32>
    %slice3A_680 = vector.extract_strided_slice %div3A_7 {offsets = [7, 0], sizes = [1, 2048], strides = [1, 1]} : vector<8x2048xf32> to vector<1x2048xf32>
    %mul3A_681 = arith.mulf %convert_element_type3A_679, %slice3A_680 : vector<1x2048xf32>
    %concatenate3A = tpu.concatenate %mul3A, %mul3A_291, %mul3A_356, %mul3A_421, %mul3A_486, %mul3A_551, %mul3A_616, %mul3A_681 in 0 : vector<1x2048xf32>, vector<1x2048xf32>, vector<1x2048xf32>, vector<1x2048xf32>, vector<1x2048xf32>, vector<1x2048xf32>, vector<1x2048xf32>, vector<1x2048xf32> -> vector<8x2048xf32>
    %reduce_sum3A = arith.constant dense<0.000000e+00> : vector<2048xf32>
    %reduce_sum3A_682 = vector.multi_reduction <add>, %concatenate3A, %reduce_sum3A [0] : vector<8x2048xf32> to vector<2048xf32>
    %broadcast_in_dim3A_683 = vector.shape_cast %reduce_sum3A_682 : vector<2048xf32> to vector<1x2048xf32>
    %add3A_684 = arith.constant 9.99999968E-21 : f32
    %add3A_685 = vector.broadcast %add3A_684 : f32 to vector<1x2048xf32>
    %add3A_686 = arith.addf %broadcast_in_dim3A_683, %add3A_685 : vector<1x2048xf32>
    %div3A_687 = arith.constant 2.500000e+00 : f32
    %div3A_688 = vector.broadcast %div3A_687 : f32 to vector<1x2048xf32>
    %div3A_689 = arith.divf %div3A_688, %add3A_686 : vector<1x2048xf32>
    %mul3A_690 = vector.broadcast %div3A_689 : vector<1x2048xf32> to vector<8x2048xf32>
    %mul3A_691 = arith.mulf %concatenate3A, %mul3A_690 : vector<8x2048xf32>
    %gt3A_692 = arith.constant 0.000000e+00 : f32
    %gt3A_693 = vector.broadcast %gt3A_692 : f32 to vector<8x2048xf32>
    %gt3A_694 = arith.cmpf ogt, %mul3A_691, %gt3A_693 : vector<8x2048xf32>
    %convert_element_type3A_695 = arith.extui %gt3A_694 : vector<8x2048xi1> to vector<8x2048xi32>
    %convert_element_type3A_696 = arith.sitofp %convert_element_type3A_695 : vector<8x2048xi32> to vector<8x2048xf32>
    %convert_element_type3A_697 = arith.truncf %convert_element_type3A_696 : vector<8x2048xf32> to vector<8x2048xbf16>
    %iota3A = tpu.iota {dimensions = array<i32: 0>} : vector<2048x2048xi32>
    %iota3A_698 = tpu.iota {dimensions = array<i32: 1>} : vector<2048x2048xi32>
    %le3A = arith.cmpi sle, %iota3A, %iota3A_698 : vector<2048x2048xi32>
    %convert_element_type3A_699 = arith.extui %le3A : vector<2048x2048xi1> to vector<2048x2048xi32>
    %convert_element_type3A_700 = arith.sitofp %convert_element_type3A_699 : vector<2048x2048xi32> to vector<2048x2048xf32>
    %convert_element_type3A_701 = arith.truncf %convert_element_type3A_700 : vector<2048x2048xf32> to vector<2048x2048xbf16>
    %dot_general3A = arith.constant dense<0.000000e+00> : vector<8x2048xf32>
    %dot_general3A_702 = tpu.matmul %convert_element_type3A_697, %convert_element_type3A_701, %dot_general3A {dimension_numbers = #tpu.dot_dimension_numbers<[1], [0], [0], [1], [0, 0, 1, 1], [], []>, transpose_lhs_hint = false} : vector<8x2048xbf16>, vector<2048x2048xbf16>, vector<8x2048xf32> -> vector<8x2048xf32>
    %slice3A_703 = vector.extract_strided_slice %dot_general3A_702 {offsets = [0, 2047], sizes = [8, 1], strides = [1, 1]} : vector<8x2048xf32> to vector<8x1xf32>
    %convert_element_type3A_704 = arith.fptosi %slice3A_703 : vector<8x1xf32> to vector<8x1xi32>
    %add3A_705 = arith.constant 255 : i32
    %add3A_706 = vector.broadcast %add3A_705 : i32 to vector<8x1xi32>
    %add3A_707 = arith.addi %convert_element_type3A_704, %add3A_706 : vector<8x1xi32>
    %shift_right_arithmetic3A = arith.constant 8 : i32
    %shift_right_arithmetic3A_708 = vector.broadcast %shift_right_arithmetic3A : i32 to vector<8x1xi32>
    %shift_right_arithmetic3A_709 = arith.shrsi %add3A_707, %shift_right_arithmetic3A_708 : vector<8x1xi32>
    %shift_left3A = arith.constant 8 : i32
    %shift_left3A_710 = vector.broadcast %shift_left3A : i32 to vector<8x1xi32>
    %shift_left3A_711 = arith.shli %shift_right_arithmetic3A_709, %shift_left3A_710 : vector<8x1xi32>
    %convert_element_type3A_712 = arith.sitofp %shift_left3A_711 : vector<8x1xi32> to vector<8x1xf32>
    %iota3A_713 = tpu.iota {dimensions = array<i32: 0>} : vector<8x8xi32>
    %iota3A_714 = tpu.iota {dimensions = array<i32: 1>} : vector<8x8xi32>
    %lt3A_715 = arith.cmpi slt, %iota3A_714, %iota3A_713 : vector<8x8xi32>
    %convert_element_type3A_716 = arith.extui %lt3A_715 : vector<8x8xi1> to vector<8x8xi32>
    %convert_element_type3A_717 = arith.sitofp %convert_element_type3A_716 : vector<8x8xi32> to vector<8x8xf32>
    %dot_general3A_718 = arith.constant dense<0.000000e+00> : vector<8x1xf32>
    %dot_general3A_719 = tpu.matmul %convert_element_type3A_717, %convert_element_type3A_712, %dot_general3A_718 {dimension_numbers = #tpu.dot_dimension_numbers<[1], [0], [0], [1], [0, 0, 1, 1], [], []>, transpose_lhs_hint = false} : vector<8x8xf32>, vector<8x1xf32>, vector<8x1xf32> -> vector<8x1xf32>
    %add3A_720 = vector.broadcast %dot_general3A_719 : vector<8x1xf32> to vector<8x2048xf32>
    %add3A_721 = arith.addf %add3A_720, %dot_general3A_702 : vector<8x2048xf32>
    %sub3A = arith.constant 1.000000e+00 : f32
    %sub3A_722 = vector.broadcast %sub3A : f32 to vector<8x2048xf32>
    %sub3A_723 = arith.subf %add3A_721, %sub3A_722 : vector<8x2048xf32>
    %gt3A_724 = arith.constant 0.000000e+00 : f32
    %gt3A_725 = vector.broadcast %gt3A_724 : f32 to vector<8x2048xf32>
    %gt3A_726 = arith.cmpf ogt, %mul3A_691, %gt3A_725 : vector<8x2048xf32>
    %jit3A_727 = arith.constant 1.000000e+09 : f32
    %broadcast_in_dim3A_728 = vector.broadcast %jit3A_727 : f32 to vector<8x2048xf32>
    %select_n3A_729 = arith.select %gt3A_726, %sub3A_723, %broadcast_in_dim3A_728 : vector<8x2048xi1>, vector<8x2048xf32>
    %reduce_min3A = arith.constant dense<0x7F800000> : vector<2048xf32>
    %reduce_min3A_730 = vector.multi_reduction <minimumf>, %select_n3A_729, %reduce_min3A [0] : vector<8x2048xf32> to vector<2048xf32>
    %broadcast_in_dim3A_731 = vector.shape_cast %reduce_min3A_730 : vector<2048xf32> to vector<1x2048xf32>
    %jit3A_732 = arith.constant -1.000000e+00 : f32
    %broadcast_in_dim3A_733 = vector.broadcast %jit3A_732 : f32 to vector<8x2048xf32>
    %select_n3A_734 = arith.select %gt3A_726, %sub3A_723, %broadcast_in_dim3A_733 : vector<8x2048xi1>, vector<8x2048xf32>
    %reduce_max3A = arith.constant dense<0xFF800000> : vector<2048xf32>
    %reduce_max3A_735 = vector.multi_reduction <maximumf>, %select_n3A_734, %reduce_max3A [0] : vector<8x2048xf32> to vector<2048xf32>
    %broadcast_in_dim3A_736 = vector.shape_cast %reduce_max3A_735 : vector<2048xf32> to vector<1x2048xf32>
    %convert_element_type3A_737 = arith.fptosi %broadcast_in_dim3A_731 : vector<1x2048xf32> to vector<1x2048xi32>
    %swap3A = arith.constant 0 : index
    %swap3A_738 = arith.constant 0 : index
    %swap3A_739 = vector.load %arg2[%swap3A, %swap3A_738] : memref<1x2048xi32, #tpu.memory_space<vmem>>, vector<1x2048xi32>
    tpu.vector_store %arg2[%swap3A, %swap3A_738], %convert_element_type3A_737 {strides = array<i32>} : memref<1x2048xi32, #tpu.memory_space<vmem>>, vector<1x2048xi32>,
    %convert_element_type3A_740 = arith.fptosi %broadcast_in_dim3A_736 : vector<1x2048xf32> to vector<1x2048xi32>
    %swap3A_741 = arith.constant 0 : index
    %swap3A_742 = arith.constant 0 : index
    %swap3A_743 = vector.load %arg3[%swap3A_741, %swap3A_742] : memref<1x2048xi32, #tpu.memory_space<vmem>>, vector<1x2048xi32>
    tpu.vector_store %arg3[%swap3A_741, %swap3A_742], %convert_element_type3A_740 {strides = array<i32>} : memref<1x2048xi32, #tpu.memory_space<vmem>>, vector<1x2048xi32>,
    %eq3A_744 = vector.broadcast %broadcast_in_dim3A_731 : vector<1x2048xf32> to vector<8x2048xf32>
    %eq3A_745 = arith.cmpf oeq, %sub3A_723, %eq3A_744 : vector<8x2048xf32>
    %and3A_746 = arith.andi %gt3A_726, %eq3A_745 : vector<8x2048xi1>
    %jit3A_747 = arith.constant 0.000000e+00 : f32
    %broadcast_in_dim3A_748 = vector.broadcast %jit3A_747 : f32 to vector<8x2048xf32>
    %select_n3A_749 = arith.select %and3A_746, %mul3A_691, %broadcast_in_dim3A_748 : vector<8x2048xi1>, vector<8x2048xf32>
    %reduce_sum3A_750 = arith.constant dense<0.000000e+00> : vector<2048xf32>
    %reduce_sum3A_751 = vector.multi_reduction <add>, %select_n3A_749, %reduce_sum3A_750 [0] : vector<8x2048xf32> to vector<2048xf32>
    %broadcast_in_dim3A_752 = vector.shape_cast %reduce_sum3A_751 : vector<2048xf32> to vector<1x2048xf32>
    %swap3A_753 = arith.constant 0 : index
    %swap3A_754 = arith.constant 0 : index
    %swap3A_755 = vector.load %arg4[%swap3A_753, %swap3A_754] : memref<1x2048xf32, #tpu.memory_space<vmem>>, vector<1x2048xf32>
    tpu.vector_store %arg4[%swap3A_753, %swap3A_754], %broadcast_in_dim3A_752 {strides = array<i32>} : memref<1x2048xf32, #tpu.memory_space<vmem>>, vector<1x2048xf32>,
    %eq3A_756 = vector.broadcast %broadcast_in_dim3A_736 : vector<1x2048xf32> to vector<8x2048xf32>
    %eq3A_757 = arith.cmpf oeq, %sub3A_723, %eq3A_756 : vector<8x2048xf32>
    %and3A_758 = arith.andi %gt3A_726, %eq3A_757 : vector<8x2048xi1>
    %jit3A_759 = arith.constant 0.000000e+00 : f32
    %broadcast_in_dim3A_760 = vector.broadcast %jit3A_759 : f32 to vector<8x2048xf32>
    %select_n3A_761 = arith.select %and3A_758, %mul3A_691, %broadcast_in_dim3A_760 : vector<8x2048xi1>, vector<8x2048xf32>
    %reduce_sum3A_762 = arith.constant dense<0.000000e+00> : vector<2048xf32>
    %reduce_sum3A_763 = vector.multi_reduction <add>, %select_n3A_761, %reduce_sum3A_762 [0] : vector<8x2048xf32> to vector<2048xf32>
    %broadcast_in_dim3A_764 = vector.shape_cast %reduce_sum3A_763 : vector<2048xf32> to vector<1x2048xf32>
    %swap3A_765 = arith.constant 0 : index
    %swap3A_766 = arith.constant 0 : index
    %swap3A_767 = vector.load %arg5[%swap3A_765, %swap3A_766] : memref<1x2048xf32, #tpu.memory_space<vmem>>, vector<1x2048xf32>
    tpu.vector_store %arg5[%swap3A_765, %swap3A_766], %broadcast_in_dim3A_764 {strides = array<i32>} : memref<1x2048xf32, #tpu.memory_space<vmem>>, vector<1x2048xf32>,
    %add3A_768 = arith.addf %dot_general3A_719, %convert_element_type3A_712 : vector<8x1xf32>
    %iota3A_769 = tpu.iota {dimensions = array<i32: 1>} : vector<8x24xi32>
    %mul3A_770 = arith.constant 256 : i32
    %mul3A_771 = vector.broadcast %mul3A_770 : i32 to vector<8x24xi32>
    %mul3A_772 = arith.muli %iota3A_769, %mul3A_771 : vector<8x24xi32>
    %convert_element_type3A_773 = arith.sitofp %mul3A_772 : vector<8x24xi32> to vector<8x24xf32>
    %ge3A = vector.broadcast %add3A_768 : vector<8x1xf32> to vector<8x24xf32>
    %ge3A_774 = arith.cmpf oge, %convert_element_type3A_773, %ge3A : vector<8x24xf32>
    %convert_element_type3A_775 = arith.extui %ge3A_774 : vector<8x24xi1> to vector<8x24xi32>
    %reduce_sum3A_776 = arith.constant dense<0> : vector<24xi32>
    %reduce_sum3A_777 = vector.multi_reduction <add>, %convert_element_type3A_775, %reduce_sum3A_776 [0] : vector<8x24xi32> to vector<24xi32>
    %broadcast_in_dim3A_778 = vector.shape_cast %reduce_sum3A_777 : vector<24xi32> to vector<1x24xi32>
    %min3A = arith.constant 7 : i32
    %min3A_779 = vector.broadcast %min3A : i32 to vector<1x24xi32>
    %min3A_780 = arith.minsi %broadcast_in_dim3A_778, %min3A_779 : vector<1x24xi32>
    %swap3A_781 = arith.constant 0 : index
    %swap3A_782 = arith.constant 0 : index
    %swap3A_783 = vector.load %arg6[%swap3A_781, %swap3A_782] : memref<1x24xi32, #tpu.memory_space<vmem>>, vector<1x24xi32>
    tpu.vector_store %arg6[%swap3A_781, %swap3A_782], %min3A_780 {strides = array<i32>} : memref<1x24xi32, #tpu.memory_space<vmem>>, vector<1x24xi32>,
    return
  }
}

module attributes {stable_mosaic.version = 14 : i64} {
  func.func @_grouped_body(%arg0: i32, %arg1: memref<24xi32, #tpu.memory_space<smem>>, %arg2: memref<256x1024xf32, #tpu.memory_space<vmem>>, %arg3: memref<256x1xf32, #tpu.memory_space<vmem>>, %arg4: memref<1x1024x512xf32, #tpu.memory_space<vmem>>, %arg5: memref<1x512x1024xf32, #tpu.memory_space<vmem>>, %arg6: memref<256x1024xf32, #tpu.memory_space<vmem>>) attributes {dimension_semantics = [#tpu.dimension_semantics<arbitrary>], iteration_bounds = array<i64: 24>, scalar_prefetch = 1 : i64, scratch_operands = 0 : i64, tpu.core_type = #tpu.core_type<tc>, window_params = [{transform_indices = @transform_0, window_bounds = array<i64: 256, 1024>}, {transform_indices = @transform_1, window_bounds = array<i64: 256, 1>}, {transform_indices = @transform_2, window_bounds = array<i64: 1, 1024, 512>}, {transform_indices = @transform_3, window_bounds = array<i64: 1, 512, 1024>}, {transform_indices = @transform_4, window_bounds = array<i64: 256, 1024>}]} {
    %get3A = arith.constant 0 : index
    %get3A_0 = arith.constant 0 : index
    %get3A_1 = vector.load %arg2[%get3A, %get3A_0] : memref<256x1024xf32, #tpu.memory_space<vmem>>, vector<256x1024xf32>
    %get3A_2 = arith.constant 0 : index
    %get3A_3 = arith.constant 0 : index
    %get3A_4 = arith.constant 0 : index
    %get3A_5 = vector.load %arg4[%get3A_2, %get3A_3, %get3A_4] : memref<1x1024x512xf32, #tpu.memory_space<vmem>>, vector<1x1024x512xf32>
    %get3A_6 = vector.shape_cast %get3A_5 : vector<1x1024x512xf32> to vector<1024x512xf32>
    %dot_general3A = arith.constant dense<0.000000e+00> : vector<256x512xf32>
    %dot_general3A_7 = tpu.matmul %get3A_1, %get3A_6, %dot_general3A {dimension_numbers = #tpu.dot_dimension_numbers<[1], [0], [0], [1], [0, 0, 1, 1], [], []>, transpose_lhs_hint = false} : vector<256x1024xf32>, vector<1024x512xf32>, vector<256x512xf32> -> vector<256x512xf32>
    %max3A = arith.constant 0.000000e+00 : f32
    %max3A_8 = vector.broadcast %max3A : f32 to vector<256x512xf32>
    %max3A_9 = arith.maximumf %dot_general3A_7, %max3A_8 : vector<256x512xf32>
    %mul3A = arith.mulf %max3A_9, %max3A_9 : vector<256x512xf32>
    %get3A_10 = arith.constant 0 : index
    %get3A_11 = arith.constant 0 : index
    %get3A_12 = arith.constant 0 : index
    %get3A_13 = vector.load %arg5[%get3A_10, %get3A_11, %get3A_12] : memref<1x512x1024xf32, #tpu.memory_space<vmem>>, vector<1x512x1024xf32>
    %get3A_14 = vector.shape_cast %get3A_13 : vector<1x512x1024xf32> to vector<512x1024xf32>
    %dot_general3A_15 = arith.constant dense<0.000000e+00> : vector<256x1024xf32>
    %dot_general3A_16 = tpu.matmul %mul3A, %get3A_14, %dot_general3A_15 {dimension_numbers = #tpu.dot_dimension_numbers<[1], [0], [0], [1], [0, 0, 1, 1], [], []>, transpose_lhs_hint = false} : vector<256x512xf32>, vector<512x1024xf32>, vector<256x1024xf32> -> vector<256x1024xf32>
    %get3A_17 = arith.constant 0 : index
    %get3A_18 = arith.constant 0 : index
    %get3A_19 = vector.load %arg3[%get3A_17, %get3A_18] : memref<256x1xf32, #tpu.memory_space<vmem>>, vector<256x1xf32>
    %mul3A_20 = vector.broadcast %get3A_19 : vector<256x1xf32> to vector<256x1024xf32>
    %mul3A_21 = arith.mulf %dot_general3A_16, %mul3A_20 : vector<256x1024xf32>
    %swap3A = arith.constant 0 : index
    %swap3A_22 = arith.constant 0 : index
    %swap3A_23 = vector.load %arg6[%swap3A, %swap3A_22] : memref<256x1024xf32, #tpu.memory_space<vmem>>, vector<256x1024xf32>
    tpu.vector_store %arg6[%swap3A, %swap3A_22], %mul3A_21 {strides = array<i32>} : memref<256x1024xf32, #tpu.memory_space<vmem>>, vector<256x1024xf32>,
    return
  }
  func.func @transform_0(%arg0: i32, %arg1: memref<24xi32, #tpu.memory_space<smem>>) -> (i32, i32) {
    %c0_i32 = arith.constant 0 : i32
    %c0_i32_0 = arith.constant 0 : i32
    return %arg0, %c0_i32 : i32, i32
  }
  func.func @transform_1(%arg0: i32, %arg1: memref<24xi32, #tpu.memory_space<smem>>) -> (i32, i32) {
    %c0_i32 = arith.constant 0 : i32
    %c0_i32_0 = arith.constant 0 : i32
    return %arg0, %c0_i32 : i32, i32
  }
  func.func @transform_2(%arg0: i32, %arg1: memref<24xi32, #tpu.memory_space<smem>>) -> (i32, i32, i32) {
    %get3A = arith.index_cast %arg0 : i32 to index
    %get3A_0 = memref.load %arg1[%get3A] : memref<24xi32, #tpu.memory_space<smem>>
    %c0_i32 = arith.constant 0 : i32
    %c0_i32_1 = arith.constant 0 : i32
    %c0_i32_2 = arith.constant 0 : i32
    return %get3A_0, %c0_i32, %c0_i32_1 : i32, i32, i32
  }
  func.func @transform_3(%arg0: i32, %arg1: memref<24xi32, #tpu.memory_space<smem>>) -> (i32, i32, i32) {
    %get3A = arith.index_cast %arg0 : i32 to index
    %get3A_0 = memref.load %arg1[%get3A] : memref<24xi32, #tpu.memory_space<smem>>
    %c0_i32 = arith.constant 0 : i32
    %c0_i32_1 = arith.constant 0 : i32
    %c0_i32_2 = arith.constant 0 : i32
    return %get3A_0, %c0_i32, %c0_i32_1 : i32, i32, i32
  }
  func.func @transform_4(%arg0: i32, %arg1: memref<24xi32, #tpu.memory_space<smem>>) -> (i32, i32) {
    %c0_i32 = arith.constant 0 : i32
    %c0_i32_0 = arith.constant 0 : i32
    return %arg0, %c0_i32 : i32, i32
  }
}

</mosaic_0001>

<sc_bundles>
// kernel: kernel.11.cloned.1.call-start
scs
__scs_entry_jumppad:
0x0: {  	(pc) =	sbr.rel $0x88, $3  }
0x1: {  	(tag) =	ssettag $0x0;
	lr =	simm.s32 $0x1  }
0x2: {  	[smem:$0x3F9A] =	sst lr;
	_ =	strace $0xD0000000  }
0x3: {  	_ = 	snop  }
0x4: {  	_ = 	snop  }
0x5: {  	_ = 	snop  }
0x6: {  	_ = 	snop  }
0x7: {  	_ = 	snop  }
__scs_overlays_trampoline_lowered:
0x8: {  	[smem:$0x3FA9] =	sst s0  }
0x9: {  	[smem:$0x3FAA] =	sst s1  }
0xa: {  	[smem:$0x3FAB] =	sst s2  }
0xb: {  	[smem:$0x3FAC] =	sst s3  }
0xc: {  	[smem:$0x3FAD] =	sst s4  }
0xd: {  	[smem:$0x3FAE] =	sst s5  }
0xe: {  	[smem:$0x3FAF] =	sst s6  }
0xf: {  	[smem:$0x3FB0] =	sst s7  }
0x10: {  	[smem:$0x3FB1] =	sst s8  }
0x11: {  	[smem:$0x3FB2] =	sst s9;
	s0 =	simm.s32 @!p0 $0x0  }
0x12: {  	s1 =	sld [smem:$0x3F98];
	s0 =	simm.s32 @p0 $0x1  }
0x13: {  	[smem:$0x3FB3] =	sst s0;
	s0 =	simm.s32 @!p1 $0x0  }
0x14: {  	s2 =	sld [smem:$0x3F97];
	s0 =	simm.s32 @p1 $0x1  }
0x15: {  	[smem:$0x3FB4] =	sst s0;
	s0 =	simm.s32 @!p2 $0x0  }
0x16: {  	s3 =	sld [smem:$0x3FDB];
	s0 =	simm.s32 @p2 $0x1  }
0x17: {  	s4 =	simm.s32 $0x1BF5;
	[smem:$0x3FB6] =	sst s0  }
0x18: {  	s0 =	sld [smem:$0x3F99];
	_ =	swait.ge [sflag:s4], $0x0  }
0x19: {  	s7 =	sld [smem:$0x3F9A]  }
0x1a: {  	s8 =	sadd.s32 $0xFFFFE003, lr  }
0x1b: {  	s9 =	sadd.s32 $0xFFFFFEF7, lr;
	s5 =	simm.s32 $0xFFFFFFFF;
	p2 =	slt.u32 s8, $0xFFFFF086  }
0x1c: {  	p1 =	slt.u32 s9, $0xF7A;
	s5 =	simm.s32 @!p2 $0x0  }
0x1d: {  	s5 =	simm.s32 @p1 $0x1;
	p0 =	seq.s32 s7, s2  }
0x1e: {  	s7 =	smul.u32 @!p0 $0xF7A, s2;
	p2 =	seq.s32 @!p0 s5, $0x0  }
0x1f: {  	s9 =	smul.u32 $0xF7A, s1;
	s8 =	simm.s32 @!p0 $0x1BF5;
	p2 =	por !p2, p0  }
0x20: {  	[sflag:s8] =	ssyncset.s32 @!p0 $0xFFFFF086;
	s6 =	sadd.s32 @!p0 s3, s7;
	s7 =	simm.s32 @!p0 $0x108  }
0x21: {  	s3 =	sadd.s32 s3, s9;
	s6 =	sadd.s32 @!p0 $0x88, s6;
	s7 =	simm.s32 @p2 $0x1082  }
0x22: {  	[simem:s7], [sflag:s8] =	dma.local @!p0 [hbm:s6], $0xF7A  }
0x23: {  	s9 =	sor.u32 $0xD0000000, s2;
	s6 =	simm.s32 $0x108;
	_ =	swait.ge @!p0 [sflag:s8], $0x0  }
0x24: {  	s3 =	sadd.s32 $0x88, s3;
	s6 =	simm.s32 @!p1 $0x1082;
	[sflag:s4] =	ssyncset.s32 $0xFFFFF086  }
0x25: {  	[simem:s6], [sflag:s4] =	dma.local [hbm:s3], $0xF7A  }
0x26: {  	[smem:$0x3F9A] =	sst s1;
	(tag) =	ssettag s2;
	_ =	strace s9  }
0x27: {  	s1 =	sld [smem:$0x3FAA]  }
0x28: {  	s2 =	sld [smem:$0x3FAB]  }
0x29: {  	s4 =	sld [smem:$0x3FAD]  }
0x2a: {  	p0 =	seq.s32 s5, $0x0;
	s5 =	sld [smem:$0x3FAE]  }
0x2b: {  	s6 =	sld [smem:$0x3FAF]  }
0x2c: {  	s7 =	sld [smem:$0x3FB0]  }
0x2d: {  	s3 =	simm.s32 $0x108;
	s8 =	sld [smem:$0x3FB1]  }
0x2e: {  	s3 =	simm.s32 @!p0 $0x1082;
	s9 =	sld [smem:$0x3FB2]  }
0x2f: {  	lr =	sadd.s32 s0, s3;
	s0 =	sld [smem:$0x3FA9]  }
0x30: {  	s3 =	sld [smem:$0x3FAC]  }
0x31: {  	[smem:$0x3FB5] =	sst s10  }
0x32: {  	s10 =	sld [smem:$0x3FB3];
	_ =	sdelay $0x3  }
0x33: {  	p0 =	seq.s32 s10, $0x1;
	s10 =	sld [smem:$0x3FB5];
	_ =	sdelay $0x3  }
0x34: {  	[smem:$0x3FB5] =	sst s10  }
0x35: {  	s10 =	sld [smem:$0x3FB4];
	_ =	sdelay $0x3  }
0x36: {  	p1 =	seq.s32 s10, $0x1;
	s10 =	sld [smem:$0x3FB5];
	_ =	sdelay $0x3  }
0x37: {  	[smem:$0x3FB5] =	sst s10  }
0x38: {  	s10 =	sld [smem:$0x3FB6]  }
0x39: {  	_ = 	snop;
	(pc) =	sbr.ind lr, $3  }
0x3a: {  	_ = 	snop  }
0x3b: {  	_ = 	snop  }
0x3c: {  	p2 =	seq.s32 s10, $0x1;
	s10 =	sld [smem:$0x3FB5]  }
0x3d: {  	_ =	shalt  }
0x3e: {  	_ =	shalt  }
0x3f: {  	_ =	shalt  }
0x40: {  	_ =	shalt  }
0x41: {  	_ =	shalt  }
0x42: {  	_ =	shalt  }
0x43: {  	_ =	shalt  }
0x44: {  	_ =	shalt  }
0x45: {  	_ =	shalt  }
0x46: {  	_ =	shalt  }
0x47: {  	_ =	shalt  }
0x48: {  	_ =	shalt  }
0x49: {  	_ =	shalt  }
0x4a: {  	_ =	shalt  }
0x4b: {  	_ =	shalt  }
0x4c: {  	_ =	shalt  }
0x4d: {  	_ =	shalt  }
0x4e: {  	_ =	shalt  }
0x4f: {  	_ =	shalt  }
0x50: {  	_ =	shalt  }
0x51: {  	_ =	shalt  }
0x52: {  	_ =	shalt  }
0x53: {  	_ =	shalt  }
0x54: {  	_ =	shalt  }
0x55: {  	_ =	shalt  }
0x56: {  	_ =	shalt  }
0x57: {  	_ =	shalt  }
0x58: {  	_ =	shalt  }
0x59: {  	_ =	shalt  }
0x5a: {  	_ =	shalt  }
0x5b: {  	_ =	shalt  }
0x5c: {  	_ =	shalt  }
0x5d: {  	_ =	shalt  }
0x5e: {  	_ =	shalt  }
0x5f: {  	_ =	shalt  }
0x60: {  	_ =	shalt  }
0x61: {  	_ =	shalt  }
0x62: {  	_ =	shalt  }
0x63: {  	_ =	shalt  }
0x64: {  	_ =	shalt  }
0x65: {  	_ =	shalt  }
0x66: {  	_ =	shalt  }
0x67: {  	_ =	shalt  }
0x68: {  	_ =	shalt  }
0x69: {  	_ =	shalt  }
0x6a: {  	_ =	shalt  }
0x6b: {  	_ =	shalt  }
0x6c: {  	_ =	shalt  }
0x6d: {  	_ =	shalt  }
0x6e: {  	_ =	shalt  }
0x6f: {  	_ =	shalt  }
0x70: {  	_ =	shalt  }
0x71: {  	_ =	shalt  }
0x72: {  	_ =	shalt  }
0x73: {  	_ =	shalt  }
0x74: {  	_ =	shalt  }
0x75: {  	_ =	shalt  }
0x76: {  	_ =	shalt  }
0x77: {  	_ =	shalt  }
0x78: {  	_ =	shalt  }
0x79: {  	_ =	shalt  }
0x7a: {  	_ =	shalt  }
0x7b: {  	_ =	shalt  }
0x7c: {  	_ =	shalt  }
0x7d: {  	_ =	shalt  }
0x7e: {  	_ =	shalt  }
0x7f: {  	_ =	shalt  }
0x80: {  	_ =	shalt  }
0x81: {  	_ =	shalt  }
0x82: {  	_ =	shalt  }
0x83: {  	_ =	shalt  }
0x84: {  	_ =	shalt  }
0x85: {  	_ =	shalt  }
0x86: {  	_ =	shalt  }
0x87: {  	_ =	shalt  }
.Lfunc_end0:
.L_simem_size_0:
called_computation.1_lowered:
.L_overlay_start_0:
0x88: {  	s2 =	sld [smem:$0x3FD9]  }
0x89: {  	s3 =	sld [smem:$0x3FFE];
	_ =	sdelay $0x1  }
0x8a: {  	s1 =	srdreg.scid  }
0x8b: {  	s0 =	sand.u32 $0x1, s1  }
0x8c: {  	s17 =	sshll.u32 s0, $0xA;
	s2 =	sadd.s32 s3, s2  }
0x8d: {  	s2 =	sadd.s32 s2, s17  }
0x8e: {  	[smem:$0x3FC1] =	sst s2  }
0x8f: {  	_ = 	snop  }
0x90: {  	s2 =	sld [smem:$0x3FC9]  }
0x91: {  	s18 =	sld [smem:$0x3FD0];
	(tm) =	ssettm $0x1  }
0x92: {  	s4 =	sld [smem:$0x3FFB];
	_ =	sdelay $0x3  }
0x93: {  	_ =	strace s4  }
0x94: {  	s4 =	sld [smem:$0x3FFC];
	_ =	sdelay $0x3  }
0x95: {  	_ =	strace s4  }
0x96: {  	s4 =	sld [smem:$0x3FFD];
	_ =	sdelay $0x3  }
0x97: {  	_ =	strace s4  }
0x98: {  	_ =	strace $0x8FFFFFFF  }
0x99: {  	s19 =	sld [smem:$0x3FDB];
	_ =	sdelay $0x1  }
0x9a: {  	s5 =	simm.s32 $_scs_section_size  }
0x9b: {  	s6 =	simm.s32 $_size__tile_overlayer_lowered;
	s7 =	simm.s32 $_tile_overlayer_lowered  }
0x9c: {  	s22 =	simm.s32 $0x1BFF;
	s21 =	sshll.u32 s7, $0x1;
	s4 =	sadd.s32 s5, s19  }
0x9d: {  	s8 =	simm.s32 $0x0;
	s20 =	sshll.u32 s6, $0x1;
	s6 =	sadd.s32 s21, s4  }
0x9e: {  	[timem:s8], [sflag:s22] =	dma.local [hbm:s6], s20  }
0x9f: {  	_ =	swait.ge [sflag:s22], s20  }
0xa0: {  	s5 =	ssub.s32 $0x0, s20;
	[sflag:s22] =	ssyncset.done $0x0  }
0xa1: {  	[sflag:s22] =	ssyncadd.s32 s5;
	_ =	sdelay $0x1  }
0xa2: {  	s23 =	simm.s32 $0x1B8B  }
0xa3: {  	_ =	swait.ge [sflag:s23], $0x1  }
0xa4: {  	[sflag:s23] =	ssyncset.done $0x0  }
0xa5: {  	s25 =	simm.s32 $0x1B8E;
	s24 =	sld [smem:$0x3FFE];
	[sflag:s23] =	ssyncadd.s32 $0xFFFFFFFF  }
0xa6: {  	s26 =	simm.s32 $execute0_lowered;
	[smem:$0x3FD2] =	sst s25  }
0xa7: {  	s6 =	sshll.u32 s26, $0x1;
	_ =	strace $0x80000049;
	[dreg:$0x1] =	wrdreg $0xFFFFFFFF  }
0xa8: {  	s28 =	simm.s32 $_size_execute0_lowered;
	s4 =	sadd.s32 s4, s6;
	[dreg:$0x0] =	wrdreg $0x0  }
0xa9: {  	s6 =	sshll.u32 s28, $0x1;
	[dreg:$0x2] =	wrdreg s4  }
0xaa: {  	[dreg:$0x3] =	wrdreg s6  }
0xab: {  	[dreg:$0x4] =	wrdreg $0xC0  }
0xac: {  	_ =	task [dreg:s8], $0x5FFFF  }
0xad: {  	[dreg:$0x1] =	wrdreg $0xFFFFFFFF  }
0xae: {  	[dreg:$0x0] =	wrdreg $0x60  }
0xaf: {  	[dreg:$0x2] =	wrdreg s2  }
0xb0: {  	[dreg:$0x3] =	wrdreg s18  }
0xb1: {  	[dreg:$0x4] =	wrdreg s24  }
0xb2: {  	[dreg:$0x5] =	wrdreg $0x9  }
0xb3: {  	_ =	task.clear_ibuf [dreg:s8], $0x6FFFF;
	_ =	strace $0x90000049  }
0xb4: {  	s29 =	simm.s32 $0x9;
	_ =	strace $0x8000004B  }
0xb5: {  	_ =	swait.ge [sflag:s29], $0x1  }
0xb6: {  	[sflag:s29] =	ssyncadd.s32 $0xFFFFFFFF  }
0xb7: {  	_ =	strace $0x9000004B  }
0xb8: {  	_ =	sfence  }
0xb9: {  	s30 =	sld [smem:$0x0];
	_ =	sdelay $0x2  }
0xba: {  	s31 =	sshll.u32 s1, $0xD;
	s1 =	sshrl.u32 s1, $0x2  }
0xbb: {  	s3 =	sand.u32 $0x4000, s31;
	s1 =	sadd.s32 s1, s30  }
0xbc: {  	s0 =	sor.u32 s3, s0;
	s1 =	sshll.u32 s1, $0x11  }
0xbd: {  	s0 =	sor.u32 s1, s0  }
0xbe: {  	s0 =	sadd.s32 $0x8F2B, s0  }
0xbf: {  	[sflag:s0] =	ssyncadd.remote.s32 $0x1  }
0xc0: {  	_ =	sfence.sel $0xFFFF  }
0xc1: {  	[dreg:$0x0] =	wrdreg $0xFFFFFFFF;
	(pc) =	sbr.abs _section_cstart, $3  }
0xc2: {  	[dreg:$0x1] =	wrdreg $0xFFFFFFFF  }
0xc3: {  	_ =	task.clear_ibuf [dreg:s8], $0x2FFFF;
	_ =	strace $0x9FFFFFFF  }
0xc4: {  	(tm) =	ssettm $0x7FFFFFFF  }
0xc5: {  	_ =	shalt  }
tec
execute0_lowered:
.L_overlay_start_1:
0x0: {  	(tag) =	ssettag $0x1  }
0x1: {  	s1 =	rddreg [dreg:$0x0]  }
0x2: {  	s0 =	srdreg.scid;
	s2 =	rddreg [dreg:$0x1]  }
0x3: {  	s3 =	stileid.u32;
	s4 =	rddreg [dreg:$0x2]  }
0x4: {  	s18 =	simm.s32 $0x1;
	s28 =	simm.s32 $0x4080;
	s29 =	simm.s32 $0x4880  }
0x5: {  	s30 =	simm.s32 $0x5080;
	s31 =	simm.s32 $0x5880;
	s10 =	simm.s32 $0x7080  }
0x6: {  	s11 =	simm.s32 $0x7880;
	s12 =	simm.s32 $0x8080;
	s13 =	simm.s32 $0x8880  }
0x7: {  	s14 =	simm.s32 $0x9080;
	s15 =	simm.s32 $0x9880;
	s16 =	simm.s32 $0xA080  }
0x8: {  	s17 =	simm.s32 $0xA880;
	s0 =	sand.u32 $0x1, s0;
	s3 =	sshll.u32 s3, $0x1  }
0x9: {  	s9 =	sadd.s32 $0x3800, s4;
	s4 =	sadd.s32 $0x100, s1;
	s5 =	sor.u32 s0, s3  }
0xa: {  	s3 =	simm.s32 $0x0;
	s0 =	ssub.s32 $0x2, s0;
	s6 =	smul.u32 $0xC0, s5  }
0xb: {  	[smem:$0x7FF] =	sst s3;
	s8 =	sshrl.u32 s0, $0x1;
	s5 =	smul.u32 $0x6000, s5  }
0xc: {  	_ =	strace $0x8000004A;
	s0 =	ssub.s32 s0, s8;
	s7 =	sshrl.u32 s6, $0x3  }
0xd: {  	s20 =	sadd.s32 s9, s5;
	s21 =	sadd.s32 $0x40, s6;
	s5 =	sadd.s32 $0x200, s1  }
0xe: {  	s6 =	sadd.s32 $0x80, s6;
	s7 =	sadd.s32 s2, s7;
	[dreg:$0x5] =	wrdreg s20  }
0xf: {  	s22 =	sshrl.u32 s21, $0x3;
	s8 =	sshll.u32 s21, $0x7;
	s24 =	sshrl.u32 s6, $0x3  }
0x10: {  	s25 =	sshll.u32 s6, $0x7;
	s6 =	sadd.s32 $0x300, s1;
	s20 =	simm.s32 $0x880  }
0x11: {  	s21 =	simm.s32 $0x1080;
	[dreg:$0x4] =	wrdreg s7;
	s7 =	sadd.s32 s2, s22  }
0x12: {  	s23 =	sadd.s32 s9, s8;
	s2 =	sadd.s32 s2, s24;
	[dreg:$0x6] =	wrdreg s7  }
0x13: {  	s26 =	sadd.s32 s9, s25;
	s8 =	simm.s32 $0x2;
	[dreg:$0x7] =	wrdreg s23  }
0x14: {  	v2 =	vlaneseq.u32;
	s22 =	simm.s32 $0x1880;
	s24 =	simm.s32 $0x2880;
	[dreg:$0x8] =	wrdreg s2  }
0x15: {  	vm0 =	vmmov $0xffff;
	v1 =	vshrl.u32 v2, $0x3;
	s25 =	simm.s32 $0x3080;
	[dreg:$0x9] =	wrdreg s26;
	s7 =	smax.u32 s0, $0x1  }
0x16: {  	v0 =	vand.u32 $0x7, v2;
	v2 =	vor.u32 $0x8, v2;
	v1 =	vmul.u32 $0x8, v1;
	s0 =	simm.s32 $0x80;
	s23 =	simm.s32 $0x2080;
	s26 =	simm.s32 $0x3880  }
.LBB2_1:
0x17: {  	s19 =	rddreg [dreg:$0x4]  }
0x18: {  	[tilespmem:s3], [sflag:$0x2] =	stream.linear.gather [hbm4b:s19+s3], $0x40, $0x38;
	[tilespmem:$0x10080] =	vst v63  }
0x19: {  	_ =	swait.ge [sflag:s8], $0x40  }
0x1a: {  	[sflag:s8] =	ssyncset.done $0x0  }
0x1b: {  	[sflag:s8] =	ssyncadd.s32 $0xFFFFFFC0  }
0x1c: {  	v3 =	vld [tilespmem:$0x0];
	_ =	sdelay $0x4  }
0x1d: {  	v4 =	vshll.u32 v3, $0x3  }
0x1e: {  	v3 =	vand.u32 $0x7, v3;
	v4 =	vand.u32 $0xFFFFFFC0, v4  }
0x1f: {  	v3 =	vor.u32 v3, v4  }
0x20: {  	v4 =	vperm.xlane v3, v0;
	_ =	sdelay $0x1  }
0x21: {  	v4 =	vadd.s32 v1, v4;
	_ =	sdelay $0x4  }
0x22: {  	[tilespmem:s0], [sflag:$0x1] =	stream.indirect_vreg.gather [hbm4b:s1+s3], $0x80, v4, vm0, $0xb8;
	[tilespmem:$0x10080] =	vst v63  }
0x23: {  	v3 =	vperm.xlane v3, v2  }
0x24: {  	[tilespmem:s20], [sflag:$0x1] =	stream.indirect_vreg.gather [hbm4b:s4+s3], $0x80, v4, vm0, $0xb8;
	[tilespmem:$0x10080] =	vst v63  }
0x25: {  	v3 =	vadd.s32 v1, v3  }
0x26: {  	[tilespmem:s21], [sflag:$0x1] =	stream.indirect_vreg.gather [hbm4b:s5+s3], $0x80, v4, vm0, $0xb8;
	[tilespmem:$0x10080] =	vst v63  }
0x27: {  	_ = 	snop  }
0x28: {  	[tilespmem:s22], [sflag:$0x1] =	stream.indirect_vreg.gather [hbm4b:s6+s3], $0x80, v4, vm0, $0xb8;
	[tilespmem:$0x10080] =	vst v63  }
0x29: {  	_ = 	snop  }
0x2a: {  	[tilespmem:s23], [sflag:$0x1] =	stream.indirect_vreg.gather [hbm4b:s1+s3], $0x80, v3, vm0, $0xb8;
	[tilespmem:$0x10080] =	vst v63  }
0x2b: {  	_ = 	snop  }
0x2c: {  	[tilespmem:s24], [sflag:$0x1] =	stream.indirect_vreg.gather [hbm4b:s4+s3], $0x80, v3, vm0, $0xb8;
	[tilespmem:$0x10080] =	vst v63  }
0x2d: {  	_ = 	snop  }
0x2e: {  	[tilespmem:s25], [sflag:$0x1] =	stream.indirect_vreg.gather [hbm4b:s5+s3], $0x80, v3, vm0, $0xb8;
	[tilespmem:$0x10080] =	vst v63  }
0x2f: {  	_ = 	snop  }
0x30: {  	[tilespmem:s26], [sflag:$0x1] =	stream.indirect_vreg.gather [hbm4b:s6+s3], $0x80, v3, vm0, $0xb8;
	[tilespmem:$0x10080] =	vst v63  }
0x31: {  	v3 =	vld [tilespmem:$0x10];
	_ =	sdelay $0x4  }
0x32: {  	v53 =	vshll.u32 v3, $0x3  }
0x33: {  	v3 =	vand.u32 $0x7, v3;
	v4 =	vand.u32 $0xFFFFFFC0, v53  }
0x34: {  	v3 =	vor.u32 v3, v4  }
0x35: {  	v4 =	vperm.xlane v3, v0;
	_ =	sdelay $0x1  }
0x36: {  	v4 =	vadd.s32 v1, v4;
	_ =	sdelay $0x4  }
0x37: {  	[tilespmem:s28], [sflag:$0x1] =	stream.indirect_vreg.gather [hbm4b:s1+s3], $0x80, v4, vm0, $0xb8;
	[tilespmem:$0x10080] =	vst v63  }
0x38: {  	v3 =	vperm.xlane v3, v2  }
0x39: {  	[tilespmem:s29], [sflag:$0x1] =	stream.indirect_vreg.gather [hbm4b:s4+s3], $0x80, v4, vm0, $0xb8;
	[tilespmem:$0x10080] =	vst v63  }
0x3a: {  	v3 =	vadd.s32 v1, v3  }
0x3b: {  	[tilespmem:s30], [sflag:$0x1] =	stream.indirect_vreg.gather [hbm4b:s5+s3], $0x80, v4, vm0, $0xb8;
	[tilespmem:$0x10080] =	vst v63  }
0x3c: {  	_ = 	snop  }
0x3d: {  	[tilespmem:s31], [sflag:$0x1] =	stream.indirect_vreg.gather [hbm4b:s6+s3], $0x80, v4, vm0, $0xb8;
	[tilespmem:$0x10080] =	vst v63  }
0x3e: {  	s2 =	simm.s32 $0x6080  }
0x3f: {  	[tilespmem:s2], [sflag:$0x1] =	stream.indirect_vreg.gather [hbm4b:s1+s3], $0x80, v3, vm0, $0xb8;
	[tilespmem:$0x10080] =	vst v63  }
0x40: {  	s9 =	simm.s32 $0x6880  }
0x41: {  	[tilespmem:s9], [sflag:$0x1] =	stream.indirect_vreg.gather [hbm4b:s4+s3], $0x80, v3, vm0, $0xb8;
	[tilespmem:$0x10080] =	vst v63  }
0x42: {  	_ = 	snop  }
0x43: {  	[tilespmem:s10], [sflag:$0x1] =	stream.indirect_vreg.gather [hbm4b:s5+s3], $0x80, v3, vm0, $0xb8;
	[tilespmem:$0x10080] =	vst v63  }
0x44: {  	_ = 	snop  }
0x45: {  	[tilespmem:s11], [sflag:$0x1] =	stream.indirect_vreg.gather [hbm4b:s6+s3], $0x80, v3, vm0, $0xb8;
	[tilespmem:$0x10080] =	vst v63  }
0x46: {  	v3 =	vld [tilespmem:$0x20];
	_ =	sdelay $0x4  }
0x47: {  	v54 =	vshll.u32 v3, $0x3  }
0x48: {  	v3 =	vand.u32 $0x7, v3;
	v4 =	vand.u32 $0xFFFFFFC0, v54  }
0x49: {  	v3 =	vor.u32 v3, v4  }
0x4a: {  	v4 =	vperm.xlane v3, v0;
	_ =	sdelay $0x1  }
0x4b: {  	v4 =	vadd.s32 v1, v4;
	_ =	sdelay $0x4  }
0x4c: {  	[tilespmem:s12], [sflag:$0x1] =	stream.indirect_vreg.gather [hbm4b:s1+s3], $0x80, v4, vm0, $0xb8;
	[tilespmem:$0x10080] =	vst v63  }
0x4d: {  	v3 =	vperm.xlane v3, v2  }
0x4e: {  	[tilespmem:s13], [sflag:$0x1] =	stream.indirect_vreg.gather [hbm4b:s4+s3], $0x80, v4, vm0, $0xb8;
	[tilespmem:$0x10080] =	vst v63  }
0x4f: {  	v3 =	vadd.s32 v1, v3  }
0x50: {  	[tilespmem:s14], [sflag:$0x1] =	stream.indirect_vreg.gather [hbm4b:s5+s3], $0x80, v4, vm0, $0xb8;
	[tilespmem:$0x10080] =	vst v63  }
0x51: {  	_ = 	snop  }
0x52: {  	[tilespmem:s15], [sflag:$0x1] =	stream.indirect_vreg.gather [hbm4b:s6+s3], $0x80, v4, vm0, $0xb8;
	[tilespmem:$0x10080] =	vst v63  }
0x53: {  	_ = 	snop  }
0x54: {  	[tilespmem:s16], [sflag:$0x1] =	stream.indirect_vreg.gather [hbm4b:s1+s3], $0x80, v3, vm0, $0xb8;
	[tilespmem:$0x10080] =	vst v63  }
0x55: {  	_ = 	snop  }
0x56: {  	[tilespmem:s17], [sflag:$0x1] =	stream.indirect_vreg.gather [hbm4b:s4+s3], $0x80, v3, vm0, $0xb8;
	[tilespmem:$0x10080] =	vst v63  }
0x57: {  	s9 =	simm.s32 $0xB080  }
0x58: {  	[tilespmem:s9], [sflag:$0x1] =	stream.indirect_vreg.gather [hbm4b:s5+s3], $0x80, v3, vm0, $0xb8;
	[tilespmem:$0x10080] =	vst v63  }
0x59: {  	s19 =	simm.s32 $0xB880  }
0x5a: {  	[tilespmem:s19], [sflag:$0x1] =	stream.indirect_vreg.gather [hbm4b:s6+s3], $0x80, v3, vm0, $0xb8;
	[tilespmem:$0x10080] =	vst v63  }
0x5b: {  	v3 =	vld [tilespmem:$0x30];
	_ =	sdelay $0x4  }
0x5c: {  	v55 =	vshll.u32 v3, $0x3  }
0x5d: {  	v3 =	vand.u32 $0x7, v3;
	v4 =	vand.u32 $0xFFFFFFC0, v55  }
0x5e: {  	v3 =	vor.u32 v3, v4  }
0x5f: {  	v4 =	vperm.xlane v3, v0;
	_ =	sdelay $0x1  }
0x60: {  	v4 =	vadd.s32 v1, v4;
	_ =	sdelay $0x3  }
0x61: {  	s19 =	simm.s32 $0xC080  }
0x62: {  	[tilespmem:s19], [sflag:$0x1] =	stream.indirect_vreg.gather [hbm4b:s1+s3], $0x80, v4, vm0, $0xb8;
	[tilespmem:$0x10080] =	vst v63  }
0x63: {  	v3 =	vperm.xlane v3, v2;
	s19 =	simm.s32 $0xC880  }
0x64: {  	[tilespmem:s19], [sflag:$0x1] =	stream.indirect_vreg.gather [hbm4b:s4+s3], $0x80, v4, vm0, $0xb8;
	[tilespmem:$0x10080] =	vst v63  }
0x65: {  	v3 =	vadd.s32 v1, v3;
	s19 =	simm.s32 $0xD080  }
0x66: {  	[tilespmem:s19], [sflag:$0x1] =	stream.indirect_vreg.gather [hbm4b:s5+s3], $0x80, v4, vm0, $0xb8;
	[tilespmem:$0x10080] =	vst v63  }
0x67: {  	s19 =	simm.s32 $0xD880  }
0x68: {  	[tilespmem:s19], [sflag:$0x1] =	stream.indirect_vreg.gather [hbm4b:s6+s3], $0x80, v4, vm0, $0xb8;
	[tilespmem:$0x10080] =	vst v63  }
0x69: {  	s19 =	simm.s32 $0xE080  }
0x6a: {  	[tilespmem:s19], [sflag:$0x1] =	stream.indirect_vreg.gather [hbm4b:s1+s3], $0x80, v3, vm0, $0xb8;
	[tilespmem:$0x10080] =	vst v63  }
0x6b: {  	s19 =	simm.s32 $0xE880  }
0x6c: {  	[tilespmem:s19], [sflag:$0x1] =	stream.indirect_vreg.gather [hbm4b:s4+s3], $0x80, v3, vm0, $0xb8;
	[tilespmem:$0x10080] =	vst v63  }
0x6d: {  	s19 =	simm.s32 $0xF080  }
0x6e: {  	[tilespmem:s19], [sflag:$0x1] =	stream.indirect_vreg.gather [hbm4b:s5+s3], $0x80, v3, vm0, $0xb8;
	[tilespmem:$0x10080] =	vst v63  }
0x6f: {  	s19 =	simm.s32 $0xF880  }
0x70: {  	[tilespmem:s19], [sflag:$0x1] =	stream.indirect_vreg.gather [hbm4b:s6+s3], $0x80, v3, vm0, $0xb8;
	[tilespmem:$0x10080] =	vst v63  }
0x71: {  	_ =	swait.ge [sflag:s18], $0x10000  }
0x72: {  	[sflag:s18] =	ssyncset.done $0x0  }
0x73: {  	s19 =	rddreg [dreg:$0x5];
	[sflag:s18] =	ssyncadd.s32 $0xFFFF0000  }
0x74: {  	[hbm4b:s19+s3] =	stream.linear.scatter [tilespmem:s0], [sflag:$0x2], $0x10000, $0x38;
	[tilespmem:$0x10080] =	vst v63  }
0x75: {  	_ =	swait.ge [sflag:s8], $0x10000  }
0x76: {  	[sflag:s8] =	ssyncset.done $0x0  }
0x77: {  	s19 =	rddreg [dreg:$0x6];
	[sflag:s8] =	ssyncadd.s32 $0xFFFF0000  }
0x78: {  	[tilespmem:s3], [sflag:$0x2] =	stream.linear.gather [hbm4b:s19+s3], $0x40, $0x38;
	[tilespmem:$0x10080] =	vst v63  }
0x79: {  	_ =	swait.ge [sflag:s8], $0x40  }
0x7a: {  	[sflag:s8] =	ssyncset.done $0x0  }
0x7b: {  	[sflag:s8] =	ssyncadd.s32 $0xFFFFFFC0  }
0x7c: {  	v3 =	vld [tilespmem:$0x0];
	_ =	sdelay $0x4  }
0x7d: {  	v56 =	vshll.u32 v3, $0x3  }
0x7e: {  	v3 =	vand.u32 $0x7, v3;
	v4 =	vand.u32 $0xFFFFFFC0, v56  }
0x7f: {  	v3 =	vor.u32 v3, v4  }
0x80: {  	v4 =	vperm.xlane v3, v0;
	_ =	sdelay $0x1  }
0x81: {  	v4 =	vadd.s32 v1, v4;
	_ =	sdelay $0x4  }
0x82: {  	[tilespmem:s0], [sflag:$0x1] =	stream.indirect_vreg.gather [hbm4b:s1+s3], $0x80, v4, vm0, $0xb8;
	[tilespmem:$0x10080] =	vst v63  }
0x83: {  	v3 =	vperm.xlane v3, v2  }
0x84: {  	[tilespmem:s20], [sflag:$0x1] =	stream.indirect_vreg.gather [hbm4b:s4+s3], $0x80, v4, vm0, $0xb8;
	[tilespmem:$0x10080] =	vst v63  }
0x85: {  	v3 =	vadd.s32 v1, v3  }
0x86: {  	[tilespmem:s21], [sflag:$0x1] =	stream.indirect_vreg.gather [hbm4b:s5+s3], $0x80, v4, vm0, $0xb8;
	[tilespmem:$0x10080] =	vst v63  }
0x87: {  	_ = 	snop  }
0x88: {  	[tilespmem:s22], [sflag:$0x1] =	stream.indirect_vreg.gather [hbm4b:s6+s3], $0x80, v4, vm0, $0xb8;
	[tilespmem:$0x10080] =	vst v63  }
0x89: {  	_ = 	snop  }
0x8a: {  	[tilespmem:s23], [sflag:$0x1] =	stream.indirect_vreg.gather [hbm4b:s1+s3], $0x80, v3, vm0, $0xb8;
	[tilespmem:$0x10080] =	vst v63  }
0x8b: {  	_ = 	snop  }
0x8c: {  	[tilespmem:s24], [sflag:$0x1] =	stream.indirect_vreg.gather [hbm4b:s4+s3], $0x80, v3, vm0, $0xb8;
	[tilespmem:$0x10080] =	vst v63  }
0x8d: {  	_ = 	snop  }
0x8e: {  	[tilespmem:s25], [sflag:$0x1] =	stream.indirect_vreg.gather [hbm4b:s5+s3], $0x80, v3, vm0, $0xb8;
	[tilespmem:$0x10080] =	vst v63  }
0x8f: {  	_ = 	snop  }
0x90: {  	[tilespmem:s26], [sflag:$0x1] =	stream.indirect_vreg.gather [hbm4b:s6+s3], $0x80, v3, vm0, $0xb8;
	[tilespmem:$0x10080] =	vst v63  }
0x91: {  	v3 =	vld [tilespmem:$0x10];
	_ =	sdelay $0x4  }
0x92: {  	v57 =	vshll.u32 v3, $0x3  }
0x93: {  	v3 =	vand.u32 $0x7, v3;
	v4 =	vand.u32 $0xFFFFFFC0, v57  }
0x94: {  	v3 =	vor.u32 v3, v4  }
0x95: {  	v4 =	vperm.xlane v3, v0;
	_ =	sdelay $0x1  }
0x96: {  	v4 =	vadd.s32 v1, v4;
	_ =	sdelay $0x4  }
0x97: {  	[tilespmem:s28], [sflag:$0x1] =	stream.indirect_vreg.gather [hbm4b:s1+s3], $0x80, v4, vm0, $0xb8;
	[tilespmem:$0x10080] =	vst v63  }
0x98: {  	v3 =	vperm.xlane v3, v2  }
0x99: {  	[tilespmem:s29], [sflag:$0x1] =	stream.indirect_vreg.gather [hbm4b:s4+s3], $0x80, v4, vm0, $0xb8;
	[tilespmem:$0x10080] =	vst v63  }
0x9a: {  	v3 =	vadd.s32 v1, v3  }
0x9b: {  	[tilespmem:s30], [sflag:$0x1] =	stream.indirect_vreg.gather [hbm4b:s5+s3], $0x80, v4, vm0, $0xb8;
	[tilespmem:$0x10080] =	vst v63  }
0x9c: {  	_ = 	snop  }
0x9d: {  	[tilespmem:s31], [sflag:$0x1] =	stream.indirect_vreg.gather [hbm4b:s6+s3], $0x80, v4, vm0, $0xb8;
	[tilespmem:$0x10080] =	vst v63  }
0x9e: {  	_ = 	snop  }
0x9f: {  	[tilespmem:s2], [sflag:$0x1] =	stream.indirect_vreg.gather [hbm4b:s1+s3], $0x80, v3, vm0, $0xb8;
	[tilespmem:$0x10080] =	vst v63  }
0xa0: {  	s19 =	simm.s32 $0x6880  }
0xa1: {  	[tilespmem:s19], [sflag:$0x1] =	stream.indirect_vreg.gather [hbm4b:s4+s3], $0x80, v3, vm0, $0xb8;
	[tilespmem:$0x10080] =	vst v63  }
0xa2: {  	_ = 	snop  }
0xa3: {  	[tilespmem:s10], [sflag:$0x1] =	stream.indirect_vreg.gather [hbm4b:s5+s3], $0x80, v3, vm0, $0xb8;
	[tilespmem:$0x10080] =	vst v63  }
0xa4: {  	_ = 	snop  }
0xa5: {  	[tilespmem:s11], [sflag:$0x1] =	stream.indirect_vreg.gather [hbm4b:s6+s3], $0x80, v3, vm0, $0xb8;
	[tilespmem:$0x10080] =	vst v63  }
0xa6: {  	v3 =	vld [tilespmem:$0x20];
	_ =	sdelay $0x4  }
0xa7: {  	v58 =	vshll.u32 v3, $0x3  }
0xa8: {  	v3 =	vand.u32 $0x7, v3;
	v4 =	vand.u32 $0xFFFFFFC0, v58  }
0xa9: {  	v3 =	vor.u32 v3, v4  }
0xaa: {  	v4 =	vperm.xlane v3, v0;
	_ =	sdelay $0x1  }
0xab: {  	v4 =	vadd.s32 v1, v4;
	_ =	sdelay $0x4  }
0xac: {  	[tilespmem:s12], [sflag:$0x1] =	stream.indirect_vreg.gather [hbm4b:s1+s3], $0x80, v4, vm0, $0xb8;
	[tilespmem:$0x10080] =	vst v63  }
0xad: {  	v3 =	vperm.xlane v3, v2  }
0xae: {  	[tilespmem:s13], [sflag:$0x1] =	stream.indirect_vreg.gather [hbm4b:s4+s3], $0x80, v4, vm0, $0xb8;
	[tilespmem:$0x10080] =	vst v63  }
0xaf: {  	v3 =	vadd.s32 v1, v3  }
0xb0: {  	[tilespmem:s14], [sflag:$0x1] =	stream.indirect_vreg.gather [hbm4b:s5+s3], $0x80, v4, vm0, $0xb8;
	[tilespmem:$0x10080] =	vst v63  }
0xb1: {  	_ = 	snop  }
0xb2: {  	[tilespmem:s15], [sflag:$0x1] =	stream.indirect_vreg.gather [hbm4b:s6+s3], $0x80, v4, vm0, $0xb8;
	[tilespmem:$0x10080] =	vst v63  }
0xb3: {  	_ = 	snop  }
0xb4: {  	[tilespmem:s16], [sflag:$0x1] =	stream.indirect_vreg.gather [hbm4b:s1+s3], $0x80, v3, vm0, $0xb8;
	[tilespmem:$0x10080] =	vst v63  }
0xb5: {  	_ = 	snop  }
0xb6: {  	[tilespmem:s17], [sflag:$0x1] =	stream.indirect_vreg.gather [hbm4b:s4+s3], $0x80, v3, vm0, $0xb8;
	[tilespmem:$0x10080] =	vst v63  }
0xb7: {  	_ = 	snop  }
0xb8: {  	[tilespmem:s9], [sflag:$0x1] =	stream.indirect_vreg.gather [hbm4b:s5+s3], $0x80, v3, vm0, $0xb8;
	[tilespmem:$0x10080] =	vst v63  }
0xb9: {  	s19 =	simm.s32 $0xB880  }
0xba: {  	[tilespmem:s19], [sflag:$0x1] =	stream.indirect_vreg.gather [hbm4b:s6+s3], $0x80, v3, vm0, $0xb8;
	[tilespmem:$0x10080] =	vst v63  }
0xbb: {  	v3 =	vld [tilespmem:$0x30];
	_ =	sdelay $0x4  }
0xbc: {  	v59 =	vshll.u32 v3, $0x3  }
0xbd: {  	v3 =	vand.u32 $0x7, v3;
	v4 =	vand.u32 $0xFFFFFFC0, v59  }
0xbe: {  	v3 =	vor.u32 v3, v4  }
0xbf: {  	v4 =	vperm.xlane v3, v0;
	_ =	sdelay $0x1  }
0xc0: {  	v4 =	vadd.s32 v1, v4;
	_ =	sdelay $0x3  }
0xc1: {  	s19 =	simm.s32 $0xC080  }
0xc2: {  	[tilespmem:s19], [sflag:$0x1] =	stream.indirect_vreg.gather [hbm4b:s1+s3], $0x80, v4, vm0, $0xb8;
	[tilespmem:$0x10080] =	vst v63  }
0xc3: {  	v3 =	vperm.xlane v3, v2;
	s19 =	simm.s32 $0xC880  }
0xc4: {  	[tilespmem:s19], [sflag:$0x1] =	stream.indirect_vreg.gather [hbm4b:s4+s3], $0x80, v4, vm0, $0xb8;
	[tilespmem:$0x10080] =	vst v63  }
0xc5: {  	v3 =	vadd.s32 v1, v3;
	s19 =	simm.s32 $0xD080  }
0xc6: {  	[tilespmem:s19], [sflag:$0x1] =	stream.indirect_vreg.gather [hbm4b:s5+s3], $0x80, v4, vm0, $0xb8;
	[tilespmem:$0x10080] =	vst v63  }
0xc7: {  	s19 =	simm.s32 $0xD880  }
0xc8: {  	[tilespmem:s19], [sflag:$0x1] =	stream.indirect_vreg.gather [hbm4b:s6+s3], $0x80, v4, vm0, $0xb8;
	[tilespmem:$0x10080] =	vst v63  }
0xc9: {  	s19 =	simm.s32 $0xE080  }
0xca: {  	[tilespmem:s19], [sflag:$0x1] =	stream.indirect_vreg.gather [hbm4b:s1+s3], $0x80, v3, vm0, $0xb8;
	[tilespmem:$0x10080] =	vst v63  }
0xcb: {  	s19 =	simm.s32 $0xE880  }
0xcc: {  	[tilespmem:s19], [sflag:$0x1] =	stream.indirect_vreg.gather [hbm4b:s4+s3], $0x80, v3, vm0, $0xb8;
	[tilespmem:$0x10080] =	vst v63  }
0xcd: {  	s19 =	simm.s32 $0xF080  }
0xce: {  	[tilespmem:s19], [sflag:$0x1] =	stream.indirect_vreg.gather [hbm4b:s5+s3], $0x80, v3, vm0, $0xb8;
	[tilespmem:$0x10080] =	vst v63  }
0xcf: {  	s19 =	simm.s32 $0xF880  }
0xd0: {  	[tilespmem:s19], [sflag:$0x1] =	stream.indirect_vreg.gather [hbm4b:s6+s3], $0x80, v3, vm0, $0xb8;
	[tilespmem:$0x10080] =	vst v63  }
0xd1: {  	_ =	swait.ge [sflag:s18], $0x10000  }
0xd2: {  	[sflag:s18] =	ssyncset.done $0x0  }
0xd3: {  	s19 =	rddreg [dreg:$0x7];
	[sflag:s18] =	ssyncadd.s32 $0xFFFF0000  }
0xd4: {  	[hbm4b:s19+s3] =	stream.linear.scatter [tilespmem:s0], [sflag:$0x2], $0x10000, $0x38;
	[tilespmem:$0x10080] =	vst v63  }
0xd5: {  	_ =	swait.ge [sflag:s8], $0x10000  }
0xd6: {  	[sflag:s8] =	ssyncset.done $0x0  }
0xd7: {  	s19 =	rddreg [dreg:$0x8];
	[sflag:s8] =	ssyncadd.s32 $0xFFFF0000  }
0xd8: {  	[tilespmem:s3], [sflag:$0x2] =	stream.linear.gather [hbm4b:s19+s3], $0x40, $0x38;
	[tilespmem:$0x10080] =	vst v63  }
0xd9: {  	_ =	swait.ge [sflag:s8], $0x40  }
0xda: {  	[sflag:s8] =	ssyncset.done $0x0  }
0xdb: {  	[sflag:s8] =	ssyncadd.s32 $0xFFFFFFC0  }
0xdc: {  	v3 =	vld [tilespmem:$0x0];
	_ =	sdelay $0x4  }
0xdd: {  	v60 =	vshll.u32 v3, $0x3  }
0xde: {  	v3 =	vand.u32 $0x7, v3;
	v4 =	vand.u32 $0xFFFFFFC0, v60  }
0xdf: {  	v3 =	vor.u32 v3, v4  }
0xe0: {  	v4 =	vperm.xlane v3, v0;
	_ =	sdelay $0x1  }
0xe1: {  	v4 =	vadd.s32 v1, v4;
	_ =	sdelay $0x4  }
0xe2: {  	[tilespmem:s0], [sflag:$0x1] =	stream.indirect_vreg.gather [hbm4b:s1+s3], $0x80, v4, vm0, $0xb8;
	[tilespmem:$0x10080] =	vst v63  }
0xe3: {  	v3 =	vperm.xlane v3, v2  }
0xe4: {  	[tilespmem:s20], [sflag:$0x1] =	stream.indirect_vreg.gather [hbm4b:s4+s3], $0x80, v4, vm0, $0xb8;
	[tilespmem:$0x10080] =	vst v63  }
0xe5: {  	v3 =	vadd.s32 v1, v3  }
0xe6: {  	[tilespmem:s21], [sflag:$0x1] =	stream.indirect_vreg.gather [hbm4b:s5+s3], $0x80, v4, vm0, $0xb8;
	[tilespmem:$0x10080] =	vst v63  }
0xe7: {  	_ = 	snop  }
0xe8: {  	[tilespmem:s22], [sflag:$0x1] =	stream.indirect_vreg.gather [hbm4b:s6+s3], $0x80, v4, vm0, $0xb8;
	[tilespmem:$0x10080] =	vst v63  }
0xe9: {  	_ = 	snop  }
0xea: {  	[tilespmem:s23], [sflag:$0x1] =	stream.indirect_vreg.gather [hbm4b:s1+s3], $0x80, v3, vm0, $0xb8;
	[tilespmem:$0x10080] =	vst v63  }
0xeb: {  	_ = 	snop  }
0xec: {  	[tilespmem:s24], [sflag:$0x1] =	stream.indirect_vreg.gather [hbm4b:s4+s3], $0x80, v3, vm0, $0xb8;
	[tilespmem:$0x10080] =	vst v63  }
0xed: {  	_ = 	snop  }
0xee: {  	[tilespmem:s25], [sflag:$0x1] =	stream.indirect_vreg.gather [hbm4b:s5+s3], $0x80, v3, vm0, $0xb8;
	[tilespmem:$0x10080] =	vst v63  }
0xef: {  	_ = 	snop  }
0xf0: {  	[tilespmem:s26], [sflag:$0x1] =	stream.indirect_vreg.gather [hbm4b:s6+s3], $0x80, v3, vm0, $0xb8;
	[tilespmem:$0x10080] =	vst v63  }
0xf1: {  	v3 =	vld [tilespmem:$0x10];
	_ =	sdelay $0x4  }
0xf2: {  	v61 =	vshll.u32 v3, $0x3  }
0xf3: {  	v3 =	vand.u32 $0x7, v3;
	v4 =	vand.u32 $0xFFFFFFC0, v61  }
0xf4: {  	v3 =	vor.u32 v3, v4  }
0xf5: {  	v4 =	vperm.xlane v3, v0;
	_ =	sdelay $0x1  }
0xf6: {  	v4 =	vadd.s32 v1, v4;
	_ =	sdelay $0x4  }
0xf7: {  	[tilespmem:s28], [sflag:$0x1] =	stream.indirect_vreg.gather [hbm4b:s1+s3], $0x80, v4, vm0, $0xb8;
	[tilespmem:$0x10080] =	vst v63  }
0xf8: {  	v3 =	vperm.xlane v3, v2  }
0xf9: {  	[tilespmem:s29], [sflag:$0x1] =	stream.indirect_vreg.gather [hbm4b:s4+s3], $0x80, v4, vm0, $0xb8;
	[tilespmem:$0x10080] =	vst v63  }
0xfa: {  	v3 =	vadd.s32 v1, v3  }
0xfb: {  	[tilespmem:s30], [sflag:$0x1] =	stream.indirect_vreg.gather [hbm4b:s5+s3], $0x80, v4, vm0, $0xb8;
	[tilespmem:$0x10080] =	vst v63  }
0xfc: {  	_ = 	snop  }
0xfd: {  	[tilespmem:s31], [sflag:$0x1] =	stream.indirect_vreg.gather [hbm4b:s6+s3], $0x80, v4, vm0, $0xb8;
	[tilespmem:$0x10080] =	vst v63  }
0xfe: {  	_ = 	snop  }
0xff: {  	[tilespmem:s2], [sflag:$0x1] =	stream.indirect_vreg.gather [hbm4b:s1+s3], $0x80, v3, vm0, $0xb8;
	[tilespmem:$0x10080] =	vst v63  }
0x100: {  	s19 =	simm.s32 $0x6880  }
0x101: {  	[tilespmem:s19], [sflag:$0x1] =	stream.indirect_vreg.gather [hbm4b:s4+s3], $0x80, v3, vm0, $0xb8;
	[tilespmem:$0x10080] =	vst v63  }
0x102: {  	_ = 	snop  }
0x103: {  	[tilespmem:s10], [sflag:$0x1] =	stream.indirect_vreg.gather [hbm4b:s5+s3], $0x80, v3, vm0, $0xb8;
	[tilespmem:$0x10080] =	vst v63  }
0x104: {  	_ = 	snop  }
0x105: {  	[tilespmem:s11], [sflag:$0x1] =	stream.indirect_vreg.gather [hbm4b:s6+s3], $0x80, v3, vm0, $0xb8;
	[tilespmem:$0x10080] =	vst v63  }
0x106: {  	v3 =	vld [tilespmem:$0x20];
	_ =	sdelay $0x4  }
0x107: {  	v62 =	vshll.u32 v3, $0x3  }
0x108: {  	v3 =	vand.u32 $0x7, v3;
	v4 =	vand.u32 $0xFFFFFFC0, v62  }
0x109: {  	v3 =	vor.u32 v3, v4  }
0x10a: {  	v4 =	vperm.xlane v3, v0;
	_ =	sdelay $0x1  }
0x10b: {  	v4 =	vadd.s32 v1, v4;
	_ =	sdelay $0x4  }
0x10c: {  	[tilespmem:s12], [sflag:$0x1] =	stream.indirect_vreg.gather [hbm4b:s1+s3], $0x80, v4, vm0, $0xb8;
	[tilespmem:$0x10080] =	vst v63  }
0x10d: {  	v3 =	vperm.xlane v3, v2  }
0x10e: {  	[tilespmem:s13], [sflag:$0x1] =	stream.indirect_vreg.gather [hbm4b:s4+s3], $0x80, v4, vm0, $0xb8;
	[tilespmem:$0x10080] =	vst v63  }
0x10f: {  	v3 =	vadd.s32 v1, v3  }
0x110: {  	[tilespmem:s14], [sflag:$0x1] =	stream.indirect_vreg.gather [hbm4b:s5+s3], $0x80, v4, vm0, $0xb8;
	[tilespmem:$0x10080] =	vst v63  }
0x111: {  	_ = 	snop  }
0x112: {  	[tilespmem:s15], [sflag:$0x1] =	stream.indirect_vreg.gather [hbm4b:s6+s3], $0x80, v4, vm0, $0xb8;
	[tilespmem:$0x10080] =	vst v63  }
0x113: {  	_ = 	snop  }
0x114: {  	[tilespmem:s16], [sflag:$0x1] =	stream.indirect_vreg.gather [hbm4b:s1+s3], $0x80, v3, vm0, $0xb8;
	[tilespmem:$0x10080] =	vst v63  }
0x115: {  	_ = 	snop  }
0x116: {  	[tilespmem:s17], [sflag:$0x1] =	stream.indirect_vreg.gather [hbm4b:s4+s3], $0x80, v3, vm0, $0xb8;
	[tilespmem:$0x10080] =	vst v63  }
0x117: {  	_ = 	snop  }
0x118: {  	[tilespmem:s9], [sflag:$0x1] =	stream.indirect_vreg.gather [hbm4b:s5+s3], $0x80, v3, vm0, $0xb8;
	[tilespmem:$0x10080] =	vst v63  }
0x119: {  	s19 =	simm.s32 $0xB880  }
0x11a: {  	[tilespmem:s19], [sflag:$0x1] =	stream.indirect_vreg.gather [hbm4b:s6+s3], $0x80, v3, vm0, $0xb8;
	[tilespmem:$0x10080] =	vst v63  }
0x11b: {  	v3 =	vld [tilespmem:$0x30];
	_ =	sdelay $0x4  }
0x11c: {  	v63 =	vshll.u32 v3, $0x3  }
0x11d: {  	v3 =	vand.u32 $0x7, v3;
	v4 =	vand.u32 $0xFFFFFFC0, v63  }
0x11e: {  	v3 =	vor.u32 v3, v4  }
0x11f: {  	v4 =	vperm.xlane v3, v0;
	_ =	sdelay $0x1  }
0x120: {  	v4 =	vadd.s32 v1, v4;
	_ =	sdelay $0x3  }
0x121: {  	s9 =	simm.s32 $0xC080  }
0x122: {  	[tilespmem:s9], [sflag:$0x1] =	stream.indirect_vreg.gather [hbm4b:s1+s3], $0x80, v4, vm0, $0xb8;
	[tilespmem:$0x10080] =	vst v63  }
0x123: {  	s19 =	simm.s32 $0xC880;
	v3 =	vperm.xlane v3, v2  }
0x124: {  	[tilespmem:s19], [sflag:$0x1] =	stream.indirect_vreg.gather [hbm4b:s4+s3], $0x80, v4, vm0, $0xb8;
	[tilespmem:$0x10080] =	vst v63  }
0x125: {  	v3 =	vadd.s32 v1, v3;
	s9 =	simm.s32 $0xD080  }
0x126: {  	[tilespmem:s9], [sflag:$0x1] =	stream.indirect_vreg.gather [hbm4b:s5+s3], $0x80, v4, vm0, $0xb8;
	[tilespmem:$0x10080] =	vst v63  }
0x127: {  	s19 =	simm.s32 $0xD880  }
0x128: {  	[tilespmem:s19], [sflag:$0x1] =	stream.indirect_vreg.gather [hbm4b:s6+s3], $0x80, v4, vm0, $0xb8;
	[tilespmem:$0x10080] =	vst v63  }
0x129: {  	s9 =	simm.s32 $0xE080  }
0x12a: {  	[tilespmem:s9], [sflag:$0x1] =	stream.indirect_vreg.gather [hbm4b:s1+s3], $0x80, v3, vm0, $0xb8;
	[tilespmem:$0x10080] =	vst v63  }
0x12b: {  	s19 =	simm.s32 $0xE880  }
0x12c: {  	[tilespmem:s19], [sflag:$0x1] =	stream.indirect_vreg.gather [hbm4b:s4+s3], $0x80, v3, vm0, $0xb8;
	[tilespmem:$0x10080] =	vst v63  }
0x12d: {  	s9 =	simm.s32 $0xF080  }
0x12e: {  	[tilespmem:s9], [sflag:$0x1] =	stream.indirect_vreg.gather [hbm4b:s5+s3], $0x80, v3, vm0, $0xb8;
	[tilespmem:$0x10080] =	vst v63  }
0x12f: {  	s19 =	simm.s32 $0xF880  }
0x130: {  	[tilespmem:s19], [sflag:$0x1] =	stream.indirect_vreg.gather [hbm4b:s6+s3], $0x80, v3, vm0, $0xb8;
	[tilespmem:$0x10080] =	vst v63  }
0x131: {  	_ =	swait.ge [sflag:s18], $0x10000  }
0x132: {  	p0 =	sne.s32 s7, $0x1;
	[sflag:s18] =	ssyncset.done $0x0  }
.Ltmp0:
0x133: {  	s9 =	rddreg [dreg:$0x9];
	[sflag:s18] =	ssyncadd.s32 $0xFFFF0000;
	(pc) =	sbr.rel @p0 .LBB2_1-.Ltmp0, $4  }
0x134: {  	[hbm4b:s9+s3] =	stream.linear.scatter [tilespmem:s0], [sflag:$0x2], $0x10000, $0x38;
	[tilespmem:$0x10080] =	vst v63  }
0x135: {  	_ =	swait.ge [sflag:s8], $0x10000  }
0x136: {  	[sflag:s8] =	ssyncset.done $0x0  }
0x137: {  	s7 =	sadd.s32 $0xFFFFFFFF, s7;
	[sflag:s8] =	ssyncadd.s32 $0xFFFF0000  }
0x138: {  	_ =	sfence.sel $0x180000  }
0x139: {  	[bflag:$0x0] =	sbarrier.arrive $0xFFFF  }
0x13a: {  	_ =	strace $0x9000004A  }
0x13b: {  	s0 =	stileid.u32;
	[bflag:$0x2] =	sbarrier.arrive $0xFFFF  }
0x13c: {  	p0 =	sne.s32 s0, $0x0;
	s0 =	rddreg [dreg:$0x3]  }
0x13d: {  	s0 =	sadd.s32 @!p0 $0x100000, s0  }
0x13e: {  	[sflag:s0] =	ssyncadd.tile.s32 @!p0 $0x1;
	_ =	shalt  }
.Lfunc_end2:
_tile_overlayer_lowered:
.L_overlay_start_2:
0x13f: {  	(tag) =	ssettag $0x2  }
0x140: {  	s0 =	rddreg [dreg:$0x0];
	s2 =	stileid.u32  }
0x141: {  	s1 =	rddreg [dreg:$0x1];
	p0 =	sne.s32 s2, $0x0  }
0x142: {  	s3 =	rddreg [dreg:$0x2];
	[bflag:$0x3] =	sbarrier.arrive $0xFFFF;
	s2 =	simm.s32 @!p0 $0x1C02  }
0x143: {  	[timem:s3], [sflag:s2] =	dma.local @!p0 [hbm:s0], s1  }
0x144: {  	s0 =	simm.s32 @!p0 $0x2  }
0x145: {  	_ =	swait.ge @!p0 [sflag:s0], s1  }
0x146: {  	s1 =	ssub.s32 @!p0 $0x0, s1;
	[sflag:s0] =	ssyncset.done @!p0 $0x0  }
0x147: {  	[sflag:s0] =	ssyncadd.s32 @!p0 s1  }
0x148: {  	[bflag:$0x3] =	sbarrier.arrive $0xFFFF  }
0x149: {  	_ =	shalt  }

// kernel: kernel.14.cloned.1.call-start
scs
__scs_entry_jumppad:
0x0: {  	(pc) =	sbr.rel $0x88, $3  }
0x1: {  	(tag) =	ssettag $0x0;
	lr =	simm.s32 $0x1  }
0x2: {  	[smem:$0x3F9A] =	sst lr;
	_ =	strace $0xD0000000  }
0x3: {  	_ = 	snop  }
0x4: {  	_ = 	snop  }
0x5: {  	_ = 	snop  }
0x6: {  	_ = 	snop  }
0x7: {  	_ = 	snop  }
__scs_overlays_trampoline_lowered:
0x8: {  	[smem:$0x3FA9] =	sst s0  }
0x9: {  	[smem:$0x3FAA] =	sst s1  }
0xa: {  	[smem:$0x3FAB] =	sst s2  }
0xb: {  	[smem:$0x3FAC] =	sst s3  }
0xc: {  	[smem:$0x3FAD] =	sst s4  }
0xd: {  	[smem:$0x3FAE] =	sst s5  }
0xe: {  	[smem:$0x3FAF] =	sst s6  }
0xf: {  	[smem:$0x3FB0] =	sst s7  }
0x10: {  	[smem:$0x3FB1] =	sst s8  }
0x11: {  	[smem:$0x3FB2] =	sst s9;
	s0 =	simm.s32 @!p0 $0x0  }
0x12: {  	s1 =	sld [smem:$0x3F98];
	s0 =	simm.s32 @p0 $0x1  }
0x13: {  	[smem:$0x3FB3] =	sst s0;
	s0 =	simm.s32 @!p1 $0x0  }
0x14: {  	s2 =	sld [smem:$0x3F97];
	s0 =	simm.s32 @p1 $0x1  }
0x15: {  	[smem:$0x3FB4] =	sst s0;
	s0 =	simm.s32 @!p2 $0x0  }
0x16: {  	s3 =	sld [smem:$0x3FDB];
	s0 =	simm.s32 @p2 $0x1  }
0x17: {  	s4 =	simm.s32 $0x1BF5;
	[smem:$0x3FB6] =	sst s0  }
0x18: {  	s0 =	sld [smem:$0x3F99];
	_ =	swait.ge [sflag:s4], $0x0  }
0x19: {  	s7 =	sld [smem:$0x3F9A]  }
0x1a: {  	s8 =	sadd.s32 $0xFFFFE003, lr  }
0x1b: {  	s9 =	sadd.s32 $0xFFFFFEF7, lr;
	s5 =	simm.s32 $0xFFFFFFFF;
	p2 =	slt.u32 s8, $0xFFFFF086  }
0x1c: {  	p1 =	slt.u32 s9, $0xF7A;
	s5 =	simm.s32 @!p2 $0x0  }
0x1d: {  	s5 =	simm.s32 @p1 $0x1;
	p0 =	seq.s32 s7, s2  }
0x1e: {  	s7 =	smul.u32 @!p0 $0xF7A, s2;
	p2 =	seq.s32 @!p0 s5, $0x0  }
0x1f: {  	s9 =	smul.u32 $0xF7A, s1;
	s8 =	simm.s32 @!p0 $0x1BF5;
	p2 =	por !p2, p0  }
0x20: {  	[sflag:s8] =	ssyncset.s32 @!p0 $0xFFFFF086;
	s6 =	sadd.s32 @!p0 s3, s7;
	s7 =	simm.s32 @!p0 $0x108  }
0x21: {  	s3 =	sadd.s32 s3, s9;
	s6 =	sadd.s32 @!p0 $0x88, s6;
	s7 =	simm.s32 @p2 $0x1082  }
0x22: {  	[simem:s7], [sflag:s8] =	dma.local @!p0 [hbm:s6], $0xF7A  }
0x23: {  	s9 =	sor.u32 $0xD0000000, s2;
	s6 =	simm.s32 $0x108;
	_ =	swait.ge @!p0 [sflag:s8], $0x0  }
0x24: {  	s3 =	sadd.s32 $0x88, s3;
	s6 =	simm.s32 @!p1 $0x1082;
	[sflag:s4] =	ssyncset.s32 $0xFFFFF086  }
0x25: {  	[simem:s6], [sflag:s4] =	dma.local [hbm:s3], $0xF7A  }
0x26: {  	[smem:$0x3F9A] =	sst s1;
	(tag) =	ssettag s2;
	_ =	strace s9  }
0x27: {  	s1 =	sld [smem:$0x3FAA]  }
0x28: {  	s2 =	sld [smem:$0x3FAB]  }
0x29: {  	s4 =	sld [smem:$0x3FAD]  }
0x2a: {  	p0 =	seq.s32 s5, $0x0;
	s5 =	sld [smem:$0x3FAE]  }
0x2b: {  	s6 =	sld [smem:$0x3FAF]  }
0x2c: {  	s7 =	sld [smem:$0x3FB0]  }
0x2d: {  	s3 =	simm.s32 $0x108;
	s8 =	sld [smem:$0x3FB1]  }
0x2e: {  	s3 =	simm.s32 @!p0 $0x1082;
	s9 =	sld [smem:$0x3FB2]  }
0x2f: {  	lr =	sadd.s32 s0, s3;
	s0 =	sld [smem:$0x3FA9]  }
0x30: {  	s3 =	sld [smem:$0x3FAC]  }
0x31: {  	[smem:$0x3FB5] =	sst s10  }
0x32: {  	s10 =	sld [smem:$0x3FB3];
	_ =	sdelay $0x3  }
0x33: {  	p0 =	seq.s32 s10, $0x1;
	s10 =	sld [smem:$0x3FB5];
	_ =	sdelay $0x3  }
0x34: {  	[smem:$0x3FB5] =	sst s10  }
0x35: {  	s10 =	sld [smem:$0x3FB4];
	_ =	sdelay $0x3  }
0x36: {  	p1 =	seq.s32 s10, $0x1;
	s10 =	sld [smem:$0x3FB5];
	_ =	sdelay $0x3  }
0x37: {  	[smem:$0x3FB5] =	sst s10  }
0x38: {  	s10 =	sld [smem:$0x3FB6]  }
0x39: {  	_ = 	snop;
	(pc) =	sbr.ind lr, $3  }
0x3a: {  	_ = 	snop  }
0x3b: {  	_ = 	snop  }
0x3c: {  	p2 =	seq.s32 s10, $0x1;
	s10 =	sld [smem:$0x3FB5]  }
0x3d: {  	_ =	shalt  }
0x3e: {  	_ =	shalt  }
0x3f: {  	_ =	shalt  }
0x40: {  	_ =	shalt  }
0x41: {  	_ =	shalt  }
0x42: {  	_ =	shalt  }
0x43: {  	_ =	shalt  }
0x44: {  	_ =	shalt  }
0x45: {  	_ =	shalt  }
0x46: {  	_ =	shalt  }
0x47: {  	_ =	shalt  }
0x48: {  	_ =	shalt  }
0x49: {  	_ =	shalt  }
0x4a: {  	_ =	shalt  }
0x4b: {  	_ =	shalt  }
0x4c: {  	_ =	shalt  }
0x4d: {  	_ =	shalt  }
0x4e: {  	_ =	shalt  }
0x4f: {  	_ =	shalt  }
0x50: {  	_ =	shalt  }
0x51: {  	_ =	shalt  }
0x52: {  	_ =	shalt  }
0x53: {  	_ =	shalt  }
0x54: {  	_ =	shalt  }
0x55: {  	_ =	shalt  }
0x56: {  	_ =	shalt  }
0x57: {  	_ =	shalt  }
0x58: {  	_ =	shalt  }
0x59: {  	_ =	shalt  }
0x5a: {  	_ =	shalt  }
0x5b: {  	_ =	shalt  }
0x5c: {  	_ =	shalt  }
0x5d: {  	_ =	shalt  }
0x5e: {  	_ =	shalt  }
0x5f: {  	_ =	shalt  }
0x60: {  	_ =	shalt  }
0x61: {  	_ =	shalt  }
0x62: {  	_ =	shalt  }
0x63: {  	_ =	shalt  }
0x64: {  	_ =	shalt  }
0x65: {  	_ =	shalt  }
0x66: {  	_ =	shalt  }
0x67: {  	_ =	shalt  }
0x68: {  	_ =	shalt  }
0x69: {  	_ =	shalt  }
0x6a: {  	_ =	shalt  }
0x6b: {  	_ =	shalt  }
0x6c: {  	_ =	shalt  }
0x6d: {  	_ =	shalt  }
0x6e: {  	_ =	shalt  }
0x6f: {  	_ =	shalt  }
0x70: {  	_ =	shalt  }
0x71: {  	_ =	shalt  }
0x72: {  	_ =	shalt  }
0x73: {  	_ =	shalt  }
0x74: {  	_ =	shalt  }
0x75: {  	_ =	shalt  }
0x76: {  	_ =	shalt  }
0x77: {  	_ =	shalt  }
0x78: {  	_ =	shalt  }
0x79: {  	_ =	shalt  }
0x7a: {  	_ =	shalt  }
0x7b: {  	_ =	shalt  }
0x7c: {  	_ =	shalt  }
0x7d: {  	_ =	shalt  }
0x7e: {  	_ =	shalt  }
0x7f: {  	_ =	shalt  }
0x80: {  	_ =	shalt  }
0x81: {  	_ =	shalt  }
0x82: {  	_ =	shalt  }
0x83: {  	_ =	shalt  }
0x84: {  	_ =	shalt  }
0x85: {  	_ =	shalt  }
0x86: {  	_ =	shalt  }
0x87: {  	_ =	shalt  }
.Lfunc_end0:
.L_simem_size_0:
called_computation.2_lowered:
.L_overlay_start_0:
0x88: {  	s2 =	sld [smem:$0x3FD9]  }
0x89: {  	s3 =	sld [smem:$0x3FFE];
	_ =	sdelay $0x1  }
0x8a: {  	s1 =	srdreg.scid  }
0x8b: {  	s0 =	sand.u32 $0x1, s1  }
0x8c: {  	s17 =	sshll.u32 s0, $0xA;
	s2 =	sadd.s32 s3, s2  }
0x8d: {  	s2 =	sadd.s32 s2, s17  }
0x8e: {  	[smem:$0x3FC1] =	sst s2  }
0x8f: {  	_ = 	snop  }
0x90: {  	s2 =	sld [smem:$0x3FD0];
	(tm) =	ssettm $0x1  }
0x91: {  	s18 =	sld [smem:$0x3FFB];
	_ =	sdelay $0x3  }
0x92: {  	_ =	strace s18  }
0x93: {  	s3 =	sld [smem:$0x3FFC];
	_ =	sdelay $0x3  }
0x94: {  	_ =	strace s3  }
0x95: {  	s3 =	sld [smem:$0x3FFD];
	_ =	sdelay $0x3  }
0x96: {  	_ =	strace s3  }
0x97: {  	_ =	strace $0x8FFFFFFF  }
0x98: {  	s19 =	sld [smem:$0x3FDB];
	_ =	sdelay $0x1  }
0x99: {  	s4 =	simm.s32 $_scs_section_size  }
0x9a: {  	s5 =	simm.s32 $_size__tile_overlayer_lowered;
	s6 =	simm.s32 $_tile_overlayer_lowered  }
0x9b: {  	s22 =	simm.s32 $0x1BFF;
	s21 =	sshll.u32 s6, $0x1;
	s3 =	sadd.s32 s4, s19  }
0x9c: {  	s7 =	simm.s32 $0x0;
	s20 =	sshll.u32 s5, $0x1;
	s5 =	sadd.s32 s21, s3  }
0x9d: {  	[timem:s7], [sflag:s22] =	dma.local [hbm:s5], s20  }
0x9e: {  	_ =	swait.ge [sflag:s22], s20  }
0x9f: {  	s4 =	ssub.s32 $0x0, s20;
	[sflag:s22] =	ssyncset.done $0x0  }
0xa0: {  	[sflag:s22] =	ssyncadd.s32 s4;
	_ =	sdelay $0x1  }
0xa1: {  	s23 =	simm.s32 $0x1B8B  }
0xa2: {  	_ =	swait.ge [sflag:s23], $0x1  }
0xa3: {  	[sflag:s23] =	ssyncset.done $0x0  }
0xa4: {  	s25 =	simm.s32 $0x1B8E;
	s24 =	sld [smem:$0x3FFE];
	[sflag:s23] =	ssyncadd.s32 $0xFFFFFFFF  }
0xa5: {  	s26 =	simm.s32 $execute0_lowered;
	[smem:$0x3FD2] =	sst s25  }
0xa6: {  	s5 =	sshll.u32 s26, $0x1;
	_ =	strace $0x8000004C;
	[dreg:$0x1] =	wrdreg $0xFFFFFFFF  }
0xa7: {  	s28 =	simm.s32 $_size_execute0_lowered;
	s3 =	sadd.s32 s3, s5;
	[dreg:$0x0] =	wrdreg $0x0  }
0xa8: {  	s5 =	sshll.u32 s28, $0x1;
	[dreg:$0x2] =	wrdreg s3  }
0xa9: {  	[dreg:$0x3] =	wrdreg s5  }
0xaa: {  	[dreg:$0x4] =	wrdreg $0xC0  }
0xab: {  	_ =	task [dreg:s7], $0x5FFFF  }
0xac: {  	[dreg:$0x1] =	wrdreg $0xFFFFFFFF  }
0xad: {  	[dreg:$0x0] =	wrdreg $0x60  }
0xae: {  	[dreg:$0x2] =	wrdreg s24  }
0xaf: {  	[dreg:$0x3] =	wrdreg s2  }
0xb0: {  	[dreg:$0x4] =	wrdreg $0x9  }
0xb1: {  	_ =	task.clear_ibuf [dreg:s7], $0x5FFFF;
	_ =	strace $0x9000004C  }
0xb2: {  	s29 =	simm.s32 $0x9;
	_ =	strace $0x8000004E  }
0xb3: {  	_ =	swait.ge [sflag:s29], $0x1  }
0xb4: {  	[sflag:s29] =	ssyncadd.s32 $0xFFFFFFFF  }
0xb5: {  	_ =	strace $0x9000004E  }
0xb6: {  	_ =	sfence  }
0xb7: {  	s30 =	sld [smem:$0x0];
	_ =	sdelay $0x2  }
0xb8: {  	s31 =	sshll.u32 s1, $0xD;
	s1 =	sshrl.u32 s1, $0x2  }
0xb9: {  	s3 =	sand.u32 $0x4000, s31;
	s1 =	sadd.s32 s1, s30  }
0xba: {  	s0 =	sor.u32 s3, s0;
	s1 =	sshll.u32 s1, $0x11  }
0xbb: {  	s0 =	sor.u32 s1, s0  }
0xbc: {  	s0 =	sadd.s32 $0x8F2B, s0  }
0xbd: {  	[sflag:s0] =	ssyncadd.remote.s32 $0x1  }
0xbe: {  	_ =	sfence.sel $0xFFFF  }
0xbf: {  	[dreg:$0x0] =	wrdreg $0xFFFFFFFF;
	(pc) =	sbr.abs _section_cstart, $3  }
0xc0: {  	[dreg:$0x1] =	wrdreg $0xFFFFFFFF  }
0xc1: {  	_ =	task.clear_ibuf [dreg:s7], $0x2FFFF;
	_ =	strace $0x9FFFFFFF  }
0xc2: {  	(tm) =	ssettm $0x7FFFFFFF  }
0xc3: {  	_ =	shalt  }
tec
execute0_lowered:
.L_overlay_start_1:
0x0: {  	(tag) =	ssettag $0x1  }
0x1: {  	s0 =	rddreg [dreg:$0x0]  }
0x2: {  	s2 =	rddreg [dreg:$0x1];
	s1 =	simm.s32 $0x0  }
0x3: {  	s4 =	srdreg.scid;
	s6 =	stileid.u32;
	s16 =	simm.s32 $0x3  }
0x4: {  	s18 =	simm.s32 $0x100;
	s13 =	simm.s32 $0xF100;
	s28 =	simm.s32 $0xF900  }
0x5: {  	s14 =	simm.s32 $0x1;
	s29 =	simm.s32 $0x2;
	s15 =	simm.s32 $0x0  }
0x6: {  	[smem:$0x7FF] =	sst s1;
	s3 =	sadd.s32 $0x103800, s0;
	s4 =	sand.u32 $0x1, s4  }
0x7: {  	s5 =	sadd.s32 $0xC3800, s0;
	s6 =	sshll.u32 s6, $0x7;
	s9 =	sadd.s32 $0x3200, s0  }
0x8: {  	s11 =	sadd.s32 $0x2C00, s0;
	s8 =	sadd.s32 $0x103B00, s0;
	s7 =	sshll.u32 s4, $0x6  }
0x9: {  	_ =	strace $0x8000004D;
	s4 =	ssub.s32 $0x2, s4;
	s10 =	sor.u32 s7, s6  }
0xa: {  	s20 =	sshrl.u32 s4, $0x1;
	s6 =	sadd.s32 $0x103900, s0;
	s7 =	sshrl.u32 s10, $0x3  }
0xb: {  	s4 =	ssub.s32 s4, s20;
	s12 =	sshll.u32 s10, $0x7;
	s24 =	sor.u32 $0x20, s10  }
0xc: {  	s20 =	simm.s32 $0xA100;
	s10 =	simm.s32 $0xB100;
	s21 =	sadd.s32 s9, s7  }
0xd: {  	s22 =	sadd.s32 s11, s7;
	s7 =	sadd.s32 $0x103A00, s0;
	s23 =	sadd.s32 s5, s12  }
0xe: {  	s25 =	sadd.s32 s2, s12;
	s26 =	sshrl.u32 s24, $0x3;
	[dreg:$0x3] =	wrdreg s21  }
0xf: {  	s0 =	sshll.u32 s24, $0x7;
	s31 =	smax.u32 s4, $0x1;
	[dreg:$0x4] =	wrdreg s22  }
0x10: {  	s24 =	simm.s32 $0xC900;
	s12 =	simm.s32 $0xE100;
	[dreg:$0x5] =	wrdreg s23  }
0x11: {  	[dreg:$0x6] =	wrdreg s25;
	s9 =	sadd.s32 s9, s26;
	s30 =	sadd.s32 s11, s26  }
0x12: {  	s5 =	sadd.s32 s5, s0;
	s0 =	sadd.s32 s2, s0;
	[dreg:$0xb] =	wrdreg s31  }
0x13: {  	s21 =	simm.s32 $0xA900;
	s22 =	simm.s32 $0xB900;
	[dreg:$0x7] =	wrdreg s9  }
0x14: {  	v2 =	vlaneseq.u32;
	s23 =	simm.s32 $0xC100;
	s11 =	simm.s32 $0xD100;
	[dreg:$0x8] =	wrdreg s30  }
0x15: {  	vm0 =	vmmov $0xffff;
	v1 =	vshrl.u32 v2, $0x3;
	s25 =	simm.s32 $0xD900;
	s26 =	simm.s32 $0xE900;
	[dreg:$0x9] =	wrdreg s5  }
0x16: {  	v0 =	vand.u32 $0x7, v2;
	v2 =	vor.u32 $0x8, v2;
	v1 =	vmul.u32 $0x8, v1;
	[dreg:$0xa] =	wrdreg s0;
	s5 =	simm.s32 $0x8100;
	s9 =	simm.s32 $0x9900  }
.LBB2_1:
0x17: {  	s0 =	rddreg [dreg:$0x3]  }
0x18: {  	[tilespmem:s1], [sflag:$0x3] =	stream.linear.gather [hbm4b:s0+s1], $0x20, $0x38;
	[tilespmem:$0x10100] =	vst v63  }
0x19: {  	_ =	swait.ge [sflag:s16], $0x20  }
0x1a: {  	[sflag:s16] =	ssyncset.done $0x0  }
0x1b: {  	s2 =	simm.s32 $0x80;
	s17 =	rddreg [dreg:$0x4];
	[sflag:s16] =	ssyncadd.s32 $0xFFFFFFE0  }
0x1c: {  	[tilespmem:s2], [sflag:$0x3] =	stream.linear.gather [hbm4b:s17+s1], $0x20, $0x38;
	[tilespmem:$0x10100] =	vst v63  }
0x1d: {  	_ =	swait.ge [sflag:s16], $0x20  }
0x1e: {  	[sflag:s16] =	ssyncset.done $0x0  }
0x1f: {  	[sflag:s16] =	ssyncadd.s32 $0xFFFFFFE0  }
0x20: {  	v3 =	vld [tilespmem:$0x0];
	_ =	sdelay $0x4  }
0x21: {  	v4 =	vshll.u32 v3, $0x3  }
0x22: {  	v3 =	vand.u32 $0x7, v3;
	v4 =	vand.u32 $0xFFFFFFC0, v4  }
0x23: {  	v3 =	vor.u32 v3, v4  }
0x24: {  	v4 =	vperm.xlane v3, v0;
	_ =	sdelay $0x1  }
0x25: {  	v4 =	vadd.s32 v1, v4;
	_ =	sdelay $0x4  }
0x26: {  	[tilespmem:s18], [sflag:$0x1] =	stream.indirect_vreg.gather [hbm4b:s3+s1], $0x80, v4, vm0, $0xb8;
	[tilespmem:$0x10100] =	vst v63  }
0x27: {  	s19 =	simm.s32 $0x900;
	v3 =	vperm.xlane v3, v2  }
0x28: {  	[tilespmem:s19], [sflag:$0x1] =	stream.indirect_vreg.gather [hbm4b:s6+s1], $0x80, v4, vm0, $0xb8;
	[tilespmem:$0x10100] =	vst v63  }
0x29: {  	s2 =	simm.s32 $0x1100;
	v3 =	vadd.s32 v1, v3  }
0x2a: {  	[tilespmem:s2], [sflag:$0x1] =	stream.indirect_vreg.gather [hbm4b:s7+s1], $0x80, v4, vm0, $0xb8;
	[tilespmem:$0x10100] =	vst v63  }
0x2b: {  	s4 =	simm.s32 $0x1900  }
0x2c: {  	[tilespmem:s4], [sflag:$0x1] =	stream.indirect_vreg.gather [hbm4b:s8+s1], $0x80, v4, vm0, $0xb8;
	[tilespmem:$0x10100] =	vst v63  }
0x2d: {  	s17 =	simm.s32 $0x2100  }
0x2e: {  	[tilespmem:s17], [sflag:$0x1] =	stream.indirect_vreg.gather [hbm4b:s3+s1], $0x80, v3, vm0, $0xb8;
	[tilespmem:$0x10100] =	vst v63  }
0x2f: {  	s19 =	simm.s32 $0x2900  }
0x30: {  	[tilespmem:s19], [sflag:$0x1] =	stream.indirect_vreg.gather [hbm4b:s6+s1], $0x80, v3, vm0, $0xb8;
	[tilespmem:$0x10100] =	vst v63  }
0x31: {  	s2 =	simm.s32 $0x3100  }
0x32: {  	[tilespmem:s2], [sflag:$0x1] =	stream.indirect_vreg.gather [hbm4b:s7+s1], $0x80, v3, vm0, $0xb8;
	[tilespmem:$0x10100] =	vst v63  }
0x33: {  	s4 =	simm.s32 $0x3900  }
0x34: {  	[tilespmem:s4], [sflag:$0x1] =	stream.indirect_vreg.gather [hbm4b:s8+s1], $0x80, v3, vm0, $0xb8;
	[tilespmem:$0x10100] =	vst v63  }
0x35: {  	v3 =	vld [tilespmem:$0x10];
	_ =	sdelay $0x4  }
0x36: {  	v61 =	vshll.u32 v3, $0x3  }
0x37: {  	v3 =	vand.u32 $0x7, v3;
	v4 =	vand.u32 $0xFFFFFFC0, v61  }
0x38: {  	v3 =	vor.u32 v3, v4  }
0x39: {  	v4 =	vperm.xlane v3, v0;
	_ =	sdelay $0x1  }
0x3a: {  	v4 =	vadd.s32 v1, v4;
	_ =	sdelay $0x3  }
0x3b: {  	s17 =	simm.s32 $0x4100  }
0x3c: {  	[tilespmem:s17], [sflag:$0x1] =	stream.indirect_vreg.gather [hbm4b:s3+s1], $0x80, v4, vm0, $0xb8;
	[tilespmem:$0x10100] =	vst v63  }
0x3d: {  	s19 =	simm.s32 $0x4900;
	v3 =	vperm.xlane v3, v2  }
0x3e: {  	[tilespmem:s19], [sflag:$0x1] =	stream.indirect_vreg.gather [hbm4b:s6+s1], $0x80, v4, vm0, $0xb8;
	[tilespmem:$0x10100] =	vst v63  }
0x3f: {  	s2 =	simm.s32 $0x5100;
	v3 =	vadd.s32 v1, v3  }
0x40: {  	[tilespmem:s2], [sflag:$0x1] =	stream.indirect_vreg.gather [hbm4b:s7+s1], $0x80, v4, vm0, $0xb8;
	[tilespmem:$0x10100] =	vst v63  }
0x41: {  	s4 =	simm.s32 $0x5900  }
0x42: {  	[tilespmem:s4], [sflag:$0x1] =	stream.indirect_vreg.gather [hbm4b:s8+s1], $0x80, v4, vm0, $0xb8;
	[tilespmem:$0x10100] =	vst v63  }
0x43: {  	s17 =	simm.s32 $0x6100  }
0x44: {  	[tilespmem:s17], [sflag:$0x1] =	stream.indirect_vreg.gather [hbm4b:s3+s1], $0x80, v3, vm0, $0xb8;
	[tilespmem:$0x10100] =	vst v63  }
0x45: {  	s19 =	simm.s32 $0x6900  }
0x46: {  	[tilespmem:s19], [sflag:$0x1] =	stream.indirect_vreg.gather [hbm4b:s6+s1], $0x80, v3, vm0, $0xb8;
	[tilespmem:$0x10100] =	vst v63  }
0x47: {  	s2 =	simm.s32 $0x7100  }
0x48: {  	[tilespmem:s2], [sflag:$0x1] =	stream.indirect_vreg.gather [hbm4b:s7+s1], $0x80, v3, vm0, $0xb8;
	[tilespmem:$0x10100] =	vst v63  }
0x49: {  	s4 =	simm.s32 $0x7900  }
0x4a: {  	[tilespmem:s4], [sflag:$0x1] =	stream.indirect_vreg.gather [hbm4b:s8+s1], $0x80, v3, vm0, $0xb8;
	[tilespmem:$0x10100] =	vst v63  }
0x4b: {  	v3 =	vld [tilespmem:$0x80];
	_ =	sdelay $0x4  }
0x4c: {  	v62 =	vshll.u32 v3, $0x3  }
0x4d: {  	v3 =	vand.u32 $0x7, v3;
	v4 =	vand.u32 $0xFFFFFFC0, v62  }
0x4e: {  	v3 =	vor.u32 v3, v4  }
0x4f: {  	v4 =	vperm.xlane v3, v0;
	_ =	sdelay $0x1  }
0x50: {  	v4 =	vadd.s32 v1, v4;
	_ =	sdelay $0x4  }
0x51: {  	[tilespmem:s5], [sflag:$0x2] =	stream.indirect_vreg.gather [hbm4b:s3+s1], $0x80, v4, vm0, $0xb8;
	[tilespmem:$0x10100] =	vst v63  }
0x52: {  	s17 =	simm.s32 $0x8900;
	v3 =	vperm.xlane v3, v2  }
0x53: {  	[tilespmem:s17], [sflag:$0x2] =	stream.indirect_vreg.gather [hbm4b:s6+s1], $0x80, v4, vm0, $0xb8;
	[tilespmem:$0x10100] =	vst v63  }
0x54: {  	s19 =	simm.s32 $0x9100;
	v3 =	vadd.s32 v1, v3  }
0x55: {  	[tilespmem:s19], [sflag:$0x2] =	stream.indirect_vreg.gather [hbm4b:s7+s1], $0x80, v4, vm0, $0xb8;
	[tilespmem:$0x10100] =	vst v63  }
0x56: {  	_ = 	snop  }
0x57: {  	[tilespmem:s9], [sflag:$0x2] =	stream.indirect_vreg.gather [hbm4b:s8+s1], $0x80, v4, vm0, $0xb8;
	[tilespmem:$0x10100] =	vst v63  }
0x58: {  	_ = 	snop  }
0x59: {  	[tilespmem:s20], [sflag:$0x2] =	stream.indirect_vreg.gather [hbm4b:s3+s1], $0x80, v3, vm0, $0xb8;
	[tilespmem:$0x10100] =	vst v63  }
0x5a: {  	_ = 	snop  }
0x5b: {  	[tilespmem:s21], [sflag:$0x2] =	stream.indirect_vreg.gather [hbm4b:s6+s1], $0x80, v3, vm0, $0xb8;
	[tilespmem:$0x10100] =	vst v63  }
0x5c: {  	_ = 	snop  }
0x5d: {  	[tilespmem:s10], [sflag:$0x2] =	stream.indirect_vreg.gather [hbm4b:s7+s1], $0x80, v3, vm0, $0xb8;
	[tilespmem:$0x10100] =	vst v63  }
0x5e: {  	_ = 	snop  }
0x5f: {  	[tilespmem:s22], [sflag:$0x2] =	stream.indirect_vreg.gather [hbm4b:s8+s1], $0x80, v3, vm0, $0xb8;
	[tilespmem:$0x10100] =	vst v63  }
0x60: {  	v3 =	vld [tilespmem:$0x90];
	_ =	sdelay $0x4  }
0x61: {  	v63 =	vshll.u32 v3, $0x3  }
0x62: {  	v3 =	vand.u32 $0x7, v3;
	v4 =	vand.u32 $0xFFFFFFC0, v63  }
0x63: {  	v3 =	vor.u32 v3, v4  }
0x64: {  	v4 =	vperm.xlane v3, v0;
	_ =	sdelay $0x1  }
0x65: {  	v4 =	vadd.s32 v1, v4;
	_ =	sdelay $0x4  }
0x66: {  	[tilespmem:s23], [sflag:$0x2] =	stream.indirect_vreg.gather [hbm4b:s3+s1], $0x80, v4, vm0, $0xb8;
	[tilespmem:$0x10100] =	vst v63  }
0x67: {  	v3 =	vperm.xlane v3, v2  }
0x68: {  	[tilespmem:s24], [sflag:$0x2] =	stream.indirect_vreg.gather [hbm4b:s6+s1], $0x80, v4, vm0, $0xb8;
	[tilespmem:$0x10100] =	vst v63  }
0x69: {  	v3 =	vadd.s32 v1, v3  }
0x6a: {  	[tilespmem:s11], [sflag:$0x2] =	stream.indirect_vreg.gather [hbm4b:s7+s1], $0x80, v4, vm0, $0xb8;
	[tilespmem:$0x10100] =	vst v63  }
0x6b: {  	_ = 	snop  }
0x6c: {  	[tilespmem:s25], [sflag:$0x2] =	stream.indirect_vreg.gather [hbm4b:s8+s1], $0x80, v4, vm0, $0xb8;
	[tilespmem:$0x10100] =	vst v63  }
0x6d: {  	_ = 	snop  }
0x6e: {  	[tilespmem:s12], [sflag:$0x2] =	stream.indirect_vreg.gather [hbm4b:s3+s1], $0x80, v3, vm0, $0xb8;
	[tilespmem:$0x10100] =	vst v63  }
0x6f: {  	_ = 	snop  }
0x70: {  	[tilespmem:s26], [sflag:$0x2] =	stream.indirect_vreg.gather [hbm4b:s6+s1], $0x80, v3, vm0, $0xb8;
	[tilespmem:$0x10100] =	vst v63  }
0x71: {  	_ = 	snop  }
0x72: {  	[tilespmem:s13], [sflag:$0x2] =	stream.indirect_vreg.gather [hbm4b:s7+s1], $0x80, v3, vm0, $0xb8;
	[tilespmem:$0x10100] =	vst v63  }
0x73: {  	_ = 	snop  }
0x74: {  	[tilespmem:s28], [sflag:$0x2] =	stream.indirect_vreg.gather [hbm4b:s8+s1], $0x80, v3, vm0, $0xb8;
	[tilespmem:$0x10100] =	vst v63  }
0x75: {  	_ =	swait.ge [sflag:s14], $0x8000  }
0x76: {  	[sflag:s14] =	ssyncset.done $0x0  }
0x77: {  	[sflag:s14] =	ssyncadd.s32 $0xFFFF8000  }
0x78: {  	_ =	swait.ge [sflag:s29], $0x8000  }
0x79: {  	s30 =	simm.s32 $0x0;
	[sflag:s29] =	ssyncset.done $0x0  }
0x7a: {  	s31 =	simm.s32 $0x0;
	s0 =	simm.s32 $0x0;
	[sflag:s29] =	ssyncadd.s32 $0xFFFF8000  }
.LBB2_2:
0x7b: {  	s2 =	sshll.u32 s31, $0x2;
	s4 =	sand.u32 $0x7, s30  }
0x7c: {  	s2 =	sand.u32 $0xFFFF8000, s2;
	s4 =	sshll.u32 s4, $0x9  }
0x7d: {  	s2 =	sor.u32 s4, s2  }
0x7e: {  	s4 =	sshrl.u32 s2, $0x2  }
0x7f: {  	s2 =	sadd.s32 $0x140, s4  }
0x80: {  	s4 =	sadd.s32 $0x8140, s4;
	v3 =	vld [tilespmem:s2+$0xFFFFFFC0]  }
0x81: {  	v4 =	vld [tilespmem:s4+$0xFFFFFFC0];
	_ =	sdelay $0x4  }
0x82: {  	v3 =	vadd.f32 v4, v3;
	_ =	sdelay $0x1  }
0x83: {  	[tilespmem:s2+$0xFFFFFFC0] =	vst v3;
	v3 =	vld [tilespmem:s2+$0xFFFFFFD0]  }
0x84: {  	v4 =	vld [tilespmem:s4+$0xFFFFFFD0];
	_ =	sdelay $0x4  }
0x85: {  	v3 =	vadd.f32 v4, v3;
	_ =	sdelay $0x1  }
0x86: {  	[tilespmem:s2+$0xFFFFFFD0] =	vst v3;
	v3 =	vld [tilespmem:s2+$0xFFFFFFE0]  }
0x87: {  	v4 =	vld [tilespmem:s4+$0xFFFFFFE0];
	_ =	sdelay $0x4  }
0x88: {  	v3 =	vadd.f32 v4, v3;
	_ =	sdelay $0x1  }
0x89: {  	[tilespmem:s2+$0xFFFFFFE0] =	vst v3;
	v3 =	vld [tilespmem:s2+$0xFFFFFFF0]  }
0x8a: {  	v4 =	vld [tilespmem:s4+$0xFFFFFFF0];
	_ =	sdelay $0x4  }
0x8b: {  	v3 =	vadd.f32 v4, v3;
	_ =	sdelay $0x1  }
0x8c: {  	[tilespmem:s2+$0xFFFFFFF0] =	vst v3;
	v3 =	vld [tilespmem:s2+$0x0]  }
0x8d: {  	v4 =	vld [tilespmem:s4+$0x0];
	_ =	sdelay $0x4  }
0x8e: {  	v3 =	vadd.f32 v4, v3;
	_ =	sdelay $0x1  }
0x8f: {  	[tilespmem:s2+$0x0] =	vst v3;
	v3 =	vld [tilespmem:s2+$0x10]  }
0x90: {  	v4 =	vld [tilespmem:s4+$0x10];
	_ =	sdelay $0x4  }
0x91: {  	v3 =	vadd.f32 v4, v3;
	_ =	sdelay $0x1  }
0x92: {  	[tilespmem:s2+$0x10] =	vst v3;
	v3 =	vld [tilespmem:s2+$0x20]  }
0x93: {  	v4 =	vld [tilespmem:s4+$0x20];
	_ =	sdelay $0x4  }
0x94: {  	v3 =	vadd.f32 v4, v3;
	_ =	sdelay $0x1  }
0x95: {  	[tilespmem:s2+$0x20] =	vst v3;
	v3 =	vld [tilespmem:s2+$0x30]  }
0x96: {  	v4 =	vld [tilespmem:s4+$0x30];
	_ =	sdelay $0x4  }
0x97: {  	v3 =	vadd.f32 v4, v3  }
0x98: {  	s17 =	simm.s32 $0x0;
	s19 =	sadd.s32 $0x400, s2  }
.LBB2_3:
0x99: {  	v4 =	vld [tilespmem:s19+$0xFFFFFFC0];
	[tilespmem:s2+$0x30] =	vst v3;
	s4 =	sadd.s32 $0x400, s4;
	s2 =	smov.u32 s19  }
0x9a: {  	s17 =	sadd.s32 $0x8, s17;
	v3 =	vld [tilespmem:s4+$0xFFFFFFC0]  }
0x9b: {  	p0 =	slt.u32 s17, $0x38;
	_ =	sdelay $0x3  }
0x9c: {  	v3 =	vadd.f32 v3, v4;
	_ =	sdelay $0x1  }
0x9d: {  	[tilespmem:s19+$0xFFFFFFC0] =	vst v3;
	v3 =	vld [tilespmem:s19+$0xFFFFFFD0]  }
0x9e: {  	v4 =	vld [tilespmem:s4+$0xFFFFFFD0];
	_ =	sdelay $0x4  }
0x9f: {  	v3 =	vadd.f32 v4, v3;
	_ =	sdelay $0x1  }
0xa0: {  	[tilespmem:s19+$0xFFFFFFD0] =	vst v3;
	v3 =	vld [tilespmem:s19+$0xFFFFFFE0]  }
0xa1: {  	v4 =	vld [tilespmem:s4+$0xFFFFFFE0];
	_ =	sdelay $0x4  }
0xa2: {  	v3 =	vadd.f32 v4, v3;
	_ =	sdelay $0x1  }
0xa3: {  	[tilespmem:s19+$0xFFFFFFE0] =	vst v3;
	v3 =	vld [tilespmem:s19+$0xFFFFFFF0]  }
0xa4: {  	v4 =	vld [tilespmem:s4+$0xFFFFFFF0];
	_ =	sdelay $0x4  }
0xa5: {  	v3 =	vadd.f32 v4, v3;
	_ =	sdelay $0x1  }
0xa6: {  	[tilespmem:s19+$0xFFFFFFF0] =	vst v3;
	v3 =	vld [tilespmem:s19+$0x0]  }
0xa7: {  	v4 =	vld [tilespmem:s4+$0x0];
	_ =	sdelay $0x4  }
0xa8: {  	v3 =	vadd.f32 v4, v3;
	_ =	sdelay $0x1  }
0xa9: {  	[tilespmem:s19+$0x0] =	vst v3;
	v3 =	vld [tilespmem:s19+$0x10]  }
0xaa: {  	v4 =	vld [tilespmem:s4+$0x10];
	_ =	sdelay $0x4  }
0xab: {  	v3 =	vadd.f32 v4, v3;
	_ =	sdelay $0x1  }
0xac: {  	[tilespmem:s19+$0x10] =	vst v3;
	v3 =	vld [tilespmem:s19+$0x20]  }
0xad: {  	v4 =	vld [tilespmem:s4+$0x20];
	_ =	sdelay $0x4  }
0xae: {  	v3 =	vadd.f32 v4, v3;
	_ =	sdelay $0x1  }
0xaf: {  	[tilespmem:s19+$0x20] =	vst v3;
	v3 =	vld [tilespmem:s19+$0x30]  }
0xb0: {  	v4 =	vld [tilespmem:s4+$0x30];
	_ =	sdelay $0x1  }
.Ltmp0:
0xb1: {  	(pc) =	sbr.rel @p0 .LBB2_3-.Ltmp0, $3  }
0xb2: {  	_ =	sdelay $0x1  }
0xb3: {  	v3 =	vadd.f32 v4, v3  }
0xb4: {  	s19 =	sadd.s32 $0x400, s19  }
0xb5: {  	s0 =	sadd.s32 $0x1, s0  }
0xb6: {  	p0 =	sne.s32 s0, $0x20  }
.Ltmp1:
0xb7: {  	_ = 	snop;
	(pc) =	sbr.rel @p0 .LBB2_2-.Ltmp1, $2  }
0xb8: {  	_ =	sdelay $0x2  }
0xb9: {  	[tilespmem:s2+$0x30] =	vst v3;
	s31 =	sadd.s32 $0x400, s31;
	s30 =	sadd.s32 $0x1, s30  }
0xba: {  	s30 =	simm.s32 $0x0;
	s0 =	rddreg [dreg:$0x5]  }
0xbb: {  	[tilespmem:s5], [sflag:$0x3] =	stream.linear.gather [hbm4b:s0+s30], $0x8000, $0x38;
	[tilespmem:$0x10100] =	vst v63  }
0xbc: {  	_ =	swait.ge [sflag:s16], $0x8000  }
0xbd: {  	[sflag:s16] =	ssyncset.done $0x0  }
0xbe: {  	s31 =	simm.s32 $0x0;
	s0 =	simm.s32 $0x0;
	[sflag:s16] =	ssyncadd.s32 $0xFFFF8000  }
.LBB2_6:
0xbf: {  	s2 =	sshll.u32 s31, $0x2;
	s4 =	sand.u32 $0x7, s30  }
0xc0: {  	s2 =	sand.u32 $0xFFFF8000, s2;
	s4 =	sshll.u32 s4, $0x9  }
0xc1: {  	s2 =	sor.u32 s4, s2  }
0xc2: {  	s4 =	sshrl.u32 s2, $0x2  }
0xc3: {  	s2 =	sadd.s32 $0x140, s4  }
0xc4: {  	s4 =	sadd.s32 $0x8140, s4;
	v3 =	vld [tilespmem:s2+$0xFFFFFFC0]  }
0xc5: {  	v4 =	vld [tilespmem:s4+$0xFFFFFFC0];
	_ =	sdelay $0x4  }
0xc6: {  	v3 =	vadd.f32 v4, v3;
	_ =	sdelay $0x1  }
0xc7: {  	[tilespmem:s2+$0xFFFFFFC0] =	vst v3;
	v3 =	vld [tilespmem:s2+$0xFFFFFFD0]  }
0xc8: {  	v4 =	vld [tilespmem:s4+$0xFFFFFFD0];
	_ =	sdelay $0x4  }
0xc9: {  	v3 =	vadd.f32 v4, v3;
	_ =	sdelay $0x1  }
0xca: {  	[tilespmem:s2+$0xFFFFFFD0] =	vst v3;
	v3 =	vld [tilespmem:s2+$0xFFFFFFE0]  }
0xcb: {  	v4 =	vld [tilespmem:s4+$0xFFFFFFE0];
	_ =	sdelay $0x4  }
0xcc: {  	v3 =	vadd.f32 v4, v3;
	_ =	sdelay $0x1  }
0xcd: {  	[tilespmem:s2+$0xFFFFFFE0] =	vst v3;
	v3 =	vld [tilespmem:s2+$0xFFFFFFF0]  }
0xce: {  	v4 =	vld [tilespmem:s4+$0xFFFFFFF0];
	_ =	sdelay $0x4  }
0xcf: {  	v3 =	vadd.f32 v4, v3;
	_ =	sdelay $0x1  }
0xd0: {  	[tilespmem:s2+$0xFFFFFFF0] =	vst v3;
	v3 =	vld [tilespmem:s2+$0x0]  }
0xd1: {  	v4 =	vld [tilespmem:s4+$0x0];
	_ =	sdelay $0x4  }
0xd2: {  	v3 =	vadd.f32 v4, v3;
	_ =	sdelay $0x1  }
0xd3: {  	[tilespmem:s2+$0x0] =	vst v3;
	v3 =	vld [tilespmem:s2+$0x10]  }
0xd4: {  	v4 =	vld [tilespmem:s4+$0x10];
	_ =	sdelay $0x4  }
0xd5: {  	v3 =	vadd.f32 v4, v3;
	_ =	sdelay $0x1  }
0xd6: {  	[tilespmem:s2+$0x10] =	vst v3;
	v3 =	vld [tilespmem:s2+$0x20]  }
0xd7: {  	v4 =	vld [tilespmem:s4+$0x20];
	_ =	sdelay $0x4  }
0xd8: {  	v3 =	vadd.f32 v4, v3;
	_ =	sdelay $0x1  }
0xd9: {  	[tilespmem:s2+$0x20] =	vst v3;
	v3 =	vld [tilespmem:s2+$0x30]  }
0xda: {  	v4 =	vld [tilespmem:s4+$0x30];
	_ =	sdelay $0x4  }
0xdb: {  	v3 =	vadd.f32 v4, v3  }
0xdc: {  	s17 =	simm.s32 $0x0;
	s19 =	sadd.s32 $0x400, s2  }
.LBB2_7:
0xdd: {  	v4 =	vld [tilespmem:s19+$0xFFFFFFC0];
	[tilespmem:s2+$0x30] =	vst v3;
	s4 =	sadd.s32 $0x400, s4;
	s2 =	smov.u32 s19  }
0xde: {  	s17 =	sadd.s32 $0x8, s17;
	v3 =	vld [tilespmem:s4+$0xFFFFFFC0]  }
0xdf: {  	p0 =	slt.u32 s17, $0x38;
	_ =	sdelay $0x3  }
0xe0: {  	v3 =	vadd.f32 v3, v4;
	_ =	sdelay $0x1  }
0xe1: {  	[tilespmem:s19+$0xFFFFFFC0] =	vst v3;
	v3 =	vld [tilespmem:s19+$0xFFFFFFD0]  }
0xe2: {  	v4 =	vld [tilespmem:s4+$0xFFFFFFD0];
	_ =	sdelay $0x4  }
0xe3: {  	v3 =	vadd.f32 v4, v3;
	_ =	sdelay $0x1  }
0xe4: {  	[tilespmem:s19+$0xFFFFFFD0] =	vst v3;
	v3 =	vld [tilespmem:s19+$0xFFFFFFE0]  }
0xe5: {  	v4 =	vld [tilespmem:s4+$0xFFFFFFE0];
	_ =	sdelay $0x4  }
0xe6: {  	v3 =	vadd.f32 v4, v3;
	_ =	sdelay $0x1  }
0xe7: {  	[tilespmem:s19+$0xFFFFFFE0] =	vst v3;
	v3 =	vld [tilespmem:s19+$0xFFFFFFF0]  }
0xe8: {  	v4 =	vld [tilespmem:s4+$0xFFFFFFF0];
	_ =	sdelay $0x4  }
0xe9: {  	v3 =	vadd.f32 v4, v3;
	_ =	sdelay $0x1  }
0xea: {  	[tilespmem:s19+$0xFFFFFFF0] =	vst v3;
	v3 =	vld [tilespmem:s19+$0x0]  }
0xeb: {  	v4 =	vld [tilespmem:s4+$0x0];
	_ =	sdelay $0x4  }
0xec: {  	v3 =	vadd.f32 v4, v3;
	_ =	sdelay $0x1  }
0xed: {  	[tilespmem:s19+$0x0] =	vst v3;
	v3 =	vld [tilespmem:s19+$0x10]  }
0xee: {  	v4 =	vld [tilespmem:s4+$0x10];
	_ =	sdelay $0x4  }
0xef: {  	v3 =	vadd.f32 v4, v3;
	_ =	sdelay $0x1  }
0xf0: {  	[tilespmem:s19+$0x10] =	vst v3;
	v3 =	vld [tilespmem:s19+$0x20]  }
0xf1: {  	v4 =	vld [tilespmem:s4+$0x20];
	_ =	sdelay $0x4  }
0xf2: {  	v3 =	vadd.f32 v4, v3;
	_ =	sdelay $0x1  }
0xf3: {  	[tilespmem:s19+$0x20] =	vst v3;
	v3 =	vld [tilespmem:s19+$0x30]  }
0xf4: {  	v4 =	vld [tilespmem:s4+$0x30];
	_ =	sdelay $0x1  }
.Ltmp2:
0xf5: {  	(pc) =	sbr.rel @p0 .LBB2_7-.Ltmp2, $3  }
0xf6: {  	_ =	sdelay $0x1  }
0xf7: {  	v3 =	vadd.f32 v4, v3  }
0xf8: {  	s19 =	sadd.s32 $0x400, s19  }
0xf9: {  	s0 =	sadd.s32 $0x1, s0  }
0xfa: {  	p0 =	sne.s32 s0, $0x20  }
.Ltmp3:
0xfb: {  	_ = 	snop;
	(pc) =	sbr.rel @p0 .LBB2_6-.Ltmp3, $2  }
0xfc: {  	_ =	sdelay $0x2  }
0xfd: {  	[tilespmem:s2+$0x30] =	vst v3;
	s31 =	sadd.s32 $0x400, s31;
	s30 =	sadd.s32 $0x1, s30  }
0xfe: {  	s30 =	simm.s32 $0x0;
	s0 =	rddreg [dreg:$0x6]  }
0xff: {  	[hbm4b:s0+s30] =	stream.linear.scatter [tilespmem:s18], [sflag:$0x3], $0x8000, $0x38;
	[tilespmem:$0x10100] =	vst v63  }
0x100: {  	_ =	swait.ge [sflag:s16], $0x8000  }
0x101: {  	[sflag:s16] =	ssyncset.done $0x0  }
0x102: {  	s4 =	rddreg [dreg:$0x7];
	[sflag:s16] =	ssyncadd.s32 $0xFFFF8000  }
0x103: {  	[tilespmem:s30], [sflag:$0x3] =	stream.linear.gather [hbm4b:s4+s30], $0x20, $0x38;
	[tilespmem:$0x10100] =	vst v63  }
0x104: {  	_ =	swait.ge [sflag:s16], $0x20  }
0x105: {  	[sflag:s16] =	ssyncset.done $0x0  }
0x106: {  	s2 =	simm.s32 $0x80;
	s17 =	rddreg [dreg:$0x8];
	[sflag:s16] =	ssyncadd.s32 $0xFFFFFFE0  }
0x107: {  	[tilespmem:s2], [sflag:$0x3] =	stream.linear.gather [hbm4b:s17+s30], $0x20, $0x38;
	[tilespmem:$0x10100] =	vst v63  }
0x108: {  	_ =	swait.ge [sflag:s16], $0x20  }
0x109: {  	[sflag:s16] =	ssyncset.done $0x0  }
0x10a: {  	[sflag:s16] =	ssyncadd.s32 $0xFFFFFFE0  }
0x10b: {  	v3 =	vld [tilespmem:$0x0];
	_ =	sdelay $0x4  }
0x10c: {  	v4 =	vshll.u32 v3, $0x3  }
0x10d: {  	v3 =	vand.u32 $0x7, v3;
	v4 =	vand.u32 $0xFFFFFFC0, v4  }
0x10e: {  	v3 =	vor.u32 v3, v4  }
0x10f: {  	v4 =	vperm.xlane v3, v0;
	_ =	sdelay $0x1  }
0x110: {  	v4 =	vadd.s32 v1, v4;
	_ =	sdelay $0x4  }
0x111: {  	[tilespmem:s18], [sflag:$0x1] =	stream.indirect_vreg.gather [hbm4b:s3+s30], $0x80, v4, vm0, $0xb8;
	[tilespmem:$0x10100] =	vst v63  }
0x112: {  	s19 =	simm.s32 $0x900;
	v3 =	vperm.xlane v3, v2  }
0x113: {  	[tilespmem:s19], [sflag:$0x1] =	stream.indirect_vreg.gather [hbm4b:s6+s30], $0x80, v4, vm0, $0xb8;
	[tilespmem:$0x10100] =	vst v63  }
0x114: {  	s2 =	simm.s32 $0x1100;
	v3 =	vadd.s32 v1, v3  }
0x115: {  	[tilespmem:s2], [sflag:$0x1] =	stream.indirect_vreg.gather [hbm4b:s7+s30], $0x80, v4, vm0, $0xb8;
	[tilespmem:$0x10100] =	vst v63  }
0x116: {  	s4 =	simm.s32 $0x1900  }
0x117: {  	[tilespmem:s4], [sflag:$0x1] =	stream.indirect_vreg.gather [hbm4b:s8+s30], $0x80, v4, vm0, $0xb8;
	[tilespmem:$0x10100] =	vst v63  }
0x118: {  	s17 =	simm.s32 $0x2100  }
0x119: {  	[tilespmem:s17], [sflag:$0x1] =	stream.indirect_vreg.gather [hbm4b:s3+s30], $0x80, v3, vm0, $0xb8;
	[tilespmem:$0x10100] =	vst v63  }
0x11a: {  	s19 =	simm.s32 $0x2900  }
0x11b: {  	[tilespmem:s19], [sflag:$0x1] =	stream.indirect_vreg.gather [hbm4b:s6+s30], $0x80, v3, vm0, $0xb8;
	[tilespmem:$0x10100] =	vst v63  }
0x11c: {  	s2 =	simm.s32 $0x3100  }
0x11d: {  	[tilespmem:s2], [sflag:$0x1] =	stream.indirect_vreg.gather [hbm4b:s7+s30], $0x80, v3, vm0, $0xb8;
	[tilespmem:$0x10100] =	vst v63  }
0x11e: {  	s4 =	simm.s32 $0x3900  }
0x11f: {  	[tilespmem:s4], [sflag:$0x1] =	stream.indirect_vreg.gather [hbm4b:s8+s30], $0x80, v3, vm0, $0xb8;
	[tilespmem:$0x10100] =	vst v63  }
0x120: {  	v3 =	vld [tilespmem:$0x10];
	_ =	sdelay $0x4  }
0x121: {  	v61 =	vshll.u32 v3, $0x3  }
0x122: {  	v3 =	vand.u32 $0x7, v3;
	v4 =	vand.u32 $0xFFFFFFC0, v61  }
0x123: {  	v3 =	vor.u32 v3, v4  }
0x124: {  	v4 =	vperm.xlane v3, v0;
	_ =	sdelay $0x1  }
0x125: {  	v4 =	vadd.s32 v1, v4;
	_ =	sdelay $0x3  }
0x126: {  	s17 =	simm.s32 $0x4100  }
0x127: {  	[tilespmem:s17], [sflag:$0x1] =	stream.indirect_vreg.gather [hbm4b:s3+s30], $0x80, v4, vm0, $0xb8;
	[tilespmem:$0x10100] =	vst v63  }
0x128: {  	s19 =	simm.s32 $0x4900;
	v3 =	vperm.xlane v3, v2  }
0x129: {  	[tilespmem:s19], [sflag:$0x1] =	stream.indirect_vreg.gather [hbm4b:s6+s30], $0x80, v4, vm0, $0xb8;
	[tilespmem:$0x10100] =	vst v63  }
0x12a: {  	s2 =	simm.s32 $0x5100;
	v3 =	vadd.s32 v1, v3  }
0x12b: {  	[tilespmem:s2], [sflag:$0x1] =	stream.indirect_vreg.gather [hbm4b:s7+s30], $0x80, v4, vm0, $0xb8;
	[tilespmem:$0x10100] =	vst v63  }
0x12c: {  	s4 =	simm.s32 $0x5900  }
0x12d: {  	[tilespmem:s4], [sflag:$0x1] =	stream.indirect_vreg.gather [hbm4b:s8+s30], $0x80, v4, vm0, $0xb8;
	[tilespmem:$0x10100] =	vst v63  }
0x12e: {  	s17 =	simm.s32 $0x6100  }
0x12f: {  	[tilespmem:s17], [sflag:$0x1] =	stream.indirect_vreg.gather [hbm4b:s3+s30], $0x80, v3, vm0, $0xb8;
	[tilespmem:$0x10100] =	vst v63  }
0x130: {  	s19 =	simm.s32 $0x6900  }
0x131: {  	[tilespmem:s19], [sflag:$0x1] =	stream.indirect_vreg.gather [hbm4b:s6+s30], $0x80, v3, vm0, $0xb8;
	[tilespmem:$0x10100] =	vst v63  }
0x132: {  	s2 =	simm.s32 $0x7100  }
0x133: {  	[tilespmem:s2], [sflag:$0x1] =	stream.indirect_vreg.gather [hbm4b:s7+s30], $0x80, v3, vm0, $0xb8;
	[tilespmem:$0x10100] =	vst v63  }
0x134: {  	s4 =	simm.s32 $0x7900  }
0x135: {  	[tilespmem:s4], [sflag:$0x1] =	stream.indirect_vreg.gather [hbm4b:s8+s30], $0x80, v3, vm0, $0xb8;
	[tilespmem:$0x10100] =	vst v63  }
0x136: {  	v3 =	vld [tilespmem:$0x80];
	_ =	sdelay $0x4  }
0x137: {  	v62 =	vshll.u32 v3, $0x3  }
0x138: {  	v3 =	vand.u32 $0x7, v3;
	v4 =	vand.u32 $0xFFFFFFC0, v62  }
0x139: {  	v3 =	vor.u32 v3, v4  }
0x13a: {  	v4 =	vperm.xlane v3, v0;
	_ =	sdelay $0x1  }
0x13b: {  	v4 =	vadd.s32 v1, v4;
	_ =	sdelay $0x4  }
0x13c: {  	[tilespmem:s5], [sflag:$0x2] =	stream.indirect_vreg.gather [hbm4b:s3+s30], $0x80, v4, vm0, $0xb8;
	[tilespmem:$0x10100] =	vst v63  }
0x13d: {  	s17 =	simm.s32 $0x8900;
	v3 =	vperm.xlane v3, v2  }
0x13e: {  	[tilespmem:s17], [sflag:$0x2] =	stream.indirect_vreg.gather [hbm4b:s6+s30], $0x80, v4, vm0, $0xb8;
	[tilespmem:$0x10100] =	vst v63  }
0x13f: {  	s19 =	simm.s32 $0x9100;
	v3 =	vadd.s32 v1, v3  }
0x140: {  	[tilespmem:s19], [sflag:$0x2] =	stream.indirect_vreg.gather [hbm4b:s7+s30], $0x80, v4, vm0, $0xb8;
	[tilespmem:$0x10100] =	vst v63  }
0x141: {  	_ = 	snop  }
0x142: {  	[tilespmem:s9], [sflag:$0x2] =	stream.indirect_vreg.gather [hbm4b:s8+s30], $0x80, v4, vm0, $0xb8;
	[tilespmem:$0x10100] =	vst v63  }
0x143: {  	_ = 	snop  }
0x144: {  	[tilespmem:s20], [sflag:$0x2] =	stream.indirect_vreg.gather [hbm4b:s3+s30], $0x80, v3, vm0, $0xb8;
	[tilespmem:$0x10100] =	vst v63  }
0x145: {  	_ = 	snop  }
0x146: {  	[tilespmem:s21], [sflag:$0x2] =	stream.indirect_vreg.gather [hbm4b:s6+s30], $0x80, v3, vm0, $0xb8;
	[tilespmem:$0x10100] =	vst v63  }
0x147: {  	_ = 	snop  }
0x148: {  	[tilespmem:s10], [sflag:$0x2] =	stream.indirect_vreg.gather [hbm4b:s7+s30], $0x80, v3, vm0, $0xb8;
	[tilespmem:$0x10100] =	vst v63  }
0x149: {  	_ = 	snop  }
0x14a: {  	[tilespmem:s22], [sflag:$0x2] =	stream.indirect_vreg.gather [hbm4b:s8+s30], $0x80, v3, vm0, $0xb8;
	[tilespmem:$0x10100] =	vst v63  }
0x14b: {  	v3 =	vld [tilespmem:$0x90];
	_ =	sdelay $0x4  }
0x14c: {  	v63 =	vshll.u32 v3, $0x3  }
0x14d: {  	v3 =	vand.u32 $0x7, v3;
	v4 =	vand.u32 $0xFFFFFFC0, v63  }
0x14e: {  	v3 =	vor.u32 v3, v4  }
0x14f: {  	v4 =	vperm.xlane v3, v0;
	_ =	sdelay $0x1  }
0x150: {  	v4 =	vadd.s32 v1, v4;
	_ =	sdelay $0x4  }
0x151: {  	[tilespmem:s23], [sflag:$0x2] =	stream.indirect_vreg.gather [hbm4b:s3+s30], $0x80, v4, vm0, $0xb8;
	[tilespmem:$0x10100] =	vst v63  }
0x152: {  	v3 =	vperm.xlane v3, v2  }
0x153: {  	[tilespmem:s24], [sflag:$0x2] =	stream.indirect_vreg.gather [hbm4b:s6+s30], $0x80, v4, vm0, $0xb8;
	[tilespmem:$0x10100] =	vst v63  }
0x154: {  	v3 =	vadd.s32 v1, v3  }
0x155: {  	[tilespmem:s11], [sflag:$0x2] =	stream.indirect_vreg.gather [hbm4b:s7+s30], $0x80, v4, vm0, $0xb8;
	[tilespmem:$0x10100] =	vst v63  }
0x156: {  	_ = 	snop  }
0x157: {  	[tilespmem:s25], [sflag:$0x2] =	stream.indirect_vreg.gather [hbm4b:s8+s30], $0x80, v4, vm0, $0xb8;
	[tilespmem:$0x10100] =	vst v63  }
0x158: {  	_ = 	snop  }
0x159: {  	[tilespmem:s12], [sflag:$0x2] =	stream.indirect_vreg.gather [hbm4b:s3+s30], $0x80, v3, vm0, $0xb8;
	[tilespmem:$0x10100] =	vst v63  }
0x15a: {  	_ = 	snop  }
0x15b: {  	[tilespmem:s26], [sflag:$0x2] =	stream.indirect_vreg.gather [hbm4b:s6+s30], $0x80, v3, vm0, $0xb8;
	[tilespmem:$0x10100] =	vst v63  }
0x15c: {  	_ = 	snop  }
0x15d: {  	[tilespmem:s13], [sflag:$0x2] =	stream.indirect_vreg.gather [hbm4b:s7+s30], $0x80, v3, vm0, $0xb8;
	[tilespmem:$0x10100] =	vst v63  }
0x15e: {  	_ = 	snop  }
0x15f: {  	[tilespmem:s28], [sflag:$0x2] =	stream.indirect_vreg.gather [hbm4b:s8+s30], $0x80, v3, vm0, $0xb8;
	[tilespmem:$0x10100] =	vst v63  }
0x160: {  	_ =	swait.ge [sflag:s14], $0x8000  }
0x161: {  	[sflag:s14] =	ssyncset.done $0x0  }
0x162: {  	[sflag:s14] =	ssyncadd.s32 $0xFFFF8000  }
0x163: {  	_ =	swait.ge [sflag:s29], $0x8000  }
0x164: {  	[sflag:s29] =	ssyncset.done $0x0  }
0x165: {  	s31 =	simm.s32 $0x0;
	s0 =	simm.s32 $0x0;
	[sflag:s29] =	ssyncadd.s32 $0xFFFF8000  }
.LBB2_10:
0x166: {  	s2 =	sshll.u32 s31, $0x2;
	s4 =	sand.u32 $0x7, s30  }
0x167: {  	s2 =	sand.u32 $0xFFFF8000, s2;
	s4 =	sshll.u32 s4, $0x9  }
0x168: {  	s2 =	sor.u32 s4, s2  }
0x169: {  	s4 =	sshrl.u32 s2, $0x2  }
0x16a: {  	s2 =	sadd.s32 $0x140, s4  }
0x16b: {  	s4 =	sadd.s32 $0x8140, s4;
	v3 =	vld [tilespmem:s2+$0xFFFFFFC0]  }
0x16c: {  	v4 =	vld [tilespmem:s4+$0xFFFFFFC0];
	_ =	sdelay $0x4  }
0x16d: {  	v3 =	vadd.f32 v4, v3;
	_ =	sdelay $0x1  }
0x16e: {  	[tilespmem:s2+$0xFFFFFFC0] =	vst v3;
	v3 =	vld [tilespmem:s2+$0xFFFFFFD0]  }
0x16f: {  	v4 =	vld [tilespmem:s4+$0xFFFFFFD0];
	_ =	sdelay $0x4  }
0x170: {  	v3 =	vadd.f32 v4, v3;
	_ =	sdelay $0x1  }
0x171: {  	[tilespmem:s2+$0xFFFFFFD0] =	vst v3;
	v3 =	vld [tilespmem:s2+$0xFFFFFFE0]  }
0x172: {  	v4 =	vld [tilespmem:s4+$0xFFFFFFE0];
	_ =	sdelay $0x4  }
0x173: {  	v3 =	vadd.f32 v4, v3;
	_ =	sdelay $0x1  }
0x174: {  	[tilespmem:s2+$0xFFFFFFE0] =	vst v3;
	v3 =	vld [tilespmem:s2+$0xFFFFFFF0]  }
0x175: {  	v4 =	vld [tilespmem:s4+$0xFFFFFFF0];
	_ =	sdelay $0x4  }
0x176: {  	v3 =	vadd.f32 v4, v3;
	_ =	sdelay $0x1  }
0x177: {  	[tilespmem:s2+$0xFFFFFFF0] =	vst v3;
	v3 =	vld [tilespmem:s2+$0x0]  }
0x178: {  	v4 =	vld [tilespmem:s4+$0x0];
	_ =	sdelay $0x4  }
0x179: {  	v3 =	vadd.f32 v4, v3;
	_ =	sdelay $0x1  }
0x17a: {  	[tilespmem:s2+$0x0] =	vst v3;
	v3 =	vld [tilespmem:s2+$0x10]  }
0x17b: {  	v4 =	vld [tilespmem:s4+$0x10];
	_ =	sdelay $0x4  }
0x17c: {  	v3 =	vadd.f32 v4, v3;
	_ =	sdelay $0x1  }
0x17d: {  	[tilespmem:s2+$0x10] =	vst v3;
	v3 =	vld [tilespmem:s2+$0x20]  }
0x17e: {  	v4 =	vld [tilespmem:s4+$0x20];
	_ =	sdelay $0x4  }
0x17f: {  	v3 =	vadd.f32 v4, v3;
	_ =	sdelay $0x1  }
0x180: {  	[tilespmem:s2+$0x20] =	vst v3;
	v3 =	vld [tilespmem:s2+$0x30]  }
0x181: {  	v4 =	vld [tilespmem:s4+$0x30];
	_ =	sdelay $0x4  }
0x182: {  	v3 =	vadd.f32 v4, v3  }
0x183: {  	s17 =	simm.s32 $0x0;
	s19 =	sadd.s32 $0x400, s2  }
.LBB2_11:
0x184: {  	v4 =	vld [tilespmem:s19+$0xFFFFFFC0];
	[tilespmem:s2+$0x30] =	vst v3;
	s4 =	sadd.s32 $0x400, s4;
	s2 =	smov.u32 s19  }
0x185: {  	s17 =	sadd.s32 $0x8, s17;
	v3 =	vld [tilespmem:s4+$0xFFFFFFC0]  }
0x186: {  	p0 =	slt.u32 s17, $0x38;
	_ =	sdelay $0x3  }
0x187: {  	v3 =	vadd.f32 v3, v4;
	_ =	sdelay $0x1  }
0x188: {  	[tilespmem:s19+$0xFFFFFFC0] =	vst v3;
	v3 =	vld [tilespmem:s19+$0xFFFFFFD0]  }
0x189: {  	v4 =	vld [tilespmem:s4+$0xFFFFFFD0];
	_ =	sdelay $0x4  }
0x18a: {  	v3 =	vadd.f32 v4, v3;
	_ =	sdelay $0x1  }
0x18b: {  	[tilespmem:s19+$0xFFFFFFD0] =	vst v3;
	v3 =	vld [tilespmem:s19+$0xFFFFFFE0]  }
0x18c: {  	v4 =	vld [tilespmem:s4+$0xFFFFFFE0];
	_ =	sdelay $0x4  }
0x18d: {  	v3 =	vadd.f32 v4, v3;
	_ =	sdelay $0x1  }
0x18e: {  	[tilespmem:s19+$0xFFFFFFE0] =	vst v3;
	v3 =	vld [tilespmem:s19+$0xFFFFFFF0]  }
0x18f: {  	v4 =	vld [tilespmem:s4+$0xFFFFFFF0];
	_ =	sdelay $0x4  }
0x190: {  	v3 =	vadd.f32 v4, v3;
	_ =	sdelay $0x1  }
0x191: {  	[tilespmem:s19+$0xFFFFFFF0] =	vst v3;
	v3 =	vld [tilespmem:s19+$0x0]  }
0x192: {  	v4 =	vld [tilespmem:s4+$0x0];
	_ =	sdelay $0x4  }
0x193: {  	v3 =	vadd.f32 v4, v3;
	_ =	sdelay $0x1  }
0x194: {  	[tilespmem:s19+$0x0] =	vst v3;
	v3 =	vld [tilespmem:s19+$0x10]  }
0x195: {  	v4 =	vld [tilespmem:s4+$0x10];
	_ =	sdelay $0x4  }
0x196: {  	v3 =	vadd.f32 v4, v3;
	_ =	sdelay $0x1  }
0x197: {  	[tilespmem:s19+$0x10] =	vst v3;
	v3 =	vld [tilespmem:s19+$0x20]  }
0x198: {  	v4 =	vld [tilespmem:s4+$0x20];
	_ =	sdelay $0x4  }
0x199: {  	v3 =	vadd.f32 v4, v3;
	_ =	sdelay $0x1  }
0x19a: {  	[tilespmem:s19+$0x20] =	vst v3;
	v3 =	vld [tilespmem:s19+$0x30]  }
0x19b: {  	v4 =	vld [tilespmem:s4+$0x30];
	_ =	sdelay $0x1  }
.Ltmp4:
0x19c: {  	(pc) =	sbr.rel @p0 .LBB2_11-.Ltmp4, $3  }
0x19d: {  	_ =	sdelay $0x1  }
0x19e: {  	v3 =	vadd.f32 v4, v3  }
0x19f: {  	s19 =	sadd.s32 $0x400, s19  }
0x1a0: {  	s0 =	sadd.s32 $0x1, s0  }
0x1a1: {  	p0 =	sne.s32 s0, $0x20  }
.Ltmp5:
0x1a2: {  	_ = 	snop;
	(pc) =	sbr.rel @p0 .LBB2_10-.Ltmp5, $2  }
0x1a3: {  	_ =	sdelay $0x2  }
0x1a4: {  	[tilespmem:s2+$0x30] =	vst v3;
	s31 =	sadd.s32 $0x400, s31;
	s30 =	sadd.s32 $0x1, s30  }
0x1a5: {  	s30 =	simm.s32 $0x0;
	s0 =	rddreg [dreg:$0x9]  }
0x1a6: {  	[tilespmem:s5], [sflag:$0x3] =	stream.linear.gather [hbm4b:s0+s30], $0x8000, $0x38;
	[tilespmem:$0x10100] =	vst v63  }
0x1a7: {  	_ =	swait.ge [sflag:s16], $0x8000  }
0x1a8: {  	[sflag:s16] =	ssyncset.done $0x0  }
0x1a9: {  	s31 =	simm.s32 $0x0;
	s0 =	simm.s32 $0x0;
	[sflag:s16] =	ssyncadd.s32 $0xFFFF8000  }
.LBB2_14:
0x1aa: {  	s2 =	sshll.u32 s31, $0x2;
	s4 =	sand.u32 $0x7, s30  }
0x1ab: {  	s2 =	sand.u32 $0xFFFF8000, s2;
	s4 =	sshll.u32 s4, $0x9  }
0x1ac: {  	s2 =	sor.u32 s4, s2  }
0x1ad: {  	s4 =	sshrl.u32 s2, $0x2  }
0x1ae: {  	s2 =	sadd.s32 $0x140, s4  }
0x1af: {  	s4 =	sadd.s32 $0x8140, s4;
	v3 =	vld [tilespmem:s2+$0xFFFFFFC0]  }
0x1b0: {  	v4 =	vld [tilespmem:s4+$0xFFFFFFC0];
	_ =	sdelay $0x4  }
0x1b1: {  	v3 =	vadd.f32 v4, v3;
	_ =	sdelay $0x1  }
0x1b2: {  	[tilespmem:s2+$0xFFFFFFC0] =	vst v3;
	v3 =	vld [tilespmem:s2+$0xFFFFFFD0]  }
0x1b3: {  	v4 =	vld [tilespmem:s4+$0xFFFFFFD0];
	_ =	sdelay $0x4  }
0x1b4: {  	v3 =	vadd.f32 v4, v3;
	_ =	sdelay $0x1  }
0x1b5: {  	[tilespmem:s2+$0xFFFFFFD0] =	vst v3;
	v3 =	vld [tilespmem:s2+$0xFFFFFFE0]  }
0x1b6: {  	v4 =	vld [tilespmem:s4+$0xFFFFFFE0];
	_ =	sdelay $0x4  }
0x1b7: {  	v3 =	vadd.f32 v4, v3;
	_ =	sdelay $0x1  }
0x1b8: {  	[tilespmem:s2+$0xFFFFFFE0] =	vst v3;
	v3 =	vld [tilespmem:s2+$0xFFFFFFF0]  }
0x1b9: {  	v4 =	vld [tilespmem:s4+$0xFFFFFFF0];
	_ =	sdelay $0x4  }
0x1ba: {  	v3 =	vadd.f32 v4, v3;
	_ =	sdelay $0x1  }
0x1bb: {  	[tilespmem:s2+$0xFFFFFFF0] =	vst v3;
	v3 =	vld [tilespmem:s2+$0x0]  }
0x1bc: {  	v4 =	vld [tilespmem:s4+$0x0];
	_ =	sdelay $0x4  }
0x1bd: {  	v3 =	vadd.f32 v4, v3;
	_ =	sdelay $0x1  }
0x1be: {  	[tilespmem:s2+$0x0] =	vst v3;
	v3 =	vld [tilespmem:s2+$0x10]  }
0x1bf: {  	v4 =	vld [tilespmem:s4+$0x10];
	_ =	sdelay $0x4  }
0x1c0: {  	v3 =	vadd.f32 v4, v3;
	_ =	sdelay $0x1  }
0x1c1: {  	[tilespmem:s2+$0x10] =	vst v3;
	v3 =	vld [tilespmem:s2+$0x20]  }
0x1c2: {  	v4 =	vld [tilespmem:s4+$0x20];
	_ =	sdelay $0x4  }
0x1c3: {  	v3 =	vadd.f32 v4, v3;
	_ =	sdelay $0x1  }
0x1c4: {  	[tilespmem:s2+$0x20] =	vst v3;
	v3 =	vld [tilespmem:s2+$0x30]  }
0x1c5: {  	v4 =	vld [tilespmem:s4+$0x30];
	_ =	sdelay $0x4  }
0x1c6: {  	v3 =	vadd.f32 v4, v3  }
0x1c7: {  	s17 =	simm.s32 $0x0;
	s19 =	sadd.s32 $0x400, s2  }
.LBB2_15:
0x1c8: {  	v4 =	vld [tilespmem:s19+$0xFFFFFFC0];
	[tilespmem:s2+$0x30] =	vst v3;
	s4 =	sadd.s32 $0x400, s4;
	s2 =	smov.u32 s19  }
0x1c9: {  	s17 =	sadd.s32 $0x8, s17;
	v3 =	vld [tilespmem:s4+$0xFFFFFFC0]  }
0x1ca: {  	p0 =	slt.u32 s17, $0x38;
	_ =	sdelay $0x3  }
0x1cb: {  	v3 =	vadd.f32 v3, v4;
	_ =	sdelay $0x1  }
0x1cc: {  	[tilespmem:s19+$0xFFFFFFC0] =	vst v3;
	v3 =	vld [tilespmem:s19+$0xFFFFFFD0]  }
0x1cd: {  	v4 =	vld [tilespmem:s4+$0xFFFFFFD0];
	_ =	sdelay $0x4  }
0x1ce: {  	v3 =	vadd.f32 v4, v3;
	_ =	sdelay $0x1  }
0x1cf: {  	[tilespmem:s19+$0xFFFFFFD0] =	vst v3;
	v3 =	vld [tilespmem:s19+$0xFFFFFFE0]  }
0x1d0: {  	v4 =	vld [tilespmem:s4+$0xFFFFFFE0];
	_ =	sdelay $0x4  }
0x1d1: {  	v3 =	vadd.f32 v4, v3;
	_ =	sdelay $0x1  }
0x1d2: {  	[tilespmem:s19+$0xFFFFFFE0] =	vst v3;
	v3 =	vld [tilespmem:s19+$0xFFFFFFF0]  }
0x1d3: {  	v4 =	vld [tilespmem:s4+$0xFFFFFFF0];
	_ =	sdelay $0x4  }
0x1d4: {  	v3 =	vadd.f32 v4, v3;
	_ =	sdelay $0x1  }
0x1d5: {  	[tilespmem:s19+$0xFFFFFFF0] =	vst v3;
	v3 =	vld [tilespmem:s19+$0x0]  }
0x1d6: {  	v4 =	vld [tilespmem:s4+$0x0];
	_ =	sdelay $0x4  }
0x1d7: {  	v3 =	vadd.f32 v4, v3;
	_ =	sdelay $0x1  }
0x1d8: {  	[tilespmem:s19+$0x0] =	vst v3;
	v3 =	vld [tilespmem:s19+$0x10]  }
0x1d9: {  	v4 =	vld [tilespmem:s4+$0x10];
	_ =	sdelay $0x4  }
0x1da: {  	v3 =	vadd.f32 v4, v3;
	_ =	sdelay $0x1  }
0x1db: {  	[tilespmem:s19+$0x10] =	vst v3;
	v3 =	vld [tilespmem:s19+$0x20]  }
0x1dc: {  	v4 =	vld [tilespmem:s4+$0x20];
	_ =	sdelay $0x4  }
0x1dd: {  	v3 =	vadd.f32 v4, v3;
	_ =	sdelay $0x1  }
0x1de: {  	[tilespmem:s19+$0x20] =	vst v3;
	v3 =	vld [tilespmem:s19+$0x30]  }
0x1df: {  	v4 =	vld [tilespmem:s4+$0x30];
	_ =	sdelay $0x1  }
.Ltmp6:
0x1e0: {  	(pc) =	sbr.rel @p0 .LBB2_15-.Ltmp6, $3  }
0x1e1: {  	_ =	sdelay $0x1  }
0x1e2: {  	v3 =	vadd.f32 v4, v3  }
0x1e3: {  	s19 =	sadd.s32 $0x400, s19  }
0x1e4: {  	s0 =	sadd.s32 $0x1, s0  }
0x1e5: {  	p0 =	sne.s32 s0, $0x20  }
.Ltmp7:
0x1e6: {  	_ = 	snop;
	(pc) =	sbr.rel @p0 .LBB2_14-.Ltmp7, $2  }
0x1e7: {  	_ =	sdelay $0x2  }
0x1e8: {  	[tilespmem:s2+$0x30] =	vst v3;
	s31 =	sadd.s32 $0x400, s31;
	s30 =	sadd.s32 $0x1, s30  }
0x1e9: {  	s0 =	rddreg [dreg:$0xa]  }
0x1ea: {  	[hbm4b:s0+s1] =	stream.linear.scatter [tilespmem:s18], [sflag:$0x3], $0x8000, $0x38;
	[tilespmem:$0x10100] =	vst v63  }
0x1eb: {  	_ =	swait.ge [sflag:s16], $0x8000  }
0x1ec: {  	s15 =	sadd.s32 $0x1, s15;
	s31 =	rddreg [dreg:$0xb]  }
0x1ed: {  	p0 =	sne.s32 s15, s31  }
.Ltmp8:
0x1ee: {  	_ = 	snop;
	(pc) =	sbr.rel @p0 .LBB2_1-.Ltmp8, $3  }
0x1ef: {  	_ =	sdelay $0x1  }
0x1f0: {  	[sflag:s16] =	ssyncset.done $0x0  }
0x1f1: {  	[sflag:s16] =	ssyncadd.s32 $0xFFFF8000  }
0x1f2: {  	_ =	sfence.sel $0x180000  }
0x1f3: {  	[bflag:$0x0] =	sbarrier.arrive $0xFFFF  }
0x1f4: {  	_ =	strace $0x9000004D  }
0x1f5: {  	s0 =	stileid.u32;
	[bflag:$0x2] =	sbarrier.arrive $0xFFFF  }
0x1f6: {  	p0 =	sne.s32 s0, $0x0;
	s0 =	rddreg [dreg:$0x2]  }
0x1f7: {  	s0 =	sadd.s32 @!p0 $0x100000, s0  }
0x1f8: {  	[sflag:s0] =	ssyncadd.tile.s32 @!p0 $0x1;
	_ =	shalt  }
.Lfunc_end2:
_tile_overlayer_lowered:
.L_overlay_start_2:
0x1f9: {  	(tag) =	ssettag $0x2  }
0x1fa: {  	s0 =	rddreg [dreg:$0x0];
	s2 =	stileid.u32  }
0x1fb: {  	s1 =	rddreg [dreg:$0x1];
	p0 =	sne.s32 s2, $0x0  }
0x1fc: {  	s3 =	rddreg [dreg:$0x2];
	[bflag:$0x3] =	sbarrier.arrive $0xFFFF;
	s2 =	simm.s32 @!p0 $0x1C03  }
0x1fd: {  	[timem:s3], [sflag:s2] =	dma.local @!p0 [hbm:s0], s1  }
0x1fe: {  	s0 =	simm.s32 @!p0 $0x3  }
0x1ff: {  	_ =	swait.ge @!p0 [sflag:s0], s1  }
0x200: {  	s1 =	ssub.s32 @!p0 $0x0, s1;
	[sflag:s0] =	ssyncset.done @!p0 $0x0  }
0x201: {  	[sflag:s0] =	ssyncadd.s32 @!p0 s1  }
0x202: {  	[bflag:$0x3] =	sbarrier.arrive $0xFFFF  }
0x203: {  	_ =	shalt  }

// kernel: kernel.8.cloned.1.call-start
scs
__scs_entry_jumppad:
0x0: {  	(pc) =	sbr.rel $0x88, $3  }
0x1: {  	(tag) =	ssettag $0x0;
	lr =	simm.s32 $0x1  }
0x2: {  	[smem:$0x3F9A] =	sst lr;
	_ =	strace $0xD0000000  }
0x3: {  	_ = 	snop  }
0x4: {  	_ = 	snop  }
0x5: {  	_ = 	snop  }
0x6: {  	_ = 	snop  }
0x7: {  	_ = 	snop  }
__scs_overlays_trampoline_lowered:
0x8: {  	[smem:$0x3FA9] =	sst s0  }
0x9: {  	[smem:$0x3FAA] =	sst s1  }
0xa: {  	[smem:$0x3FAB] =	sst s2  }
0xb: {  	[smem:$0x3FAC] =	sst s3  }
0xc: {  	[smem:$0x3FAD] =	sst s4  }
0xd: {  	[smem:$0x3FAE] =	sst s5  }
0xe: {  	[smem:$0x3FAF] =	sst s6  }
0xf: {  	[smem:$0x3FB0] =	sst s7  }
0x10: {  	[smem:$0x3FB1] =	sst s8  }
0x11: {  	[smem:$0x3FB2] =	sst s9;
	s0 =	simm.s32 @!p0 $0x0  }
0x12: {  	s1 =	sld [smem:$0x3F98];
	s0 =	simm.s32 @p0 $0x1  }
0x13: {  	[smem:$0x3FB3] =	sst s0;
	s0 =	simm.s32 @!p1 $0x0  }
0x14: {  	s2 =	sld [smem:$0x3F97];
	s0 =	simm.s32 @p1 $0x1  }
0x15: {  	[smem:$0x3FB4] =	sst s0;
	s0 =	simm.s32 @!p2 $0x0  }
0x16: {  	s3 =	sld [smem:$0x3FDB];
	s0 =	simm.s32 @p2 $0x1  }
0x17: {  	s4 =	simm.s32 $0x1BF5;
	[smem:$0x3FB6] =	sst s0  }
0x18: {  	s0 =	sld [smem:$0x3F99];
	_ =	swait.ge [sflag:s4], $0x0  }
0x19: {  	s7 =	sld [smem:$0x3F9A]  }
0x1a: {  	s8 =	sadd.s32 $0xFFFFE003, lr  }
0x1b: {  	s9 =	sadd.s32 $0xFFFFFEF7, lr;
	s5 =	simm.s32 $0xFFFFFFFF;
	p2 =	slt.u32 s8, $0xFFFFF086  }
0x1c: {  	p1 =	slt.u32 s9, $0xF7A;
	s5 =	simm.s32 @!p2 $0x0  }
0x1d: {  	s5 =	simm.s32 @p1 $0x1;
	p0 =	seq.s32 s7, s2  }
0x1e: {  	s7 =	smul.u32 @!p0 $0xF7A, s2;
	p2 =	seq.s32 @!p0 s5, $0x0  }
0x1f: {  	s9 =	smul.u32 $0xF7A, s1;
	s8 =	simm.s32 @!p0 $0x1BF5;
	p2 =	por !p2, p0  }
0x20: {  	[sflag:s8] =	ssyncset.s32 @!p0 $0xFFFFF086;
	s6 =	sadd.s32 @!p0 s3, s7;
	s7 =	simm.s32 @!p0 $0x108  }
0x21: {  	s3 =	sadd.s32 s3, s9;
	s6 =	sadd.s32 @!p0 $0x88, s6;
	s7 =	simm.s32 @p2 $0x1082  }
0x22: {  	[simem:s7], [sflag:s8] =	dma.local @!p0 [hbm:s6], $0xF7A  }
0x23: {  	s9 =	sor.u32 $0xD0000000, s2;
	s6 =	simm.s32 $0x108;
	_ =	swait.ge @!p0 [sflag:s8], $0x0  }
0x24: {  	s3 =	sadd.s32 $0x88, s3;
	s6 =	simm.s32 @!p1 $0x1082;
	[sflag:s4] =	ssyncset.s32 $0xFFFFF086  }
0x25: {  	[simem:s6], [sflag:s4] =	dma.local [hbm:s3], $0xF7A  }
0x26: {  	[smem:$0x3F9A] =	sst s1;
	(tag) =	ssettag s2;
	_ =	strace s9  }
0x27: {  	s1 =	sld [smem:$0x3FAA]  }
0x28: {  	s2 =	sld [smem:$0x3FAB]  }
0x29: {  	s4 =	sld [smem:$0x3FAD]  }
0x2a: {  	p0 =	seq.s32 s5, $0x0;
	s5 =	sld [smem:$0x3FAE]  }
0x2b: {  	s6 =	sld [smem:$0x3FAF]  }
0x2c: {  	s7 =	sld [smem:$0x3FB0]  }
0x2d: {  	s3 =	simm.s32 $0x108;
	s8 =	sld [smem:$0x3FB1]  }
0x2e: {  	s3 =	simm.s32 @!p0 $0x1082;
	s9 =	sld [smem:$0x3FB2]  }
0x2f: {  	lr =	sadd.s32 s0, s3;
	s0 =	sld [smem:$0x3FA9]  }
0x30: {  	s3 =	sld [smem:$0x3FAC]  }
0x31: {  	[smem:$0x3FB5] =	sst s10  }
0x32: {  	s10 =	sld [smem:$0x3FB3];
	_ =	sdelay $0x3  }
0x33: {  	p0 =	seq.s32 s10, $0x1;
	s10 =	sld [smem:$0x3FB5];
	_ =	sdelay $0x3  }
0x34: {  	[smem:$0x3FB5] =	sst s10  }
0x35: {  	s10 =	sld [smem:$0x3FB4];
	_ =	sdelay $0x3  }
0x36: {  	p1 =	seq.s32 s10, $0x1;
	s10 =	sld [smem:$0x3FB5];
	_ =	sdelay $0x3  }
0x37: {  	[smem:$0x3FB5] =	sst s10  }
0x38: {  	s10 =	sld [smem:$0x3FB6]  }
0x39: {  	_ = 	snop;
	(pc) =	sbr.ind lr, $3  }
0x3a: {  	_ = 	snop  }
0x3b: {  	_ = 	snop  }
0x3c: {  	p2 =	seq.s32 s10, $0x1;
	s10 =	sld [smem:$0x3FB5]  }
0x3d: {  	_ =	shalt  }
0x3e: {  	_ =	shalt  }
0x3f: {  	_ =	shalt  }
0x40: {  	_ =	shalt  }
0x41: {  	_ =	shalt  }
0x42: {  	_ =	shalt  }
0x43: {  	_ =	shalt  }
0x44: {  	_ =	shalt  }
0x45: {  	_ =	shalt  }
0x46: {  	_ =	shalt  }
0x47: {  	_ =	shalt  }
0x48: {  	_ =	shalt  }
0x49: {  	_ =	shalt  }
0x4a: {  	_ =	shalt  }
0x4b: {  	_ =	shalt  }
0x4c: {  	_ =	shalt  }
0x4d: {  	_ =	shalt  }
0x4e: {  	_ =	shalt  }
0x4f: {  	_ =	shalt  }
0x50: {  	_ =	shalt  }
0x51: {  	_ =	shalt  }
0x52: {  	_ =	shalt  }
0x53: {  	_ =	shalt  }
0x54: {  	_ =	shalt  }
0x55: {  	_ =	shalt  }
0x56: {  	_ =	shalt  }
0x57: {  	_ =	shalt  }
0x58: {  	_ =	shalt  }
0x59: {  	_ =	shalt  }
0x5a: {  	_ =	shalt  }
0x5b: {  	_ =	shalt  }
0x5c: {  	_ =	shalt  }
0x5d: {  	_ =	shalt  }
0x5e: {  	_ =	shalt  }
0x5f: {  	_ =	shalt  }
0x60: {  	_ =	shalt  }
0x61: {  	_ =	shalt  }
0x62: {  	_ =	shalt  }
0x63: {  	_ =	shalt  }
0x64: {  	_ =	shalt  }
0x65: {  	_ =	shalt  }
0x66: {  	_ =	shalt  }
0x67: {  	_ =	shalt  }
0x68: {  	_ =	shalt  }
0x69: {  	_ =	shalt  }
0x6a: {  	_ =	shalt  }
0x6b: {  	_ =	shalt  }
0x6c: {  	_ =	shalt  }
0x6d: {  	_ =	shalt  }
0x6e: {  	_ =	shalt  }
0x6f: {  	_ =	shalt  }
0x70: {  	_ =	shalt  }
0x71: {  	_ =	shalt  }
0x72: {  	_ =	shalt  }
0x73: {  	_ =	shalt  }
0x74: {  	_ =	shalt  }
0x75: {  	_ =	shalt  }
0x76: {  	_ =	shalt  }
0x77: {  	_ =	shalt  }
0x78: {  	_ =	shalt  }
0x79: {  	_ =	shalt  }
0x7a: {  	_ =	shalt  }
0x7b: {  	_ =	shalt  }
0x7c: {  	_ =	shalt  }
0x7d: {  	_ =	shalt  }
0x7e: {  	_ =	shalt  }
0x7f: {  	_ =	shalt  }
0x80: {  	_ =	shalt  }
0x81: {  	_ =	shalt  }
0x82: {  	_ =	shalt  }
0x83: {  	_ =	shalt  }
0x84: {  	_ =	shalt  }
0x85: {  	_ =	shalt  }
0x86: {  	_ =	shalt  }
0x87: {  	_ =	shalt  }
.Lfunc_end0:
.L_simem_size_0:
called_computation_lowered:
.L_overlay_start_0:
0x88: {  	s2 =	sld [smem:$0x3FD9]  }
0x89: {  	s3 =	sld [smem:$0x3FFE];
	_ =	sdelay $0x1  }
0x8a: {  	s1 =	srdreg.scid  }
0x8b: {  	s0 =	sand.u32 $0x1, s1  }
0x8c: {  	s17 =	sshll.u32 s0, $0xA;
	s2 =	sadd.s32 s3, s2  }
0x8d: {  	s2 =	sadd.s32 s2, s17  }
0x8e: {  	[smem:$0x3FC1] =	sst s2  }
0x8f: {  	_ = 	snop  }
0x90: {  	s2 =	sld [smem:$0x3FD0];
	(tm) =	ssettm $0x1  }
0x91: {  	s18 =	sld [smem:$0x3FFB];
	_ =	sdelay $0x3  }
0x92: {  	_ =	strace s18  }
0x93: {  	s3 =	sld [smem:$0x3FFC];
	_ =	sdelay $0x3  }
0x94: {  	_ =	strace s3  }
0x95: {  	s3 =	sld [smem:$0x3FFD];
	_ =	sdelay $0x3  }
0x96: {  	_ =	strace s3  }
0x97: {  	_ =	strace $0x8FFFFFFF  }
0x98: {  	s19 =	sld [smem:$0x3FDB];
	_ =	sdelay $0x1  }
0x99: {  	s4 =	simm.s32 $_scs_section_size  }
0x9a: {  	s5 =	simm.s32 $_size__tile_overlayer_lowered;
	s6 =	simm.s32 $_tile_overlayer_lowered  }
0x9b: {  	s22 =	simm.s32 $0x1BFF;
	s21 =	sshll.u32 s6, $0x1;
	s3 =	sadd.s32 s4, s19  }
0x9c: {  	s7 =	simm.s32 $0x0;
	s20 =	sshll.u32 s5, $0x1;
	s5 =	sadd.s32 s21, s3  }
0x9d: {  	[timem:s7], [sflag:s22] =	dma.local [hbm:s5], s20  }
0x9e: {  	_ =	swait.ge [sflag:s22], s20  }
0x9f: {  	s4 =	ssub.s32 $0x0, s20;
	[sflag:s22] =	ssyncset.done $0x0  }
0xa0: {  	[sflag:s22] =	ssyncadd.s32 s4;
	_ =	sdelay $0x1  }
0xa1: {  	s23 =	simm.s32 $0x1B8B  }
0xa2: {  	_ =	swait.ge [sflag:s23], $0x1  }
0xa3: {  	[sflag:s23] =	ssyncset.done $0x0  }
0xa4: {  	s25 =	simm.s32 $0x1B8E;
	s24 =	sld [smem:$0x3FFE];
	[sflag:s23] =	ssyncadd.s32 $0xFFFFFFFF  }
0xa5: {  	s26 =	simm.s32 $execute0_lowered;
	[smem:$0x3FD2] =	sst s25  }
0xa6: {  	s5 =	sshll.u32 s26, $0x1;
	_ =	strace $0x80000046;
	[dreg:$0x1] =	wrdreg $0xFFFFFFFF  }
0xa7: {  	s28 =	simm.s32 $_size_execute0_lowered;
	s3 =	sadd.s32 s3, s5;
	[dreg:$0x0] =	wrdreg $0x0  }
0xa8: {  	s5 =	sshll.u32 s28, $0x1;
	[dreg:$0x2] =	wrdreg s3  }
0xa9: {  	[dreg:$0x3] =	wrdreg s5  }
0xaa: {  	[dreg:$0x4] =	wrdreg $0xC0  }
0xab: {  	_ =	task [dreg:s7], $0x5FFFF  }
0xac: {  	[dreg:$0x1] =	wrdreg $0xFFFFFFFF  }
0xad: {  	[dreg:$0x0] =	wrdreg $0x60  }
0xae: {  	[dreg:$0x2] =	wrdreg s24  }
0xaf: {  	[dreg:$0x3] =	wrdreg s2  }
0xb0: {  	[dreg:$0x4] =	wrdreg $0x9  }
0xb1: {  	_ =	task.clear_ibuf [dreg:s7], $0x5FFFF;
	_ =	strace $0x90000046  }
0xb2: {  	s29 =	simm.s32 $0x9;
	_ =	strace $0x80000048  }
0xb3: {  	_ =	swait.ge [sflag:s29], $0x1  }
0xb4: {  	[sflag:s29] =	ssyncadd.s32 $0xFFFFFFFF  }
0xb5: {  	_ =	strace $0x90000048  }
0xb6: {  	_ =	sfence  }
0xb7: {  	s30 =	sld [smem:$0x0];
	_ =	sdelay $0x2  }
0xb8: {  	s31 =	sshll.u32 s1, $0xD;
	s1 =	sshrl.u32 s1, $0x2  }
0xb9: {  	s3 =	sand.u32 $0x4000, s31;
	s1 =	sadd.s32 s1, s30  }
0xba: {  	s0 =	sor.u32 s3, s0;
	s1 =	sshll.u32 s1, $0x11  }
0xbb: {  	s0 =	sor.u32 s1, s0  }
0xbc: {  	s0 =	sadd.s32 $0x8F2B, s0  }
0xbd: {  	[sflag:s0] =	ssyncadd.remote.s32 $0x1  }
0xbe: {  	_ =	sfence.sel $0xFFFF  }
0xbf: {  	[dreg:$0x0] =	wrdreg $0xFFFFFFFF;
	(pc) =	sbr.abs _section_cstart, $3  }
0xc0: {  	[dreg:$0x1] =	wrdreg $0xFFFFFFFF  }
0xc1: {  	_ =	task.clear_ibuf [dreg:s7], $0x2FFFF;
	_ =	strace $0x9FFFFFFF  }
0xc2: {  	(tm) =	ssettm $0x7FFFFFFF  }
0xc3: {  	_ =	shalt  }
tec
execute0_lowered:
.L_overlay_start_1:
0x0: {  	(tag) =	ssettag $0x1  }
0x1: {  	s1 =	srdreg.scid  }
0x2: {  	s1 =	sand.u32 $0x1, s1  }
0x3: {  	p0 =	seq.s32 s1, $0x1  }
.Ltmp0:
0x4: {  	_ = 	snop;
	(pc) =	sbr.rel @p0 .LBB2_2-.Ltmp0, $4  }
0x5: {  	s4 =	rddreg [dreg:$0x0]  }
0x6: {  	s3 =	rddreg [dreg:$0x1];
	s2 =	simm.s32 $0x0  }
0x7: {  	[smem:$0x7FF] =	sst s2  }
0x8: {  	s0 =	rddreg [dreg:$0x2];
	_ =	strace $0x80000047;
	s1 =	stileid.u32  }
0x9: {  	v0 =	vimm.s32 $0x0  }
0xa: {  	v1 =	vimm.f32 $0.0e+00;
	[tilespmem:$0x280] =	vst v0  }
0xb: {  	[tilespmem:$0x400] =	vst v1  }
0xc: {  	[tilespmem:$0x290] =	vst v0  }
0xd: {  	[tilespmem:$0x410] =	vst v1  }
0xe: {  	[tilespmem:$0x2A0] =	vst v0  }
0xf: {  	[tilespmem:$0x420] =	vst v1  }
0x10: {  	[tilespmem:$0x2B0] =	vst v0  }
0x11: {  	[tilespmem:$0x430] =	vst v1  }
0x12: {  	[tilespmem:$0x2C0] =	vst v0  }
0x13: {  	[tilespmem:$0x440] =	vst v1  }
0x14: {  	[tilespmem:$0x2D0] =	vst v0  }
0x15: {  	[tilespmem:$0x450] =	vst v1  }
0x16: {  	[tilespmem:$0x2E0] =	vst v0  }
0x17: {  	[tilespmem:$0x460] =	vst v1  }
0x18: {  	[tilespmem:$0x2F0] =	vst v0  }
0x19: {  	[tilespmem:$0x470] =	vst v1  }
0x1a: {  	[tilespmem:$0x300] =	vst v0  }
0x1b: {  	[tilespmem:$0x480] =	vst v1  }
0x1c: {  	[tilespmem:$0x310] =	vst v0  }
0x1d: {  	[tilespmem:$0x490] =	vst v1  }
0x1e: {  	[tilespmem:$0x320] =	vst v0  }
0x1f: {  	[tilespmem:$0x4A0] =	vst v1  }
0x20: {  	[tilespmem:$0x330] =	vst v0  }
0x21: {  	[tilespmem:$0x4B0] =	vst v1  }
0x22: {  	[tilespmem:$0x340] =	vst v0  }
0x23: {  	[tilespmem:$0x4C0] =	vst v1  }
0x24: {  	[tilespmem:$0x350] =	vst v0  }
0x25: {  	[tilespmem:$0x4D0] =	vst v1  }
0x26: {  	[tilespmem:$0x360] =	vst v0  }
0x27: {  	[tilespmem:$0x4E0] =	vst v1  }
0x28: {  	[tilespmem:$0x370] =	vst v0  }
0x29: {  	[tilespmem:$0x4F0] =	vst v1  }
0x2a: {  	[tilespmem:$0x380] =	vst v0  }
0x2b: {  	[tilespmem:$0x500] =	vst v1  }
0x2c: {  	[tilespmem:$0x390] =	vst v0  }
0x2d: {  	[tilespmem:$0x510] =	vst v1  }
0x2e: {  	[tilespmem:$0x3A0] =	vst v0  }
0x2f: {  	[tilespmem:$0x520] =	vst v1  }
0x30: {  	[tilespmem:$0x3B0] =	vst v0  }
0x31: {  	[tilespmem:$0x530] =	vst v1  }
0x32: {  	[tilespmem:$0x3C0] =	vst v0  }
0x33: {  	[tilespmem:$0x540] =	vst v1  }
0x34: {  	[tilespmem:$0x3D0] =	vst v0  }
0x35: {  	[tilespmem:$0x550] =	vst v1  }
0x36: {  	[tilespmem:$0x3E0] =	vst v0  }
0x37: {  	s7 =	smul.u32 $0x30, s1;
	[tilespmem:$0x560] =	vst v1  }
0x38: {  	[tilespmem:$0x3F0] =	vst v0  }
0x39: {  	s6 =	simm.s32 $0x280;
	s13 =	simm.s32 $0x2;
	[tilespmem:$0x570] =	vst v1;
	s5 =	sadd.s32 s3, s7  }
0x3a: {  	[hbm4b:s5+s2] =	stream.linear.scatter [tilespmem:s6], [sflag:$0x2], $0x180, $0x38;
	[tilespmem:$0x580] =	vst v63  }
0x3b: {  	_ =	swait.ge [sflag:s13], $0x180  }
0x3c: {  	s14 =	sadd.s32 $0x3400, s4;
	[sflag:s13] =	ssyncset.done $0x0  }
0x3d: {  	s8 =	simm.s32 $0x400;
	s7 =	sadd.s32 s14, s7;
	[sflag:s13] =	ssyncadd.s32 $0xFFFFFE80  }
0x3e: {  	[hbm4b:s7+s2] =	stream.linear.scatter [tilespmem:s8], [sflag:$0x2], $0x180, $0x38;
	[tilespmem:$0x580] =	vst v63  }
0x3f: {  	_ =	swait.ge [sflag:s13], $0x180  }
0x40: {  	[sflag:s13] =	ssyncset.done $0x0  }
0x41: {  	s15 =	sshll.u32 s1, $0x7;
	v57 =	vlaneseq.u32;
	[sflag:s13] =	ssyncadd.s32 $0xFFFFFE80  }
0x42: {  	s16 =	sor.u32 $0x10, s15;
	v58 =	vor.u32 s15, v57;
	[bflag:$0x0] =	sbarrier.arrive $0xFFFF  }
0x43: {  	s9 =	sor.u32 $0x20, s15;
	v2 =	vor.u32 s16, v57;
	[tilespmem:$0x100] =	vst v58  }
0x44: {  	s17 =	sor.u32 $0x30, s15;
	v59 =	vor.u32 s9, v57;
	[tilespmem:$0x110] =	vst v2  }
0x45: {  	s18 =	sor.u32 $0x40, s15;
	v60 =	vor.u32 s17, v57;
	[tilespmem:$0x120] =	vst v59  }
0x46: {  	s19 =	sor.u32 $0x50, s15;
	v61 =	vor.u32 s18, v57;
	[tilespmem:$0x130] =	vst v60  }
0x47: {  	s20 =	sor.u32 $0x60, s15;
	v62 =	vor.u32 s19, v57;
	[tilespmem:$0x140] =	vst v61  }
0x48: {  	v63 =	vor.u32 s20, v57;
	s7 =	sor.u32 $0x70, s15;
	[tilespmem:$0x150] =	vst v62  }
0x49: {  	s21 =	sadd.s32 $0x3200, s4;
	s22 =	sshll.u32 s1, $0x4;
	v0 =	vor.u32 s7, v57;
	[tilespmem:$0x160] =	vst v63  }
0x4a: {  	s23 =	sadd.s32 s21, s22;
	[tilespmem:$0x170] =	vst v0  }
0x4b: {  	[tilespmem:s2], [sflag:$0x2] =	stream.linear.gather [hbm4b:s23+s2], $0x80, $0x38;
	[tilespmem:$0x580] =	vst v63  }
0x4c: {  	_ =	swait.ge [sflag:s13], $0x80  }
0x4d: {  	s24 =	sadd.s32 $0x2C00, s4;
	[sflag:s13] =	ssyncset.done $0x0  }
0x4e: {  	s25 =	simm.s32 $0x80;
	s7 =	sadd.s32 s24, s22;
	[sflag:s13] =	ssyncadd.s32 $0xFFFFFF80  }
0x4f: {  	[tilespmem:s25], [sflag:$0x2] =	stream.linear.gather [hbm4b:s7+s2], $0x80, $0x38;
	[tilespmem:$0x580] =	vst v63  }
0x50: {  	_ =	swait.ge [sflag:s13], $0x80  }
0x51: {  	s26 =	sadd.s32 $0x2E00, s4;
	[sflag:s13] =	ssyncset.done $0x0  }
0x52: {  	s10 =	simm.s32 $0x180;
	s7 =	sadd.s32 s26, s22;
	[sflag:s13] =	ssyncadd.s32 $0xFFFFFF80  }
0x53: {  	[tilespmem:s10], [sflag:$0x2] =	stream.linear.gather [hbm4b:s7+s2], $0x80, $0x38;
	[tilespmem:$0x580] =	vst v63  }
0x54: {  	_ =	swait.ge [sflag:s13], $0x80  }
0x55: {  	s28 =	sadd.s32 $0x3000, s4;
	[sflag:s13] =	ssyncset.done $0x0  }
0x56: {  	s29 =	simm.s32 $0x200;
	s4 =	sadd.s32 s28, s22;
	[sflag:s13] =	ssyncadd.s32 $0xFFFFFF80  }
0x57: {  	[tilespmem:s29], [sflag:$0x2] =	stream.linear.gather [hbm4b:s4+s2], $0x80, $0x38;
	[tilespmem:$0x580] =	vst v63  }
0x58: {  	_ =	swait.ge [sflag:s13], $0x80  }
0x59: {  	[sflag:s13] =	ssyncset.done $0x0  }
0x5a: {  	s30 =	simm.s32 $0x100;
	s31 =	simm.s32 $0x1;
	[sflag:s13] =	ssyncadd.s32 $0xFFFFFF80  }
0x5b: {  	[hbm4b:s3+s25] =	stream.indirect.scatter [tilespmem:s30], [sflag:$0x1], $0x1, s2, s25, $0xb8;
	[tilespmem:$0x580] =	vst v63  }
0x5c: {  	_ =	swait.ge [sflag:s31], $0x80  }
0x5d: {  	[sflag:s31] =	ssyncset.done $0x0  }
0x5e: {  	[sflag:s31] =	ssyncadd.s32 $0xFFFFFF80  }
0x5f: {  	[hbm4b:s3+s25] =	stream.indirect.scatter [tilespmem:s30], [sflag:$0x1], $0x1, s25, s25, $0xb8;
	[tilespmem:$0x580] =	vst v63  }
0x60: {  	_ =	swait.ge [sflag:s31], $0x80  }
0x61: {  	[sflag:s31] =	ssyncset.done $0x0  }
0x62: {  	[sflag:s31] =	ssyncadd.s32 $0xFFFFFF80  }
0x63: {  	[hbm4b:s14+s25] =	stream.indirect.scatter [tilespmem:s10], [sflag:$0x1], $0x1, s2, s25, $0xb8;
	[tilespmem:$0x580] =	vst v63  }
0x64: {  	_ =	swait.ge [sflag:s31], $0x80  }
0x65: {  	[sflag:s31] =	ssyncset.done $0x0  }
0x66: {  	[sflag:s31] =	ssyncadd.s32 $0xFFFFFF80  }
0x67: {  	[hbm4b:s14+s25] =	stream.indirect.scatter [tilespmem:s29], [sflag:$0x1], $0x1, s25, s25, $0xb8;
	[tilespmem:$0x580] =	vst v63  }
0x68: {  	_ =	swait.ge [sflag:s31], $0x80  }
0x69: {  	[sflag:s31] =	ssyncset.done $0x0  }
0x6a: {  	[sflag:s31] =	ssyncadd.s32 $0xFFFFFF80  }
.LBB2_2:
0x6b: {  	_ =	sfence.sel $0x180000  }
0x6c: {  	[bflag:$0x0] =	sbarrier.arrive $0xFFFF  }
0x6d: {  	p0 =	sne.s32 s1, $0x0;
	_ =	strace $0x90000047  }
0x6e: {  	s0 =	sadd.s32 @!p0 $0x100000, s0;
	[bflag:$0x2] =	sbarrier.arrive $0xFFFF  }
0x6f: {  	[sflag:s0] =	ssyncadd.tile.s32 @!p0 $0x1;
	_ =	shalt  }
.Lfunc_end2:
_tile_overlayer_lowered:
.L_overlay_start_2:
0x70: {  	(tag) =	ssettag $0x2  }
0x71: {  	s0 =	rddreg [dreg:$0x0];
	s2 =	stileid.u32  }
0x72: {  	s1 =	rddreg [dreg:$0x1];
	p0 =	sne.s32 s2, $0x0  }
0x73: {  	s3 =	rddreg [dreg:$0x2];
	[bflag:$0x3] =	sbarrier.arrive $0xFFFF;
	s2 =	simm.s32 @!p0 $0x1C02  }
0x74: {  	[timem:s3], [sflag:s2] =	dma.local @!p0 [hbm:s0], s1  }
0x75: {  	s0 =	simm.s32 @!p0 $0x2  }
0x76: {  	_ =	swait.ge @!p0 [sflag:s0], s1  }
0x77: {  	s1 =	ssub.s32 @!p0 $0x0, s1;
	[sflag:s0] =	ssyncset.done @!p0 $0x0  }
0x78: {  	[sflag:s0] =	ssyncadd.s32 @!p0 s1  }
0x79: {  	[bflag:$0x3] =	sbarrier.arrive $0xFFFF  }
0x7a: {  	_ =	shalt  }

</sc_bundles>
